<compile_context>
chip_gen: v7x
topology: tpu7x:2x2x1
jax: 0.10.2.dev20260603
libtpu: 0.0.44.dev20260713+nightly
codegen_flags: <defaults>
</compile_context>

<pallas_src>
import functools

import jax
import jax.numpy as jnp
from jax import lax
from jax.experimental import pallas as pl
from jax.experimental.pallas import tpu as pltpu
from jax.experimental.pallas import tpu_sc as plsc

N_PROJ = 10000
N_VIEW = 10000
E = 320000
D = 128
H = 8
FH = 16

NC = 2
NS = 16
HALF = N_VIEW // NC
SCAN = E // NS
SCH = 2000
NSCH = SCAN // SCH
C = 32
CAP = 10592
RPT = 1000


def _tc_pre_body(prev_ref, proj_ref, wl_ref, bl_ref, wr_ref, br_ref, g1_ref,
                 b1_ref, xl_ref, xr_ref):
    pv = prev_ref[...]
    m = jnp.mean(pv, axis=-1, keepdims=True)
    v = jnp.mean((pv - m) ** 2, axis=-1, keepdims=True)
    xa = (pv - m) / jnp.sqrt(v + 1e-5) * g1_ref[...] + b1_ref[...]
    xa = jnp.maximum(xa, 0.0)
    xr_ref[...] = jnp.dot(xa, wr_ref[...].T, preferred_element_type=jnp.float32) + br_ref[...]
    xl_ref[...] = jnp.dot(proj_ref[...], wl_ref[...].T, preferred_element_type=jnp.float32) + bl_ref[...]


def _tc_pre(prev_view, proj, Wl, bl, Wr, br, g1, b1):
    blk = 1000
    grid = (N_PROJ // blk,)
    row = pl.BlockSpec((blk, D), lambda i: (i, 0))
    full = pl.BlockSpec((D, D), lambda i: (0, 0))
    vec = pl.BlockSpec((D,), lambda i: (0,))
    return pl.pallas_call(
        _tc_pre_body,
        grid=grid,
        in_specs=[row, row, full, vec, full, vec, vec, vec],
        out_specs=[row, row],
        out_shape=[jax.ShapeDtypeStruct((N_PROJ, D), jnp.float32),
                   jax.ShapeDtypeStruct((N_VIEW, D), jnp.float32)],
    )(prev_view, proj, Wl, bl, Wr, br, g1, b1)


def _sc_edge_body(xl_hbm, xr_hbm, src_hbm, dst_hbm, att_hbm, z128_hbm,
                  outp_hbm, den_hbm,
                  scan_v, idbuf,
                  stg_src0, stg_src1, stg_dstv0, stg_dstv1, stg_dstl0, stg_dstl1,
                  xlr0, xlr1, xrr0, xrr1, denc0, denc1, att_v,
                  out_acc, den_acc,
                  sem_id0, sem_id1, sem_xl0, sem_xl1, sem_xr0, sem_xr1,
                  sem_so0, sem_so1, sem_sd0, sem_sd1):
    stg_src = [stg_src0, stg_src1]
    stg_dstv = [stg_dstv0, stg_dstv1]
    stg_dstl = [stg_dstl0, stg_dstl1]
    xlr_v = [xlr0, xlr1]
    xrr_v = [xrr0, xrr1]
    denc_v = [denc0, denc1]
    sem_id = [sem_id0, sem_id1]
    sem_xl = [sem_xl0, sem_xl1]
    sem_xr = [sem_xr0, sem_xr1]
    sem_so = [sem_so0, sem_so1]
    sem_sd = [sem_sd0, sem_sd1]
    cid = lax.axis_index("c")
    sid = lax.axis_index("s")
    lo = cid * HALF

    pltpu.sync_copy(att_hbm, att_v)
    a1 = [att_v[h] * 0.6 for h in range(H)]
    a2 = [att_v[h] * 0.4 for h in range(H)]

    @pl.when(sid < 5)
    def _():
        pltpu.sync_copy(z128_hbm.at[pl.ds(sid * RPT, RPT)],
                        out_acc.at[pl.ds(sid * RPT, RPT)])

    @pl.when((sid >= 5) & (sid < 10))
    def _():
        pltpu.sync_copy(z128_hbm.at[pl.ds((sid - 5) * RPT, RPT)],
                        den_acc.at[pl.ds((sid - 5) * RPT, RPT)])

    def zb(i, _):
        idbuf[pl.ds(pl.multiple_of(i * 16, 16), 16)] = jnp.zeros((16,), jnp.int32)
        return 0
    lax.fori_loop(0, CAP // 16, zb, 0)

    lovec = jnp.full((16,), N_PROJ + lo, jnp.int32)
    hivec = jnp.full((16,), N_PROJ + lo + HALF, jnp.int32)

    def scan_chunk(t, ptr):
        base = sid * SCAN + t * SCH
        pltpu.sync_copy(dst_hbm.at[pl.ds(base, SCH)], scan_v)

        def grp(i, p):
            v = scan_v[pl.ds(pl.multiple_of(i * 16, 16), 16)]
            m = (v >= lovec) & (v < hivec)
            ids = jnp.full((16,), base + i * 16, jnp.int32) + lax.iota(jnp.int32, 16)
            plsc.store_compressed(idbuf.at[pl.ds(p, 16)], ids, mask=m)
            return p + plsc.all_reduce_population_count(m)[0]

        return lax.fori_loop(0, SCH // 16, grp, ptr)

    M = lax.fori_loop(0, NSCH, scan_chunk, jnp.int32(0))
    plsc.subcore_barrier()

    nch = (M + (C - 1)) // C

    def issue_ids(k, q):
        idsl = idbuf.at[pl.ds(k * C, C)]
        pltpu.async_copy(src_hbm.at[idsl], stg_src[q], sem_id[q])
        pltpu.async_copy(dst_hbm.at[idsl], stg_dstv[q], sem_id[q])

    def wait_ids(q):
        pltpu.make_async_copy(src_hbm.at[idbuf.at[pl.ds(0, C)]], stg_src[q], sem_id[q]).wait()
        pltpu.make_async_copy(dst_hbm.at[idbuf.at[pl.ds(0, C)]], stg_dstv[q], sem_id[q]).wait()

    def build_staging(q):
        for k in range(C // 16):
            sl = pl.ds(k * 16, 16)
            g = stg_dstv[q][sl] - N_PROJ
            stg_dstv[q][sl] = g
            stg_dstl[q][sl] = jnp.clip(g - lo, 0, HALF - 1)

    def issue_rows(q):
        pltpu.async_copy(xl_hbm.at[stg_src[q]], xlr_v[q], sem_xl[q])
        pltpu.async_copy(xr_hbm.at[stg_dstv[q]], xrr_v[q], sem_xr[q])

    def wait_rows(q):
        pltpu.make_async_copy(xl_hbm.at[stg_src[q]], xlr_v[q], sem_xl[q]).wait()
        pltpu.make_async_copy(xr_hbm.at[stg_dstv[q]], xrr_v[q], sem_xr[q]).wait()

    def issue_scatters(q):
        pltpu.async_copy(xrr_v[q], out_acc.at[stg_dstl[q]], sem_so[q], add=True)
        pltpu.async_copy(denc_v[q], den_acc.at[stg_dstl[q]], sem_sd[q], add=True)

    def wait_scatters(q):
        pltpu.make_async_copy(xrr_v[q], out_acc.at[stg_dstl[q]], sem_so[q]).wait()
        pltpu.make_async_copy(denc_v[q], den_acc.at[stg_dstl[q]], sem_sd[q]).wait()

    def compute(kk, p):
        @plsc.parallel_loop(0, C, unroll=8)
        def edge_body(e):
            valid = (kk * C + e) < M
            fct = jnp.where(valid, 1.0, 0.0)
            fv = jnp.full((16,), fct, jnp.float32)
            for h in range(H):
                zl = xlr_v[p][e, pl.ds(h * 16, 16)]
                zr = xrr_v[p][e, pl.ds(h * 16, 16)]
                z = zl + zr
                t = a1[h] * z + a2[h] * jnp.abs(z)
                s = plsc.cumsum(t)[15]
                exv = jnp.exp(jnp.full((16,), s, jnp.float32)) * fv
                xrr_v[p][e, pl.ds(h * 16, 16)] = zl * exv
                denc_v[p][e, pl.ds(h * 16, 16)] = exv

    def sub_body(kk, p):
        q = 1 - p

        @pl.when(kk < nch)
        def _():
            @pl.when(kk + 1 < nch)
            def _():
                wait_ids(q)

            @pl.when(kk >= 1)
            def _():
                wait_scatters(q)

            @pl.when(kk + 1 < nch)
            def _():
                build_staging(q)
                issue_rows(q)
            wait_rows(p)

            @pl.when(kk + 2 < nch)
            def _():
                issue_ids(kk + 2, p)
            compute(kk, p)
            issue_scatters(p)

    issue_ids(0, 0)
    wait_ids(0)
    build_staging(0)
    issue_rows(0)

    @pl.when(1 < nch)
    def _():
        issue_ids(1, 1)

    def pair_body(i, _):
        sub_body(2 * i, 0)
        sub_body(2 * i + 1, 1)
        return 0

    lax.fori_loop(0, (nch + 1) // 2, pair_body, 0)

    @pl.when((nch >= 1) & ((nch - 1) % 2 == 0))
    def _():
        wait_scatters(0)

    @pl.when((nch >= 1) & ((nch - 1) % 2 == 1))
    def _():
        wait_scatters(1)

    plsc.subcore_barrier()

    @pl.when(sid < 5)
    def _():
        pltpu.sync_copy(out_acc.at[pl.ds(sid * RPT, RPT)],
                        outp_hbm.at[pl.ds(cid * HALF + sid * RPT, RPT)])

    @pl.when((sid >= 5) & (sid < 10))
    def _():
        pltpu.sync_copy(den_acc.at[pl.ds((sid - 5) * RPT, RPT)],
                        den_hbm.at[pl.ds(cid * HALF + (sid - 5) * RPT, RPT)])


def _sc_edge(xl, xr, src, dst, att, z128):
    mesh = plsc.VectorSubcoreMesh(core_axis_name="c", subcore_axis_name="s",
                                  num_cores=NC, num_subcores=NS)
    f = pl.kernel(
        _sc_edge_body,
        out_type=[jax.ShapeDtypeStruct((N_VIEW, D), jnp.float32),
                  jax.ShapeDtypeStruct((N_VIEW, D), jnp.float32)],
        mesh=mesh,
        scratch_types=(
            [pltpu.VMEM((SCH,), jnp.int32),
             pltpu.VMEM((CAP,), jnp.int32)]
            + [pltpu.VMEM((C,), jnp.int32)] * 6
            + [pltpu.VMEM((C, D), jnp.float32)] * 6
            + [pltpu.VMEM((H, 16), jnp.float32),
               pltpu.VMEM_SHARED((HALF, D), jnp.float32),
               pltpu.VMEM_SHARED((HALF, D), jnp.float32)]
            + [pltpu.SemaphoreType.DMA] * 10
        ),
        compiler_params=pltpu.CompilerParams(needs_layout_passes=False),
    )
    return f(xl, xr, src, dst, att, z128)


def _tc_post_body(o_ref, d_ref, prev_ref, cb_ref,
                  g2_ref, b2_ref, wm_ref, bm_ref, out_ref):
    out = o_ref[...] / (d_ref[...] + 1e-16) + cb_ref[...]
    xv = prev_ref[...] + out
    mu = jnp.mean(xv, axis=-1, keepdims=True)
    va = jnp.mean((xv - mu) ** 2, axis=-1, keepdims=True)
    hh = (xv - mu) / jnp.sqrt(va + 1e-5) * g2_ref[...] + b2_ref[...]
    hh = jnp.maximum(hh, 0.0)
    out_ref[...] = xv + jnp.dot(hh, wm_ref[...].T, preferred_element_type=jnp.float32) + bm_ref[...]


def _tc_post(o, d, prev_view, conv_bias, g2, b2, Wm, bm):
    blk = 1000
    grid = (N_VIEW // blk,)
    row = pl.BlockSpec((blk, D), lambda i: (i, 0))
    full = pl.BlockSpec((D, D), lambda i: (0, 0))
    vec = pl.BlockSpec((D,), lambda i: (0,))
    return pl.pallas_call(
        _tc_post_body,
        grid=grid,
        in_specs=[row, row, row, vec, vec, vec, full, vec],
        out_specs=row,
        out_shape=jax.ShapeDtypeStruct((N_VIEW, D), jnp.float32),
    )(o, d, prev_view, conv_bias, g2, b2, Wm, bm)


def kernel(proj_features, prev_view_features, edge_index, g1, b1, Wl, bl, Wr, br, att, conv_bias, g2, b2, Wm, bm):
    xl, xr = _tc_pre(prev_view_features, proj_features, Wl, bl, Wr, br, g1, b1)
    src = edge_index[0]
    dst = edge_index[1]
    z128 = jnp.zeros((RPT * 5, D), jnp.float32)
    outp, den = _sc_edge(xl, xr, src, dst, att, z128)
    return _tc_post(outp, den, prev_view_features, conv_bias, g2, b2, Wm, bm)

# --- scband reference (transcript-rebuilt; emitter-appended) ---
"""Pipeline reference for scband-proj2-view-33088428049084 (READ-ONLY COPY).

The authoritative reference and input builder live on the scoring server;
editing this copy changes nothing except your own understanding.
"""

import jax, jax.numpy as jnp
import numpy as np

N_PROJ = 10000
N_VIEW = 10000
N_NODES = N_PROJ + N_VIEW
E = 320000
D = 128
H = 8
FH = D // H


def layer_norm(x, g, b, eps=1e-5):
    m = x.mean(axis=-1, keepdims=True)
    v = ((x - m) ** 2).mean(axis=-1, keepdims=True)
    return (x - m) / jnp.sqrt(v + eps) * g + b


def setup_inputs(seed: int = 0) -> dict:
    key = jax.random.key(seed)
    ks = jax.random.split(key, 12)
    proj_features = jax.random.normal(ks[0], (N_PROJ, D), dtype=jnp.float32)
    prev_view_features = jax.random.normal(ks[1], (N_VIEW, D), dtype=jnp.float32)
    src = jax.random.randint(ks[2], (E,), 0, N_PROJ)
    dst = jax.random.randint(ks[3], (E,), N_PROJ, N_NODES)
    edge_index = jnp.stack([src, dst]).astype(jnp.int32)
    s = 1.0 / np.sqrt(D)
    Wl = jax.random.uniform(ks[4], (D, D), minval=-s, maxval=s, dtype=jnp.float32)
    bl = jnp.zeros((D,), dtype=jnp.float32)
    Wr = jax.random.uniform(ks[5], (D, D), minval=-s, maxval=s, dtype=jnp.float32)
    br = jnp.zeros((D,), dtype=jnp.float32)
    att = jax.random.uniform(ks[6], (H, FH), minval=-s, maxval=s, dtype=jnp.float32)
    conv_bias = jnp.zeros((D,), dtype=jnp.float32)
    g1 = jnp.ones((D,), dtype=jnp.float32)
    b1 = jnp.zeros((D,), dtype=jnp.float32)
    g2 = jnp.ones((D,), dtype=jnp.float32)
    b2 = jnp.zeros((D,), dtype=jnp.float32)
    Wm = jax.random.uniform(ks[7], (D, D), minval=-s, maxval=s, dtype=jnp.float32)
    bm = jax.random.uniform(ks[8], (D,), minval=-s, maxval=s, dtype=jnp.float32)
    return {
        'proj_features': proj_features,
        'prev_view_features': prev_view_features,
        'edge_index': edge_index,
        'g1': g1, 'b1': b1,
        'Wl': Wl, 'bl': bl, 'Wr': Wr, 'br': br,
        'att': att, 'conv_bias': conv_bias,
        'g2': g2, 'b2': b2,
        'Wm': Wm, 'bm': bm,
    }


def reference(proj_features, prev_view_features, edge_index, g1, b1, Wl, bl, Wr, br, att, conv_bias, g2, b2, Wm, bm):
    # norm_and_proj_view2proj: LayerNorm + ReLU (no Linear since dims match)
    x_agg = jax.nn.relu(layer_norm(prev_view_features, g1, b1))
    # graph_wrapper.generate_node_features: stack proj nodes then view nodes
    x = jnp.concatenate([proj_features, x_agg], axis=0)
    src = edge_index[0]
    dst = edge_index[1]
    # GATv2Conv (heads=H, out=FH per head, concat, add_self_loops=False)
    xl = (x @ Wl.T + bl).reshape(N_NODES, H, FH)
    xr = (x @ Wr.T + br).reshape(N_NODES, H, FH)
    e = jax.nn.leaky_relu(xl[src] + xr[dst], 0.2)          # [E, H, FH]
    logits = (e * att[None]).sum(-1)                        # [E, H]
    m = jax.ops.segment_max(logits, dst, num_segments=N_NODES)
    ex = jnp.exp(logits - m[dst])
    denom = jax.ops.segment_sum(ex, dst, num_segments=N_NODES)
    alpha = ex / (denom[dst] + 1e-16)
    out = jax.ops.segment_sum(xl[src] * alpha[..., None], dst, num_segments=N_NODES)
    out = out.reshape(N_NODES, H * FH) + conv_bias
    # extract_target_node_features -> view nodes, [N_VIEW, 1, D] -> squeeze
    xv = out[N_PROJ:]
    # stateful skip connection
    xv = prev_view_features + xv
    x_skip = xv
    h = jax.nn.relu(layer_norm(xv, g2, b2))
    h = h @ Wm.T + bm
    return x_skip + h

if __name__ == "__main__":
    import jax
    _d = setup_inputs()
    print(jax.jit(kernel)(*tuple(_d.values())))

</pallas_src>

<mosaic_0001>
#map = affine_map<(d0, d1) -> (0, 0)>
#map1 = affine_map<(d0, d1) -> (0)>
module attributes {stable_mosaic.version = 14 : i64} {
  func.func @_sc_edge_body(%arg0: i32, %arg1: i32, %arg2: memref<10000x128xf32, #tpu.memory_space<hbm>>, %arg3: memref<10000x128xf32, #tpu.memory_space<hbm>>, %arg4: memref<320000xi32, #tpu.memory_space<hbm>>, %arg5: memref<320000xi32, #tpu.memory_space<hbm>>, %arg6: memref<8x16xf32, #tpu.memory_space<hbm>>, %arg7: memref<5000x128xf32, #tpu.memory_space<hbm>>, %arg8: memref<10000x128xf32, #tpu.memory_space<hbm>>, %arg9: memref<10000x128xf32, #tpu.memory_space<hbm>>, %arg10: memref<2000xi32, #tpu.memory_space<vmem>>, %arg11: memref<10592xi32, #tpu.memory_space<vmem>>, %arg12: memref<32xi32, #tpu.memory_space<vmem>>, %arg13: memref<32xi32, #tpu.memory_space<vmem>>, %arg14: memref<32xi32, #tpu.memory_space<vmem>>, %arg15: memref<32xi32, #tpu.memory_space<vmem>>, %arg16: memref<32xi32, #tpu.memory_space<vmem>>, %arg17: memref<32xi32, #tpu.memory_space<vmem>>, %arg18: memref<32x128xf32, #tpu.memory_space<vmem>>, %arg19: memref<32x128xf32, #tpu.memory_space<vmem>>, %arg20: memref<32x128xf32, #tpu.memory_space<vmem>>, %arg21: memref<32x128xf32, #tpu.memory_space<vmem>>, %arg22: memref<32x128xf32, #tpu.memory_space<vmem>>, %arg23: memref<32x128xf32, #tpu.memory_space<vmem>>, %arg24: memref<8x16xf32, #tpu.memory_space<vmem>>, %arg25: memref<5000x128xf32, #tpu.memory_space<vmem_shared>>, %arg26: memref<5000x128xf32, #tpu.memory_space<vmem_shared>>, %arg27: memref<!tpu.dma_semaphore, #tpu.memory_space<semaphore_mem>>, %arg28: memref<!tpu.dma_semaphore, #tpu.memory_space<semaphore_mem>>, %arg29: memref<!tpu.dma_semaphore, #tpu.memory_space<semaphore_mem>>, %arg30: memref<!tpu.dma_semaphore, #tpu.memory_space<semaphore_mem>>, %arg31: memref<!tpu.dma_semaphore, #tpu.memory_space<semaphore_mem>>, %arg32: memref<!tpu.dma_semaphore, #tpu.memory_space<semaphore_mem>>, %arg33: memref<!tpu.dma_semaphore, #tpu.memory_space<semaphore_mem>>, %arg34: memref<!tpu.dma_semaphore, #tpu.memory_space<semaphore_mem>>, %arg35: memref<!tpu.dma_semaphore, #tpu.memory_space<semaphore_mem>>, %arg36: memref<!tpu.dma_semaphore, #tpu.memory_space<semaphore_mem>>) attributes {dimension_semantics = [#tpu.dimension_semantics<core_parallel>, #tpu.dimension_semantics<subcore_parallel>], iteration_bounds = array<i64: 2, 16>, scalar_prefetch = 0 : i64, scratch_operands = 27 : i64, tpu.core_type = #tpu.core_type<sc_vector_subcore>, window_params = [{transform_indices = #map}, {transform_indices = #map}, {transform_indices = #map1}, {transform_indices = #map1}, {transform_indices = #map}, {transform_indices = #map}, {transform_indices = #map}, {transform_indices = #map}]} {
    %mul3A = arith.constant 5000 : i32
    %mul3A_0 = arith.muli %arg0, %mul3A : i32
    "tpu.region"() ({
      %run_scoped3A = tpu.sem_alloc : memref<!tpu.dma_semaphore, #tpu.memory_space<semaphore_mem>>
      tpu.enqueue_dma source(%arg6 : memref<8x16xf32, #tpu.memory_space<hbm>>) target(%arg24 : memref<8x16xf32, #tpu.memory_space<vmem>>) target_semaphore(%run_scoped3A : memref<!tpu.dma_semaphore, #tpu.memory_space<semaphore_mem>>)
      tpu.wait_dma2 semaphore(%run_scoped3A : memref<!tpu.dma_semaphore, #tpu.memory_space<semaphore_mem>>) src(%arg6 : memref<8x16xf32, #tpu.memory_space<hbm>>) dst(%arg24 : memref<8x16xf32, #tpu.memory_space<vmem>>)
      tpu.yield
    }) : () -> ()
    %get3A = arith.constant 0 : i32
    %get3A_1 = arith.index_cast %get3A : i32 to index
    %get3A_2 = arith.constant 0 : index
    %get3A_3 = tpu.vector_load %arg24[%get3A_1, %get3A_2] {strides = array<i32>} : memref<8x16xf32, #tpu.memory_space<vmem>>, vector<16xf32>,
    %mul3A_4 = arith.constant 6.000000e-01 : f32
    %mul3A_5 = vector.broadcast %mul3A_4 : f32 to vector<16xf32>
    %mul3A_6 = arith.mulf %get3A_3, %mul3A_5 : vector<16xf32>
    %get3A_7 = arith.constant 1 : i32
    %get3A_8 = arith.index_cast %get3A_7 : i32 to index
    %get3A_9 = arith.constant 0 : index
    %get3A_10 = tpu.vector_load %arg24[%get3A_8, %get3A_9] {strides = array<i32>} : memref<8x16xf32, #tpu.memory_space<vmem>>, vector<16xf32>,
    %mul3A_11 = arith.constant 6.000000e-01 : f32
    %mul3A_12 = vector.broadcast %mul3A_11 : f32 to vector<16xf32>
    %mul3A_13 = arith.mulf %get3A_10, %mul3A_12 : vector<16xf32>
    %get3A_14 = arith.constant 2 : i32
    %get3A_15 = arith.index_cast %get3A_14 : i32 to index
    %get3A_16 = arith.constant 0 : index
    %get3A_17 = tpu.vector_load %arg24[%get3A_15, %get3A_16] {strides = array<i32>} : memref<8x16xf32, #tpu.memory_space<vmem>>, vector<16xf32>,
    %mul3A_18 = arith.constant 6.000000e-01 : f32
    %mul3A_19 = vector.broadcast %mul3A_18 : f32 to vector<16xf32>
    %mul3A_20 = arith.mulf %get3A_17, %mul3A_19 : vector<16xf32>
    %get3A_21 = arith.constant 3 : i32
    %get3A_22 = arith.index_cast %get3A_21 : i32 to index
    %get3A_23 = arith.constant 0 : index
    %get3A_24 = tpu.vector_load %arg24[%get3A_22, %get3A_23] {strides = array<i32>} : memref<8x16xf32, #tpu.memory_space<vmem>>, vector<16xf32>,
    %mul3A_25 = arith.constant 6.000000e-01 : f32
    %mul3A_26 = vector.broadcast %mul3A_25 : f32 to vector<16xf32>
    %mul3A_27 = arith.mulf %get3A_24, %mul3A_26 : vector<16xf32>
    %get3A_28 = arith.constant 4 : i32
    %get3A_29 = arith.index_cast %get3A_28 : i32 to index
    %get3A_30 = arith.constant 0 : index
    %get3A_31 = tpu.vector_load %arg24[%get3A_29, %get3A_30] {strides = array<i32>} : memref<8x16xf32, #tpu.memory_space<vmem>>, vector<16xf32>,
    %mul3A_32 = arith.constant 6.000000e-01 : f32
    %mul3A_33 = vector.broadcast %mul3A_32 : f32 to vector<16xf32>
    %mul3A_34 = arith.mulf %get3A_31, %mul3A_33 : vector<16xf32>
    %get3A_35 = arith.constant 5 : i32
    %get3A_36 = arith.index_cast %get3A_35 : i32 to index
    %get3A_37 = arith.constant 0 : index
    %get3A_38 = tpu.vector_load %arg24[%get3A_36, %get3A_37] {strides = array<i32>} : memref<8x16xf32, #tpu.memory_space<vmem>>, vector<16xf32>,
    %mul3A_39 = arith.constant 6.000000e-01 : f32
    %mul3A_40 = vector.broadcast %mul3A_39 : f32 to vector<16xf32>
    %mul3A_41 = arith.mulf %get3A_38, %mul3A_40 : vector<16xf32>
    %get3A_42 = arith.constant 6 : i32
    %get3A_43 = arith.index_cast %get3A_42 : i32 to index
    %get3A_44 = arith.constant 0 : index
    %get3A_45 = tpu.vector_load %arg24[%get3A_43, %get3A_44] {strides = array<i32>} : memref<8x16xf32, #tpu.memory_space<vmem>>, vector<16xf32>,
    %mul3A_46 = arith.constant 6.000000e-01 : f32
    %mul3A_47 = vector.broadcast %mul3A_46 : f32 to vector<16xf32>
    %mul3A_48 = arith.mulf %get3A_45, %mul3A_47 : vector<16xf32>
    %get3A_49 = arith.constant 7 : i32
    %get3A_50 = arith.index_cast %get3A_49 : i32 to index
    %get3A_51 = arith.constant 0 : index
    %get3A_52 = tpu.vector_load %arg24[%get3A_50, %get3A_51] {strides = array<i32>} : memref<8x16xf32, #tpu.memory_space<vmem>>, vector<16xf32>,
    %mul3A_53 = arith.constant 6.000000e-01 : f32
    %mul3A_54 = vector.broadcast %mul3A_53 : f32 to vector<16xf32>
    %mul3A_55 = arith.mulf %get3A_52, %mul3A_54 : vector<16xf32>
    %get3A_56 = arith.constant 0 : i32
    %get3A_57 = arith.index_cast %get3A_56 : i32 to index
    %get3A_58 = arith.constant 0 : index
    %get3A_59 = tpu.vector_load %arg24[%get3A_57, %get3A_58] {strides = array<i32>} : memref<8x16xf32, #tpu.memory_space<vmem>>, vector<16xf32>,
    %mul3A_60 = arith.constant 4.000000e-01 : f32
    %mul3A_61 = vector.broadcast %mul3A_60 : f32 to vector<16xf32>
    %mul3A_62 = arith.mulf %get3A_59, %mul3A_61 : vector<16xf32>
    %get3A_63 = arith.constant 1 : i32
    %get3A_64 = arith.index_cast %get3A_63 : i32 to index
    %get3A_65 = arith.constant 0 : index
    %get3A_66 = tpu.vector_load %arg24[%get3A_64, %get3A_65] {strides = array<i32>} : memref<8x16xf32, #tpu.memory_space<vmem>>, vector<16xf32>,
    %mul3A_67 = arith.constant 4.000000e-01 : f32
    %mul3A_68 = vector.broadcast %mul3A_67 : f32 to vector<16xf32>
    %mul3A_69 = arith.mulf %get3A_66, %mul3A_68 : vector<16xf32>
    %get3A_70 = arith.constant 2 : i32
    %get3A_71 = arith.index_cast %get3A_70 : i32 to index
    %get3A_72 = arith.constant 0 : index
    %get3A_73 = tpu.vector_load %arg24[%get3A_71, %get3A_72] {strides = array<i32>} : memref<8x16xf32, #tpu.memory_space<vmem>>, vector<16xf32>,
    %mul3A_74 = arith.constant 4.000000e-01 : f32
    %mul3A_75 = vector.broadcast %mul3A_74 : f32 to vector<16xf32>
    %mul3A_76 = arith.mulf %get3A_73, %mul3A_75 : vector<16xf32>
    %get3A_77 = arith.constant 3 : i32
    %get3A_78 = arith.index_cast %get3A_77 : i32 to index
    %get3A_79 = arith.constant 0 : index
    %get3A_80 = tpu.vector_load %arg24[%get3A_78, %get3A_79] {strides = array<i32>} : memref<8x16xf32, #tpu.memory_space<vmem>>, vector<16xf32>,
    %mul3A_81 = arith.constant 4.000000e-01 : f32
    %mul3A_82 = vector.broadcast %mul3A_81 : f32 to vector<16xf32>
    %mul3A_83 = arith.mulf %get3A_80, %mul3A_82 : vector<16xf32>
    %get3A_84 = arith.constant 4 : i32
    %get3A_85 = arith.index_cast %get3A_84 : i32 to index
    %get3A_86 = arith.constant 0 : index
    %get3A_87 = tpu.vector_load %arg24[%get3A_85, %get3A_86] {strides = array<i32>} : memref<8x16xf32, #tpu.memory_space<vmem>>, vector<16xf32>,
    %mul3A_88 = arith.constant 4.000000e-01 : f32
    %mul3A_89 = vector.broadcast %mul3A_88 : f32 to vector<16xf32>
    %mul3A_90 = arith.mulf %get3A_87, %mul3A_89 : vector<16xf32>
    %get3A_91 = arith.constant 5 : i32
    %get3A_92 = arith.index_cast %get3A_91 : i32 to index
    %get3A_93 = arith.constant 0 : index
    %get3A_94 = tpu.vector_load %arg24[%get3A_92, %get3A_93] {strides = array<i32>} : memref<8x16xf32, #tpu.memory_space<vmem>>, vector<16xf32>,
    %mul3A_95 = arith.constant 4.000000e-01 : f32
    %mul3A_96 = vector.broadcast %mul3A_95 : f32 to vector<16xf32>
    %mul3A_97 = arith.mulf %get3A_94, %mul3A_96 : vector<16xf32>
    %get3A_98 = arith.constant 6 : i32
    %get3A_99 = arith.index_cast %get3A_98 : i32 to index
    %get3A_100 = arith.constant 0 : index
    %get3A_101 = tpu.vector_load %arg24[%get3A_99, %get3A_100] {strides = array<i32>} : memref<8x16xf32, #tpu.memory_space<vmem>>, vector<16xf32>,
    %mul3A_102 = arith.constant 4.000000e-01 : f32
    %mul3A_103 = vector.broadcast %mul3A_102 : f32 to vector<16xf32>
    %mul3A_104 = arith.mulf %get3A_101, %mul3A_103 : vector<16xf32>
    %get3A_105 = arith.constant 7 : i32
    %get3A_106 = arith.index_cast %get3A_105 : i32 to index
    %get3A_107 = arith.constant 0 : index
    %get3A_108 = tpu.vector_load %arg24[%get3A_106, %get3A_107] {strides = array<i32>} : memref<8x16xf32, #tpu.memory_space<vmem>>, vector<16xf32>,
    %mul3A_109 = arith.constant 4.000000e-01 : f32
    %mul3A_110 = vector.broadcast %mul3A_109 : f32 to vector<16xf32>
    %mul3A_111 = arith.mulf %get3A_108, %mul3A_110 : vector<16xf32>
    %lt3A = arith.constant 5 : i32
    %lt3A_112 = arith.cmpi slt, %arg1, %lt3A : i32
    %convert_element_type3A = arith.extui %lt3A_112 : i1 to i32
    %cond3A = arith.constant 0 : i32
    %cond3A_113 = arith.cmpi ne, %convert_element_type3A, %cond3A : i32
    scf.if %cond3A_113 {
      %mul3A_315 = arith.constant 1000 : i32
      %mul3A_316 = arith.muli %arg1, %mul3A_315 : i32
      %mul3A_317 = arith.constant 1000 : i32
      %mul3A_318 = arith.muli %arg1, %mul3A_317 : i32
      "tpu.region"() ({
        %run_scoped3A = tpu.sem_alloc : memref<!tpu.dma_semaphore, #tpu.memory_space<semaphore_mem>>
        %dma_start3A_319 = arith.constant 0 : i32
        %dma_start3A_320 = tpu.memref_slice %arg25[%mul3A_318, %dma_start3A_319] : memref<5000x128xf32, #tpu.memory_space<vmem_shared>> -> memref<1000x128xf32, #tpu.memory_space<vmem_shared>>
        %dma_start3A_321 = arith.constant 0 : i32
        %dma_start3A_322 = tpu.memref_slice %arg7[%mul3A_316, %dma_start3A_321] : memref<5000x128xf32, #tpu.memory_space<hbm>> -> memref<1000x128xf32, #tpu.memory_space<hbm>>
        tpu.enqueue_dma source(%dma_start3A_322 : memref<1000x128xf32, #tpu.memory_space<hbm>>) target(%dma_start3A_320 : memref<1000x128xf32, #tpu.memory_space<vmem_shared>>) target_semaphore(%run_scoped3A : memref<!tpu.dma_semaphore, #tpu.memory_space<semaphore_mem>>)
        %dma_wait3A_323 = arith.constant 0 : i32
        %dma_wait3A_324 = tpu.memref_slice %arg25[%mul3A_318, %dma_wait3A_323] : memref<5000x128xf32, #tpu.memory_space<vmem_shared>> -> memref<1000x128xf32, #tpu.memory_space<vmem_shared>>
        %dma_wait3A_325 = arith.constant 0 : i32
        %dma_wait3A_326 = tpu.memref_slice %arg7[%mul3A_316, %dma_wait3A_325] : memref<5000x128xf32, #tpu.memory_space<hbm>> -> memref<1000x128xf32, #tpu.memory_space<hbm>>
        tpu.wait_dma2 semaphore(%run_scoped3A : memref<!tpu.dma_semaphore, #tpu.memory_space<semaphore_mem>>) src(%dma_wait3A_326 : memref<1000x128xf32, #tpu.memory_space<hbm>>) dst(%dma_wait3A_324 : memref<1000x128xf32, #tpu.memory_space<vmem_shared>>)
        tpu.yield
      }) : () -> ()
    } else {
    }
    %ge3A = arith.constant 5 : i32
    %ge3A_114 = arith.cmpi sge, %arg1, %ge3A : i32
    %lt3A_115 = arith.constant 10 : i32
    %lt3A_116 = arith.cmpi slt, %arg1, %lt3A_115 : i32
    %and3A = arith.andi %ge3A_114, %lt3A_116 : i1
    %convert_element_type3A_117 = arith.extui %and3A : i1 to i32
    %cond3A_118 = arith.constant 0 : i32
    %cond3A_119 = arith.cmpi ne, %convert_element_type3A_117, %cond3A_118 : i32
    scf.if %cond3A_119 {
      %sub3A_315 = arith.constant 5 : i32
      %sub3A_316 = arith.subi %arg1, %sub3A_315 : i32
      %mul3A_317 = arith.constant 1000 : i32
      %mul3A_318 = arith.muli %sub3A_316, %mul3A_317 : i32
      %sub3A_319 = arith.constant 5 : i32
      %sub3A_320 = arith.subi %arg1, %sub3A_319 : i32
      %mul3A_321 = arith.constant 1000 : i32
      %mul3A_322 = arith.muli %sub3A_320, %mul3A_321 : i32
      "tpu.region"() ({
        %run_scoped3A = tpu.sem_alloc : memref<!tpu.dma_semaphore, #tpu.memory_space<semaphore_mem>>
        %dma_start3A_323 = arith.constant 0 : i32
        %dma_start3A_324 = tpu.memref_slice %arg26[%mul3A_322, %dma_start3A_323] : memref<5000x128xf32, #tpu.memory_space<vmem_shared>> -> memref<1000x128xf32, #tpu.memory_space<vmem_shared>>
        %dma_start3A_325 = arith.constant 0 : i32
        %dma_start3A_326 = tpu.memref_slice %arg7[%mul3A_318, %dma_start3A_325] : memref<5000x128xf32, #tpu.memory_space<hbm>> -> memref<1000x128xf32, #tpu.memory_space<hbm>>
        tpu.enqueue_dma source(%dma_start3A_326 : memref<1000x128xf32, #tpu.memory_space<hbm>>) target(%dma_start3A_324 : memref<1000x128xf32, #tpu.memory_space<vmem_shared>>) target_semaphore(%run_scoped3A : memref<!tpu.dma_semaphore, #tpu.memory_space<semaphore_mem>>)
        %dma_wait3A_327 = arith.constant 0 : i32
        %dma_wait3A_328 = tpu.memref_slice %arg26[%mul3A_322, %dma_wait3A_327] : memref<5000x128xf32, #tpu.memory_space<vmem_shared>> -> memref<1000x128xf32, #tpu.memory_space<vmem_shared>>
        %dma_wait3A_329 = arith.constant 0 : i32
        %dma_wait3A_330 = tpu.memref_slice %arg7[%mul3A_318, %dma_wait3A_329] : memref<5000x128xf32, #tpu.memory_space<hbm>> -> memref<1000x128xf32, #tpu.memory_space<hbm>>
        tpu.wait_dma2 semaphore(%run_scoped3A : memref<!tpu.dma_semaphore, #tpu.memory_space<semaphore_mem>>) src(%dma_wait3A_330 : memref<1000x128xf32, #tpu.memory_space<hbm>>) dst(%dma_wait3A_328 : memref<1000x128xf32, #tpu.memory_space<vmem_shared>>)
        tpu.yield
      }) : () -> ()
    } else {
    }
    %scan3A = arith.constant 0 : i32
    %scan3A_120 = arith.constant 0 : i32
    %scan3A_121 = arith.constant 662 : i32
    %scan3A_122 = arith.addi %scan3A_120, %scan3A_121 : i32
    %scan3A_123 = arith.constant 1 : i32
    %scan3A_124 = scf.for %scan3A_315 = %scan3A_120 to %scan3A_122 step %scan3A_123 iter_args(%scan3A_316 = %scan3A) -> (i32)  : i32 {
      %broadcast_in_dim3A_317 = arith.constant 0 : i32
      %broadcast_in_dim3A_318 = vector.broadcast %broadcast_in_dim3A_317 : i32 to vector<16xi32>
      %mul3A_319 = arith.constant 16 : i32
      %mul3A_320 = arith.muli %scan3A_315, %mul3A_319 : i32
      %multiple_of3A = tpu.assume_multiple %mul3A_320, 16 : i32
      %swap3A_321 = arith.index_cast %multiple_of3A : i32 to index
      %swap3A_322 = tpu.vector_load %arg11[%swap3A_321] {strides = array<i32>} : memref<10592xi32, #tpu.memory_space<vmem>>, vector<16xi32>,
      tpu.vector_store %arg11[%swap3A_321], %broadcast_in_dim3A_318 {strides = array<i32>} : memref<10592xi32, #tpu.memory_space<vmem>>, vector<16xi32>,
      %scan3A_323 = arith.constant 0 : i32
      scf.yield %scan3A_323 : i32
    }
    %scan3A_125 = arith.constant 662 : i32
    %add3A = arith.constant 10000 : i32
    %add3A_126 = arith.addi %add3A, %mul3A_0 : i32
    %broadcast_in_dim3A = vector.broadcast %add3A_126 : i32 to vector<16xi32>
    %add3A_127 = arith.constant 10000 : i32
    %add3A_128 = arith.addi %add3A_127, %mul3A_0 : i32
    %add3A_129 = arith.constant 5000 : i32
    %add3A_130 = arith.addi %add3A_128, %add3A_129 : i32
    %broadcast_in_dim3A_131 = vector.broadcast %add3A_130 : i32 to vector<16xi32>
    %scan3A_132 = arith.constant 0 : i32
    %scan3A_133 = arith.constant 0 : i32
    %scan3A_134 = arith.constant 10 : i32
    %scan3A_135 = arith.addi %scan3A_133, %scan3A_134 : i32
    %scan3A_136 = arith.constant 1 : i32
    %scan3A_137 = scf.for %scan3A_315 = %scan3A_133 to %scan3A_135 step %scan3A_136 iter_args(%scan3A_316 = %scan3A_132) -> (i32)  : i32 {
      %mul3A_317 = arith.constant 20000 : i32
      %mul3A_318 = arith.muli %arg1, %mul3A_317 : i32
      %mul3A_319 = arith.constant 2000 : i32
      %mul3A_320 = arith.muli %scan3A_315, %mul3A_319 : i32
      %add3A_321 = arith.addi %mul3A_318, %mul3A_320 : i32
      "tpu.region"() ({
        %run_scoped3A = tpu.sem_alloc : memref<!tpu.dma_semaphore, #tpu.memory_space<semaphore_mem>>
        %dma_start3A_328 = tpu.memref_slice %arg5[%add3A_321] : memref<320000xi32, #tpu.memory_space<hbm>> -> memref<2000xi32, #tpu.memory_space<hbm>>
        %dma_start3A_329 = tpu.memref_slice %arg5[%add3A_321] : memref<320000xi32, #tpu.memory_space<hbm>> -> memref<2000xi32, #tpu.memory_space<hbm>>
        tpu.enqueue_dma source(%dma_start3A_329 : memref<2000xi32, #tpu.memory_space<hbm>>) target(%arg10 : memref<2000xi32, #tpu.memory_space<vmem>>) target_semaphore(%run_scoped3A : memref<!tpu.dma_semaphore, #tpu.memory_space<semaphore_mem>>)
        %dma_wait3A_330 = tpu.memref_slice %arg5[%add3A_321] : memref<320000xi32, #tpu.memory_space<hbm>> -> memref<2000xi32, #tpu.memory_space<hbm>>
        %dma_wait3A_331 = tpu.memref_slice %arg5[%add3A_321] : memref<320000xi32, #tpu.memory_space<hbm>> -> memref<2000xi32, #tpu.memory_space<hbm>>
        tpu.wait_dma2 semaphore(%run_scoped3A : memref<!tpu.dma_semaphore, #tpu.memory_space<semaphore_mem>>) src(%dma_wait3A_331 : memref<2000xi32, #tpu.memory_space<hbm>>) dst(%arg10 : memref<2000xi32, #tpu.memory_space<vmem>>)
        tpu.yield
      }) : () -> ()
      %scan3A_322 = arith.constant 0 : i32
      %scan3A_323 = arith.constant 125 : i32
      %scan3A_324 = arith.addi %scan3A_322, %scan3A_323 : i32
      %scan3A_325 = arith.constant 1 : i32
      %scan3A_326 = scf.for %scan3A_328 = %scan3A_322 to %scan3A_324 step %scan3A_325 iter_args(%scan3A_329 = %scan3A_316) -> (i32)  : i32 {
        %mul3A_330 = arith.constant 16 : i32
        %mul3A_331 = arith.muli %scan3A_328, %mul3A_330 : i32
        %multiple_of3A = tpu.assume_multiple %mul3A_331, 16 : i32
        %get3A_332 = arith.index_cast %multiple_of3A : i32 to index
        %get3A_333 = tpu.vector_load %arg10[%get3A_332] {strides = array<i32>} : memref<2000xi32, #tpu.memory_space<vmem>>, vector<16xi32>,
        %ge3A_334 = arith.cmpi sge, %get3A_333, %broadcast_in_dim3A : vector<16xi32>
        %lt3A_335 = arith.cmpi slt, %get3A_333, %broadcast_in_dim3A_131 : vector<16xi32>
        %and3A_336 = arith.andi %ge3A_334, %lt3A_335 : vector<16xi1>
        %mul3A_337 = arith.constant 16 : i32
        %mul3A_338 = arith.muli %scan3A_328, %mul3A_337 : i32
        %add3A_339 = arith.addi %add3A_321, %mul3A_338 : i32
        %broadcast_in_dim3A_340 = vector.broadcast %add3A_339 : i32 to vector<16xi32>
        %iota3A = tpu.iota {dimensions = array<i32: 0>} : vector<16xi32>
        %add3A_341 = arith.addi %broadcast_in_dim3A_340, %iota3A : vector<16xi32>
        %swap3A_342 = arith.index_cast %scan3A_329 : i32 to index
        %swap3A_343 = tpu.vector_load %arg11[%swap3A_342] masked %and3A_336 {strides = array<i32>} : memref<10592xi32, #tpu.memory_space<vmem>>, vector<16xi32>, vector<16xi1>
        tpu.vector_store %arg11[%swap3A_342], %add3A_341 masked %and3A_336 {strides = array<i32>} : memref<10592xi32, #tpu.memory_space<vmem>>, vector<16xi32>, vector<16xi1>
        %all_reduce_population_count3A = tpu.all_reduce %and3A_336 {dim = 0 : i64, kind = #tpu.reduction_kind<sum>} : vector<16xi1> -> vector<16xi32>
        %slice3A = vector.extract_strided_slice %all_reduce_population_count3A {offsets = [0], sizes = [1], strides = [1]} : vector<16xi32> to vector<1xi32>
        %squeeze3A = vector.extract %slice3A[0] : i32 from vector<1xi32>
        %add3A_344 = arith.addi %scan3A_329, %squeeze3A : i32
        scf.yield %add3A_344 : i32
      }
      %scan3A_327 = arith.constant 125 : i32
      scf.yield %scan3A_326 : i32
    }
    %scan3A_138 = arith.constant 10 : i32
    %barrier3A = arith.constant 0 : index
    tpu.barrier barrier_id(%barrier3A)
    %add3A_139 = arith.constant 31 : i32
    %add3A_140 = arith.addi %scan3A_137, %add3A_139 : i32
    %jit3A = arith.constant 32 : i32
    %div3A = arith.divsi %add3A_140, %jit3A : i32
    %sign3A = arith.constant 0 : i32
    %sign3A_141 = arith.cmpi sgt, %add3A_140, %sign3A : i32
    %sign3A_142 = arith.extui %sign3A_141 : i1 to i32
    %sign3A_143 = arith.constant 0 : i32
    %sign3A_144 = arith.cmpi slt, %add3A_140, %sign3A_143 : i32
    %sign3A_145 = arith.extui %sign3A_144 : i1 to i32
    %sign3A_146 = arith.subi %sign3A_142, %sign3A_145 : i32
    %sign3A_147 = arith.constant 0 : i32
    %sign3A_148 = arith.cmpi sgt, %jit3A, %sign3A_147 : i32
    %sign3A_149 = arith.extui %sign3A_148 : i1 to i32
    %sign3A_150 = arith.constant 0 : i32
    %sign3A_151 = arith.cmpi slt, %jit3A, %sign3A_150 : i32
    %sign3A_152 = arith.extui %sign3A_151 : i1 to i32
    %sign3A_153 = arith.subi %sign3A_149, %sign3A_152 : i32
    %ne3A = arith.cmpi ne, %sign3A_146, %sign3A_153 : i32
    %rem3A = arith.remsi %add3A_140, %jit3A : i32
    %ne3A_154 = arith.constant 0 : i32
    %ne3A_155 = arith.cmpi ne, %rem3A, %ne3A_154 : i32
    %and3A_156 = arith.andi %ne3A, %ne3A_155 : i1
    %sub3A = arith.constant 1 : i32
    %sub3A_157 = arith.subi %div3A, %sub3A : i32
    %select_n3A = arith.select %and3A_156, %sub3A_157, %div3A : i32
    %dma_start3A = arith.constant 0 : i32
    %dma_start3A_158 = tpu.memref_slice %arg11[%dma_start3A] : memref<10592xi32, #tpu.memory_space<vmem>> -> memref<32xi32, #tpu.memory_space<vmem>>
    %dma_start3A_159 = arith.constant 0 : i32
    %dma_start3A_160 = tpu.memref_slice %arg4[%dma_start3A_159] : memref<320000xi32, #tpu.memory_space<hbm>> -> memref<320000xi32, #tpu.memory_space<hbm>>
    tpu.enqueue_indirect_dma source(%dma_start3A_160 : memref<320000xi32, #tpu.memory_space<hbm>>) target(%arg12 : memref<32xi32, #tpu.memory_space<vmem>>) offsets(%dma_start3A_158 : memref<32xi32, #tpu.memory_space<vmem>>) semaphore(%arg27 : memref<!tpu.dma_semaphore, #tpu.memory_space<semaphore_mem>>)
    %dma_start3A_161 = arith.constant 0 : i32
    %dma_start3A_162 = tpu.memref_slice %arg11[%dma_start3A_161] : memref<10592xi32, #tpu.memory_space<vmem>> -> memref<32xi32, #tpu.memory_space<vmem>>
    %dma_start3A_163 = arith.constant 0 : i32
    %dma_start3A_164 = tpu.memref_slice %arg5[%dma_start3A_163] : memref<320000xi32, #tpu.memory_space<hbm>> -> memref<320000xi32, #tpu.memory_space<hbm>>
    tpu.enqueue_indirect_dma source(%dma_start3A_164 : memref<320000xi32, #tpu.memory_space<hbm>>) target(%arg14 : memref<32xi32, #tpu.memory_space<vmem>>) offsets(%dma_start3A_162 : memref<32xi32, #tpu.memory_space<vmem>>) semaphore(%arg27 : memref<!tpu.dma_semaphore, #tpu.memory_space<semaphore_mem>>)
    %dma_wait3A = arith.constant 0 : i32
    %dma_wait3A_165 = tpu.memref_slice %arg11[%dma_wait3A] : memref<10592xi32, #tpu.memory_space<vmem>> -> memref<32xi32, #tpu.memory_space<vmem>>
    %dma_wait3A_166 = arith.constant 0 : i32
    %dma_wait3A_167 = tpu.memref_slice %arg4[%dma_wait3A_166] : memref<320000xi32, #tpu.memory_space<hbm>> -> memref<320000xi32, #tpu.memory_space<hbm>>
    tpu.wait_indirect_dma semaphore(%arg27 : memref<!tpu.dma_semaphore, #tpu.memory_space<semaphore_mem>>) src(%dma_wait3A_167 : memref<320000xi32, #tpu.memory_space<hbm>>) dst(%arg12 : memref<32xi32, #tpu.memory_space<vmem>>)
    %dma_wait3A_168 = arith.constant 0 : i32
    %dma_wait3A_169 = tpu.memref_slice %arg11[%dma_wait3A_168] : memref<10592xi32, #tpu.memory_space<vmem>> -> memref<32xi32, #tpu.memory_space<vmem>>
    %dma_wait3A_170 = arith.constant 0 : i32
    %dma_wait3A_171 = tpu.memref_slice %arg5[%dma_wait3A_170] : memref<320000xi32, #tpu.memory_space<hbm>> -> memref<320000xi32, #tpu.memory_space<hbm>>
    tpu.wait_indirect_dma semaphore(%arg27 : memref<!tpu.dma_semaphore, #tpu.memory_space<semaphore_mem>>) src(%dma_wait3A_171 : memref<320000xi32, #tpu.memory_space<hbm>>) dst(%arg14 : memref<32xi32, #tpu.memory_space<vmem>>)
    %get3A_172 = arith.constant 0 : index
    %get3A_173 = tpu.vector_load %arg14[%get3A_172] {strides = array<i32>} : memref<32xi32, #tpu.memory_space<vmem>>, vector<16xi32>,
    %sub3A_174 = arith.constant 10000 : i32
    %sub3A_175 = vector.broadcast %sub3A_174 : i32 to vector<16xi32>
    %sub3A_176 = arith.subi %get3A_173, %sub3A_175 : vector<16xi32>
    %swap3A = arith.constant 0 : index
    %swap3A_177 = tpu.vector_load %arg14[%swap3A] {strides = array<i32>} : memref<32xi32, #tpu.memory_space<vmem>>, vector<16xi32>,
    tpu.vector_store %arg14[%swap3A], %sub3A_176 {strides = array<i32>} : memref<32xi32, #tpu.memory_space<vmem>>, vector<16xi32>,
    %sub3A_178 = vector.broadcast %mul3A_0 : i32 to vector<16xi32>
    %sub3A_179 = arith.subi %sub3A_176, %sub3A_178 : vector<16xi32>
    %jit3A_180 = arith.constant 0 : i32
    %jit3A_181 = arith.constant 4999 : i32
    %max3A = vector.broadcast %jit3A_180 : i32 to vector<16xi32>
    %max3A_182 = arith.maxsi %max3A, %sub3A_179 : vector<16xi32>
    %min3A = vector.broadcast %jit3A_181 : i32 to vector<16xi32>
    %min3A_183 = arith.minsi %min3A, %max3A_182 : vector<16xi32>
    %swap3A_184 = arith.constant 0 : index
    %swap3A_185 = tpu.vector_load %arg16[%swap3A_184] {strides = array<i32>} : memref<32xi32, #tpu.memory_space<vmem>>, vector<16xi32>,
    tpu.vector_store %arg16[%swap3A_184], %min3A_183 {strides = array<i32>} : memref<32xi32, #tpu.memory_space<vmem>>, vector<16xi32>,
    %get3A_186 = arith.constant 16 : index
    %get3A_187 = tpu.vector_load %arg14[%get3A_186] {strides = array<i32>} : memref<32xi32, #tpu.memory_space<vmem>>, vector<16xi32>,
    %sub3A_188 = arith.constant 10000 : i32
    %sub3A_189 = vector.broadcast %sub3A_188 : i32 to vector<16xi32>
    %sub3A_190 = arith.subi %get3A_187, %sub3A_189 : vector<16xi32>
    %swap3A_191 = arith.constant 16 : index
    %swap3A_192 = tpu.vector_load %arg14[%swap3A_191] {strides = array<i32>} : memref<32xi32, #tpu.memory_space<vmem>>, vector<16xi32>,
    tpu.vector_store %arg14[%swap3A_191], %sub3A_190 {strides = array<i32>} : memref<32xi32, #tpu.memory_space<vmem>>, vector<16xi32>,
    %sub3A_193 = vector.broadcast %mul3A_0 : i32 to vector<16xi32>
    %sub3A_194 = arith.subi %sub3A_190, %sub3A_193 : vector<16xi32>
    %jit3A_195 = arith.constant 0 : i32
    %jit3A_196 = arith.constant 4999 : i32
    %max3A_197 = vector.broadcast %jit3A_195 : i32 to vector<16xi32>
    %max3A_198 = arith.maxsi %max3A_197, %sub3A_194 : vector<16xi32>
    %min3A_199 = vector.broadcast %jit3A_196 : i32 to vector<16xi32>
    %min3A_200 = arith.minsi %min3A_199, %max3A_198 : vector<16xi32>
    %swap3A_201 = arith.constant 16 : index
    %swap3A_202 = tpu.vector_load %arg16[%swap3A_201] {strides = array<i32>} : memref<32xi32, #tpu.memory_space<vmem>>, vector<16xi32>,
    tpu.vector_store %arg16[%swap3A_201], %min3A_200 {strides = array<i32>} : memref<32xi32, #tpu.memory_space<vmem>>, vector<16xi32>,
    %dma_start3A_203 = arith.constant 0 : i32
    %dma_start3A_204 = arith.constant 0 : i32
    %dma_start3A_205 = tpu.memref_slice %arg2[%dma_start3A_203, %dma_start3A_204] : memref<10000x128xf32, #tpu.memory_space<hbm>> -> memref<10000x128xf32, #tpu.memory_space<hbm>>
    tpu.enqueue_indirect_dma source(%dma_start3A_205 : memref<10000x128xf32, #tpu.memory_space<hbm>>) target(%arg18 : memref<32x128xf32, #tpu.memory_space<vmem>>) offsets(%arg12 : memref<32xi32, #tpu.memory_space<vmem>>) semaphore(%arg29 : memref<!tpu.dma_semaphore, #tpu.memory_space<semaphore_mem>>)
    %dma_start3A_206 = arith.constant 0 : i32
    %dma_start3A_207 = arith.constant 0 : i32
    %dma_start3A_208 = tpu.memref_slice %arg3[%dma_start3A_206, %dma_start3A_207] : memref<10000x128xf32, #tpu.memory_space<hbm>> -> memref<10000x128xf32, #tpu.memory_space<hbm>>
    tpu.enqueue_indirect_dma source(%dma_start3A_208 : memref<10000x128xf32, #tpu.memory_space<hbm>>) target(%arg20 : memref<32x128xf32, #tpu.memory_space<vmem>>) offsets(%arg14 : memref<32xi32, #tpu.memory_space<vmem>>) semaphore(%arg31 : memref<!tpu.dma_semaphore, #tpu.memory_space<semaphore_mem>>)
    %gt3A = arith.constant 1 : i32
    %gt3A_209 = arith.cmpi sgt, %select_n3A, %gt3A : i32
    %convert_element_type3A_210 = arith.extui %gt3A_209 : i1 to i32
    %cond3A_211 = arith.constant 0 : i32
    %cond3A_212 = arith.cmpi ne, %convert_element_type3A_210, %cond3A_211 : i32
    scf.if %cond3A_212 {
      %dma_start3A_315 = arith.constant 32 : i32
      %dma_start3A_316 = tpu.memref_slice %arg11[%dma_start3A_315] : memref<10592xi32, #tpu.memory_space<vmem>> -> memref<32xi32, #tpu.memory_space<vmem>>
      %dma_start3A_317 = arith.constant 0 : i32
      %dma_start3A_318 = tpu.memref_slice %arg4[%dma_start3A_317] : memref<320000xi32, #tpu.memory_space<hbm>> -> memref<320000xi32, #tpu.memory_space<hbm>>
      tpu.enqueue_indirect_dma source(%dma_start3A_318 : memref<320000xi32, #tpu.memory_space<hbm>>) target(%arg13 : memref<32xi32, #tpu.memory_space<vmem>>) offsets(%dma_start3A_316 : memref<32xi32, #tpu.memory_space<vmem>>) semaphore(%arg28 : memref<!tpu.dma_semaphore, #tpu.memory_space<semaphore_mem>>)
      %dma_start3A_319 = arith.constant 32 : i32
      %dma_start3A_320 = tpu.memref_slice %arg11[%dma_start3A_319] : memref<10592xi32, #tpu.memory_space<vmem>> -> memref<32xi32, #tpu.memory_space<vmem>>
      %dma_start3A_321 = arith.constant 0 : i32
      %dma_start3A_322 = tpu.memref_slice %arg5[%dma_start3A_321] : memref<320000xi32, #tpu.memory_space<hbm>> -> memref<320000xi32, #tpu.memory_space<hbm>>
      tpu.enqueue_indirect_dma source(%dma_start3A_322 : memref<320000xi32, #tpu.memory_space<hbm>>) target(%arg15 : memref<32xi32, #tpu.memory_space<vmem>>) offsets(%dma_start3A_320 : memref<32xi32, #tpu.memory_space<vmem>>) semaphore(%arg28 : memref<!tpu.dma_semaphore, #tpu.memory_space<semaphore_mem>>)
    } else {
    }
    %add3A_213 = arith.constant 1 : i32
    %add3A_214 = arith.addi %select_n3A, %add3A_213 : i32
    %jit3A_215 = arith.constant 2 : i32
    %div3A_216 = arith.divsi %add3A_214, %jit3A_215 : i32
    %sign3A_217 = arith.constant 0 : i32
    %sign3A_218 = arith.cmpi sgt, %add3A_214, %sign3A_217 : i32
    %sign3A_219 = arith.extui %sign3A_218 : i1 to i32
    %sign3A_220 = arith.constant 0 : i32
    %sign3A_221 = arith.cmpi slt, %add3A_214, %sign3A_220 : i32
    %sign3A_222 = arith.extui %sign3A_221 : i1 to i32
    %sign3A_223 = arith.subi %sign3A_219, %sign3A_222 : i32
    %sign3A_224 = arith.constant 0 : i32
    %sign3A_225 = arith.cmpi sgt, %jit3A_215, %sign3A_224 : i32
    %sign3A_226 = arith.extui %sign3A_225 : i1 to i32
    %sign3A_227 = arith.constant 0 : i32
    %sign3A_228 = arith.cmpi slt, %jit3A_215, %sign3A_227 : i32
    %sign3A_229 = arith.extui %sign3A_228 : i1 to i32
    %sign3A_230 = arith.subi %sign3A_226, %sign3A_229 : i32
    %ne3A_231 = arith.cmpi ne, %sign3A_223, %sign3A_230 : i32
    %rem3A_232 = arith.remsi %add3A_214, %jit3A_215 : i32
    %ne3A_233 = arith.constant 0 : i32
    %ne3A_234 = arith.cmpi ne, %rem3A_232, %ne3A_233 : i32
    %and3A_235 = arith.andi %ne3A_231, %ne3A_234 : i1
    %sub3A_236 = arith.constant 1 : i32
    %sub3A_237 = arith.subi %div3A_216, %sub3A_236 : i32
    %select_n3A_238 = arith.select %and3A_235, %sub3A_237, %div3A_216 : i32
    %while3A = arith.constant 0 : i32
    %while3A_239 = arith.constant 0 : i32
    %while3A_240 = arith.subi %select_n3A_238, %while3A : i32
    %while3A_241 = arith.addi %while3A, %while3A_240 : i32
    %while3A_242 = arith.constant 1 : i32
    %while3A_243 = arith.divsi %while3A_240, %while3A_242 : i32
    %while3A_244 = arith.muli %while3A_243, %while3A_242 : i32
    %while3A_245 = arith.addi %while3A, %while3A_244 : i32
    %while3A_246 = arith.constant 1 : i32
    %while3A_247 = scf.for %while3A_315 = %while3A to %while3A_245 step %while3A_246 iter_args(%while3A_316 = %while3A_239) -> (i32)  : i32 {
      %mul3A_317 = arith.constant 2 : i32
      %mul3A_318 = arith.muli %mul3A_317, %while3A_315 : i32
      %lt3A_319 = arith.cmpi slt, %mul3A_318, %select_n3A : i32
      %convert_element_type3A_320 = arith.extui %lt3A_319 : i1 to i32
      %cond3A_321 = arith.constant 0 : i32
      %cond3A_322 = arith.cmpi ne, %convert_element_type3A_320, %cond3A_321 : i32
      scf.if %cond3A_322 {
        %add3A_332 = arith.constant 1 : i32
        %add3A_333 = arith.addi %mul3A_318, %add3A_332 : i32
        %lt3A_334 = arith.cmpi slt, %add3A_333, %select_n3A : i32
        %convert_element_type3A_335 = arith.extui %lt3A_334 : i1 to i32
        %cond3A_336 = arith.constant 0 : i32
        %cond3A_337 = arith.cmpi ne, %convert_element_type3A_335, %cond3A_336 : i32
        scf.if %cond3A_337 {
          %dma_wait3A_369 = arith.constant 0 : i32
          %dma_wait3A_370 = tpu.memref_slice %arg11[%dma_wait3A_369] : memref<10592xi32, #tpu.memory_space<vmem>> -> memref<32xi32, #tpu.memory_space<vmem>>
          %dma_wait3A_371 = arith.constant 0 : i32
          %dma_wait3A_372 = tpu.memref_slice %arg4[%dma_wait3A_371] : memref<320000xi32, #tpu.memory_space<hbm>> -> memref<320000xi32, #tpu.memory_space<hbm>>
          tpu.wait_indirect_dma semaphore(%arg28 : memref<!tpu.dma_semaphore, #tpu.memory_space<semaphore_mem>>) src(%dma_wait3A_372 : memref<320000xi32, #tpu.memory_space<hbm>>) dst(%arg13 : memref<32xi32, #tpu.memory_space<vmem>>)
          %dma_wait3A_373 = arith.constant 0 : i32
          %dma_wait3A_374 = tpu.memref_slice %arg11[%dma_wait3A_373] : memref<10592xi32, #tpu.memory_space<vmem>> -> memref<32xi32, #tpu.memory_space<vmem>>
          %dma_wait3A_375 = arith.constant 0 : i32
          %dma_wait3A_376 = tpu.memref_slice %arg5[%dma_wait3A_375] : memref<320000xi32, #tpu.memory_space<hbm>> -> memref<320000xi32, #tpu.memory_space<hbm>>
          tpu.wait_indirect_dma semaphore(%arg28 : memref<!tpu.dma_semaphore, #tpu.memory_space<semaphore_mem>>) src(%dma_wait3A_376 : memref<320000xi32, #tpu.memory_space<hbm>>) dst(%arg15 : memref<32xi32, #tpu.memory_space<vmem>>)
        } else {
        }
        %ge3A_338 = arith.constant 1 : i32
        %ge3A_339 = arith.cmpi sge, %mul3A_318, %ge3A_338 : i32
        %convert_element_type3A_340 = arith.extui %ge3A_339 : i1 to i32
        %cond3A_341 = arith.constant 0 : i32
        %cond3A_342 = arith.cmpi ne, %convert_element_type3A_340, %cond3A_341 : i32
        scf.if %cond3A_342 {
          %dma_wait3A_369 = arith.constant 0 : i32
          %dma_wait3A_370 = arith.constant 0 : i32
          %dma_wait3A_371 = tpu.memref_slice %arg25[%dma_wait3A_369, %dma_wait3A_370] : memref<5000x128xf32, #tpu.memory_space<vmem_shared>> -> memref<5000x128xf32, #tpu.memory_space<vmem_shared>>
          tpu.wait_indirect_dma semaphore(%arg34 : memref<!tpu.dma_semaphore, #tpu.memory_space<semaphore_mem>>) src(%arg21 : memref<32x128xf32, #tpu.memory_space<vmem>>) dst(%dma_wait3A_371 : memref<5000x128xf32, #tpu.memory_space<vmem_shared>>)
          %dma_wait3A_372 = arith.constant 0 : i32
          %dma_wait3A_373 = arith.constant 0 : i32
          %dma_wait3A_374 = tpu.memref_slice %arg26[%dma_wait3A_372, %dma_wait3A_373] : memref<5000x128xf32, #tpu.memory_space<vmem_shared>> -> memref<5000x128xf32, #tpu.memory_space<vmem_shared>>
          tpu.wait_indirect_dma semaphore(%arg36 : memref<!tpu.dma_semaphore, #tpu.memory_space<semaphore_mem>>) src(%arg23 : memref<32x128xf32, #tpu.memory_space<vmem>>) dst(%dma_wait3A_374 : memref<5000x128xf32, #tpu.memory_space<vmem_shared>>)
        } else {
        }
        %add3A_343 = arith.constant 1 : i32
        %add3A_344 = arith.addi %mul3A_318, %add3A_343 : i32
        %lt3A_345 = arith.cmpi slt, %add3A_344, %select_n3A : i32
        %convert_element_type3A_346 = arith.extui %lt3A_345 : i1 to i32
        %cond3A_347 = arith.constant 0 : i32
        %cond3A_348 = arith.cmpi ne, %convert_element_type3A_346, %cond3A_347 : i32
        scf.if %cond3A_348 {
          %get3A_369 = arith.constant 0 : index
          %get3A_370 = tpu.vector_load %arg15[%get3A_369] {strides = array<i32>} : memref<32xi32, #tpu.memory_space<vmem>>, vector<16xi32>,
          %sub3A_371 = arith.constant 10000 : i32
          %sub3A_372 = vector.broadcast %sub3A_371 : i32 to vector<16xi32>
          %sub3A_373 = arith.subi %get3A_370, %sub3A_372 : vector<16xi32>
          %swap3A_374 = arith.constant 0 : index
          %swap3A_375 = tpu.vector_load %arg15[%swap3A_374] {strides = array<i32>} : memref<32xi32, #tpu.memory_space<vmem>>, vector<16xi32>,
          tpu.vector_store %arg15[%swap3A_374], %sub3A_373 {strides = array<i32>} : memref<32xi32, #tpu.memory_space<vmem>>, vector<16xi32>,
          %sub3A_376 = vector.broadcast %mul3A_0 : i32 to vector<16xi32>
          %sub3A_377 = arith.subi %sub3A_373, %sub3A_376 : vector<16xi32>
          %jit3A_378 = arith.constant 0 : i32
          %jit3A_379 = arith.constant 4999 : i32
          %max3A_380 = vector.broadcast %jit3A_378 : i32 to vector<16xi32>
          %max3A_381 = arith.maxsi %max3A_380, %sub3A_377 : vector<16xi32>
          %min3A_382 = vector.broadcast %jit3A_379 : i32 to vector<16xi32>
          %min3A_383 = arith.minsi %min3A_382, %max3A_381 : vector<16xi32>
          %swap3A_384 = arith.constant 0 : index
          %swap3A_385 = tpu.vector_load %arg17[%swap3A_384] {strides = array<i32>} : memref<32xi32, #tpu.memory_space<vmem>>, vector<16xi32>,
          tpu.vector_store %arg17[%swap3A_384], %min3A_383 {strides = array<i32>} : memref<32xi32, #tpu.memory_space<vmem>>, vector<16xi32>,
          %get3A_386 = arith.constant 16 : index
          %get3A_387 = tpu.vector_load %arg15[%get3A_386] {strides = array<i32>} : memref<32xi32, #tpu.memory_space<vmem>>, vector<16xi32>,
          %sub3A_388 = arith.constant 10000 : i32
          %sub3A_389 = vector.broadcast %sub3A_388 : i32 to vector<16xi32>
          %sub3A_390 = arith.subi %get3A_387, %sub3A_389 : vector<16xi32>
          %swap3A_391 = arith.constant 16 : index
          %swap3A_392 = tpu.vector_load %arg15[%swap3A_391] {strides = array<i32>} : memref<32xi32, #tpu.memory_space<vmem>>, vector<16xi32>,
          tpu.vector_store %arg15[%swap3A_391], %sub3A_390 {strides = array<i32>} : memref<32xi32, #tpu.memory_space<vmem>>, vector<16xi32>,
          %sub3A_393 = vector.broadcast %mul3A_0 : i32 to vector<16xi32>
          %sub3A_394 = arith.subi %sub3A_390, %sub3A_393 : vector<16xi32>
          %jit3A_395 = arith.constant 0 : i32
          %jit3A_396 = arith.constant 4999 : i32
          %max3A_397 = vector.broadcast %jit3A_395 : i32 to vector<16xi32>
          %max3A_398 = arith.maxsi %max3A_397, %sub3A_394 : vector<16xi32>
          %min3A_399 = vector.broadcast %jit3A_396 : i32 to vector<16xi32>
          %min3A_400 = arith.minsi %min3A_399, %max3A_398 : vector<16xi32>
          %swap3A_401 = arith.constant 16 : index
          %swap3A_402 = tpu.vector_load %arg17[%swap3A_401] {strides = array<i32>} : memref<32xi32, #tpu.memory_space<vmem>>, vector<16xi32>,
          tpu.vector_store %arg17[%swap3A_401], %min3A_400 {strides = array<i32>} : memref<32xi32, #tpu.memory_space<vmem>>, vector<16xi32>,
          %dma_start3A_403 = arith.constant 0 : i32
          %dma_start3A_404 = arith.constant 0 : i32
          %dma_start3A_405 = tpu.memref_slice %arg2[%dma_start3A_403, %dma_start3A_404] : memref<10000x128xf32, #tpu.memory_space<hbm>> -> memref<10000x128xf32, #tpu.memory_space<hbm>>
          tpu.enqueue_indirect_dma source(%dma_start3A_405 : memref<10000x128xf32, #tpu.memory_space<hbm>>) target(%arg19 : memref<32x128xf32, #tpu.memory_space<vmem>>) offsets(%arg13 : memref<32xi32, #tpu.memory_space<vmem>>) semaphore(%arg30 : memref<!tpu.dma_semaphore, #tpu.memory_space<semaphore_mem>>)
          %dma_start3A_406 = arith.constant 0 : i32
          %dma_start3A_407 = arith.constant 0 : i32
          %dma_start3A_408 = tpu.memref_slice %arg3[%dma_start3A_406, %dma_start3A_407] : memref<10000x128xf32, #tpu.memory_space<hbm>> -> memref<10000x128xf32, #tpu.memory_space<hbm>>
          tpu.enqueue_indirect_dma source(%dma_start3A_408 : memref<10000x128xf32, #tpu.memory_space<hbm>>) target(%arg21 : memref<32x128xf32, #tpu.memory_space<vmem>>) offsets(%arg15 : memref<32xi32, #tpu.memory_space<vmem>>) semaphore(%arg32 : memref<!tpu.dma_semaphore, #tpu.memory_space<semaphore_mem>>)
        } else {
        }
        %dma_wait3A_349 = arith.constant 0 : i32
        %dma_wait3A_350 = arith.constant 0 : i32
        %dma_wait3A_351 = tpu.memref_slice %arg2[%dma_wait3A_349, %dma_wait3A_350] : memref<10000x128xf32, #tpu.memory_space<hbm>> -> memref<10000x128xf32, #tpu.memory_space<hbm>>
        tpu.wait_indirect_dma semaphore(%arg29 : memref<!tpu.dma_semaphore, #tpu.memory_space<semaphore_mem>>) src(%dma_wait3A_351 : memref<10000x128xf32, #tpu.memory_space<hbm>>) dst(%arg18 : memref<32x128xf32, #tpu.memory_space<vmem>>)
        %dma_wait3A_352 = arith.constant 0 : i32
        %dma_wait3A_353 = arith.constant 0 : i32
        %dma_wait3A_354 = tpu.memref_slice %arg3[%dma_wait3A_352, %dma_wait3A_353] : memref<10000x128xf32, #tpu.memory_space<hbm>> -> memref<10000x128xf32, #tpu.memory_space<hbm>>
        tpu.wait_indirect_dma semaphore(%arg31 : memref<!tpu.dma_semaphore, #tpu.memory_space<semaphore_mem>>) src(%dma_wait3A_354 : memref<10000x128xf32, #tpu.memory_space<hbm>>) dst(%arg20 : memref<32x128xf32, #tpu.memory_space<vmem>>)
        %add3A_355 = arith.constant 2 : i32
        %add3A_356 = arith.addi %mul3A_318, %add3A_355 : i32
        %lt3A_357 = arith.cmpi slt, %add3A_356, %select_n3A : i32
        %convert_element_type3A_358 = arith.extui %lt3A_357 : i1 to i32
        %cond3A_359 = arith.constant 0 : i32
        %cond3A_360 = arith.cmpi ne, %convert_element_type3A_358, %cond3A_359 : i32
        scf.if %cond3A_360 {
          %add3A_369 = arith.constant 2 : i32
          %add3A_370 = arith.addi %mul3A_318, %add3A_369 : i32
          %mul3A_371 = arith.constant 32 : i32
          %mul3A_372 = arith.muli %add3A_370, %mul3A_371 : i32
          %dma_start3A_373 = tpu.memref_slice %arg11[%mul3A_372] : memref<10592xi32, #tpu.memory_space<vmem>> -> memref<32xi32, #tpu.memory_space<vmem>>
          %dma_start3A_374 = arith.constant 0 : i32
          %dma_start3A_375 = tpu.memref_slice %arg4[%dma_start3A_374] : memref<320000xi32, #tpu.memory_space<hbm>> -> memref<320000xi32, #tpu.memory_space<hbm>>
          tpu.enqueue_indirect_dma source(%dma_start3A_375 : memref<320000xi32, #tpu.memory_space<hbm>>) target(%arg12 : memref<32xi32, #tpu.memory_space<vmem>>) offsets(%dma_start3A_373 : memref<32xi32, #tpu.memory_space<vmem>>) semaphore(%arg27 : memref<!tpu.dma_semaphore, #tpu.memory_space<semaphore_mem>>)
          %dma_start3A_376 = tpu.memref_slice %arg11[%mul3A_372] : memref<10592xi32, #tpu.memory_space<vmem>> -> memref<32xi32, #tpu.memory_space<vmem>>
          %dma_start3A_377 = arith.constant 0 : i32
          %dma_start3A_378 = tpu.memref_slice %arg5[%dma_start3A_377] : memref<320000xi32, #tpu.memory_space<hbm>> -> memref<320000xi32, #tpu.memory_space<hbm>>
          tpu.enqueue_indirect_dma source(%dma_start3A_378 : memref<320000xi32, #tpu.memory_space<hbm>>) target(%arg14 : memref<32xi32, #tpu.memory_space<vmem>>) offsets(%dma_start3A_376 : memref<32xi32, #tpu.memory_space<vmem>>) semaphore(%arg27 : memref<!tpu.dma_semaphore, #tpu.memory_space<semaphore_mem>>)
        } else {
        }
        %parallel_loop3A = arith.constant 0 : i32
        %parallel_loop3A_361 = arith.constant 32 : i32
        %parallel_loop3A_362 = arith.constant 1 : i32
        scf.for %parallel_loop3A_369 = %parallel_loop3A to %parallel_loop3A_361 step %parallel_loop3A_362  : i32 {
          %parallel_loop3A_370 = arith.constant 32 : i32
          %parallel_loop3A_371 = arith.muli %mul3A_318, %parallel_loop3A_370 : i32
          %parallel_loop3A_372 = arith.addi %parallel_loop3A_371, %parallel_loop3A_369 : i32
          %parallel_loop3A_373 = arith.cmpi slt, %parallel_loop3A_372, %scan3A_137 : i32
          %parallel_loop3A_374 = arith.constant 1.000000e+00 : f32
          %parallel_loop3A_375 = arith.constant 0.000000e+00 : f32
          %parallel_loop3A_376 = arith.select %parallel_loop3A_373, %parallel_loop3A_374, %parallel_loop3A_375 : f32
          %parallel_loop3A_377 = vector.broadcast %parallel_loop3A_376 : f32 to vector<16xf32>
          %parallel_loop3A_378 = arith.index_cast %parallel_loop3A_369 : i32 to index
          %parallel_loop3A_379 = arith.constant 0 : index
          %parallel_loop3A_380 = tpu.vector_load %arg18[%parallel_loop3A_378, %parallel_loop3A_379] {strides = array<i32>} : memref<32x128xf32, #tpu.memory_space<vmem>>, vector<16xf32>,
          %parallel_loop3A_381 = arith.index_cast %parallel_loop3A_369 : i32 to index
          %parallel_loop3A_382 = arith.constant 0 : index
          %parallel_loop3A_383 = tpu.vector_load %arg20[%parallel_loop3A_381, %parallel_loop3A_382] {strides = array<i32>} : memref<32x128xf32, #tpu.memory_space<vmem>>, vector<16xf32>,
          %parallel_loop3A_384 = arith.addf %parallel_loop3A_380, %parallel_loop3A_383 : vector<16xf32>
          %parallel_loop3A_385 = arith.mulf %mul3A_6, %parallel_loop3A_384 : vector<16xf32>
          %parallel_loop3A_386 = math.absf %parallel_loop3A_384 : vector<16xf32>
          %parallel_loop3A_387 = arith.mulf %mul3A_62, %parallel_loop3A_386 : vector<16xf32>
          %parallel_loop3A_388 = arith.addf %parallel_loop3A_385, %parallel_loop3A_387 : vector<16xf32>
          %parallel_loop3A_389 = arith.constant true
          %parallel_loop3A_390 = vector.broadcast %parallel_loop3A_389 : i1 to vector<16xi1>
          %parallel_loop3A_391 = tpu.scan <sum>, %parallel_loop3A_388 masked %parallel_loop3A_390 : vector<16xf32>, vector<16xi1> -> vector<16xf32>
          %parallel_loop3A_392 = vector.extract_strided_slice %parallel_loop3A_391 {offsets = [15], sizes = [1], strides = [1]} : vector<16xf32> to vector<1xf32>
          %parallel_loop3A_393 = vector.extract %parallel_loop3A_392[0] : f32 from vector<1xf32>
          %parallel_loop3A_394 = vector.broadcast %parallel_loop3A_393 : f32 to vector<16xf32>
          %parallel_loop3A_395 = math.exp %parallel_loop3A_394 : vector<16xf32>
          %parallel_loop3A_396 = arith.mulf %parallel_loop3A_395, %parallel_loop3A_377 : vector<16xf32>
          %parallel_loop3A_397 = arith.mulf %parallel_loop3A_380, %parallel_loop3A_396 : vector<16xf32>
          %parallel_loop3A_398 = arith.index_cast %parallel_loop3A_369 : i32 to index
          %parallel_loop3A_399 = arith.constant 0 : index
          %parallel_loop3A_400 = tpu.vector_load %arg20[%parallel_loop3A_398, %parallel_loop3A_399] {strides = array<i32>} : memref<32x128xf32, #tpu.memory_space<vmem>>, vector<16xf32>,
          tpu.vector_store %arg20[%parallel_loop3A_398, %parallel_loop3A_399], %parallel_loop3A_397 {strides = array<i32>} : memref<32x128xf32, #tpu.memory_space<vmem>>, vector<16xf32>,
          %parallel_loop3A_401 = arith.index_cast %parallel_loop3A_369 : i32 to index
          %parallel_loop3A_402 = arith.constant 0 : index
          %parallel_loop3A_403 = tpu.vector_load %arg22[%parallel_loop3A_401, %parallel_loop3A_402] {strides = array<i32>} : memref<32x128xf32, #tpu.memory_space<vmem>>, vector<16xf32>,
          tpu.vector_store %arg22[%parallel_loop3A_401, %parallel_loop3A_402], %parallel_loop3A_396 {strides = array<i32>} : memref<32x128xf32, #tpu.memory_space<vmem>>, vector<16xf32>,
          %parallel_loop3A_404 = arith.index_cast %parallel_loop3A_369 : i32 to index
          %parallel_loop3A_405 = arith.constant 16 : index
          %parallel_loop3A_406 = tpu.vector_load %arg18[%parallel_loop3A_404, %parallel_loop3A_405] {strides = array<i32>} : memref<32x128xf32, #tpu.memory_space<vmem>>, vector<16xf32>,
          %parallel_loop3A_407 = arith.index_cast %parallel_loop3A_369 : i32 to index
          %parallel_loop3A_408 = arith.constant 16 : index
          %parallel_loop3A_409 = tpu.vector_load %arg20[%parallel_loop3A_407, %parallel_loop3A_408] {strides = array<i32>} : memref<32x128xf32, #tpu.memory_space<vmem>>, vector<16xf32>,
          %parallel_loop3A_410 = arith.addf %parallel_loop3A_406, %parallel_loop3A_409 : vector<16xf32>
          %parallel_loop3A_411 = arith.mulf %mul3A_13, %parallel_loop3A_410 : vector<16xf32>
          %parallel_loop3A_412 = math.absf %parallel_loop3A_410 : vector<16xf32>
          %parallel_loop3A_413 = arith.mulf %mul3A_69, %parallel_loop3A_412 : vector<16xf32>
          %parallel_loop3A_414 = arith.addf %parallel_loop3A_411, %parallel_loop3A_413 : vector<16xf32>
          %parallel_loop3A_415 = arith.constant true
          %parallel_loop3A_416 = vector.broadcast %parallel_loop3A_415 : i1 to vector<16xi1>
          %parallel_loop3A_417 = tpu.scan <sum>, %parallel_loop3A_414 masked %parallel_loop3A_416 : vector<16xf32>, vector<16xi1> -> vector<16xf32>
          %parallel_loop3A_418 = vector.extract_strided_slice %parallel_loop3A_417 {offsets = [15], sizes = [1], strides = [1]} : vector<16xf32> to vector<1xf32>
          %parallel_loop3A_419 = vector.extract %parallel_loop3A_418[0] : f32 from vector<1xf32>
          %parallel_loop3A_420 = vector.broadcast %parallel_loop3A_419 : f32 to vector<16xf32>
          %parallel_loop3A_421 = math.exp %parallel_loop3A_420 : vector<16xf32>
          %parallel_loop3A_422 = arith.mulf %parallel_loop3A_421, %parallel_loop3A_377 : vector<16xf32>
          %parallel_loop3A_423 = arith.mulf %parallel_loop3A_406, %parallel_loop3A_422 : vector<16xf32>
          %parallel_loop3A_424 = arith.index_cast %parallel_loop3A_369 : i32 to index
          %parallel_loop3A_425 = arith.constant 16 : index
          %parallel_loop3A_426 = tpu.vector_load %arg20[%parallel_loop3A_424, %parallel_loop3A_425] {strides = array<i32>} : memref<32x128xf32, #tpu.memory_space<vmem>>, vector<16xf32>,
          tpu.vector_store %arg20[%parallel_loop3A_424, %parallel_loop3A_425], %parallel_loop3A_423 {strides = array<i32>} : memref<32x128xf32, #tpu.memory_space<vmem>>, vector<16xf32>,
          %parallel_loop3A_427 = arith.index_cast %parallel_loop3A_369 : i32 to index
          %parallel_loop3A_428 = arith.constant 16 : index
          %parallel_loop3A_429 = tpu.vector_load %arg22[%parallel_loop3A_427, %parallel_loop3A_428] {strides = array<i32>} : memref<32x128xf32, #tpu.memory_space<vmem>>, vector<16xf32>,
          tpu.vector_store %arg22[%parallel_loop3A_427, %parallel_loop3A_428], %parallel_loop3A_422 {strides = array<i32>} : memref<32x128xf32, #tpu.memory_space<vmem>>, vector<16xf32>,
          %parallel_loop3A_430 = arith.index_cast %parallel_loop3A_369 : i32 to index
          %parallel_loop3A_431 = arith.constant 32 : index
          %parallel_loop3A_432 = tpu.vector_load %arg18[%parallel_loop3A_430, %parallel_loop3A_431] {strides = array<i32>} : memref<32x128xf32, #tpu.memory_space<vmem>>, vector<16xf32>,
          %parallel_loop3A_433 = arith.index_cast %parallel_loop3A_369 : i32 to index
          %parallel_loop3A_434 = arith.constant 32 : index
          %parallel_loop3A_435 = tpu.vector_load %arg20[%parallel_loop3A_433, %parallel_loop3A_434] {strides = array<i32>} : memref<32x128xf32, #tpu.memory_space<vmem>>, vector<16xf32>,
          %parallel_loop3A_436 = arith.addf %parallel_loop3A_432, %parallel_loop3A_435 : vector<16xf32>
          %parallel_loop3A_437 = arith.mulf %mul3A_20, %parallel_loop3A_436 : vector<16xf32>
          %parallel_loop3A_438 = math.absf %parallel_loop3A_436 : vector<16xf32>
          %parallel_loop3A_439 = arith.mulf %mul3A_76, %parallel_loop3A_438 : vector<16xf32>
          %parallel_loop3A_440 = arith.addf %parallel_loop3A_437, %parallel_loop3A_439 : vector<16xf32>
          %parallel_loop3A_441 = arith.constant true
          %parallel_loop3A_442 = vector.broadcast %parallel_loop3A_441 : i1 to vector<16xi1>
          %parallel_loop3A_443 = tpu.scan <sum>, %parallel_loop3A_440 masked %parallel_loop3A_442 : vector<16xf32>, vector<16xi1> -> vector<16xf32>
          %parallel_loop3A_444 = vector.extract_strided_slice %parallel_loop3A_443 {offsets = [15], sizes = [1], strides = [1]} : vector<16xf32> to vector<1xf32>
          %parallel_loop3A_445 = vector.extract %parallel_loop3A_444[0] : f32 from vector<1xf32>
          %parallel_loop3A_446 = vector.broadcast %parallel_loop3A_445 : f32 to vector<16xf32>
          %parallel_loop3A_447 = math.exp %parallel_loop3A_446 : vector<16xf32>
          %parallel_loop3A_448 = arith.mulf %parallel_loop3A_447, %parallel_loop3A_377 : vector<16xf32>
          %parallel_loop3A_449 = arith.mulf %parallel_loop3A_432, %parallel_loop3A_448 : vector<16xf32>
          %parallel_loop3A_450 = arith.index_cast %parallel_loop3A_369 : i32 to index
          %parallel_loop3A_451 = arith.constant 32 : index
          %parallel_loop3A_452 = tpu.vector_load %arg20[%parallel_loop3A_450, %parallel_loop3A_451] {strides = array<i32>} : memref<32x128xf32, #tpu.memory_space<vmem>>, vector<16xf32>,
          tpu.vector_store %arg20[%parallel_loop3A_450, %parallel_loop3A_451], %parallel_loop3A_449 {strides = array<i32>} : memref<32x128xf32, #tpu.memory_space<vmem>>, vector<16xf32>,
          %parallel_loop3A_453 = arith.index_cast %parallel_loop3A_369 : i32 to index
          %parallel_loop3A_454 = arith.constant 32 : index
          %parallel_loop3A_455 = tpu.vector_load %arg22[%parallel_loop3A_453, %parallel_loop3A_454] {strides = array<i32>} : memref<32x128xf32, #tpu.memory_space<vmem>>, vector<16xf32>,
          tpu.vector_store %arg22[%parallel_loop3A_453, %parallel_loop3A_454], %parallel_loop3A_448 {strides = array<i32>} : memref<32x128xf32, #tpu.memory_space<vmem>>, vector<16xf32>,
          %parallel_loop3A_456 = arith.index_cast %parallel_loop3A_369 : i32 to index
          %parallel_loop3A_457 = arith.constant 48 : index
          %parallel_loop3A_458 = tpu.vector_load %arg18[%parallel_loop3A_456, %parallel_loop3A_457] {strides = array<i32>} : memref<32x128xf32, #tpu.memory_space<vmem>>, vector<16xf32>,
          %parallel_loop3A_459 = arith.index_cast %parallel_loop3A_369 : i32 to index
          %parallel_loop3A_460 = arith.constant 48 : index
          %parallel_loop3A_461 = tpu.vector_load %arg20[%parallel_loop3A_459, %parallel_loop3A_460] {strides = array<i32>} : memref<32x128xf32, #tpu.memory_space<vmem>>, vector<16xf32>,
          %parallel_loop3A_462 = arith.addf %parallel_loop3A_458, %parallel_loop3A_461 : vector<16xf32>
          %parallel_loop3A_463 = arith.mulf %mul3A_27, %parallel_loop3A_462 : vector<16xf32>
          %parallel_loop3A_464 = math.absf %parallel_loop3A_462 : vector<16xf32>
          %parallel_loop3A_465 = arith.mulf %mul3A_83, %parallel_loop3A_464 : vector<16xf32>
          %parallel_loop3A_466 = arith.addf %parallel_loop3A_463, %parallel_loop3A_465 : vector<16xf32>
          %parallel_loop3A_467 = arith.constant true
          %parallel_loop3A_468 = vector.broadcast %parallel_loop3A_467 : i1 to vector<16xi1>
          %parallel_loop3A_469 = tpu.scan <sum>, %parallel_loop3A_466 masked %parallel_loop3A_468 : vector<16xf32>, vector<16xi1> -> vector<16xf32>
          %parallel_loop3A_470 = vector.extract_strided_slice %parallel_loop3A_469 {offsets = [15], sizes = [1], strides = [1]} : vector<16xf32> to vector<1xf32>
          %parallel_loop3A_471 = vector.extract %parallel_loop3A_470[0] : f32 from vector<1xf32>
          %parallel_loop3A_472 = vector.broadcast %parallel_loop3A_471 : f32 to vector<16xf32>
          %parallel_loop3A_473 = math.exp %parallel_loop3A_472 : vector<16xf32>
          %parallel_loop3A_474 = arith.mulf %parallel_loop3A_473, %parallel_loop3A_377 : vector<16xf32>
          %parallel_loop3A_475 = arith.mulf %parallel_loop3A_458, %parallel_loop3A_474 : vector<16xf32>
          %parallel_loop3A_476 = arith.index_cast %parallel_loop3A_369 : i32 to index
          %parallel_loop3A_477 = arith.constant 48 : index
          %parallel_loop3A_478 = tpu.vector_load %arg20[%parallel_loop3A_476, %parallel_loop3A_477] {strides = array<i32>} : memref<32x128xf32, #tpu.memory_space<vmem>>, vector<16xf32>,
          tpu.vector_store %arg20[%parallel_loop3A_476, %parallel_loop3A_477], %parallel_loop3A_475 {strides = array<i32>} : memref<32x128xf32, #tpu.memory_space<vmem>>, vector<16xf32>,
          %parallel_loop3A_479 = arith.index_cast %parallel_loop3A_369 : i32 to index
          %parallel_loop3A_480 = arith.constant 48 : index
          %parallel_loop3A_481 = tpu.vector_load %arg22[%parallel_loop3A_479, %parallel_loop3A_480] {strides = array<i32>} : memref<32x128xf32, #tpu.memory_space<vmem>>, vector<16xf32>,
          tpu.vector_store %arg22[%parallel_loop3A_479, %parallel_loop3A_480], %parallel_loop3A_474 {strides = array<i32>} : memref<32x128xf32, #tpu.memory_space<vmem>>, vector<16xf32>,
          %parallel_loop3A_482 = arith.index_cast %parallel_loop3A_369 : i32 to index
          %parallel_loop3A_483 = arith.constant 64 : index
          %parallel_loop3A_484 = tpu.vector_load %arg18[%parallel_loop3A_482, %parallel_loop3A_483] {strides = array<i32>} : memref<32x128xf32, #tpu.memory_space<vmem>>, vector<16xf32>,
          %parallel_loop3A_485 = arith.index_cast %parallel_loop3A_369 : i32 to index
          %parallel_loop3A_486 = arith.constant 64 : index
          %parallel_loop3A_487 = tpu.vector_load %arg20[%parallel_loop3A_485, %parallel_loop3A_486] {strides = array<i32>} : memref<32x128xf32, #tpu.memory_space<vmem>>, vector<16xf32>,
          %parallel_loop3A_488 = arith.addf %parallel_loop3A_484, %parallel_loop3A_487 : vector<16xf32>
          %parallel_loop3A_489 = arith.mulf %mul3A_34, %parallel_loop3A_488 : vector<16xf32>
          %parallel_loop3A_490 = math.absf %parallel_loop3A_488 : vector<16xf32>
          %parallel_loop3A_491 = arith.mulf %mul3A_90, %parallel_loop3A_490 : vector<16xf32>
          %parallel_loop3A_492 = arith.addf %parallel_loop3A_489, %parallel_loop3A_491 : vector<16xf32>
          %parallel_loop3A_493 = arith.constant true
          %parallel_loop3A_494 = vector.broadcast %parallel_loop3A_493 : i1 to vector<16xi1>
          %parallel_loop3A_495 = tpu.scan <sum>, %parallel_loop3A_492 masked %parallel_loop3A_494 : vector<16xf32>, vector<16xi1> -> vector<16xf32>
          %parallel_loop3A_496 = vector.extract_strided_slice %parallel_loop3A_495 {offsets = [15], sizes = [1], strides = [1]} : vector<16xf32> to vector<1xf32>
          %parallel_loop3A_497 = vector.extract %parallel_loop3A_496[0] : f32 from vector<1xf32>
          %parallel_loop3A_498 = vector.broadcast %parallel_loop3A_497 : f32 to vector<16xf32>
          %parallel_loop3A_499 = math.exp %parallel_loop3A_498 : vector<16xf32>
          %parallel_loop3A_500 = arith.mulf %parallel_loop3A_499, %parallel_loop3A_377 : vector<16xf32>
          %parallel_loop3A_501 = arith.mulf %parallel_loop3A_484, %parallel_loop3A_500 : vector<16xf32>
          %parallel_loop3A_502 = arith.index_cast %parallel_loop3A_369 : i32 to index
          %parallel_loop3A_503 = arith.constant 64 : index
          %parallel_loop3A_504 = tpu.vector_load %arg20[%parallel_loop3A_502, %parallel_loop3A_503] {strides = array<i32>} : memref<32x128xf32, #tpu.memory_space<vmem>>, vector<16xf32>,
          tpu.vector_store %arg20[%parallel_loop3A_502, %parallel_loop3A_503], %parallel_loop3A_501 {strides = array<i32>} : memref<32x128xf32, #tpu.memory_space<vmem>>, vector<16xf32>,
          %parallel_loop3A_505 = arith.index_cast %parallel_loop3A_369 : i32 to index
          %parallel_loop3A_506 = arith.constant 64 : index
          %parallel_loop3A_507 = tpu.vector_load %arg22[%parallel_loop3A_505, %parallel_loop3A_506] {strides = array<i32>} : memref<32x128xf32, #tpu.memory_space<vmem>>, vector<16xf32>,
          tpu.vector_store %arg22[%parallel_loop3A_505, %parallel_loop3A_506], %parallel_loop3A_500 {strides = array<i32>} : memref<32x128xf32, #tpu.memory_space<vmem>>, vector<16xf32>,
          %parallel_loop3A_508 = arith.index_cast %parallel_loop3A_369 : i32 to index
          %parallel_loop3A_509 = arith.constant 80 : index
          %parallel_loop3A_510 = tpu.vector_load %arg18[%parallel_loop3A_508, %parallel_loop3A_509] {strides = array<i32>} : memref<32x128xf32, #tpu.memory_space<vmem>>, vector<16xf32>,
          %parallel_loop3A_511 = arith.index_cast %parallel_loop3A_369 : i32 to index
          %parallel_loop3A_512 = arith.constant 80 : index
          %parallel_loop3A_513 = tpu.vector_load %arg20[%parallel_loop3A_511, %parallel_loop3A_512] {strides = array<i32>} : memref<32x128xf32, #tpu.memory_space<vmem>>, vector<16xf32>,
          %parallel_loop3A_514 = arith.addf %parallel_loop3A_510, %parallel_loop3A_513 : vector<16xf32>
          %parallel_loop3A_515 = arith.mulf %mul3A_41, %parallel_loop3A_514 : vector<16xf32>
          %parallel_loop3A_516 = math.absf %parallel_loop3A_514 : vector<16xf32>
          %parallel_loop3A_517 = arith.mulf %mul3A_97, %parallel_loop3A_516 : vector<16xf32>
          %parallel_loop3A_518 = arith.addf %parallel_loop3A_515, %parallel_loop3A_517 : vector<16xf32>
          %parallel_loop3A_519 = arith.constant true
          %parallel_loop3A_520 = vector.broadcast %parallel_loop3A_519 : i1 to vector<16xi1>
          %parallel_loop3A_521 = tpu.scan <sum>, %parallel_loop3A_518 masked %parallel_loop3A_520 : vector<16xf32>, vector<16xi1> -> vector<16xf32>
          %parallel_loop3A_522 = vector.extract_strided_slice %parallel_loop3A_521 {offsets = [15], sizes = [1], strides = [1]} : vector<16xf32> to vector<1xf32>
          %parallel_loop3A_523 = vector.extract %parallel_loop3A_522[0] : f32 from vector<1xf32>
          %parallel_loop3A_524 = vector.broadcast %parallel_loop3A_523 : f32 to vector<16xf32>
          %parallel_loop3A_525 = math.exp %parallel_loop3A_524 : vector<16xf32>
          %parallel_loop3A_526 = arith.mulf %parallel_loop3A_525, %parallel_loop3A_377 : vector<16xf32>
          %parallel_loop3A_527 = arith.mulf %parallel_loop3A_510, %parallel_loop3A_526 : vector<16xf32>
          %parallel_loop3A_528 = arith.index_cast %parallel_loop3A_369 : i32 to index
          %parallel_loop3A_529 = arith.constant 80 : index
          %parallel_loop3A_530 = tpu.vector_load %arg20[%parallel_loop3A_528, %parallel_loop3A_529] {strides = array<i32>} : memref<32x128xf32, #tpu.memory_space<vmem>>, vector<16xf32>,
          tpu.vector_store %arg20[%parallel_loop3A_528, %parallel_loop3A_529], %parallel_loop3A_527 {strides = array<i32>} : memref<32x128xf32, #tpu.memory_space<vmem>>, vector<16xf32>,
          %parallel_loop3A_531 = arith.index_cast %parallel_loop3A_369 : i32 to index
          %parallel_loop3A_532 = arith.constant 80 : index
          %parallel_loop3A_533 = tpu.vector_load %arg22[%parallel_loop3A_531, %parallel_loop3A_532] {strides = array<i32>} : memref<32x128xf32, #tpu.memory_space<vmem>>, vector<16xf32>,
          tpu.vector_store %arg22[%parallel_loop3A_531, %parallel_loop3A_532], %parallel_loop3A_526 {strides = array<i32>} : memref<32x128xf32, #tpu.memory_space<vmem>>, vector<16xf32>,
          %parallel_loop3A_534 = arith.index_cast %parallel_loop3A_369 : i32 to index
          %parallel_loop3A_535 = arith.constant 96 : index
          %parallel_loop3A_536 = tpu.vector_load %arg18[%parallel_loop3A_534, %parallel_loop3A_535] {strides = array<i32>} : memref<32x128xf32, #tpu.memory_space<vmem>>, vector<16xf32>,
          %parallel_loop3A_537 = arith.index_cast %parallel_loop3A_369 : i32 to index
          %parallel_loop3A_538 = arith.constant 96 : index
          %parallel_loop3A_539 = tpu.vector_load %arg20[%parallel_loop3A_537, %parallel_loop3A_538] {strides = array<i32>} : memref<32x128xf32, #tpu.memory_space<vmem>>, vector<16xf32>,
          %parallel_loop3A_540 = arith.addf %parallel_loop3A_536, %parallel_loop3A_539 : vector<16xf32>
          %parallel_loop3A_541 = arith.mulf %mul3A_48, %parallel_loop3A_540 : vector<16xf32>
          %parallel_loop3A_542 = math.absf %parallel_loop3A_540 : vector<16xf32>
          %parallel_loop3A_543 = arith.mulf %mul3A_104, %parallel_loop3A_542 : vector<16xf32>
          %parallel_loop3A_544 = arith.addf %parallel_loop3A_541, %parallel_loop3A_543 : vector<16xf32>
          %parallel_loop3A_545 = arith.constant true
          %parallel_loop3A_546 = vector.broadcast %parallel_loop3A_545 : i1 to vector<16xi1>
          %parallel_loop3A_547 = tpu.scan <sum>, %parallel_loop3A_544 masked %parallel_loop3A_546 : vector<16xf32>, vector<16xi1> -> vector<16xf32>
          %parallel_loop3A_548 = vector.extract_strided_slice %parallel_loop3A_547 {offsets = [15], sizes = [1], strides = [1]} : vector<16xf32> to vector<1xf32>
          %parallel_loop3A_549 = vector.extract %parallel_loop3A_548[0] : f32 from vector<1xf32>
          %parallel_loop3A_550 = vector.broadcast %parallel_loop3A_549 : f32 to vector<16xf32>
          %parallel_loop3A_551 = math.exp %parallel_loop3A_550 : vector<16xf32>
          %parallel_loop3A_552 = arith.mulf %parallel_loop3A_551, %parallel_loop3A_377 : vector<16xf32>
          %parallel_loop3A_553 = arith.mulf %parallel_loop3A_536, %parallel_loop3A_552 : vector<16xf32>
          %parallel_loop3A_554 = arith.index_cast %parallel_loop3A_369 : i32 to index
          %parallel_loop3A_555 = arith.constant 96 : index
          %parallel_loop3A_556 = tpu.vector_load %arg20[%parallel_loop3A_554, %parallel_loop3A_555] {strides = array<i32>} : memref<32x128xf32, #tpu.memory_space<vmem>>, vector<16xf32>,
          tpu.vector_store %arg20[%parallel_loop3A_554, %parallel_loop3A_555], %parallel_loop3A_553 {strides = array<i32>} : memref<32x128xf32, #tpu.memory_space<vmem>>, vector<16xf32>,
          %parallel_loop3A_557 = arith.index_cast %parallel_loop3A_369 : i32 to index
          %parallel_loop3A_558 = arith.constant 96 : index
          %parallel_loop3A_559 = tpu.vector_load %arg22[%parallel_loop3A_557, %parallel_loop3A_558] {strides = array<i32>} : memref<32x128xf32, #tpu.memory_space<vmem>>, vector<16xf32>,
          tpu.vector_store %arg22[%parallel_loop3A_557, %parallel_loop3A_558], %parallel_loop3A_552 {strides = array<i32>} : memref<32x128xf32, #tpu.memory_space<vmem>>, vector<16xf32>,
          %parallel_loop3A_560 = arith.index_cast %parallel_loop3A_369 : i32 to index
          %parallel_loop3A_561 = arith.constant 112 : index
          %parallel_loop3A_562 = tpu.vector_load %arg18[%parallel_loop3A_560, %parallel_loop3A_561] {strides = array<i32>} : memref<32x128xf32, #tpu.memory_space<vmem>>, vector<16xf32>,
          %parallel_loop3A_563 = arith.index_cast %parallel_loop3A_369 : i32 to index
          %parallel_loop3A_564 = arith.constant 112 : index
          %parallel_loop3A_565 = tpu.vector_load %arg20[%parallel_loop3A_563, %parallel_loop3A_564] {strides = array<i32>} : memref<32x128xf32, #tpu.memory_space<vmem>>, vector<16xf32>,
          %parallel_loop3A_566 = arith.addf %parallel_loop3A_562, %parallel_loop3A_565 : vector<16xf32>
          %parallel_loop3A_567 = arith.mulf %mul3A_55, %parallel_loop3A_566 : vector<16xf32>
          %parallel_loop3A_568 = math.absf %parallel_loop3A_566 : vector<16xf32>
          %parallel_loop3A_569 = arith.mulf %mul3A_111, %parallel_loop3A_568 : vector<16xf32>
          %parallel_loop3A_570 = arith.addf %parallel_loop3A_567, %parallel_loop3A_569 : vector<16xf32>
          %parallel_loop3A_571 = arith.constant true
          %parallel_loop3A_572 = vector.broadcast %parallel_loop3A_571 : i1 to vector<16xi1>
          %parallel_loop3A_573 = tpu.scan <sum>, %parallel_loop3A_570 masked %parallel_loop3A_572 : vector<16xf32>, vector<16xi1> -> vector<16xf32>
          %parallel_loop3A_574 = vector.extract_strided_slice %parallel_loop3A_573 {offsets = [15], sizes = [1], strides = [1]} : vector<16xf32> to vector<1xf32>
          %parallel_loop3A_575 = vector.extract %parallel_loop3A_574[0] : f32 from vector<1xf32>
          %parallel_loop3A_576 = vector.broadcast %parallel_loop3A_575 : f32 to vector<16xf32>
          %parallel_loop3A_577 = math.exp %parallel_loop3A_576 : vector<16xf32>
          %parallel_loop3A_578 = arith.mulf %parallel_loop3A_577, %parallel_loop3A_377 : vector<16xf32>
          %parallel_loop3A_579 = arith.mulf %parallel_loop3A_562, %parallel_loop3A_578 : vector<16xf32>
          %parallel_loop3A_580 = arith.index_cast %parallel_loop3A_369 : i32 to index
          %parallel_loop3A_581 = arith.constant 112 : index
          %parallel_loop3A_582 = tpu.vector_load %arg20[%parallel_loop3A_580, %parallel_loop3A_581] {strides = array<i32>} : memref<32x128xf32, #tpu.memory_space<vmem>>, vector<16xf32>,
          tpu.vector_store %arg20[%parallel_loop3A_580, %parallel_loop3A_581], %parallel_loop3A_579 {strides = array<i32>} : memref<32x128xf32, #tpu.memory_space<vmem>>, vector<16xf32>,
          %parallel_loop3A_583 = arith.index_cast %parallel_loop3A_369 : i32 to index
          %parallel_loop3A_584 = arith.constant 112 : index
          %parallel_loop3A_585 = tpu.vector_load %arg22[%parallel_loop3A_583, %parallel_loop3A_584] {strides = array<i32>} : memref<32x128xf32, #tpu.memory_space<vmem>>, vector<16xf32>,
          tpu.vector_store %arg22[%parallel_loop3A_583, %parallel_loop3A_584], %parallel_loop3A_578 {strides = array<i32>} : memref<32x128xf32, #tpu.memory_space<vmem>>, vector<16xf32>,
        } {sc.loop_unroll_factor = 8 : i64, sc.parallel_access}
        %dma_start3A_363 = arith.constant 0 : i32
        %dma_start3A_364 = arith.constant 0 : i32
        %dma_start3A_365 = tpu.memref_slice %arg25[%dma_start3A_363, %dma_start3A_364] : memref<5000x128xf32, #tpu.memory_space<vmem_shared>> -> memref<5000x128xf32, #tpu.memory_space<vmem_shared>>
        tpu.enqueue_indirect_dma source(%arg20 : memref<32x128xf32, #tpu.memory_space<vmem>>) target(%dma_start3A_365 : memref<5000x128xf32, #tpu.memory_space<vmem_shared>>) offsets(%arg16 : memref<32xi32, #tpu.memory_space<vmem>>) semaphore(%arg33 : memref<!tpu.dma_semaphore, #tpu.memory_space<semaphore_mem>>) {add = true}
        %dma_start3A_366 = arith.constant 0 : i32
        %dma_start3A_367 = arith.constant 0 : i32
        %dma_start3A_368 = tpu.memref_slice %arg26[%dma_start3A_366, %dma_start3A_367] : memref<5000x128xf32, #tpu.memory_space<vmem_shared>> -> memref<5000x128xf32, #tpu.memory_space<vmem_shared>>
        tpu.enqueue_indirect_dma source(%arg22 : memref<32x128xf32, #tpu.memory_space<vmem>>) target(%dma_start3A_368 : memref<5000x128xf32, #tpu.memory_space<vmem_shared>>) offsets(%arg16 : memref<32xi32, #tpu.memory_space<vmem>>) semaphore(%arg35 : memref<!tpu.dma_semaphore, #tpu.memory_space<semaphore_mem>>) {add = true}
      } else {
      }
      %mul3A_323 = arith.constant 2 : i32
      %mul3A_324 = arith.muli %mul3A_323, %while3A_315 : i32
      %add3A_325 = arith.constant 1 : i32
      %add3A_326 = arith.addi %mul3A_324, %add3A_325 : i32
      %lt3A_327 = arith.cmpi slt, %add3A_326, %select_n3A : i32
      %convert_element_type3A_328 = arith.extui %lt3A_327 : i1 to i32
      %cond3A_329 = arith.constant 0 : i32
      %cond3A_330 = arith.cmpi ne, %convert_element_type3A_328, %cond3A_329 : i32
      scf.if %cond3A_330 {
        %add3A_332 = arith.constant 1 : i32
        %add3A_333 = arith.addi %add3A_326, %add3A_332 : i32
        %lt3A_334 = arith.cmpi slt, %add3A_333, %select_n3A : i32
        %convert_element_type3A_335 = arith.extui %lt3A_334 : i1 to i32
        %cond3A_336 = arith.constant 0 : i32
        %cond3A_337 = arith.cmpi ne, %convert_element_type3A_335, %cond3A_336 : i32
        scf.if %cond3A_337 {
          %dma_wait3A_369 = arith.constant 0 : i32
          %dma_wait3A_370 = tpu.memref_slice %arg11[%dma_wait3A_369] : memref<10592xi32, #tpu.memory_space<vmem>> -> memref<32xi32, #tpu.memory_space<vmem>>
          %dma_wait3A_371 = arith.constant 0 : i32
          %dma_wait3A_372 = tpu.memref_slice %arg4[%dma_wait3A_371] : memref<320000xi32, #tpu.memory_space<hbm>> -> memref<320000xi32, #tpu.memory_space<hbm>>
          tpu.wait_indirect_dma semaphore(%arg27 : memref<!tpu.dma_semaphore, #tpu.memory_space<semaphore_mem>>) src(%dma_wait3A_372 : memref<320000xi32, #tpu.memory_space<hbm>>) dst(%arg12 : memref<32xi32, #tpu.memory_space<vmem>>)
          %dma_wait3A_373 = arith.constant 0 : i32
          %dma_wait3A_374 = tpu.memref_slice %arg11[%dma_wait3A_373] : memref<10592xi32, #tpu.memory_space<vmem>> -> memref<32xi32, #tpu.memory_space<vmem>>
          %dma_wait3A_375 = arith.constant 0 : i32
          %dma_wait3A_376 = tpu.memref_slice %arg5[%dma_wait3A_375] : memref<320000xi32, #tpu.memory_space<hbm>> -> memref<320000xi32, #tpu.memory_space<hbm>>
          tpu.wait_indirect_dma semaphore(%arg27 : memref<!tpu.dma_semaphore, #tpu.memory_space<semaphore_mem>>) src(%dma_wait3A_376 : memref<320000xi32, #tpu.memory_space<hbm>>) dst(%arg14 : memref<32xi32, #tpu.memory_space<vmem>>)
        } else {
        }
        %ge3A_338 = arith.constant 1 : i32
        %ge3A_339 = arith.cmpi sge, %add3A_326, %ge3A_338 : i32
        %convert_element_type3A_340 = arith.extui %ge3A_339 : i1 to i32
        %cond3A_341 = arith.constant 0 : i32
        %cond3A_342 = arith.cmpi ne, %convert_element_type3A_340, %cond3A_341 : i32
        scf.if %cond3A_342 {
          %dma_wait3A_369 = arith.constant 0 : i32
          %dma_wait3A_370 = arith.constant 0 : i32
          %dma_wait3A_371 = tpu.memref_slice %arg25[%dma_wait3A_369, %dma_wait3A_370] : memref<5000x128xf32, #tpu.memory_space<vmem_shared>> -> memref<5000x128xf32, #tpu.memory_space<vmem_shared>>
          tpu.wait_indirect_dma semaphore(%arg33 : memref<!tpu.dma_semaphore, #tpu.memory_space<semaphore_mem>>) src(%arg20 : memref<32x128xf32, #tpu.memory_space<vmem>>) dst(%dma_wait3A_371 : memref<5000x128xf32, #tpu.memory_space<vmem_shared>>)
          %dma_wait3A_372 = arith.constant 0 : i32
          %dma_wait3A_373 = arith.constant 0 : i32
          %dma_wait3A_374 = tpu.memref_slice %arg26[%dma_wait3A_372, %dma_wait3A_373] : memref<5000x128xf32, #tpu.memory_space<vmem_shared>> -> memref<5000x128xf32, #tpu.memory_space<vmem_shared>>
          tpu.wait_indirect_dma semaphore(%arg35 : memref<!tpu.dma_semaphore, #tpu.memory_space<semaphore_mem>>) src(%arg22 : memref<32x128xf32, #tpu.memory_space<vmem>>) dst(%dma_wait3A_374 : memref<5000x128xf32, #tpu.memory_space<vmem_shared>>)
        } else {
        }
        %add3A_343 = arith.constant 1 : i32
        %add3A_344 = arith.addi %add3A_326, %add3A_343 : i32
        %lt3A_345 = arith.cmpi slt, %add3A_344, %select_n3A : i32
        %convert_element_type3A_346 = arith.extui %lt3A_345 : i1 to i32
        %cond3A_347 = arith.constant 0 : i32
        %cond3A_348 = arith.cmpi ne, %convert_element_type3A_346, %cond3A_347 : i32
        scf.if %cond3A_348 {
          %get3A_369 = arith.constant 0 : index
          %get3A_370 = tpu.vector_load %arg14[%get3A_369] {strides = array<i32>} : memref<32xi32, #tpu.memory_space<vmem>>, vector<16xi32>,
          %sub3A_371 = arith.constant 10000 : i32
          %sub3A_372 = vector.broadcast %sub3A_371 : i32 to vector<16xi32>
          %sub3A_373 = arith.subi %get3A_370, %sub3A_372 : vector<16xi32>
          %swap3A_374 = arith.constant 0 : index
          %swap3A_375 = tpu.vector_load %arg14[%swap3A_374] {strides = array<i32>} : memref<32xi32, #tpu.memory_space<vmem>>, vector<16xi32>,
          tpu.vector_store %arg14[%swap3A_374], %sub3A_373 {strides = array<i32>} : memref<32xi32, #tpu.memory_space<vmem>>, vector<16xi32>,
          %sub3A_376 = vector.broadcast %mul3A_0 : i32 to vector<16xi32>
          %sub3A_377 = arith.subi %sub3A_373, %sub3A_376 : vector<16xi32>
          %jit3A_378 = arith.constant 0 : i32
          %jit3A_379 = arith.constant 4999 : i32
          %max3A_380 = vector.broadcast %jit3A_378 : i32 to vector<16xi32>
          %max3A_381 = arith.maxsi %max3A_380, %sub3A_377 : vector<16xi32>
          %min3A_382 = vector.broadcast %jit3A_379 : i32 to vector<16xi32>
          %min3A_383 = arith.minsi %min3A_382, %max3A_381 : vector<16xi32>
          %swap3A_384 = arith.constant 0 : index
          %swap3A_385 = tpu.vector_load %arg16[%swap3A_384] {strides = array<i32>} : memref<32xi32, #tpu.memory_space<vmem>>, vector<16xi32>,
          tpu.vector_store %arg16[%swap3A_384], %min3A_383 {strides = array<i32>} : memref<32xi32, #tpu.memory_space<vmem>>, vector<16xi32>,
          %get3A_386 = arith.constant 16 : index
          %get3A_387 = tpu.vector_load %arg14[%get3A_386] {strides = array<i32>} : memref<32xi32, #tpu.memory_space<vmem>>, vector<16xi32>,
          %sub3A_388 = arith.constant 10000 : i32
          %sub3A_389 = vector.broadcast %sub3A_388 : i32 to vector<16xi32>
          %sub3A_390 = arith.subi %get3A_387, %sub3A_389 : vector<16xi32>
          %swap3A_391 = arith.constant 16 : index
          %swap3A_392 = tpu.vector_load %arg14[%swap3A_391] {strides = array<i32>} : memref<32xi32, #tpu.memory_space<vmem>>, vector<16xi32>,
          tpu.vector_store %arg14[%swap3A_391], %sub3A_390 {strides = array<i32>} : memref<32xi32, #tpu.memory_space<vmem>>, vector<16xi32>,
          %sub3A_393 = vector.broadcast %mul3A_0 : i32 to vector<16xi32>
          %sub3A_394 = arith.subi %sub3A_390, %sub3A_393 : vector<16xi32>
          %jit3A_395 = arith.constant 0 : i32
          %jit3A_396 = arith.constant 4999 : i32
          %max3A_397 = vector.broadcast %jit3A_395 : i32 to vector<16xi32>
          %max3A_398 = arith.maxsi %max3A_397, %sub3A_394 : vector<16xi32>
          %min3A_399 = vector.broadcast %jit3A_396 : i32 to vector<16xi32>
          %min3A_400 = arith.minsi %min3A_399, %max3A_398 : vector<16xi32>
          %swap3A_401 = arith.constant 16 : index
          %swap3A_402 = tpu.vector_load %arg16[%swap3A_401] {strides = array<i32>} : memref<32xi32, #tpu.memory_space<vmem>>, vector<16xi32>,
          tpu.vector_store %arg16[%swap3A_401], %min3A_400 {strides = array<i32>} : memref<32xi32, #tpu.memory_space<vmem>>, vector<16xi32>,
          %dma_start3A_403 = arith.constant 0 : i32
          %dma_start3A_404 = arith.constant 0 : i32
          %dma_start3A_405 = tpu.memref_slice %arg2[%dma_start3A_403, %dma_start3A_404] : memref<10000x128xf32, #tpu.memory_space<hbm>> -> memref<10000x128xf32, #tpu.memory_space<hbm>>
          tpu.enqueue_indirect_dma source(%dma_start3A_405 : memref<10000x128xf32, #tpu.memory_space<hbm>>) target(%arg18 : memref<32x128xf32, #tpu.memory_space<vmem>>) offsets(%arg12 : memref<32xi32, #tpu.memory_space<vmem>>) semaphore(%arg29 : memref<!tpu.dma_semaphore, #tpu.memory_space<semaphore_mem>>)
          %dma_start3A_406 = arith.constant 0 : i32
          %dma_start3A_407 = arith.constant 0 : i32
          %dma_start3A_408 = tpu.memref_slice %arg3[%dma_start3A_406, %dma_start3A_407] : memref<10000x128xf32, #tpu.memory_space<hbm>> -> memref<10000x128xf32, #tpu.memory_space<hbm>>
          tpu.enqueue_indirect_dma source(%dma_start3A_408 : memref<10000x128xf32, #tpu.memory_space<hbm>>) target(%arg20 : memref<32x128xf32, #tpu.memory_space<vmem>>) offsets(%arg14 : memref<32xi32, #tpu.memory_space<vmem>>) semaphore(%arg31 : memref<!tpu.dma_semaphore, #tpu.memory_space<semaphore_mem>>)
        } else {
        }
        %dma_wait3A_349 = arith.constant 0 : i32
        %dma_wait3A_350 = arith.constant 0 : i32
        %dma_wait3A_351 = tpu.memref_slice %arg2[%dma_wait3A_349, %dma_wait3A_350] : memref<10000x128xf32, #tpu.memory_space<hbm>> -> memref<10000x128xf32, #tpu.memory_space<hbm>>
        tpu.wait_indirect_dma semaphore(%arg30 : memref<!tpu.dma_semaphore, #tpu.memory_space<semaphore_mem>>) src(%dma_wait3A_351 : memref<10000x128xf32, #tpu.memory_space<hbm>>) dst(%arg19 : memref<32x128xf32, #tpu.memory_space<vmem>>)
        %dma_wait3A_352 = arith.constant 0 : i32
        %dma_wait3A_353 = arith.constant 0 : i32
        %dma_wait3A_354 = tpu.memref_slice %arg3[%dma_wait3A_352, %dma_wait3A_353] : memref<10000x128xf32, #tpu.memory_space<hbm>> -> memref<10000x128xf32, #tpu.memory_space<hbm>>
        tpu.wait_indirect_dma semaphore(%arg32 : memref<!tpu.dma_semaphore, #tpu.memory_space<semaphore_mem>>) src(%dma_wait3A_354 : memref<10000x128xf32, #tpu.memory_space<hbm>>) dst(%arg21 : memref<32x128xf32, #tpu.memory_space<vmem>>)
        %add3A_355 = arith.constant 2 : i32
        %add3A_356 = arith.addi %add3A_326, %add3A_355 : i32
        %lt3A_357 = arith.cmpi slt, %add3A_356, %select_n3A : i32
        %convert_element_type3A_358 = arith.extui %lt3A_357 : i1 to i32
        %cond3A_359 = arith.constant 0 : i32
        %cond3A_360 = arith.cmpi ne, %convert_element_type3A_358, %cond3A_359 : i32
        scf.if %cond3A_360 {
          %add3A_369 = arith.constant 2 : i32
          %add3A_370 = arith.addi %add3A_326, %add3A_369 : i32
          %mul3A_371 = arith.constant 32 : i32
          %mul3A_372 = arith.muli %add3A_370, %mul3A_371 : i32
          %dma_start3A_373 = tpu.memref_slice %arg11[%mul3A_372] : memref<10592xi32, #tpu.memory_space<vmem>> -> memref<32xi32, #tpu.memory_space<vmem>>
          %dma_start3A_374 = arith.constant 0 : i32
          %dma_start3A_375 = tpu.memref_slice %arg4[%dma_start3A_374] : memref<320000xi32, #tpu.memory_space<hbm>> -> memref<320000xi32, #tpu.memory_space<hbm>>
          tpu.enqueue_indirect_dma source(%dma_start3A_375 : memref<320000xi32, #tpu.memory_space<hbm>>) target(%arg13 : memref<32xi32, #tpu.memory_space<vmem>>) offsets(%dma_start3A_373 : memref<32xi32, #tpu.memory_space<vmem>>) semaphore(%arg28 : memref<!tpu.dma_semaphore, #tpu.memory_space<semaphore_mem>>)
          %dma_start3A_376 = tpu.memref_slice %arg11[%mul3A_372] : memref<10592xi32, #tpu.memory_space<vmem>> -> memref<32xi32, #tpu.memory_space<vmem>>
          %dma_start3A_377 = arith.constant 0 : i32
          %dma_start3A_378 = tpu.memref_slice %arg5[%dma_start3A_377] : memref<320000xi32, #tpu.memory_space<hbm>> -> memref<320000xi32, #tpu.memory_space<hbm>>
          tpu.enqueue_indirect_dma source(%dma_start3A_378 : memref<320000xi32, #tpu.memory_space<hbm>>) target(%arg15 : memref<32xi32, #tpu.memory_space<vmem>>) offsets(%dma_start3A_376 : memref<32xi32, #tpu.memory_space<vmem>>) semaphore(%arg28 : memref<!tpu.dma_semaphore, #tpu.memory_space<semaphore_mem>>)
        } else {
        }
        %parallel_loop3A = arith.constant 0 : i32
        %parallel_loop3A_361 = arith.constant 32 : i32
        %parallel_loop3A_362 = arith.constant 1 : i32
        scf.for %parallel_loop3A_369 = %parallel_loop3A to %parallel_loop3A_361 step %parallel_loop3A_362  : i32 {
          %parallel_loop3A_370 = arith.constant 32 : i32
          %parallel_loop3A_371 = arith.muli %add3A_326, %parallel_loop3A_370 : i32
          %parallel_loop3A_372 = arith.addi %parallel_loop3A_371, %parallel_loop3A_369 : i32
          %parallel_loop3A_373 = arith.cmpi slt, %parallel_loop3A_372, %scan3A_137 : i32
          %parallel_loop3A_374 = arith.constant 1.000000e+00 : f32
          %parallel_loop3A_375 = arith.constant 0.000000e+00 : f32
          %parallel_loop3A_376 = arith.select %parallel_loop3A_373, %parallel_loop3A_374, %parallel_loop3A_375 : f32
          %parallel_loop3A_377 = vector.broadcast %parallel_loop3A_376 : f32 to vector<16xf32>
          %parallel_loop3A_378 = arith.index_cast %parallel_loop3A_369 : i32 to index
          %parallel_loop3A_379 = arith.constant 0 : index
          %parallel_loop3A_380 = tpu.vector_load %arg19[%parallel_loop3A_378, %parallel_loop3A_379] {strides = array<i32>} : memref<32x128xf32, #tpu.memory_space<vmem>>, vector<16xf32>,
          %parallel_loop3A_381 = arith.index_cast %parallel_loop3A_369 : i32 to index
          %parallel_loop3A_382 = arith.constant 0 : index
          %parallel_loop3A_383 = tpu.vector_load %arg21[%parallel_loop3A_381, %parallel_loop3A_382] {strides = array<i32>} : memref<32x128xf32, #tpu.memory_space<vmem>>, vector<16xf32>,
          %parallel_loop3A_384 = arith.addf %parallel_loop3A_380, %parallel_loop3A_383 : vector<16xf32>
          %parallel_loop3A_385 = arith.mulf %mul3A_6, %parallel_loop3A_384 : vector<16xf32>
          %parallel_loop3A_386 = math.absf %parallel_loop3A_384 : vector<16xf32>
          %parallel_loop3A_387 = arith.mulf %mul3A_62, %parallel_loop3A_386 : vector<16xf32>
          %parallel_loop3A_388 = arith.addf %parallel_loop3A_385, %parallel_loop3A_387 : vector<16xf32>
          %parallel_loop3A_389 = arith.constant true
          %parallel_loop3A_390 = vector.broadcast %parallel_loop3A_389 : i1 to vector<16xi1>
          %parallel_loop3A_391 = tpu.scan <sum>, %parallel_loop3A_388 masked %parallel_loop3A_390 : vector<16xf32>, vector<16xi1> -> vector<16xf32>
          %parallel_loop3A_392 = vector.extract_strided_slice %parallel_loop3A_391 {offsets = [15], sizes = [1], strides = [1]} : vector<16xf32> to vector<1xf32>
          %parallel_loop3A_393 = vector.extract %parallel_loop3A_392[0] : f32 from vector<1xf32>
          %parallel_loop3A_394 = vector.broadcast %parallel_loop3A_393 : f32 to vector<16xf32>
          %parallel_loop3A_395 = math.exp %parallel_loop3A_394 : vector<16xf32>
          %parallel_loop3A_396 = arith.mulf %parallel_loop3A_395, %parallel_loop3A_377 : vector<16xf32>
          %parallel_loop3A_397 = arith.mulf %parallel_loop3A_380, %parallel_loop3A_396 : vector<16xf32>
          %parallel_loop3A_398 = arith.index_cast %parallel_loop3A_369 : i32 to index
          %parallel_loop3A_399 = arith.constant 0 : index
          %parallel_loop3A_400 = tpu.vector_load %arg21[%parallel_loop3A_398, %parallel_loop3A_399] {strides = array<i32>} : memref<32x128xf32, #tpu.memory_space<vmem>>, vector<16xf32>,
          tpu.vector_store %arg21[%parallel_loop3A_398, %parallel_loop3A_399], %parallel_loop3A_397 {strides = array<i32>} : memref<32x128xf32, #tpu.memory_space<vmem>>, vector<16xf32>,
          %parallel_loop3A_401 = arith.index_cast %parallel_loop3A_369 : i32 to index
          %parallel_loop3A_402 = arith.constant 0 : index
          %parallel_loop3A_403 = tpu.vector_load %arg23[%parallel_loop3A_401, %parallel_loop3A_402] {strides = array<i32>} : memref<32x128xf32, #tpu.memory_space<vmem>>, vector<16xf32>,
          tpu.vector_store %arg23[%parallel_loop3A_401, %parallel_loop3A_402], %parallel_loop3A_396 {strides = array<i32>} : memref<32x128xf32, #tpu.memory_space<vmem>>, vector<16xf32>,
          %parallel_loop3A_404 = arith.index_cast %parallel_loop3A_369 : i32 to index
          %parallel_loop3A_405 = arith.constant 16 : index
          %parallel_loop3A_406 = tpu.vector_load %arg19[%parallel_loop3A_404, %parallel_loop3A_405] {strides = array<i32>} : memref<32x128xf32, #tpu.memory_space<vmem>>, vector<16xf32>,
          %parallel_loop3A_407 = arith.index_cast %parallel_loop3A_369 : i32 to index
          %parallel_loop3A_408 = arith.constant 16 : index
          %parallel_loop3A_409 = tpu.vector_load %arg21[%parallel_loop3A_407, %parallel_loop3A_408] {strides = array<i32>} : memref<32x128xf32, #tpu.memory_space<vmem>>, vector<16xf32>,
          %parallel_loop3A_410 = arith.addf %parallel_loop3A_406, %parallel_loop3A_409 : vector<16xf32>
          %parallel_loop3A_411 = arith.mulf %mul3A_13, %parallel_loop3A_410 : vector<16xf32>
          %parallel_loop3A_412 = math.absf %parallel_loop3A_410 : vector<16xf32>
          %parallel_loop3A_413 = arith.mulf %mul3A_69, %parallel_loop3A_412 : vector<16xf32>
          %parallel_loop3A_414 = arith.addf %parallel_loop3A_411, %parallel_loop3A_413 : vector<16xf32>
          %parallel_loop3A_415 = arith.constant true
          %parallel_loop3A_416 = vector.broadcast %parallel_loop3A_415 : i1 to vector<16xi1>
          %parallel_loop3A_417 = tpu.scan <sum>, %parallel_loop3A_414 masked %parallel_loop3A_416 : vector<16xf32>, vector<16xi1> -> vector<16xf32>
          %parallel_loop3A_418 = vector.extract_strided_slice %parallel_loop3A_417 {offsets = [15], sizes = [1], strides = [1]} : vector<16xf32> to vector<1xf32>
          %parallel_loop3A_419 = vector.extract %parallel_loop3A_418[0] : f32 from vector<1xf32>
          %parallel_loop3A_420 = vector.broadcast %parallel_loop3A_419 : f32 to vector<16xf32>
          %parallel_loop3A_421 = math.exp %parallel_loop3A_420 : vector<16xf32>
          %parallel_loop3A_422 = arith.mulf %parallel_loop3A_421, %parallel_loop3A_377 : vector<16xf32>
          %parallel_loop3A_423 = arith.mulf %parallel_loop3A_406, %parallel_loop3A_422 : vector<16xf32>
          %parallel_loop3A_424 = arith.index_cast %parallel_loop3A_369 : i32 to index
          %parallel_loop3A_425 = arith.constant 16 : index
          %parallel_loop3A_426 = tpu.vector_load %arg21[%parallel_loop3A_424, %parallel_loop3A_425] {strides = array<i32>} : memref<32x128xf32, #tpu.memory_space<vmem>>, vector<16xf32>,
          tpu.vector_store %arg21[%parallel_loop3A_424, %parallel_loop3A_425], %parallel_loop3A_423 {strides = array<i32>} : memref<32x128xf32, #tpu.memory_space<vmem>>, vector<16xf32>,
          %parallel_loop3A_427 = arith.index_cast %parallel_loop3A_369 : i32 to index
          %parallel_loop3A_428 = arith.constant 16 : index
          %parallel_loop3A_429 = tpu.vector_load %arg23[%parallel_loop3A_427, %parallel_loop3A_428] {strides = array<i32>} : memref<32x128xf32, #tpu.memory_space<vmem>>, vector<16xf32>,
          tpu.vector_store %arg23[%parallel_loop3A_427, %parallel_loop3A_428], %parallel_loop3A_422 {strides = array<i32>} : memref<32x128xf32, #tpu.memory_space<vmem>>, vector<16xf32>,
          %parallel_loop3A_430 = arith.index_cast %parallel_loop3A_369 : i32 to index
          %parallel_loop3A_431 = arith.constant 32 : index
          %parallel_loop3A_432 = tpu.vector_load %arg19[%parallel_loop3A_430, %parallel_loop3A_431] {strides = array<i32>} : memref<32x128xf32, #tpu.memory_space<vmem>>, vector<16xf32>,
          %parallel_loop3A_433 = arith.index_cast %parallel_loop3A_369 : i32 to index
          %parallel_loop3A_434 = arith.constant 32 : index
          %parallel_loop3A_435 = tpu.vector_load %arg21[%parallel_loop3A_433, %parallel_loop3A_434] {strides = array<i32>} : memref<32x128xf32, #tpu.memory_space<vmem>>, vector<16xf32>,
          %parallel_loop3A_436 = arith.addf %parallel_loop3A_432, %parallel_loop3A_435 : vector<16xf32>
          %parallel_loop3A_437 = arith.mulf %mul3A_20, %parallel_loop3A_436 : vector<16xf32>
          %parallel_loop3A_438 = math.absf %parallel_loop3A_436 : vector<16xf32>
          %parallel_loop3A_439 = arith.mulf %mul3A_76, %parallel_loop3A_438 : vector<16xf32>
          %parallel_loop3A_440 = arith.addf %parallel_loop3A_437, %parallel_loop3A_439 : vector<16xf32>
          %parallel_loop3A_441 = arith.constant true
          %parallel_loop3A_442 = vector.broadcast %parallel_loop3A_441 : i1 to vector<16xi1>
          %parallel_loop3A_443 = tpu.scan <sum>, %parallel_loop3A_440 masked %parallel_loop3A_442 : vector<16xf32>, vector<16xi1> -> vector<16xf32>
          %parallel_loop3A_444 = vector.extract_strided_slice %parallel_loop3A_443 {offsets = [15], sizes = [1], strides = [1]} : vector<16xf32> to vector<1xf32>
          %parallel_loop3A_445 = vector.extract %parallel_loop3A_444[0] : f32 from vector<1xf32>
          %parallel_loop3A_446 = vector.broadcast %parallel_loop3A_445 : f32 to vector<16xf32>
          %parallel_loop3A_447 = math.exp %parallel_loop3A_446 : vector<16xf32>
          %parallel_loop3A_448 = arith.mulf %parallel_loop3A_447, %parallel_loop3A_377 : vector<16xf32>
          %parallel_loop3A_449 = arith.mulf %parallel_loop3A_432, %parallel_loop3A_448 : vector<16xf32>
          %parallel_loop3A_450 = arith.index_cast %parallel_loop3A_369 : i32 to index
          %parallel_loop3A_451 = arith.constant 32 : index
          %parallel_loop3A_452 = tpu.vector_load %arg21[%parallel_loop3A_450, %parallel_loop3A_451] {strides = array<i32>} : memref<32x128xf32, #tpu.memory_space<vmem>>, vector<16xf32>,
          tpu.vector_store %arg21[%parallel_loop3A_450, %parallel_loop3A_451], %parallel_loop3A_449 {strides = array<i32>} : memref<32x128xf32, #tpu.memory_space<vmem>>, vector<16xf32>,
          %parallel_loop3A_453 = arith.index_cast %parallel_loop3A_369 : i32 to index
          %parallel_loop3A_454 = arith.constant 32 : index
          %parallel_loop3A_455 = tpu.vector_load %arg23[%parallel_loop3A_453, %parallel_loop3A_454] {strides = array<i32>} : memref<32x128xf32, #tpu.memory_space<vmem>>, vector<16xf32>,
          tpu.vector_store %arg23[%parallel_loop3A_453, %parallel_loop3A_454], %parallel_loop3A_448 {strides = array<i32>} : memref<32x128xf32, #tpu.memory_space<vmem>>, vector<16xf32>,
          %parallel_loop3A_456 = arith.index_cast %parallel_loop3A_369 : i32 to index
          %parallel_loop3A_457 = arith.constant 48 : index
          %parallel_loop3A_458 = tpu.vector_load %arg19[%parallel_loop3A_456, %parallel_loop3A_457] {strides = array<i32>} : memref<32x128xf32, #tpu.memory_space<vmem>>, vector<16xf32>,
          %parallel_loop3A_459 = arith.index_cast %parallel_loop3A_369 : i32 to index
          %parallel_loop3A_460 = arith.constant 48 : index
          %parallel_loop3A_461 = tpu.vector_load %arg21[%parallel_loop3A_459, %parallel_loop3A_460] {strides = array<i32>} : memref<32x128xf32, #tpu.memory_space<vmem>>, vector<16xf32>,
          %parallel_loop3A_462 = arith.addf %parallel_loop3A_458, %parallel_loop3A_461 : vector<16xf32>
          %parallel_loop3A_463 = arith.mulf %mul3A_27, %parallel_loop3A_462 : vector<16xf32>
          %parallel_loop3A_464 = math.absf %parallel_loop3A_462 : vector<16xf32>
          %parallel_loop3A_465 = arith.mulf %mul3A_83, %parallel_loop3A_464 : vector<16xf32>
          %parallel_loop3A_466 = arith.addf %parallel_loop3A_463, %parallel_loop3A_465 : vector<16xf32>
          %parallel_loop3A_467 = arith.constant true
          %parallel_loop3A_468 = vector.broadcast %parallel_loop3A_467 : i1 to vector<16xi1>
          %parallel_loop3A_469 = tpu.scan <sum>, %parallel_loop3A_466 masked %parallel_loop3A_468 : vector<16xf32>, vector<16xi1> -> vector<16xf32>
          %parallel_loop3A_470 = vector.extract_strided_slice %parallel_loop3A_469 {offsets = [15], sizes = [1], strides = [1]} : vector<16xf32> to vector<1xf32>
          %parallel_loop3A_471 = vector.extract %parallel_loop3A_470[0] : f32 from vector<1xf32>
          %parallel_loop3A_472 = vector.broadcast %parallel_loop3A_471 : f32 to vector<16xf32>
          %parallel_loop3A_473 = math.exp %parallel_loop3A_472 : vector<16xf32>
          %parallel_loop3A_474 = arith.mulf %parallel_loop3A_473, %parallel_loop3A_377 : vector<16xf32>
          %parallel_loop3A_475 = arith.mulf %parallel_loop3A_458, %parallel_loop3A_474 : vector<16xf32>
          %parallel_loop3A_476 = arith.index_cast %parallel_loop3A_369 : i32 to index
          %parallel_loop3A_477 = arith.constant 48 : index
          %parallel_loop3A_478 = tpu.vector_load %arg21[%parallel_loop3A_476, %parallel_loop3A_477] {strides = array<i32>} : memref<32x128xf32, #tpu.memory_space<vmem>>, vector<16xf32>,
          tpu.vector_store %arg21[%parallel_loop3A_476, %parallel_loop3A_477], %parallel_loop3A_475 {strides = array<i32>} : memref<32x128xf32, #tpu.memory_space<vmem>>, vector<16xf32>,
          %parallel_loop3A_479 = arith.index_cast %parallel_loop3A_369 : i32 to index
          %parallel_loop3A_480 = arith.constant 48 : index
          %parallel_loop3A_481 = tpu.vector_load %arg23[%parallel_loop3A_479, %parallel_loop3A_480] {strides = array<i32>} : memref<32x128xf32, #tpu.memory_space<vmem>>, vector<16xf32>,
          tpu.vector_store %arg23[%parallel_loop3A_479, %parallel_loop3A_480], %parallel_loop3A_474 {strides = array<i32>} : memref<32x128xf32, #tpu.memory_space<vmem>>, vector<16xf32>,
          %parallel_loop3A_482 = arith.index_cast %parallel_loop3A_369 : i32 to index
          %parallel_loop3A_483 = arith.constant 64 : index
          %parallel_loop3A_484 = tpu.vector_load %arg19[%parallel_loop3A_482, %parallel_loop3A_483] {strides = array<i32>} : memref<32x128xf32, #tpu.memory_space<vmem>>, vector<16xf32>,
          %parallel_loop3A_485 = arith.index_cast %parallel_loop3A_369 : i32 to index
          %parallel_loop3A_486 = arith.constant 64 : index
          %parallel_loop3A_487 = tpu.vector_load %arg21[%parallel_loop3A_485, %parallel_loop3A_486] {strides = array<i32>} : memref<32x128xf32, #tpu.memory_space<vmem>>, vector<16xf32>,
          %parallel_loop3A_488 = arith.addf %parallel_loop3A_484, %parallel_loop3A_487 : vector<16xf32>
          %parallel_loop3A_489 = arith.mulf %mul3A_34, %parallel_loop3A_488 : vector<16xf32>
          %parallel_loop3A_490 = math.absf %parallel_loop3A_488 : vector<16xf32>
          %parallel_loop3A_491 = arith.mulf %mul3A_90, %parallel_loop3A_490 : vector<16xf32>
          %parallel_loop3A_492 = arith.addf %parallel_loop3A_489, %parallel_loop3A_491 : vector<16xf32>
          %parallel_loop3A_493 = arith.constant true
          %parallel_loop3A_494 = vector.broadcast %parallel_loop3A_493 : i1 to vector<16xi1>
          %parallel_loop3A_495 = tpu.scan <sum>, %parallel_loop3A_492 masked %parallel_loop3A_494 : vector<16xf32>, vector<16xi1> -> vector<16xf32>
          %parallel_loop3A_496 = vector.extract_strided_slice %parallel_loop3A_495 {offsets = [15], sizes = [1], strides = [1]} : vector<16xf32> to vector<1xf32>
          %parallel_loop3A_497 = vector.extract %parallel_loop3A_496[0] : f32 from vector<1xf32>
          %parallel_loop3A_498 = vector.broadcast %parallel_loop3A_497 : f32 to vector<16xf32>
          %parallel_loop3A_499 = math.exp %parallel_loop3A_498 : vector<16xf32>
          %parallel_loop3A_500 = arith.mulf %parallel_loop3A_499, %parallel_loop3A_377 : vector<16xf32>
          %parallel_loop3A_501 = arith.mulf %parallel_loop3A_484, %parallel_loop3A_500 : vector<16xf32>
          %parallel_loop3A_502 = arith.index_cast %parallel_loop3A_369 : i32 to index
          %parallel_loop3A_503 = arith.constant 64 : index
          %parallel_loop3A_504 = tpu.vector_load %arg21[%parallel_loop3A_502, %parallel_loop3A_503] {strides = array<i32>} : memref<32x128xf32, #tpu.memory_space<vmem>>, vector<16xf32>,
          tpu.vector_store %arg21[%parallel_loop3A_502, %parallel_loop3A_503], %parallel_loop3A_501 {strides = array<i32>} : memref<32x128xf32, #tpu.memory_space<vmem>>, vector<16xf32>,
          %parallel_loop3A_505 = arith.index_cast %parallel_loop3A_369 : i32 to index
          %parallel_loop3A_506 = arith.constant 64 : index
          %parallel_loop3A_507 = tpu.vector_load %arg23[%parallel_loop3A_505, %parallel_loop3A_506] {strides = array<i32>} : memref<32x128xf32, #tpu.memory_space<vmem>>, vector<16xf32>,
          tpu.vector_store %arg23[%parallel_loop3A_505, %parallel_loop3A_506], %parallel_loop3A_500 {strides = array<i32>} : memref<32x128xf32, #tpu.memory_space<vmem>>, vector<16xf32>,
          %parallel_loop3A_508 = arith.index_cast %parallel_loop3A_369 : i32 to index
          %parallel_loop3A_509 = arith.constant 80 : index
          %parallel_loop3A_510 = tpu.vector_load %arg19[%parallel_loop3A_508, %parallel_loop3A_509] {strides = array<i32>} : memref<32x128xf32, #tpu.memory_space<vmem>>, vector<16xf32>,
          %parallel_loop3A_511 = arith.index_cast %parallel_loop3A_369 : i32 to index
          %parallel_loop3A_512 = arith.constant 80 : index
          %parallel_loop3A_513 = tpu.vector_load %arg21[%parallel_loop3A_511, %parallel_loop3A_512] {strides = array<i32>} : memref<32x128xf32, #tpu.memory_space<vmem>>, vector<16xf32>,
          %parallel_loop3A_514 = arith.addf %parallel_loop3A_510, %parallel_loop3A_513 : vector<16xf32>
          %parallel_loop3A_515 = arith.mulf %mul3A_41, %parallel_loop3A_514 : vector<16xf32>
          %parallel_loop3A_516 = math.absf %parallel_loop3A_514 : vector<16xf32>
          %parallel_loop3A_517 = arith.mulf %mul3A_97, %parallel_loop3A_516 : vector<16xf32>
          %parallel_loop3A_518 = arith.addf %parallel_loop3A_515, %parallel_loop3A_517 : vector<16xf32>
          %parallel_loop3A_519 = arith.constant true
          %parallel_loop3A_520 = vector.broadcast %parallel_loop3A_519 : i1 to vector<16xi1>
          %parallel_loop3A_521 = tpu.scan <sum>, %parallel_loop3A_518 masked %parallel_loop3A_520 : vector<16xf32>, vector<16xi1> -> vector<16xf32>
          %parallel_loop3A_522 = vector.extract_strided_slice %parallel_loop3A_521 {offsets = [15], sizes = [1], strides = [1]} : vector<16xf32> to vector<1xf32>
          %parallel_loop3A_523 = vector.extract %parallel_loop3A_522[0] : f32 from vector<1xf32>
          %parallel_loop3A_524 = vector.broadcast %parallel_loop3A_523 : f32 to vector<16xf32>
          %parallel_loop3A_525 = math.exp %parallel_loop3A_524 : vector<16xf32>
          %parallel_loop3A_526 = arith.mulf %parallel_loop3A_525, %parallel_loop3A_377 : vector<16xf32>
          %parallel_loop3A_527 = arith.mulf %parallel_loop3A_510, %parallel_loop3A_526 : vector<16xf32>
          %parallel_loop3A_528 = arith.index_cast %parallel_loop3A_369 : i32 to index
          %parallel_loop3A_529 = arith.constant 80 : index
          %parallel_loop3A_530 = tpu.vector_load %arg21[%parallel_loop3A_528, %parallel_loop3A_529] {strides = array<i32>} : memref<32x128xf32, #tpu.memory_space<vmem>>, vector<16xf32>,
          tpu.vector_store %arg21[%parallel_loop3A_528, %parallel_loop3A_529], %parallel_loop3A_527 {strides = array<i32>} : memref<32x128xf32, #tpu.memory_space<vmem>>, vector<16xf32>,
          %parallel_loop3A_531 = arith.index_cast %parallel_loop3A_369 : i32 to index
          %parallel_loop3A_532 = arith.constant 80 : index
          %parallel_loop3A_533 = tpu.vector_load %arg23[%parallel_loop3A_531, %parallel_loop3A_532] {strides = array<i32>} : memref<32x128xf32, #tpu.memory_space<vmem>>, vector<16xf32>,
          tpu.vector_store %arg23[%parallel_loop3A_531, %parallel_loop3A_532], %parallel_loop3A_526 {strides = array<i32>} : memref<32x128xf32, #tpu.memory_space<vmem>>, vector<16xf32>,
          %parallel_loop3A_534 = arith.index_cast %parallel_loop3A_369 : i32 to index
          %parallel_loop3A_535 = arith.constant 96 : index
          %parallel_loop3A_536 = tpu.vector_load %arg19[%parallel_loop3A_534, %parallel_loop3A_535] {strides = array<i32>} : memref<32x128xf32, #tpu.memory_space<vmem>>, vector<16xf32>,
          %parallel_loop3A_537 = arith.index_cast %parallel_loop3A_369 : i32 to index
          %parallel_loop3A_538 = arith.constant 96 : index
          %parallel_loop3A_539 = tpu.vector_load %arg21[%parallel_loop3A_537, %parallel_loop3A_538] {strides = array<i32>} : memref<32x128xf32, #tpu.memory_space<vmem>>, vector<16xf32>,
          %parallel_loop3A_540 = arith.addf %parallel_loop3A_536, %parallel_loop3A_539 : vector<16xf32>
          %parallel_loop3A_541 = arith.mulf %mul3A_48, %parallel_loop3A_540 : vector<16xf32>
          %parallel_loop3A_542 = math.absf %parallel_loop3A_540 : vector<16xf32>
          %parallel_loop3A_543 = arith.mulf %mul3A_104, %parallel_loop3A_542 : vector<16xf32>
          %parallel_loop3A_544 = arith.addf %parallel_loop3A_541, %parallel_loop3A_543 : vector<16xf32>
          %parallel_loop3A_545 = arith.constant true
          %parallel_loop3A_546 = vector.broadcast %parallel_loop3A_545 : i1 to vector<16xi1>
          %parallel_loop3A_547 = tpu.scan <sum>, %parallel_loop3A_544 masked %parallel_loop3A_546 : vector<16xf32>, vector<16xi1> -> vector<16xf32>
          %parallel_loop3A_548 = vector.extract_strided_slice %parallel_loop3A_547 {offsets = [15], sizes = [1], strides = [1]} : vector<16xf32> to vector<1xf32>
          %parallel_loop3A_549 = vector.extract %parallel_loop3A_548[0] : f32 from vector<1xf32>
          %parallel_loop3A_550 = vector.broadcast %parallel_loop3A_549 : f32 to vector<16xf32>
          %parallel_loop3A_551 = math.exp %parallel_loop3A_550 : vector<16xf32>
          %parallel_loop3A_552 = arith.mulf %parallel_loop3A_551, %parallel_loop3A_377 : vector<16xf32>
          %parallel_loop3A_553 = arith.mulf %parallel_loop3A_536, %parallel_loop3A_552 : vector<16xf32>
          %parallel_loop3A_554 = arith.index_cast %parallel_loop3A_369 : i32 to index
          %parallel_loop3A_555 = arith.constant 96 : index
          %parallel_loop3A_556 = tpu.vector_load %arg21[%parallel_loop3A_554, %parallel_loop3A_555] {strides = array<i32>} : memref<32x128xf32, #tpu.memory_space<vmem>>, vector<16xf32>,
          tpu.vector_store %arg21[%parallel_loop3A_554, %parallel_loop3A_555], %parallel_loop3A_553 {strides = array<i32>} : memref<32x128xf32, #tpu.memory_space<vmem>>, vector<16xf32>,
          %parallel_loop3A_557 = arith.index_cast %parallel_loop3A_369 : i32 to index
          %parallel_loop3A_558 = arith.constant 96 : index
          %parallel_loop3A_559 = tpu.vector_load %arg23[%parallel_loop3A_557, %parallel_loop3A_558] {strides = array<i32>} : memref<32x128xf32, #tpu.memory_space<vmem>>, vector<16xf32>,
          tpu.vector_store %arg23[%parallel_loop3A_557, %parallel_loop3A_558], %parallel_loop3A_552 {strides = array<i32>} : memref<32x128xf32, #tpu.memory_space<vmem>>, vector<16xf32>,
          %parallel_loop3A_560 = arith.index_cast %parallel_loop3A_369 : i32 to index
          %parallel_loop3A_561 = arith.constant 112 : index
          %parallel_loop3A_562 = tpu.vector_load %arg19[%parallel_loop3A_560, %parallel_loop3A_561] {strides = array<i32>} : memref<32x128xf32, #tpu.memory_space<vmem>>, vector<16xf32>,
          %parallel_loop3A_563 = arith.index_cast %parallel_loop3A_369 : i32 to index
          %parallel_loop3A_564 = arith.constant 112 : index
          %parallel_loop3A_565 = tpu.vector_load %arg21[%parallel_loop3A_563, %parallel_loop3A_564] {strides = array<i32>} : memref<32x128xf32, #tpu.memory_space<vmem>>, vector<16xf32>,
          %parallel_loop3A_566 = arith.addf %parallel_loop3A_562, %parallel_loop3A_565 : vector<16xf32>
          %parallel_loop3A_567 = arith.mulf %mul3A_55, %parallel_loop3A_566 : vector<16xf32>
          %parallel_loop3A_568 = math.absf %parallel_loop3A_566 : vector<16xf32>
          %parallel_loop3A_569 = arith.mulf %mul3A_111, %parallel_loop3A_568 : vector<16xf32>
          %parallel_loop3A_570 = arith.addf %parallel_loop3A_567, %parallel_loop3A_569 : vector<16xf32>
          %parallel_loop3A_571 = arith.constant true
          %parallel_loop3A_572 = vector.broadcast %parallel_loop3A_571 : i1 to vector<16xi1>
          %parallel_loop3A_573 = tpu.scan <sum>, %parallel_loop3A_570 masked %parallel_loop3A_572 : vector<16xf32>, vector<16xi1> -> vector<16xf32>
          %parallel_loop3A_574 = vector.extract_strided_slice %parallel_loop3A_573 {offsets = [15], sizes = [1], strides = [1]} : vector<16xf32> to vector<1xf32>
          %parallel_loop3A_575 = vector.extract %parallel_loop3A_574[0] : f32 from vector<1xf32>
          %parallel_loop3A_576 = vector.broadcast %parallel_loop3A_575 : f32 to vector<16xf32>
          %parallel_loop3A_577 = math.exp %parallel_loop3A_576 : vector<16xf32>
          %parallel_loop3A_578 = arith.mulf %parallel_loop3A_577, %parallel_loop3A_377 : vector<16xf32>
          %parallel_loop3A_579 = arith.mulf %parallel_loop3A_562, %parallel_loop3A_578 : vector<16xf32>
          %parallel_loop3A_580 = arith.index_cast %parallel_loop3A_369 : i32 to index
          %parallel_loop3A_581 = arith.constant 112 : index
          %parallel_loop3A_582 = tpu.vector_load %arg21[%parallel_loop3A_580, %parallel_loop3A_581] {strides = array<i32>} : memref<32x128xf32, #tpu.memory_space<vmem>>, vector<16xf32>,
          tpu.vector_store %arg21[%parallel_loop3A_580, %parallel_loop3A_581], %parallel_loop3A_579 {strides = array<i32>} : memref<32x128xf32, #tpu.memory_space<vmem>>, vector<16xf32>,
          %parallel_loop3A_583 = arith.index_cast %parallel_loop3A_369 : i32 to index
          %parallel_loop3A_584 = arith.constant 112 : index
          %parallel_loop3A_585 = tpu.vector_load %arg23[%parallel_loop3A_583, %parallel_loop3A_584] {strides = array<i32>} : memref<32x128xf32, #tpu.memory_space<vmem>>, vector<16xf32>,
          tpu.vector_store %arg23[%parallel_loop3A_583, %parallel_loop3A_584], %parallel_loop3A_578 {strides = array<i32>} : memref<32x128xf32, #tpu.memory_space<vmem>>, vector<16xf32>,
        } {sc.loop_unroll_factor = 8 : i64, sc.parallel_access}
        %dma_start3A_363 = arith.constant 0 : i32
        %dma_start3A_364 = arith.constant 0 : i32
        %dma_start3A_365 = tpu.memref_slice %arg25[%dma_start3A_363, %dma_start3A_364] : memref<5000x128xf32, #tpu.memory_space<vmem_shared>> -> memref<5000x128xf32, #tpu.memory_space<vmem_shared>>
        tpu.enqueue_indirect_dma source(%arg21 : memref<32x128xf32, #tpu.memory_space<vmem>>) target(%dma_start3A_365 : memref<5000x128xf32, #tpu.memory_space<vmem_shared>>) offsets(%arg17 : memref<32xi32, #tpu.memory_space<vmem>>) semaphore(%arg34 : memref<!tpu.dma_semaphore, #tpu.memory_space<semaphore_mem>>) {add = true}
        %dma_start3A_366 = arith.constant 0 : i32
        %dma_start3A_367 = arith.constant 0 : i32
        %dma_start3A_368 = tpu.memref_slice %arg26[%dma_start3A_366, %dma_start3A_367] : memref<5000x128xf32, #tpu.memory_space<vmem_shared>> -> memref<5000x128xf32, #tpu.memory_space<vmem_shared>>
        tpu.enqueue_indirect_dma source(%arg23 : memref<32x128xf32, #tpu.memory_space<vmem>>) target(%dma_start3A_368 : memref<5000x128xf32, #tpu.memory_space<vmem_shared>>) offsets(%arg17 : memref<32xi32, #tpu.memory_space<vmem>>) semaphore(%arg36 : memref<!tpu.dma_semaphore, #tpu.memory_space<semaphore_mem>>) {add = true}
      } else {
      }
      %while3A_331 = arith.constant 0 : i32
      scf.yield %while3A_331 : i32
    }
    %while3A_248 = arith.constant 1 : i32
    %while3A_249 = scf.for %while3A_315 = %while3A_245 to %while3A_241 step %while3A_248 iter_args(%while3A_316 = %while3A_247) -> (i32)  : i32 {
      %mul3A_317 = arith.constant 2 : i32
      %mul3A_318 = arith.muli %mul3A_317, %while3A_315 : i32
      %lt3A_319 = arith.cmpi slt, %mul3A_318, %select_n3A : i32
      %convert_element_type3A_320 = arith.extui %lt3A_319 : i1 to i32
      %cond3A_321 = arith.constant 0 : i32
      %cond3A_322 = arith.cmpi ne, %convert_element_type3A_320, %cond3A_321 : i32
      scf.if %cond3A_322 {
        %add3A_332 = arith.constant 1 : i32
        %add3A_333 = arith.addi %mul3A_318, %add3A_332 : i32
        %lt3A_334 = arith.cmpi slt, %add3A_333, %select_n3A : i32
        %convert_element_type3A_335 = arith.extui %lt3A_334 : i1 to i32
        %cond3A_336 = arith.constant 0 : i32
        %cond3A_337 = arith.cmpi ne, %convert_element_type3A_335, %cond3A_336 : i32
        scf.if %cond3A_337 {
          %dma_wait3A_369 = arith.constant 0 : i32
          %dma_wait3A_370 = tpu.memref_slice %arg11[%dma_wait3A_369] : memref<10592xi32, #tpu.memory_space<vmem>> -> memref<32xi32, #tpu.memory_space<vmem>>
          %dma_wait3A_371 = arith.constant 0 : i32
          %dma_wait3A_372 = tpu.memref_slice %arg4[%dma_wait3A_371] : memref<320000xi32, #tpu.memory_space<hbm>> -> memref<320000xi32, #tpu.memory_space<hbm>>
          tpu.wait_indirect_dma semaphore(%arg28 : memref<!tpu.dma_semaphore, #tpu.memory_space<semaphore_mem>>) src(%dma_wait3A_372 : memref<320000xi32, #tpu.memory_space<hbm>>) dst(%arg13 : memref<32xi32, #tpu.memory_space<vmem>>)
          %dma_wait3A_373 = arith.constant 0 : i32
          %dma_wait3A_374 = tpu.memref_slice %arg11[%dma_wait3A_373] : memref<10592xi32, #tpu.memory_space<vmem>> -> memref<32xi32, #tpu.memory_space<vmem>>
          %dma_wait3A_375 = arith.constant 0 : i32
          %dma_wait3A_376 = tpu.memref_slice %arg5[%dma_wait3A_375] : memref<320000xi32, #tpu.memory_space<hbm>> -> memref<320000xi32, #tpu.memory_space<hbm>>
          tpu.wait_indirect_dma semaphore(%arg28 : memref<!tpu.dma_semaphore, #tpu.memory_space<semaphore_mem>>) src(%dma_wait3A_376 : memref<320000xi32, #tpu.memory_space<hbm>>) dst(%arg15 : memref<32xi32, #tpu.memory_space<vmem>>)
        } else {
        }
        %ge3A_338 = arith.constant 1 : i32
        %ge3A_339 = arith.cmpi sge, %mul3A_318, %ge3A_338 : i32
        %convert_element_type3A_340 = arith.extui %ge3A_339 : i1 to i32
        %cond3A_341 = arith.constant 0 : i32
        %cond3A_342 = arith.cmpi ne, %convert_element_type3A_340, %cond3A_341 : i32
        scf.if %cond3A_342 {
          %dma_wait3A_369 = arith.constant 0 : i32
          %dma_wait3A_370 = arith.constant 0 : i32
          %dma_wait3A_371 = tpu.memref_slice %arg25[%dma_wait3A_369, %dma_wait3A_370] : memref<5000x128xf32, #tpu.memory_space<vmem_shared>> -> memref<5000x128xf32, #tpu.memory_space<vmem_shared>>
          tpu.wait_indirect_dma semaphore(%arg34 : memref<!tpu.dma_semaphore, #tpu.memory_space<semaphore_mem>>) src(%arg21 : memref<32x128xf32, #tpu.memory_space<vmem>>) dst(%dma_wait3A_371 : memref<5000x128xf32, #tpu.memory_space<vmem_shared>>)
          %dma_wait3A_372 = arith.constant 0 : i32
          %dma_wait3A_373 = arith.constant 0 : i32
          %dma_wait3A_374 = tpu.memref_slice %arg26[%dma_wait3A_372, %dma_wait3A_373] : memref<5000x128xf32, #tpu.memory_space<vmem_shared>> -> memref<5000x128xf32, #tpu.memory_space<vmem_shared>>
          tpu.wait_indirect_dma semaphore(%arg36 : memref<!tpu.dma_semaphore, #tpu.memory_space<semaphore_mem>>) src(%arg23 : memref<32x128xf32, #tpu.memory_space<vmem>>) dst(%dma_wait3A_374 : memref<5000x128xf32, #tpu.memory_space<vmem_shared>>)
        } else {
        }
        %add3A_343 = arith.constant 1 : i32
        %add3A_344 = arith.addi %mul3A_318, %add3A_343 : i32
        %lt3A_345 = arith.cmpi slt, %add3A_344, %select_n3A : i32
        %convert_element_type3A_346 = arith.extui %lt3A_345 : i1 to i32
        %cond3A_347 = arith.constant 0 : i32
        %cond3A_348 = arith.cmpi ne, %convert_element_type3A_346, %cond3A_347 : i32
        scf.if %cond3A_348 {
          %get3A_369 = arith.constant 0 : index
          %get3A_370 = tpu.vector_load %arg15[%get3A_369] {strides = array<i32>} : memref<32xi32, #tpu.memory_space<vmem>>, vector<16xi32>,
          %sub3A_371 = arith.constant 10000 : i32
          %sub3A_372 = vector.broadcast %sub3A_371 : i32 to vector<16xi32>
          %sub3A_373 = arith.subi %get3A_370, %sub3A_372 : vector<16xi32>
          %swap3A_374 = arith.constant 0 : index
          %swap3A_375 = tpu.vector_load %arg15[%swap3A_374] {strides = array<i32>} : memref<32xi32, #tpu.memory_space<vmem>>, vector<16xi32>,
          tpu.vector_store %arg15[%swap3A_374], %sub3A_373 {strides = array<i32>} : memref<32xi32, #tpu.memory_space<vmem>>, vector<16xi32>,
          %sub3A_376 = vector.broadcast %mul3A_0 : i32 to vector<16xi32>
          %sub3A_377 = arith.subi %sub3A_373, %sub3A_376 : vector<16xi32>
          %jit3A_378 = arith.constant 0 : i32
          %jit3A_379 = arith.constant 4999 : i32
          %max3A_380 = vector.broadcast %jit3A_378 : i32 to vector<16xi32>
          %max3A_381 = arith.maxsi %max3A_380, %sub3A_377 : vector<16xi32>
          %min3A_382 = vector.broadcast %jit3A_379 : i32 to vector<16xi32>
          %min3A_383 = arith.minsi %min3A_382, %max3A_381 : vector<16xi32>
          %swap3A_384 = arith.constant 0 : index
          %swap3A_385 = tpu.vector_load %arg17[%swap3A_384] {strides = array<i32>} : memref<32xi32, #tpu.memory_space<vmem>>, vector<16xi32>,
          tpu.vector_store %arg17[%swap3A_384], %min3A_383 {strides = array<i32>} : memref<32xi32, #tpu.memory_space<vmem>>, vector<16xi32>,
          %get3A_386 = arith.constant 16 : index
          %get3A_387 = tpu.vector_load %arg15[%get3A_386] {strides = array<i32>} : memref<32xi32, #tpu.memory_space<vmem>>, vector<16xi32>,
          %sub3A_388 = arith.constant 10000 : i32
          %sub3A_389 = vector.broadcast %sub3A_388 : i32 to vector<16xi32>
          %sub3A_390 = arith.subi %get3A_387, %sub3A_389 : vector<16xi32>
          %swap3A_391 = arith.constant 16 : index
          %swap3A_392 = tpu.vector_load %arg15[%swap3A_391] {strides = array<i32>} : memref<32xi32, #tpu.memory_space<vmem>>, vector<16xi32>,
          tpu.vector_store %arg15[%swap3A_391], %sub3A_390 {strides = array<i32>} : memref<32xi32, #tpu.memory_space<vmem>>, vector<16xi32>,
          %sub3A_393 = vector.broadcast %mul3A_0 : i32 to vector<16xi32>
          %sub3A_394 = arith.subi %sub3A_390, %sub3A_393 : vector<16xi32>
          %jit3A_395 = arith.constant 0 : i32
          %jit3A_396 = arith.constant 4999 : i32
          %max3A_397 = vector.broadcast %jit3A_395 : i32 to vector<16xi32>
          %max3A_398 = arith.maxsi %max3A_397, %sub3A_394 : vector<16xi32>
          %min3A_399 = vector.broadcast %jit3A_396 : i32 to vector<16xi32>
          %min3A_400 = arith.minsi %min3A_399, %max3A_398 : vector<16xi32>
          %swap3A_401 = arith.constant 16 : index
          %swap3A_402 = tpu.vector_load %arg17[%swap3A_401] {strides = array<i32>} : memref<32xi32, #tpu.memory_space<vmem>>, vector<16xi32>,
          tpu.vector_store %arg17[%swap3A_401], %min3A_400 {strides = array<i32>} : memref<32xi32, #tpu.memory_space<vmem>>, vector<16xi32>,
          %dma_start3A_403 = arith.constant 0 : i32
          %dma_start3A_404 = arith.constant 0 : i32
          %dma_start3A_405 = tpu.memref_slice %arg2[%dma_start3A_403, %dma_start3A_404] : memref<10000x128xf32, #tpu.memory_space<hbm>> -> memref<10000x128xf32, #tpu.memory_space<hbm>>
          tpu.enqueue_indirect_dma source(%dma_start3A_405 : memref<10000x128xf32, #tpu.memory_space<hbm>>) target(%arg19 : memref<32x128xf32, #tpu.memory_space<vmem>>) offsets(%arg13 : memref<32xi32, #tpu.memory_space<vmem>>) semaphore(%arg30 : memref<!tpu.dma_semaphore, #tpu.memory_space<semaphore_mem>>)
          %dma_start3A_406 = arith.constant 0 : i32
          %dma_start3A_407 = arith.constant 0 : i32
          %dma_start3A_408 = tpu.memref_slice %arg3[%dma_start3A_406, %dma_start3A_407] : memref<10000x128xf32, #tpu.memory_space<hbm>> -> memref<10000x128xf32, #tpu.memory_space<hbm>>
          tpu.enqueue_indirect_dma source(%dma_start3A_408 : memref<10000x128xf32, #tpu.memory_space<hbm>>) target(%arg21 : memref<32x128xf32, #tpu.memory_space<vmem>>) offsets(%arg15 : memref<32xi32, #tpu.memory_space<vmem>>) semaphore(%arg32 : memref<!tpu.dma_semaphore, #tpu.memory_space<semaphore_mem>>)
        } else {
        }
        %dma_wait3A_349 = arith.constant 0 : i32
        %dma_wait3A_350 = arith.constant 0 : i32
        %dma_wait3A_351 = tpu.memref_slice %arg2[%dma_wait3A_349, %dma_wait3A_350] : memref<10000x128xf32, #tpu.memory_space<hbm>> -> memref<10000x128xf32, #tpu.memory_space<hbm>>
        tpu.wait_indirect_dma semaphore(%arg29 : memref<!tpu.dma_semaphore, #tpu.memory_space<semaphore_mem>>) src(%dma_wait3A_351 : memref<10000x128xf32, #tpu.memory_space<hbm>>) dst(%arg18 : memref<32x128xf32, #tpu.memory_space<vmem>>)
        %dma_wait3A_352 = arith.constant 0 : i32
        %dma_wait3A_353 = arith.constant 0 : i32
        %dma_wait3A_354 = tpu.memref_slice %arg3[%dma_wait3A_352, %dma_wait3A_353] : memref<10000x128xf32, #tpu.memory_space<hbm>> -> memref<10000x128xf32, #tpu.memory_space<hbm>>
        tpu.wait_indirect_dma semaphore(%arg31 : memref<!tpu.dma_semaphore, #tpu.memory_space<semaphore_mem>>) src(%dma_wait3A_354 : memref<10000x128xf32, #tpu.memory_space<hbm>>) dst(%arg20 : memref<32x128xf32, #tpu.memory_space<vmem>>)
        %add3A_355 = arith.constant 2 : i32
        %add3A_356 = arith.addi %mul3A_318, %add3A_355 : i32
        %lt3A_357 = arith.cmpi slt, %add3A_356, %select_n3A : i32
        %convert_element_type3A_358 = arith.extui %lt3A_357 : i1 to i32
        %cond3A_359 = arith.constant 0 : i32
        %cond3A_360 = arith.cmpi ne, %convert_element_type3A_358, %cond3A_359 : i32
        scf.if %cond3A_360 {
          %add3A_369 = arith.constant 2 : i32
          %add3A_370 = arith.addi %mul3A_318, %add3A_369 : i32
          %mul3A_371 = arith.constant 32 : i32
          %mul3A_372 = arith.muli %add3A_370, %mul3A_371 : i32
          %dma_start3A_373 = tpu.memref_slice %arg11[%mul3A_372] : memref<10592xi32, #tpu.memory_space<vmem>> -> memref<32xi32, #tpu.memory_space<vmem>>
          %dma_start3A_374 = arith.constant 0 : i32
          %dma_start3A_375 = tpu.memref_slice %arg4[%dma_start3A_374] : memref<320000xi32, #tpu.memory_space<hbm>> -> memref<320000xi32, #tpu.memory_space<hbm>>
          tpu.enqueue_indirect_dma source(%dma_start3A_375 : memref<320000xi32, #tpu.memory_space<hbm>>) target(%arg12 : memref<32xi32, #tpu.memory_space<vmem>>) offsets(%dma_start3A_373 : memref<32xi32, #tpu.memory_space<vmem>>) semaphore(%arg27 : memref<!tpu.dma_semaphore, #tpu.memory_space<semaphore_mem>>)
          %dma_start3A_376 = tpu.memref_slice %arg11[%mul3A_372] : memref<10592xi32, #tpu.memory_space<vmem>> -> memref<32xi32, #tpu.memory_space<vmem>>
          %dma_start3A_377 = arith.constant 0 : i32
          %dma_start3A_378 = tpu.memref_slice %arg5[%dma_start3A_377] : memref<320000xi32, #tpu.memory_space<hbm>> -> memref<320000xi32, #tpu.memory_space<hbm>>
          tpu.enqueue_indirect_dma source(%dma_start3A_378 : memref<320000xi32, #tpu.memory_space<hbm>>) target(%arg14 : memref<32xi32, #tpu.memory_space<vmem>>) offsets(%dma_start3A_376 : memref<32xi32, #tpu.memory_space<vmem>>) semaphore(%arg27 : memref<!tpu.dma_semaphore, #tpu.memory_space<semaphore_mem>>)
        } else {
        }
        %parallel_loop3A = arith.constant 0 : i32
        %parallel_loop3A_361 = arith.constant 32 : i32
        %parallel_loop3A_362 = arith.constant 1 : i32
        scf.for %parallel_loop3A_369 = %parallel_loop3A to %parallel_loop3A_361 step %parallel_loop3A_362  : i32 {
          %parallel_loop3A_370 = arith.constant 32 : i32
          %parallel_loop3A_371 = arith.muli %mul3A_318, %parallel_loop3A_370 : i32
          %parallel_loop3A_372 = arith.addi %parallel_loop3A_371, %parallel_loop3A_369 : i32
          %parallel_loop3A_373 = arith.cmpi slt, %parallel_loop3A_372, %scan3A_137 : i32
          %parallel_loop3A_374 = arith.constant 1.000000e+00 : f32
          %parallel_loop3A_375 = arith.constant 0.000000e+00 : f32
          %parallel_loop3A_376 = arith.select %parallel_loop3A_373, %parallel_loop3A_374, %parallel_loop3A_375 : f32
          %parallel_loop3A_377 = vector.broadcast %parallel_loop3A_376 : f32 to vector<16xf32>
          %parallel_loop3A_378 = arith.index_cast %parallel_loop3A_369 : i32 to index
          %parallel_loop3A_379 = arith.constant 0 : index
          %parallel_loop3A_380 = tpu.vector_load %arg18[%parallel_loop3A_378, %parallel_loop3A_379] {strides = array<i32>} : memref<32x128xf32, #tpu.memory_space<vmem>>, vector<16xf32>,
          %parallel_loop3A_381 = arith.index_cast %parallel_loop3A_369 : i32 to index
          %parallel_loop3A_382 = arith.constant 0 : index
          %parallel_loop3A_383 = tpu.vector_load %arg20[%parallel_loop3A_381, %parallel_loop3A_382] {strides = array<i32>} : memref<32x128xf32, #tpu.memory_space<vmem>>, vector<16xf32>,
          %parallel_loop3A_384 = arith.addf %parallel_loop3A_380, %parallel_loop3A_383 : vector<16xf32>
          %parallel_loop3A_385 = arith.mulf %mul3A_6, %parallel_loop3A_384 : vector<16xf32>
          %parallel_loop3A_386 = math.absf %parallel_loop3A_384 : vector<16xf32>
          %parallel_loop3A_387 = arith.mulf %mul3A_62, %parallel_loop3A_386 : vector<16xf32>
          %parallel_loop3A_388 = arith.addf %parallel_loop3A_385, %parallel_loop3A_387 : vector<16xf32>
          %parallel_loop3A_389 = arith.constant true
          %parallel_loop3A_390 = vector.broadcast %parallel_loop3A_389 : i1 to vector<16xi1>
          %parallel_loop3A_391 = tpu.scan <sum>, %parallel_loop3A_388 masked %parallel_loop3A_390 : vector<16xf32>, vector<16xi1> -> vector<16xf32>
          %parallel_loop3A_392 = vector.extract_strided_slice %parallel_loop3A_391 {offsets = [15], sizes = [1], strides = [1]} : vector<16xf32> to vector<1xf32>
          %parallel_loop3A_393 = vector.extract %parallel_loop3A_392[0] : f32 from vector<1xf32>
          %parallel_loop3A_394 = vector.broadcast %parallel_loop3A_393 : f32 to vector<16xf32>
          %parallel_loop3A_395 = math.exp %parallel_loop3A_394 : vector<16xf32>
          %parallel_loop3A_396 = arith.mulf %parallel_loop3A_395, %parallel_loop3A_377 : vector<16xf32>
          %parallel_loop3A_397 = arith.mulf %parallel_loop3A_380, %parallel_loop3A_396 : vector<16xf32>
          %parallel_loop3A_398 = arith.index_cast %parallel_loop3A_369 : i32 to index
          %parallel_loop3A_399 = arith.constant 0 : index
          %parallel_loop3A_400 = tpu.vector_load %arg20[%parallel_loop3A_398, %parallel_loop3A_399] {strides = array<i32>} : memref<32x128xf32, #tpu.memory_space<vmem>>, vector<16xf32>,
          tpu.vector_store %arg20[%parallel_loop3A_398, %parallel_loop3A_399], %parallel_loop3A_397 {strides = array<i32>} : memref<32x128xf32, #tpu.memory_space<vmem>>, vector<16xf32>,
          %parallel_loop3A_401 = arith.index_cast %parallel_loop3A_369 : i32 to index
          %parallel_loop3A_402 = arith.constant 0 : index
          %parallel_loop3A_403 = tpu.vector_load %arg22[%parallel_loop3A_401, %parallel_loop3A_402] {strides = array<i32>} : memref<32x128xf32, #tpu.memory_space<vmem>>, vector<16xf32>,
          tpu.vector_store %arg22[%parallel_loop3A_401, %parallel_loop3A_402], %parallel_loop3A_396 {strides = array<i32>} : memref<32x128xf32, #tpu.memory_space<vmem>>, vector<16xf32>,
          %parallel_loop3A_404 = arith.index_cast %parallel_loop3A_369 : i32 to index
          %parallel_loop3A_405 = arith.constant 16 : index
          %parallel_loop3A_406 = tpu.vector_load %arg18[%parallel_loop3A_404, %parallel_loop3A_405] {strides = array<i32>} : memref<32x128xf32, #tpu.memory_space<vmem>>, vector<16xf32>,
          %parallel_loop3A_407 = arith.index_cast %parallel_loop3A_369 : i32 to index
          %parallel_loop3A_408 = arith.constant 16 : index
          %parallel_loop3A_409 = tpu.vector_load %arg20[%parallel_loop3A_407, %parallel_loop3A_408] {strides = array<i32>} : memref<32x128xf32, #tpu.memory_space<vmem>>, vector<16xf32>,
          %parallel_loop3A_410 = arith.addf %parallel_loop3A_406, %parallel_loop3A_409 : vector<16xf32>
          %parallel_loop3A_411 = arith.mulf %mul3A_13, %parallel_loop3A_410 : vector<16xf32>
          %parallel_loop3A_412 = math.absf %parallel_loop3A_410 : vector<16xf32>
          %parallel_loop3A_413 = arith.mulf %mul3A_69, %parallel_loop3A_412 : vector<16xf32>
          %parallel_loop3A_414 = arith.addf %parallel_loop3A_411, %parallel_loop3A_413 : vector<16xf32>
          %parallel_loop3A_415 = arith.constant true
          %parallel_loop3A_416 = vector.broadcast %parallel_loop3A_415 : i1 to vector<16xi1>
          %parallel_loop3A_417 = tpu.scan <sum>, %parallel_loop3A_414 masked %parallel_loop3A_416 : vector<16xf32>, vector<16xi1> -> vector<16xf32>
          %parallel_loop3A_418 = vector.extract_strided_slice %parallel_loop3A_417 {offsets = [15], sizes = [1], strides = [1]} : vector<16xf32> to vector<1xf32>
          %parallel_loop3A_419 = vector.extract %parallel_loop3A_418[0] : f32 from vector<1xf32>
          %parallel_loop3A_420 = vector.broadcast %parallel_loop3A_419 : f32 to vector<16xf32>
          %parallel_loop3A_421 = math.exp %parallel_loop3A_420 : vector<16xf32>
          %parallel_loop3A_422 = arith.mulf %parallel_loop3A_421, %parallel_loop3A_377 : vector<16xf32>
          %parallel_loop3A_423 = arith.mulf %parallel_loop3A_406, %parallel_loop3A_422 : vector<16xf32>
          %parallel_loop3A_424 = arith.index_cast %parallel_loop3A_369 : i32 to index
          %parallel_loop3A_425 = arith.constant 16 : index
          %parallel_loop3A_426 = tpu.vector_load %arg20[%parallel_loop3A_424, %parallel_loop3A_425] {strides = array<i32>} : memref<32x128xf32, #tpu.memory_space<vmem>>, vector<16xf32>,
          tpu.vector_store %arg20[%parallel_loop3A_424, %parallel_loop3A_425], %parallel_loop3A_423 {strides = array<i32>} : memref<32x128xf32, #tpu.memory_space<vmem>>, vector<16xf32>,
          %parallel_loop3A_427 = arith.index_cast %parallel_loop3A_369 : i32 to index
          %parallel_loop3A_428 = arith.constant 16 : index
          %parallel_loop3A_429 = tpu.vector_load %arg22[%parallel_loop3A_427, %parallel_loop3A_428] {strides = array<i32>} : memref<32x128xf32, #tpu.memory_space<vmem>>, vector<16xf32>,
          tpu.vector_store %arg22[%parallel_loop3A_427, %parallel_loop3A_428], %parallel_loop3A_422 {strides = array<i32>} : memref<32x128xf32, #tpu.memory_space<vmem>>, vector<16xf32>,
          %parallel_loop3A_430 = arith.index_cast %parallel_loop3A_369 : i32 to index
          %parallel_loop3A_431 = arith.constant 32 : index
          %parallel_loop3A_432 = tpu.vector_load %arg18[%parallel_loop3A_430, %parallel_loop3A_431] {strides = array<i32>} : memref<32x128xf32, #tpu.memory_space<vmem>>, vector<16xf32>,
          %parallel_loop3A_433 = arith.index_cast %parallel_loop3A_369 : i32 to index
          %parallel_loop3A_434 = arith.constant 32 : index
          %parallel_loop3A_435 = tpu.vector_load %arg20[%parallel_loop3A_433, %parallel_loop3A_434] {strides = array<i32>} : memref<32x128xf32, #tpu.memory_space<vmem>>, vector<16xf32>,
          %parallel_loop3A_436 = arith.addf %parallel_loop3A_432, %parallel_loop3A_435 : vector<16xf32>
          %parallel_loop3A_437 = arith.mulf %mul3A_20, %parallel_loop3A_436 : vector<16xf32>
          %parallel_loop3A_438 = math.absf %parallel_loop3A_436 : vector<16xf32>
          %parallel_loop3A_439 = arith.mulf %mul3A_76, %parallel_loop3A_438 : vector<16xf32>
          %parallel_loop3A_440 = arith.addf %parallel_loop3A_437, %parallel_loop3A_439 : vector<16xf32>
          %parallel_loop3A_441 = arith.constant true
          %parallel_loop3A_442 = vector.broadcast %parallel_loop3A_441 : i1 to vector<16xi1>
          %parallel_loop3A_443 = tpu.scan <sum>, %parallel_loop3A_440 masked %parallel_loop3A_442 : vector<16xf32>, vector<16xi1> -> vector<16xf32>
          %parallel_loop3A_444 = vector.extract_strided_slice %parallel_loop3A_443 {offsets = [15], sizes = [1], strides = [1]} : vector<16xf32> to vector<1xf32>
          %parallel_loop3A_445 = vector.extract %parallel_loop3A_444[0] : f32 from vector<1xf32>
          %parallel_loop3A_446 = vector.broadcast %parallel_loop3A_445 : f32 to vector<16xf32>
          %parallel_loop3A_447 = math.exp %parallel_loop3A_446 : vector<16xf32>
          %parallel_loop3A_448 = arith.mulf %parallel_loop3A_447, %parallel_loop3A_377 : vector<16xf32>
          %parallel_loop3A_449 = arith.mulf %parallel_loop3A_432, %parallel_loop3A_448 : vector<16xf32>
          %parallel_loop3A_450 = arith.index_cast %parallel_loop3A_369 : i32 to index
          %parallel_loop3A_451 = arith.constant 32 : index
          %parallel_loop3A_452 = tpu.vector_load %arg20[%parallel_loop3A_450, %parallel_loop3A_451] {strides = array<i32>} : memref<32x128xf32, #tpu.memory_space<vmem>>, vector<16xf32>,
          tpu.vector_store %arg20[%parallel_loop3A_450, %parallel_loop3A_451], %parallel_loop3A_449 {strides = array<i32>} : memref<32x128xf32, #tpu.memory_space<vmem>>, vector<16xf32>,
          %parallel_loop3A_453 = arith.index_cast %parallel_loop3A_369 : i32 to index
          %parallel_loop3A_454 = arith.constant 32 : index
          %parallel_loop3A_455 = tpu.vector_load %arg22[%parallel_loop3A_453, %parallel_loop3A_454] {strides = array<i32>} : memref<32x128xf32, #tpu.memory_space<vmem>>, vector<16xf32>,
          tpu.vector_store %arg22[%parallel_loop3A_453, %parallel_loop3A_454], %parallel_loop3A_448 {strides = array<i32>} : memref<32x128xf32, #tpu.memory_space<vmem>>, vector<16xf32>,
          %parallel_loop3A_456 = arith.index_cast %parallel_loop3A_369 : i32 to index
          %parallel_loop3A_457 = arith.constant 48 : index
          %parallel_loop3A_458 = tpu.vector_load %arg18[%parallel_loop3A_456, %parallel_loop3A_457] {strides = array<i32>} : memref<32x128xf32, #tpu.memory_space<vmem>>, vector<16xf32>,
          %parallel_loop3A_459 = arith.index_cast %parallel_loop3A_369 : i32 to index
          %parallel_loop3A_460 = arith.constant 48 : index
          %parallel_loop3A_461 = tpu.vector_load %arg20[%parallel_loop3A_459, %parallel_loop3A_460] {strides = array<i32>} : memref<32x128xf32, #tpu.memory_space<vmem>>, vector<16xf32>,
          %parallel_loop3A_462 = arith.addf %parallel_loop3A_458, %parallel_loop3A_461 : vector<16xf32>
          %parallel_loop3A_463 = arith.mulf %mul3A_27, %parallel_loop3A_462 : vector<16xf32>
          %parallel_loop3A_464 = math.absf %parallel_loop3A_462 : vector<16xf32>
          %parallel_loop3A_465 = arith.mulf %mul3A_83, %parallel_loop3A_464 : vector<16xf32>
          %parallel_loop3A_466 = arith.addf %parallel_loop3A_463, %parallel_loop3A_465 : vector<16xf32>
          %parallel_loop3A_467 = arith.constant true
          %parallel_loop3A_468 = vector.broadcast %parallel_loop3A_467 : i1 to vector<16xi1>
          %parallel_loop3A_469 = tpu.scan <sum>, %parallel_loop3A_466 masked %parallel_loop3A_468 : vector<16xf32>, vector<16xi1> -> vector<16xf32>
          %parallel_loop3A_470 = vector.extract_strided_slice %parallel_loop3A_469 {offsets = [15], sizes = [1], strides = [1]} : vector<16xf32> to vector<1xf32>
          %parallel_loop3A_471 = vector.extract %parallel_loop3A_470[0] : f32 from vector<1xf32>
          %parallel_loop3A_472 = vector.broadcast %parallel_loop3A_471 : f32 to vector<16xf32>
          %parallel_loop3A_473 = math.exp %parallel_loop3A_472 : vector<16xf32>
          %parallel_loop3A_474 = arith.mulf %parallel_loop3A_473, %parallel_loop3A_377 : vector<16xf32>
          %parallel_loop3A_475 = arith.mulf %parallel_loop3A_458, %parallel_loop3A_474 : vector<16xf32>
          %parallel_loop3A_476 = arith.index_cast %parallel_loop3A_369 : i32 to index
          %parallel_loop3A_477 = arith.constant 48 : index
          %parallel_loop3A_478 = tpu.vector_load %arg20[%parallel_loop3A_476, %parallel_loop3A_477] {strides = array<i32>} : memref<32x128xf32, #tpu.memory_space<vmem>>, vector<16xf32>,
          tpu.vector_store %arg20[%parallel_loop3A_476, %parallel_loop3A_477], %parallel_loop3A_475 {strides = array<i32>} : memref<32x128xf32, #tpu.memory_space<vmem>>, vector<16xf32>,
          %parallel_loop3A_479 = arith.index_cast %parallel_loop3A_369 : i32 to index
          %parallel_loop3A_480 = arith.constant 48 : index
          %parallel_loop3A_481 = tpu.vector_load %arg22[%parallel_loop3A_479, %parallel_loop3A_480] {strides = array<i32>} : memref<32x128xf32, #tpu.memory_space<vmem>>, vector<16xf32>,
          tpu.vector_store %arg22[%parallel_loop3A_479, %parallel_loop3A_480], %parallel_loop3A_474 {strides = array<i32>} : memref<32x128xf32, #tpu.memory_space<vmem>>, vector<16xf32>,
          %parallel_loop3A_482 = arith.index_cast %parallel_loop3A_369 : i32 to index
          %parallel_loop3A_483 = arith.constant 64 : index
          %parallel_loop3A_484 = tpu.vector_load %arg18[%parallel_loop3A_482, %parallel_loop3A_483] {strides = array<i32>} : memref<32x128xf32, #tpu.memory_space<vmem>>, vector<16xf32>,
          %parallel_loop3A_485 = arith.index_cast %parallel_loop3A_369 : i32 to index
          %parallel_loop3A_486 = arith.constant 64 : index
          %parallel_loop3A_487 = tpu.vector_load %arg20[%parallel_loop3A_485, %parallel_loop3A_486] {strides = array<i32>} : memref<32x128xf32, #tpu.memory_space<vmem>>, vector<16xf32>,
          %parallel_loop3A_488 = arith.addf %parallel_loop3A_484, %parallel_loop3A_487 : vector<16xf32>
          %parallel_loop3A_489 = arith.mulf %mul3A_34, %parallel_loop3A_488 : vector<16xf32>
          %parallel_loop3A_490 = math.absf %parallel_loop3A_488 : vector<16xf32>
          %parallel_loop3A_491 = arith.mulf %mul3A_90, %parallel_loop3A_490 : vector<16xf32>
          %parallel_loop3A_492 = arith.addf %parallel_loop3A_489, %parallel_loop3A_491 : vector<16xf32>
          %parallel_loop3A_493 = arith.constant true
          %parallel_loop3A_494 = vector.broadcast %parallel_loop3A_493 : i1 to vector<16xi1>
          %parallel_loop3A_495 = tpu.scan <sum>, %parallel_loop3A_492 masked %parallel_loop3A_494 : vector<16xf32>, vector<16xi1> -> vector<16xf32>
          %parallel_loop3A_496 = vector.extract_strided_slice %parallel_loop3A_495 {offsets = [15], sizes = [1], strides = [1]} : vector<16xf32> to vector<1xf32>
          %parallel_loop3A_497 = vector.extract %parallel_loop3A_496[0] : f32 from vector<1xf32>
          %parallel_loop3A_498 = vector.broadcast %parallel_loop3A_497 : f32 to vector<16xf32>
          %parallel_loop3A_499 = math.exp %parallel_loop3A_498 : vector<16xf32>
          %parallel_loop3A_500 = arith.mulf %parallel_loop3A_499, %parallel_loop3A_377 : vector<16xf32>
          %parallel_loop3A_501 = arith.mulf %parallel_loop3A_484, %parallel_loop3A_500 : vector<16xf32>
          %parallel_loop3A_502 = arith.index_cast %parallel_loop3A_369 : i32 to index
          %parallel_loop3A_503 = arith.constant 64 : index
          %parallel_loop3A_504 = tpu.vector_load %arg20[%parallel_loop3A_502, %parallel_loop3A_503] {strides = array<i32>} : memref<32x128xf32, #tpu.memory_space<vmem>>, vector<16xf32>,
          tpu.vector_store %arg20[%parallel_loop3A_502, %parallel_loop3A_503], %parallel_loop3A_501 {strides = array<i32>} : memref<32x128xf32, #tpu.memory_space<vmem>>, vector<16xf32>,
          %parallel_loop3A_505 = arith.index_cast %parallel_loop3A_369 : i32 to index
          %parallel_loop3A_506 = arith.constant 64 : index
          %parallel_loop3A_507 = tpu.vector_load %arg22[%parallel_loop3A_505, %parallel_loop3A_506] {strides = array<i32>} : memref<32x128xf32, #tpu.memory_space<vmem>>, vector<16xf32>,
          tpu.vector_store %arg22[%parallel_loop3A_505, %parallel_loop3A_506], %parallel_loop3A_500 {strides = array<i32>} : memref<32x128xf32, #tpu.memory_space<vmem>>, vector<16xf32>,
          %parallel_loop3A_508 = arith.index_cast %parallel_loop3A_369 : i32 to index
          %parallel_loop3A_509 = arith.constant 80 : index
          %parallel_loop3A_510 = tpu.vector_load %arg18[%parallel_loop3A_508, %parallel_loop3A_509] {strides = array<i32>} : memref<32x128xf32, #tpu.memory_space<vmem>>, vector<16xf32>,
          %parallel_loop3A_511 = arith.index_cast %parallel_loop3A_369 : i32 to index
          %parallel_loop3A_512 = arith.constant 80 : index
          %parallel_loop3A_513 = tpu.vector_load %arg20[%parallel_loop3A_511, %parallel_loop3A_512] {strides = array<i32>} : memref<32x128xf32, #tpu.memory_space<vmem>>, vector<16xf32>,
          %parallel_loop3A_514 = arith.addf %parallel_loop3A_510, %parallel_loop3A_513 : vector<16xf32>
          %parallel_loop3A_515 = arith.mulf %mul3A_41, %parallel_loop3A_514 : vector<16xf32>
          %parallel_loop3A_516 = math.absf %parallel_loop3A_514 : vector<16xf32>
          %parallel_loop3A_517 = arith.mulf %mul3A_97, %parallel_loop3A_516 : vector<16xf32>
          %parallel_loop3A_518 = arith.addf %parallel_loop3A_515, %parallel_loop3A_517 : vector<16xf32>
          %parallel_loop3A_519 = arith.constant true
          %parallel_loop3A_520 = vector.broadcast %parallel_loop3A_519 : i1 to vector<16xi1>
          %parallel_loop3A_521 = tpu.scan <sum>, %parallel_loop3A_518 masked %parallel_loop3A_520 : vector<16xf32>, vector<16xi1> -> vector<16xf32>
          %parallel_loop3A_522 = vector.extract_strided_slice %parallel_loop3A_521 {offsets = [15], sizes = [1], strides = [1]} : vector<16xf32> to vector<1xf32>
          %parallel_loop3A_523 = vector.extract %parallel_loop3A_522[0] : f32 from vector<1xf32>
          %parallel_loop3A_524 = vector.broadcast %parallel_loop3A_523 : f32 to vector<16xf32>
          %parallel_loop3A_525 = math.exp %parallel_loop3A_524 : vector<16xf32>
          %parallel_loop3A_526 = arith.mulf %parallel_loop3A_525, %parallel_loop3A_377 : vector<16xf32>
          %parallel_loop3A_527 = arith.mulf %parallel_loop3A_510, %parallel_loop3A_526 : vector<16xf32>
          %parallel_loop3A_528 = arith.index_cast %parallel_loop3A_369 : i32 to index
          %parallel_loop3A_529 = arith.constant 80 : index
          %parallel_loop3A_530 = tpu.vector_load %arg20[%parallel_loop3A_528, %parallel_loop3A_529] {strides = array<i32>} : memref<32x128xf32, #tpu.memory_space<vmem>>, vector<16xf32>,
          tpu.vector_store %arg20[%parallel_loop3A_528, %parallel_loop3A_529], %parallel_loop3A_527 {strides = array<i32>} : memref<32x128xf32, #tpu.memory_space<vmem>>, vector<16xf32>,
          %parallel_loop3A_531 = arith.index_cast %parallel_loop3A_369 : i32 to index
          %parallel_loop3A_532 = arith.constant 80 : index
          %parallel_loop3A_533 = tpu.vector_load %arg22[%parallel_loop3A_531, %parallel_loop3A_532] {strides = array<i32>} : memref<32x128xf32, #tpu.memory_space<vmem>>, vector<16xf32>,
          tpu.vector_store %arg22[%parallel_loop3A_531, %parallel_loop3A_532], %parallel_loop3A_526 {strides = array<i32>} : memref<32x128xf32, #tpu.memory_space<vmem>>, vector<16xf32>,
          %parallel_loop3A_534 = arith.index_cast %parallel_loop3A_369 : i32 to index
          %parallel_loop3A_535 = arith.constant 96 : index
          %parallel_loop3A_536 = tpu.vector_load %arg18[%parallel_loop3A_534, %parallel_loop3A_535] {strides = array<i32>} : memref<32x128xf32, #tpu.memory_space<vmem>>, vector<16xf32>,
          %parallel_loop3A_537 = arith.index_cast %parallel_loop3A_369 : i32 to index
          %parallel_loop3A_538 = arith.constant 96 : index
          %parallel_loop3A_539 = tpu.vector_load %arg20[%parallel_loop3A_537, %parallel_loop3A_538] {strides = array<i32>} : memref<32x128xf32, #tpu.memory_space<vmem>>, vector<16xf32>,
          %parallel_loop3A_540 = arith.addf %parallel_loop3A_536, %parallel_loop3A_539 : vector<16xf32>
          %parallel_loop3A_541 = arith.mulf %mul3A_48, %parallel_loop3A_540 : vector<16xf32>
          %parallel_loop3A_542 = math.absf %parallel_loop3A_540 : vector<16xf32>
          %parallel_loop3A_543 = arith.mulf %mul3A_104, %parallel_loop3A_542 : vector<16xf32>
          %parallel_loop3A_544 = arith.addf %parallel_loop3A_541, %parallel_loop3A_543 : vector<16xf32>
          %parallel_loop3A_545 = arith.constant true
          %parallel_loop3A_546 = vector.broadcast %parallel_loop3A_545 : i1 to vector<16xi1>
          %parallel_loop3A_547 = tpu.scan <sum>, %parallel_loop3A_544 masked %parallel_loop3A_546 : vector<16xf32>, vector<16xi1> -> vector<16xf32>
          %parallel_loop3A_548 = vector.extract_strided_slice %parallel_loop3A_547 {offsets = [15], sizes = [1], strides = [1]} : vector<16xf32> to vector<1xf32>
          %parallel_loop3A_549 = vector.extract %parallel_loop3A_548[0] : f32 from vector<1xf32>
          %parallel_loop3A_550 = vector.broadcast %parallel_loop3A_549 : f32 to vector<16xf32>
          %parallel_loop3A_551 = math.exp %parallel_loop3A_550 : vector<16xf32>
          %parallel_loop3A_552 = arith.mulf %parallel_loop3A_551, %parallel_loop3A_377 : vector<16xf32>
          %parallel_loop3A_553 = arith.mulf %parallel_loop3A_536, %parallel_loop3A_552 : vector<16xf32>
          %parallel_loop3A_554 = arith.index_cast %parallel_loop3A_369 : i32 to index
          %parallel_loop3A_555 = arith.constant 96 : index
          %parallel_loop3A_556 = tpu.vector_load %arg20[%parallel_loop3A_554, %parallel_loop3A_555] {strides = array<i32>} : memref<32x128xf32, #tpu.memory_space<vmem>>, vector<16xf32>,
          tpu.vector_store %arg20[%parallel_loop3A_554, %parallel_loop3A_555], %parallel_loop3A_553 {strides = array<i32>} : memref<32x128xf32, #tpu.memory_space<vmem>>, vector<16xf32>,
          %parallel_loop3A_557 = arith.index_cast %parallel_loop3A_369 : i32 to index
          %parallel_loop3A_558 = arith.constant 96 : index
          %parallel_loop3A_559 = tpu.vector_load %arg22[%parallel_loop3A_557, %parallel_loop3A_558] {strides = array<i32>} : memref<32x128xf32, #tpu.memory_space<vmem>>, vector<16xf32>,
          tpu.vector_store %arg22[%parallel_loop3A_557, %parallel_loop3A_558], %parallel_loop3A_552 {strides = array<i32>} : memref<32x128xf32, #tpu.memory_space<vmem>>, vector<16xf32>,
          %parallel_loop3A_560 = arith.index_cast %parallel_loop3A_369 : i32 to index
          %parallel_loop3A_561 = arith.constant 112 : index
          %parallel_loop3A_562 = tpu.vector_load %arg18[%parallel_loop3A_560, %parallel_loop3A_561] {strides = array<i32>} : memref<32x128xf32, #tpu.memory_space<vmem>>, vector<16xf32>,
          %parallel_loop3A_563 = arith.index_cast %parallel_loop3A_369 : i32 to index
          %parallel_loop3A_564 = arith.constant 112 : index
          %parallel_loop3A_565 = tpu.vector_load %arg20[%parallel_loop3A_563, %parallel_loop3A_564] {strides = array<i32>} : memref<32x128xf32, #tpu.memory_space<vmem>>, vector<16xf32>,
          %parallel_loop3A_566 = arith.addf %parallel_loop3A_562, %parallel_loop3A_565 : vector<16xf32>
          %parallel_loop3A_567 = arith.mulf %mul3A_55, %parallel_loop3A_566 : vector<16xf32>
          %parallel_loop3A_568 = math.absf %parallel_loop3A_566 : vector<16xf32>
          %parallel_loop3A_569 = arith.mulf %mul3A_111, %parallel_loop3A_568 : vector<16xf32>
          %parallel_loop3A_570 = arith.addf %parallel_loop3A_567, %parallel_loop3A_569 : vector<16xf32>
          %parallel_loop3A_571 = arith.constant true
          %parallel_loop3A_572 = vector.broadcast %parallel_loop3A_571 : i1 to vector<16xi1>
          %parallel_loop3A_573 = tpu.scan <sum>, %parallel_loop3A_570 masked %parallel_loop3A_572 : vector<16xf32>, vector<16xi1> -> vector<16xf32>
          %parallel_loop3A_574 = vector.extract_strided_slice %parallel_loop3A_573 {offsets = [15], sizes = [1], strides = [1]} : vector<16xf32> to vector<1xf32>
          %parallel_loop3A_575 = vector.extract %parallel_loop3A_574[0] : f32 from vector<1xf32>
          %parallel_loop3A_576 = vector.broadcast %parallel_loop3A_575 : f32 to vector<16xf32>
          %parallel_loop3A_577 = math.exp %parallel_loop3A_576 : vector<16xf32>
          %parallel_loop3A_578 = arith.mulf %parallel_loop3A_577, %parallel_loop3A_377 : vector<16xf32>
          %parallel_loop3A_579 = arith.mulf %parallel_loop3A_562, %parallel_loop3A_578 : vector<16xf32>
          %parallel_loop3A_580 = arith.index_cast %parallel_loop3A_369 : i32 to index
          %parallel_loop3A_581 = arith.constant 112 : index
          %parallel_loop3A_582 = tpu.vector_load %arg20[%parallel_loop3A_580, %parallel_loop3A_581] {strides = array<i32>} : memref<32x128xf32, #tpu.memory_space<vmem>>, vector<16xf32>,
          tpu.vector_store %arg20[%parallel_loop3A_580, %parallel_loop3A_581], %parallel_loop3A_579 {strides = array<i32>} : memref<32x128xf32, #tpu.memory_space<vmem>>, vector<16xf32>,
          %parallel_loop3A_583 = arith.index_cast %parallel_loop3A_369 : i32 to index
          %parallel_loop3A_584 = arith.constant 112 : index
          %parallel_loop3A_585 = tpu.vector_load %arg22[%parallel_loop3A_583, %parallel_loop3A_584] {strides = array<i32>} : memref<32x128xf32, #tpu.memory_space<vmem>>, vector<16xf32>,
          tpu.vector_store %arg22[%parallel_loop3A_583, %parallel_loop3A_584], %parallel_loop3A_578 {strides = array<i32>} : memref<32x128xf32, #tpu.memory_space<vmem>>, vector<16xf32>,
        } {sc.loop_unroll_factor = 8 : i64, sc.parallel_access}
        %dma_start3A_363 = arith.constant 0 : i32
        %dma_start3A_364 = arith.constant 0 : i32
        %dma_start3A_365 = tpu.memref_slice %arg25[%dma_start3A_363, %dma_start3A_364] : memref<5000x128xf32, #tpu.memory_space<vmem_shared>> -> memref<5000x128xf32, #tpu.memory_space<vmem_shared>>
        tpu.enqueue_indirect_dma source(%arg20 : memref<32x128xf32, #tpu.memory_space<vmem>>) target(%dma_start3A_365 : memref<5000x128xf32, #tpu.memory_space<vmem_shared>>) offsets(%arg16 : memref<32xi32, #tpu.memory_space<vmem>>) semaphore(%arg33 : memref<!tpu.dma_semaphore, #tpu.memory_space<semaphore_mem>>) {add = true}
        %dma_start3A_366 = arith.constant 0 : i32
        %dma_start3A_367 = arith.constant 0 : i32
        %dma_start3A_368 = tpu.memref_slice %arg26[%dma_start3A_366, %dma_start3A_367] : memref<5000x128xf32, #tpu.memory_space<vmem_shared>> -> memref<5000x128xf32, #tpu.memory_space<vmem_shared>>
        tpu.enqueue_indirect_dma source(%arg22 : memref<32x128xf32, #tpu.memory_space<vmem>>) target(%dma_start3A_368 : memref<5000x128xf32, #tpu.memory_space<vmem_shared>>) offsets(%arg16 : memref<32xi32, #tpu.memory_space<vmem>>) semaphore(%arg35 : memref<!tpu.dma_semaphore, #tpu.memory_space<semaphore_mem>>) {add = true}
      } else {
      }
      %mul3A_323 = arith.constant 2 : i32
      %mul3A_324 = arith.muli %mul3A_323, %while3A_315 : i32
      %add3A_325 = arith.constant 1 : i32
      %add3A_326 = arith.addi %mul3A_324, %add3A_325 : i32
      %lt3A_327 = arith.cmpi slt, %add3A_326, %select_n3A : i32
      %convert_element_type3A_328 = arith.extui %lt3A_327 : i1 to i32
      %cond3A_329 = arith.constant 0 : i32
      %cond3A_330 = arith.cmpi ne, %convert_element_type3A_328, %cond3A_329 : i32
      scf.if %cond3A_330 {
        %add3A_332 = arith.constant 1 : i32
        %add3A_333 = arith.addi %add3A_326, %add3A_332 : i32
        %lt3A_334 = arith.cmpi slt, %add3A_333, %select_n3A : i32
        %convert_element_type3A_335 = arith.extui %lt3A_334 : i1 to i32
        %cond3A_336 = arith.constant 0 : i32
        %cond3A_337 = arith.cmpi ne, %convert_element_type3A_335, %cond3A_336 : i32
        scf.if %cond3A_337 {
          %dma_wait3A_369 = arith.constant 0 : i32
          %dma_wait3A_370 = tpu.memref_slice %arg11[%dma_wait3A_369] : memref<10592xi32, #tpu.memory_space<vmem>> -> memref<32xi32, #tpu.memory_space<vmem>>
          %dma_wait3A_371 = arith.constant 0 : i32
          %dma_wait3A_372 = tpu.memref_slice %arg4[%dma_wait3A_371] : memref<320000xi32, #tpu.memory_space<hbm>> -> memref<320000xi32, #tpu.memory_space<hbm>>
          tpu.wait_indirect_dma semaphore(%arg27 : memref<!tpu.dma_semaphore, #tpu.memory_space<semaphore_mem>>) src(%dma_wait3A_372 : memref<320000xi32, #tpu.memory_space<hbm>>) dst(%arg12 : memref<32xi32, #tpu.memory_space<vmem>>)
          %dma_wait3A_373 = arith.constant 0 : i32
          %dma_wait3A_374 = tpu.memref_slice %arg11[%dma_wait3A_373] : memref<10592xi32, #tpu.memory_space<vmem>> -> memref<32xi32, #tpu.memory_space<vmem>>
          %dma_wait3A_375 = arith.constant 0 : i32
          %dma_wait3A_376 = tpu.memref_slice %arg5[%dma_wait3A_375] : memref<320000xi32, #tpu.memory_space<hbm>> -> memref<320000xi32, #tpu.memory_space<hbm>>
          tpu.wait_indirect_dma semaphore(%arg27 : memref<!tpu.dma_semaphore, #tpu.memory_space<semaphore_mem>>) src(%dma_wait3A_376 : memref<320000xi32, #tpu.memory_space<hbm>>) dst(%arg14 : memref<32xi32, #tpu.memory_space<vmem>>)
        } else {
        }
        %ge3A_338 = arith.constant 1 : i32
        %ge3A_339 = arith.cmpi sge, %add3A_326, %ge3A_338 : i32
        %convert_element_type3A_340 = arith.extui %ge3A_339 : i1 to i32
        %cond3A_341 = arith.constant 0 : i32
        %cond3A_342 = arith.cmpi ne, %convert_element_type3A_340, %cond3A_341 : i32
        scf.if %cond3A_342 {
          %dma_wait3A_369 = arith.constant 0 : i32
          %dma_wait3A_370 = arith.constant 0 : i32
          %dma_wait3A_371 = tpu.memref_slice %arg25[%dma_wait3A_369, %dma_wait3A_370] : memref<5000x128xf32, #tpu.memory_space<vmem_shared>> -> memref<5000x128xf32, #tpu.memory_space<vmem_shared>>
          tpu.wait_indirect_dma semaphore(%arg33 : memref<!tpu.dma_semaphore, #tpu.memory_space<semaphore_mem>>) src(%arg20 : memref<32x128xf32, #tpu.memory_space<vmem>>) dst(%dma_wait3A_371 : memref<5000x128xf32, #tpu.memory_space<vmem_shared>>)
          %dma_wait3A_372 = arith.constant 0 : i32
          %dma_wait3A_373 = arith.constant 0 : i32
          %dma_wait3A_374 = tpu.memref_slice %arg26[%dma_wait3A_372, %dma_wait3A_373] : memref<5000x128xf32, #tpu.memory_space<vmem_shared>> -> memref<5000x128xf32, #tpu.memory_space<vmem_shared>>
          tpu.wait_indirect_dma semaphore(%arg35 : memref<!tpu.dma_semaphore, #tpu.memory_space<semaphore_mem>>) src(%arg22 : memref<32x128xf32, #tpu.memory_space<vmem>>) dst(%dma_wait3A_374 : memref<5000x128xf32, #tpu.memory_space<vmem_shared>>)
        } else {
        }
        %add3A_343 = arith.constant 1 : i32
        %add3A_344 = arith.addi %add3A_326, %add3A_343 : i32
        %lt3A_345 = arith.cmpi slt, %add3A_344, %select_n3A : i32
        %convert_element_type3A_346 = arith.extui %lt3A_345 : i1 to i32
        %cond3A_347 = arith.constant 0 : i32
        %cond3A_348 = arith.cmpi ne, %convert_element_type3A_346, %cond3A_347 : i32
        scf.if %cond3A_348 {
          %get3A_369 = arith.constant 0 : index
          %get3A_370 = tpu.vector_load %arg14[%get3A_369] {strides = array<i32>} : memref<32xi32, #tpu.memory_space<vmem>>, vector<16xi32>,
          %sub3A_371 = arith.constant 10000 : i32
          %sub3A_372 = vector.broadcast %sub3A_371 : i32 to vector<16xi32>
          %sub3A_373 = arith.subi %get3A_370, %sub3A_372 : vector<16xi32>
          %swap3A_374 = arith.constant 0 : index
          %swap3A_375 = tpu.vector_load %arg14[%swap3A_374] {strides = array<i32>} : memref<32xi32, #tpu.memory_space<vmem>>, vector<16xi32>,
          tpu.vector_store %arg14[%swap3A_374], %sub3A_373 {strides = array<i32>} : memref<32xi32, #tpu.memory_space<vmem>>, vector<16xi32>,
          %sub3A_376 = vector.broadcast %mul3A_0 : i32 to vector<16xi32>
          %sub3A_377 = arith.subi %sub3A_373, %sub3A_376 : vector<16xi32>
          %jit3A_378 = arith.constant 0 : i32
          %jit3A_379 = arith.constant 4999 : i32
          %max3A_380 = vector.broadcast %jit3A_378 : i32 to vector<16xi32>
          %max3A_381 = arith.maxsi %max3A_380, %sub3A_377 : vector<16xi32>
          %min3A_382 = vector.broadcast %jit3A_379 : i32 to vector<16xi32>
          %min3A_383 = arith.minsi %min3A_382, %max3A_381 : vector<16xi32>
          %swap3A_384 = arith.constant 0 : index
          %swap3A_385 = tpu.vector_load %arg16[%swap3A_384] {strides = array<i32>} : memref<32xi32, #tpu.memory_space<vmem>>, vector<16xi32>,
          tpu.vector_store %arg16[%swap3A_384], %min3A_383 {strides = array<i32>} : memref<32xi32, #tpu.memory_space<vmem>>, vector<16xi32>,
          %get3A_386 = arith.constant 16 : index
          %get3A_387 = tpu.vector_load %arg14[%get3A_386] {strides = array<i32>} : memref<32xi32, #tpu.memory_space<vmem>>, vector<16xi32>,
          %sub3A_388 = arith.constant 10000 : i32
          %sub3A_389 = vector.broadcast %sub3A_388 : i32 to vector<16xi32>
          %sub3A_390 = arith.subi %get3A_387, %sub3A_389 : vector<16xi32>
          %swap3A_391 = arith.constant 16 : index
          %swap3A_392 = tpu.vector_load %arg14[%swap3A_391] {strides = array<i32>} : memref<32xi32, #tpu.memory_space<vmem>>, vector<16xi32>,
          tpu.vector_store %arg14[%swap3A_391], %sub3A_390 {strides = array<i32>} : memref<32xi32, #tpu.memory_space<vmem>>, vector<16xi32>,
          %sub3A_393 = vector.broadcast %mul3A_0 : i32 to vector<16xi32>
          %sub3A_394 = arith.subi %sub3A_390, %sub3A_393 : vector<16xi32>
          %jit3A_395 = arith.constant 0 : i32
          %jit3A_396 = arith.constant 4999 : i32
          %max3A_397 = vector.broadcast %jit3A_395 : i32 to vector<16xi32>
          %max3A_398 = arith.maxsi %max3A_397, %sub3A_394 : vector<16xi32>
          %min3A_399 = vector.broadcast %jit3A_396 : i32 to vector<16xi32>
          %min3A_400 = arith.minsi %min3A_399, %max3A_398 : vector<16xi32>
          %swap3A_401 = arith.constant 16 : index
          %swap3A_402 = tpu.vector_load %arg16[%swap3A_401] {strides = array<i32>} : memref<32xi32, #tpu.memory_space<vmem>>, vector<16xi32>,
          tpu.vector_store %arg16[%swap3A_401], %min3A_400 {strides = array<i32>} : memref<32xi32, #tpu.memory_space<vmem>>, vector<16xi32>,
          %dma_start3A_403 = arith.constant 0 : i32
          %dma_start3A_404 = arith.constant 0 : i32
          %dma_start3A_405 = tpu.memref_slice %arg2[%dma_start3A_403, %dma_start3A_404] : memref<10000x128xf32, #tpu.memory_space<hbm>> -> memref<10000x128xf32, #tpu.memory_space<hbm>>
          tpu.enqueue_indirect_dma source(%dma_start3A_405 : memref<10000x128xf32, #tpu.memory_space<hbm>>) target(%arg18 : memref<32x128xf32, #tpu.memory_space<vmem>>) offsets(%arg12 : memref<32xi32, #tpu.memory_space<vmem>>) semaphore(%arg29 : memref<!tpu.dma_semaphore, #tpu.memory_space<semaphore_mem>>)
          %dma_start3A_406 = arith.constant 0 : i32
          %dma_start3A_407 = arith.constant 0 : i32
          %dma_start3A_408 = tpu.memref_slice %arg3[%dma_start3A_406, %dma_start3A_407] : memref<10000x128xf32, #tpu.memory_space<hbm>> -> memref<10000x128xf32, #tpu.memory_space<hbm>>
          tpu.enqueue_indirect_dma source(%dma_start3A_408 : memref<10000x128xf32, #tpu.memory_space<hbm>>) target(%arg20 : memref<32x128xf32, #tpu.memory_space<vmem>>) offsets(%arg14 : memref<32xi32, #tpu.memory_space<vmem>>) semaphore(%arg31 : memref<!tpu.dma_semaphore, #tpu.memory_space<semaphore_mem>>)
        } else {
        }
        %dma_wait3A_349 = arith.constant 0 : i32
        %dma_wait3A_350 = arith.constant 0 : i32
        %dma_wait3A_351 = tpu.memref_slice %arg2[%dma_wait3A_349, %dma_wait3A_350] : memref<10000x128xf32, #tpu.memory_space<hbm>> -> memref<10000x128xf32, #tpu.memory_space<hbm>>
        tpu.wait_indirect_dma semaphore(%arg30 : memref<!tpu.dma_semaphore, #tpu.memory_space<semaphore_mem>>) src(%dma_wait3A_351 : memref<10000x128xf32, #tpu.memory_space<hbm>>) dst(%arg19 : memref<32x128xf32, #tpu.memory_space<vmem>>)
        %dma_wait3A_352 = arith.constant 0 : i32
        %dma_wait3A_353 = arith.constant 0 : i32
        %dma_wait3A_354 = tpu.memref_slice %arg3[%dma_wait3A_352, %dma_wait3A_353] : memref<10000x128xf32, #tpu.memory_space<hbm>> -> memref<10000x128xf32, #tpu.memory_space<hbm>>
        tpu.wait_indirect_dma semaphore(%arg32 : memref<!tpu.dma_semaphore, #tpu.memory_space<semaphore_mem>>) src(%dma_wait3A_354 : memref<10000x128xf32, #tpu.memory_space<hbm>>) dst(%arg21 : memref<32x128xf32, #tpu.memory_space<vmem>>)
        %add3A_355 = arith.constant 2 : i32
        %add3A_356 = arith.addi %add3A_326, %add3A_355 : i32
        %lt3A_357 = arith.cmpi slt, %add3A_356, %select_n3A : i32
        %convert_element_type3A_358 = arith.extui %lt3A_357 : i1 to i32
        %cond3A_359 = arith.constant 0 : i32
        %cond3A_360 = arith.cmpi ne, %convert_element_type3A_358, %cond3A_359 : i32
        scf.if %cond3A_360 {
          %add3A_369 = arith.constant 2 : i32
          %add3A_370 = arith.addi %add3A_326, %add3A_369 : i32
          %mul3A_371 = arith.constant 32 : i32
          %mul3A_372 = arith.muli %add3A_370, %mul3A_371 : i32
          %dma_start3A_373 = tpu.memref_slice %arg11[%mul3A_372] : memref<10592xi32, #tpu.memory_space<vmem>> -> memref<32xi32, #tpu.memory_space<vmem>>
          %dma_start3A_374 = arith.constant 0 : i32
          %dma_start3A_375 = tpu.memref_slice %arg4[%dma_start3A_374] : memref<320000xi32, #tpu.memory_space<hbm>> -> memref<320000xi32, #tpu.memory_space<hbm>>
          tpu.enqueue_indirect_dma source(%dma_start3A_375 : memref<320000xi32, #tpu.memory_space<hbm>>) target(%arg13 : memref<32xi32, #tpu.memory_space<vmem>>) offsets(%dma_start3A_373 : memref<32xi32, #tpu.memory_space<vmem>>) semaphore(%arg28 : memref<!tpu.dma_semaphore, #tpu.memory_space<semaphore_mem>>)
          %dma_start3A_376 = tpu.memref_slice %arg11[%mul3A_372] : memref<10592xi32, #tpu.memory_space<vmem>> -> memref<32xi32, #tpu.memory_space<vmem>>
          %dma_start3A_377 = arith.constant 0 : i32
          %dma_start3A_378 = tpu.memref_slice %arg5[%dma_start3A_377] : memref<320000xi32, #tpu.memory_space<hbm>> -> memref<320000xi32, #tpu.memory_space<hbm>>
          tpu.enqueue_indirect_dma source(%dma_start3A_378 : memref<320000xi32, #tpu.memory_space<hbm>>) target(%arg15 : memref<32xi32, #tpu.memory_space<vmem>>) offsets(%dma_start3A_376 : memref<32xi32, #tpu.memory_space<vmem>>) semaphore(%arg28 : memref<!tpu.dma_semaphore, #tpu.memory_space<semaphore_mem>>)
        } else {
        }
        %parallel_loop3A = arith.constant 0 : i32
        %parallel_loop3A_361 = arith.constant 32 : i32
        %parallel_loop3A_362 = arith.constant 1 : i32
        scf.for %parallel_loop3A_369 = %parallel_loop3A to %parallel_loop3A_361 step %parallel_loop3A_362  : i32 {
          %parallel_loop3A_370 = arith.constant 32 : i32
          %parallel_loop3A_371 = arith.muli %add3A_326, %parallel_loop3A_370 : i32
          %parallel_loop3A_372 = arith.addi %parallel_loop3A_371, %parallel_loop3A_369 : i32
          %parallel_loop3A_373 = arith.cmpi slt, %parallel_loop3A_372, %scan3A_137 : i32
          %parallel_loop3A_374 = arith.constant 1.000000e+00 : f32
          %parallel_loop3A_375 = arith.constant 0.000000e+00 : f32
          %parallel_loop3A_376 = arith.select %parallel_loop3A_373, %parallel_loop3A_374, %parallel_loop3A_375 : f32
          %parallel_loop3A_377 = vector.broadcast %parallel_loop3A_376 : f32 to vector<16xf32>
          %parallel_loop3A_378 = arith.index_cast %parallel_loop3A_369 : i32 to index
          %parallel_loop3A_379 = arith.constant 0 : index
          %parallel_loop3A_380 = tpu.vector_load %arg19[%parallel_loop3A_378, %parallel_loop3A_379] {strides = array<i32>} : memref<32x128xf32, #tpu.memory_space<vmem>>, vector<16xf32>,
          %parallel_loop3A_381 = arith.index_cast %parallel_loop3A_369 : i32 to index
          %parallel_loop3A_382 = arith.constant 0 : index
          %parallel_loop3A_383 = tpu.vector_load %arg21[%parallel_loop3A_381, %parallel_loop3A_382] {strides = array<i32>} : memref<32x128xf32, #tpu.memory_space<vmem>>, vector<16xf32>,
          %parallel_loop3A_384 = arith.addf %parallel_loop3A_380, %parallel_loop3A_383 : vector<16xf32>
          %parallel_loop3A_385 = arith.mulf %mul3A_6, %parallel_loop3A_384 : vector<16xf32>
          %parallel_loop3A_386 = math.absf %parallel_loop3A_384 : vector<16xf32>
          %parallel_loop3A_387 = arith.mulf %mul3A_62, %parallel_loop3A_386 : vector<16xf32>
          %parallel_loop3A_388 = arith.addf %parallel_loop3A_385, %parallel_loop3A_387 : vector<16xf32>
          %parallel_loop3A_389 = arith.constant true
          %parallel_loop3A_390 = vector.broadcast %parallel_loop3A_389 : i1 to vector<16xi1>
          %parallel_loop3A_391 = tpu.scan <sum>, %parallel_loop3A_388 masked %parallel_loop3A_390 : vector<16xf32>, vector<16xi1> -> vector<16xf32>
          %parallel_loop3A_392 = vector.extract_strided_slice %parallel_loop3A_391 {offsets = [15], sizes = [1], strides = [1]} : vector<16xf32> to vector<1xf32>
          %parallel_loop3A_393 = vector.extract %parallel_loop3A_392[0] : f32 from vector<1xf32>
          %parallel_loop3A_394 = vector.broadcast %parallel_loop3A_393 : f32 to vector<16xf32>
          %parallel_loop3A_395 = math.exp %parallel_loop3A_394 : vector<16xf32>
          %parallel_loop3A_396 = arith.mulf %parallel_loop3A_395, %parallel_loop3A_377 : vector<16xf32>
          %parallel_loop3A_397 = arith.mulf %parallel_loop3A_380, %parallel_loop3A_396 : vector<16xf32>
          %parallel_loop3A_398 = arith.index_cast %parallel_loop3A_369 : i32 to index
          %parallel_loop3A_399 = arith.constant 0 : index
          %parallel_loop3A_400 = tpu.vector_load %arg21[%parallel_loop3A_398, %parallel_loop3A_399] {strides = array<i32>} : memref<32x128xf32, #tpu.memory_space<vmem>>, vector<16xf32>,
          tpu.vector_store %arg21[%parallel_loop3A_398, %parallel_loop3A_399], %parallel_loop3A_397 {strides = array<i32>} : memref<32x128xf32, #tpu.memory_space<vmem>>, vector<16xf32>,
          %parallel_loop3A_401 = arith.index_cast %parallel_loop3A_369 : i32 to index
          %parallel_loop3A_402 = arith.constant 0 : index
          %parallel_loop3A_403 = tpu.vector_load %arg23[%parallel_loop3A_401, %parallel_loop3A_402] {strides = array<i32>} : memref<32x128xf32, #tpu.memory_space<vmem>>, vector<16xf32>,
          tpu.vector_store %arg23[%parallel_loop3A_401, %parallel_loop3A_402], %parallel_loop3A_396 {strides = array<i32>} : memref<32x128xf32, #tpu.memory_space<vmem>>, vector<16xf32>,
          %parallel_loop3A_404 = arith.index_cast %parallel_loop3A_369 : i32 to index
          %parallel_loop3A_405 = arith.constant 16 : index
          %parallel_loop3A_406 = tpu.vector_load %arg19[%parallel_loop3A_404, %parallel_loop3A_405] {strides = array<i32>} : memref<32x128xf32, #tpu.memory_space<vmem>>, vector<16xf32>,
          %parallel_loop3A_407 = arith.index_cast %parallel_loop3A_369 : i32 to index
          %parallel_loop3A_408 = arith.constant 16 : index
          %parallel_loop3A_409 = tpu.vector_load %arg21[%parallel_loop3A_407, %parallel_loop3A_408] {strides = array<i32>} : memref<32x128xf32, #tpu.memory_space<vmem>>, vector<16xf32>,
          %parallel_loop3A_410 = arith.addf %parallel_loop3A_406, %parallel_loop3A_409 : vector<16xf32>
          %parallel_loop3A_411 = arith.mulf %mul3A_13, %parallel_loop3A_410 : vector<16xf32>
          %parallel_loop3A_412 = math.absf %parallel_loop3A_410 : vector<16xf32>
          %parallel_loop3A_413 = arith.mulf %mul3A_69, %parallel_loop3A_412 : vector<16xf32>
          %parallel_loop3A_414 = arith.addf %parallel_loop3A_411, %parallel_loop3A_413 : vector<16xf32>
          %parallel_loop3A_415 = arith.constant true
          %parallel_loop3A_416 = vector.broadcast %parallel_loop3A_415 : i1 to vector<16xi1>
          %parallel_loop3A_417 = tpu.scan <sum>, %parallel_loop3A_414 masked %parallel_loop3A_416 : vector<16xf32>, vector<16xi1> -> vector<16xf32>
          %parallel_loop3A_418 = vector.extract_strided_slice %parallel_loop3A_417 {offsets = [15], sizes = [1], strides = [1]} : vector<16xf32> to vector<1xf32>
          %parallel_loop3A_419 = vector.extract %parallel_loop3A_418[0] : f32 from vector<1xf32>
          %parallel_loop3A_420 = vector.broadcast %parallel_loop3A_419 : f32 to vector<16xf32>
          %parallel_loop3A_421 = math.exp %parallel_loop3A_420 : vector<16xf32>
          %parallel_loop3A_422 = arith.mulf %parallel_loop3A_421, %parallel_loop3A_377 : vector<16xf32>
          %parallel_loop3A_423 = arith.mulf %parallel_loop3A_406, %parallel_loop3A_422 : vector<16xf32>
          %parallel_loop3A_424 = arith.index_cast %parallel_loop3A_369 : i32 to index
          %parallel_loop3A_425 = arith.constant 16 : index
          %parallel_loop3A_426 = tpu.vector_load %arg21[%parallel_loop3A_424, %parallel_loop3A_425] {strides = array<i32>} : memref<32x128xf32, #tpu.memory_space<vmem>>, vector<16xf32>,
          tpu.vector_store %arg21[%parallel_loop3A_424, %parallel_loop3A_425], %parallel_loop3A_423 {strides = array<i32>} : memref<32x128xf32, #tpu.memory_space<vmem>>, vector<16xf32>,
          %parallel_loop3A_427 = arith.index_cast %parallel_loop3A_369 : i32 to index
          %parallel_loop3A_428 = arith.constant 16 : index
          %parallel_loop3A_429 = tpu.vector_load %arg23[%parallel_loop3A_427, %parallel_loop3A_428] {strides = array<i32>} : memref<32x128xf32, #tpu.memory_space<vmem>>, vector<16xf32>,
          tpu.vector_store %arg23[%parallel_loop3A_427, %parallel_loop3A_428], %parallel_loop3A_422 {strides = array<i32>} : memref<32x128xf32, #tpu.memory_space<vmem>>, vector<16xf32>,
          %parallel_loop3A_430 = arith.index_cast %parallel_loop3A_369 : i32 to index
          %parallel_loop3A_431 = arith.constant 32 : index
          %parallel_loop3A_432 = tpu.vector_load %arg19[%parallel_loop3A_430, %parallel_loop3A_431] {strides = array<i32>} : memref<32x128xf32, #tpu.memory_space<vmem>>, vector<16xf32>,
          %parallel_loop3A_433 = arith.index_cast %parallel_loop3A_369 : i32 to index
          %parallel_loop3A_434 = arith.constant 32 : index
          %parallel_loop3A_435 = tpu.vector_load %arg21[%parallel_loop3A_433, %parallel_loop3A_434] {strides = array<i32>} : memref<32x128xf32, #tpu.memory_space<vmem>>, vector<16xf32>,
          %parallel_loop3A_436 = arith.addf %parallel_loop3A_432, %parallel_loop3A_435 : vector<16xf32>
          %parallel_loop3A_437 = arith.mulf %mul3A_20, %parallel_loop3A_436 : vector<16xf32>
          %parallel_loop3A_438 = math.absf %parallel_loop3A_436 : vector<16xf32>
          %parallel_loop3A_439 = arith.mulf %mul3A_76, %parallel_loop3A_438 : vector<16xf32>
          %parallel_loop3A_440 = arith.addf %parallel_loop3A_437, %parallel_loop3A_439 : vector<16xf32>
          %parallel_loop3A_441 = arith.constant true
          %parallel_loop3A_442 = vector.broadcast %parallel_loop3A_441 : i1 to vector<16xi1>
          %parallel_loop3A_443 = tpu.scan <sum>, %parallel_loop3A_440 masked %parallel_loop3A_442 : vector<16xf32>, vector<16xi1> -> vector<16xf32>
          %parallel_loop3A_444 = vector.extract_strided_slice %parallel_loop3A_443 {offsets = [15], sizes = [1], strides = [1]} : vector<16xf32> to vector<1xf32>
          %parallel_loop3A_445 = vector.extract %parallel_loop3A_444[0] : f32 from vector<1xf32>
          %parallel_loop3A_446 = vector.broadcast %parallel_loop3A_445 : f32 to vector<16xf32>
          %parallel_loop3A_447 = math.exp %parallel_loop3A_446 : vector<16xf32>
          %parallel_loop3A_448 = arith.mulf %parallel_loop3A_447, %parallel_loop3A_377 : vector<16xf32>
          %parallel_loop3A_449 = arith.mulf %parallel_loop3A_432, %parallel_loop3A_448 : vector<16xf32>
          %parallel_loop3A_450 = arith.index_cast %parallel_loop3A_369 : i32 to index
          %parallel_loop3A_451 = arith.constant 32 : index
          %parallel_loop3A_452 = tpu.vector_load %arg21[%parallel_loop3A_450, %parallel_loop3A_451] {strides = array<i32>} : memref<32x128xf32, #tpu.memory_space<vmem>>, vector<16xf32>,
          tpu.vector_store %arg21[%parallel_loop3A_450, %parallel_loop3A_451], %parallel_loop3A_449 {strides = array<i32>} : memref<32x128xf32, #tpu.memory_space<vmem>>, vector<16xf32>,
          %parallel_loop3A_453 = arith.index_cast %parallel_loop3A_369 : i32 to index
          %parallel_loop3A_454 = arith.constant 32 : index
          %parallel_loop3A_455 = tpu.vector_load %arg23[%parallel_loop3A_453, %parallel_loop3A_454] {strides = array<i32>} : memref<32x128xf32, #tpu.memory_space<vmem>>, vector<16xf32>,
          tpu.vector_store %arg23[%parallel_loop3A_453, %parallel_loop3A_454], %parallel_loop3A_448 {strides = array<i32>} : memref<32x128xf32, #tpu.memory_space<vmem>>, vector<16xf32>,
          %parallel_loop3A_456 = arith.index_cast %parallel_loop3A_369 : i32 to index
          %parallel_loop3A_457 = arith.constant 48 : index
          %parallel_loop3A_458 = tpu.vector_load %arg19[%parallel_loop3A_456, %parallel_loop3A_457] {strides = array<i32>} : memref<32x128xf32, #tpu.memory_space<vmem>>, vector<16xf32>,
          %parallel_loop3A_459 = arith.index_cast %parallel_loop3A_369 : i32 to index
          %parallel_loop3A_460 = arith.constant 48 : index
          %parallel_loop3A_461 = tpu.vector_load %arg21[%parallel_loop3A_459, %parallel_loop3A_460] {strides = array<i32>} : memref<32x128xf32, #tpu.memory_space<vmem>>, vector<16xf32>,
          %parallel_loop3A_462 = arith.addf %parallel_loop3A_458, %parallel_loop3A_461 : vector<16xf32>
          %parallel_loop3A_463 = arith.mulf %mul3A_27, %parallel_loop3A_462 : vector<16xf32>
          %parallel_loop3A_464 = math.absf %parallel_loop3A_462 : vector<16xf32>
          %parallel_loop3A_465 = arith.mulf %mul3A_83, %parallel_loop3A_464 : vector<16xf32>
          %parallel_loop3A_466 = arith.addf %parallel_loop3A_463, %parallel_loop3A_465 : vector<16xf32>
          %parallel_loop3A_467 = arith.constant true
          %parallel_loop3A_468 = vector.broadcast %parallel_loop3A_467 : i1 to vector<16xi1>
          %parallel_loop3A_469 = tpu.scan <sum>, %parallel_loop3A_466 masked %parallel_loop3A_468 : vector<16xf32>, vector<16xi1> -> vector<16xf32>
          %parallel_loop3A_470 = vector.extract_strided_slice %parallel_loop3A_469 {offsets = [15], sizes = [1], strides = [1]} : vector<16xf32> to vector<1xf32>
          %parallel_loop3A_471 = vector.extract %parallel_loop3A_470[0] : f32 from vector<1xf32>
          %parallel_loop3A_472 = vector.broadcast %parallel_loop3A_471 : f32 to vector<16xf32>
          %parallel_loop3A_473 = math.exp %parallel_loop3A_472 : vector<16xf32>
          %parallel_loop3A_474 = arith.mulf %parallel_loop3A_473, %parallel_loop3A_377 : vector<16xf32>
          %parallel_loop3A_475 = arith.mulf %parallel_loop3A_458, %parallel_loop3A_474 : vector<16xf32>
          %parallel_loop3A_476 = arith.index_cast %parallel_loop3A_369 : i32 to index
          %parallel_loop3A_477 = arith.constant 48 : index
          %parallel_loop3A_478 = tpu.vector_load %arg21[%parallel_loop3A_476, %parallel_loop3A_477] {strides = array<i32>} : memref<32x128xf32, #tpu.memory_space<vmem>>, vector<16xf32>,
          tpu.vector_store %arg21[%parallel_loop3A_476, %parallel_loop3A_477], %parallel_loop3A_475 {strides = array<i32>} : memref<32x128xf32, #tpu.memory_space<vmem>>, vector<16xf32>,
          %parallel_loop3A_479 = arith.index_cast %parallel_loop3A_369 : i32 to index
          %parallel_loop3A_480 = arith.constant 48 : index
          %parallel_loop3A_481 = tpu.vector_load %arg23[%parallel_loop3A_479, %parallel_loop3A_480] {strides = array<i32>} : memref<32x128xf32, #tpu.memory_space<vmem>>, vector<16xf32>,
          tpu.vector_store %arg23[%parallel_loop3A_479, %parallel_loop3A_480], %parallel_loop3A_474 {strides = array<i32>} : memref<32x128xf32, #tpu.memory_space<vmem>>, vector<16xf32>,
          %parallel_loop3A_482 = arith.index_cast %parallel_loop3A_369 : i32 to index
          %parallel_loop3A_483 = arith.constant 64 : index
          %parallel_loop3A_484 = tpu.vector_load %arg19[%parallel_loop3A_482, %parallel_loop3A_483] {strides = array<i32>} : memref<32x128xf32, #tpu.memory_space<vmem>>, vector<16xf32>,
          %parallel_loop3A_485 = arith.index_cast %parallel_loop3A_369 : i32 to index
          %parallel_loop3A_486 = arith.constant 64 : index
          %parallel_loop3A_487 = tpu.vector_load %arg21[%parallel_loop3A_485, %parallel_loop3A_486] {strides = array<i32>} : memref<32x128xf32, #tpu.memory_space<vmem>>, vector<16xf32>,
          %parallel_loop3A_488 = arith.addf %parallel_loop3A_484, %parallel_loop3A_487 : vector<16xf32>
          %parallel_loop3A_489 = arith.mulf %mul3A_34, %parallel_loop3A_488 : vector<16xf32>
          %parallel_loop3A_490 = math.absf %parallel_loop3A_488 : vector<16xf32>
          %parallel_loop3A_491 = arith.mulf %mul3A_90, %parallel_loop3A_490 : vector<16xf32>
          %parallel_loop3A_492 = arith.addf %parallel_loop3A_489, %parallel_loop3A_491 : vector<16xf32>
          %parallel_loop3A_493 = arith.constant true
          %parallel_loop3A_494 = vector.broadcast %parallel_loop3A_493 : i1 to vector<16xi1>
          %parallel_loop3A_495 = tpu.scan <sum>, %parallel_loop3A_492 masked %parallel_loop3A_494 : vector<16xf32>, vector<16xi1> -> vector<16xf32>
          %parallel_loop3A_496 = vector.extract_strided_slice %parallel_loop3A_495 {offsets = [15], sizes = [1], strides = [1]} : vector<16xf32> to vector<1xf32>
          %parallel_loop3A_497 = vector.extract %parallel_loop3A_496[0] : f32 from vector<1xf32>
          %parallel_loop3A_498 = vector.broadcast %parallel_loop3A_497 : f32 to vector<16xf32>
          %parallel_loop3A_499 = math.exp %parallel_loop3A_498 : vector<16xf32>
          %parallel_loop3A_500 = arith.mulf %parallel_loop3A_499, %parallel_loop3A_377 : vector<16xf32>
          %parallel_loop3A_501 = arith.mulf %parallel_loop3A_484, %parallel_loop3A_500 : vector<16xf32>
          %parallel_loop3A_502 = arith.index_cast %parallel_loop3A_369 : i32 to index
          %parallel_loop3A_503 = arith.constant 64 : index
          %parallel_loop3A_504 = tpu.vector_load %arg21[%parallel_loop3A_502, %parallel_loop3A_503] {strides = array<i32>} : memref<32x128xf32, #tpu.memory_space<vmem>>, vector<16xf32>,
          tpu.vector_store %arg21[%parallel_loop3A_502, %parallel_loop3A_503], %parallel_loop3A_501 {strides = array<i32>} : memref<32x128xf32, #tpu.memory_space<vmem>>, vector<16xf32>,
          %parallel_loop3A_505 = arith.index_cast %parallel_loop3A_369 : i32 to index
          %parallel_loop3A_506 = arith.constant 64 : index
          %parallel_loop3A_507 = tpu.vector_load %arg23[%parallel_loop3A_505, %parallel_loop3A_506] {strides = array<i32>} : memref<32x128xf32, #tpu.memory_space<vmem>>, vector<16xf32>,
          tpu.vector_store %arg23[%parallel_loop3A_505, %parallel_loop3A_506], %parallel_loop3A_500 {strides = array<i32>} : memref<32x128xf32, #tpu.memory_space<vmem>>, vector<16xf32>,
          %parallel_loop3A_508 = arith.index_cast %parallel_loop3A_369 : i32 to index
          %parallel_loop3A_509 = arith.constant 80 : index
          %parallel_loop3A_510 = tpu.vector_load %arg19[%parallel_loop3A_508, %parallel_loop3A_509] {strides = array<i32>} : memref<32x128xf32, #tpu.memory_space<vmem>>, vector<16xf32>,
          %parallel_loop3A_511 = arith.index_cast %parallel_loop3A_369 : i32 to index
          %parallel_loop3A_512 = arith.constant 80 : index
          %parallel_loop3A_513 = tpu.vector_load %arg21[%parallel_loop3A_511, %parallel_loop3A_512] {strides = array<i32>} : memref<32x128xf32, #tpu.memory_space<vmem>>, vector<16xf32>,
          %parallel_loop3A_514 = arith.addf %parallel_loop3A_510, %parallel_loop3A_513 : vector<16xf32>
          %parallel_loop3A_515 = arith.mulf %mul3A_41, %parallel_loop3A_514 : vector<16xf32>
          %parallel_loop3A_516 = math.absf %parallel_loop3A_514 : vector<16xf32>
          %parallel_loop3A_517 = arith.mulf %mul3A_97, %parallel_loop3A_516 : vector<16xf32>
          %parallel_loop3A_518 = arith.addf %parallel_loop3A_515, %parallel_loop3A_517 : vector<16xf32>
          %parallel_loop3A_519 = arith.constant true
          %parallel_loop3A_520 = vector.broadcast %parallel_loop3A_519 : i1 to vector<16xi1>
          %parallel_loop3A_521 = tpu.scan <sum>, %parallel_loop3A_518 masked %parallel_loop3A_520 : vector<16xf32>, vector<16xi1> -> vector<16xf32>
          %parallel_loop3A_522 = vector.extract_strided_slice %parallel_loop3A_521 {offsets = [15], sizes = [1], strides = [1]} : vector<16xf32> to vector<1xf32>
          %parallel_loop3A_523 = vector.extract %parallel_loop3A_522[0] : f32 from vector<1xf32>
          %parallel_loop3A_524 = vector.broadcast %parallel_loop3A_523 : f32 to vector<16xf32>
          %parallel_loop3A_525 = math.exp %parallel_loop3A_524 : vector<16xf32>
          %parallel_loop3A_526 = arith.mulf %parallel_loop3A_525, %parallel_loop3A_377 : vector<16xf32>
          %parallel_loop3A_527 = arith.mulf %parallel_loop3A_510, %parallel_loop3A_526 : vector<16xf32>
          %parallel_loop3A_528 = arith.index_cast %parallel_loop3A_369 : i32 to index
          %parallel_loop3A_529 = arith.constant 80 : index
          %parallel_loop3A_530 = tpu.vector_load %arg21[%parallel_loop3A_528, %parallel_loop3A_529] {strides = array<i32>} : memref<32x128xf32, #tpu.memory_space<vmem>>, vector<16xf32>,
          tpu.vector_store %arg21[%parallel_loop3A_528, %parallel_loop3A_529], %parallel_loop3A_527 {strides = array<i32>} : memref<32x128xf32, #tpu.memory_space<vmem>>, vector<16xf32>,
          %parallel_loop3A_531 = arith.index_cast %parallel_loop3A_369 : i32 to index
          %parallel_loop3A_532 = arith.constant 80 : index
          %parallel_loop3A_533 = tpu.vector_load %arg23[%parallel_loop3A_531, %parallel_loop3A_532] {strides = array<i32>} : memref<32x128xf32, #tpu.memory_space<vmem>>, vector<16xf32>,
          tpu.vector_store %arg23[%parallel_loop3A_531, %parallel_loop3A_532], %parallel_loop3A_526 {strides = array<i32>} : memref<32x128xf32, #tpu.memory_space<vmem>>, vector<16xf32>,
          %parallel_loop3A_534 = arith.index_cast %parallel_loop3A_369 : i32 to index
          %parallel_loop3A_535 = arith.constant 96 : index
          %parallel_loop3A_536 = tpu.vector_load %arg19[%parallel_loop3A_534, %parallel_loop3A_535] {strides = array<i32>} : memref<32x128xf32, #tpu.memory_space<vmem>>, vector<16xf32>,
          %parallel_loop3A_537 = arith.index_cast %parallel_loop3A_369 : i32 to index
          %parallel_loop3A_538 = arith.constant 96 : index
          %parallel_loop3A_539 = tpu.vector_load %arg21[%parallel_loop3A_537, %parallel_loop3A_538] {strides = array<i32>} : memref<32x128xf32, #tpu.memory_space<vmem>>, vector<16xf32>,
          %parallel_loop3A_540 = arith.addf %parallel_loop3A_536, %parallel_loop3A_539 : vector<16xf32>
          %parallel_loop3A_541 = arith.mulf %mul3A_48, %parallel_loop3A_540 : vector<16xf32>
          %parallel_loop3A_542 = math.absf %parallel_loop3A_540 : vector<16xf32>
          %parallel_loop3A_543 = arith.mulf %mul3A_104, %parallel_loop3A_542 : vector<16xf32>
          %parallel_loop3A_544 = arith.addf %parallel_loop3A_541, %parallel_loop3A_543 : vector<16xf32>
          %parallel_loop3A_545 = arith.constant true
          %parallel_loop3A_546 = vector.broadcast %parallel_loop3A_545 : i1 to vector<16xi1>
          %parallel_loop3A_547 = tpu.scan <sum>, %parallel_loop3A_544 masked %parallel_loop3A_546 : vector<16xf32>, vector<16xi1> -> vector<16xf32>
          %parallel_loop3A_548 = vector.extract_strided_slice %parallel_loop3A_547 {offsets = [15], sizes = [1], strides = [1]} : vector<16xf32> to vector<1xf32>
          %parallel_loop3A_549 = vector.extract %parallel_loop3A_548[0] : f32 from vector<1xf32>
          %parallel_loop3A_550 = vector.broadcast %parallel_loop3A_549 : f32 to vector<16xf32>
          %parallel_loop3A_551 = math.exp %parallel_loop3A_550 : vector<16xf32>
          %parallel_loop3A_552 = arith.mulf %parallel_loop3A_551, %parallel_loop3A_377 : vector<16xf32>
          %parallel_loop3A_553 = arith.mulf %parallel_loop3A_536, %parallel_loop3A_552 : vector<16xf32>
          %parallel_loop3A_554 = arith.index_cast %parallel_loop3A_369 : i32 to index
          %parallel_loop3A_555 = arith.constant 96 : index
          %parallel_loop3A_556 = tpu.vector_load %arg21[%parallel_loop3A_554, %parallel_loop3A_555] {strides = array<i32>} : memref<32x128xf32, #tpu.memory_space<vmem>>, vector<16xf32>,
          tpu.vector_store %arg21[%parallel_loop3A_554, %parallel_loop3A_555], %parallel_loop3A_553 {strides = array<i32>} : memref<32x128xf32, #tpu.memory_space<vmem>>, vector<16xf32>,
          %parallel_loop3A_557 = arith.index_cast %parallel_loop3A_369 : i32 to index
          %parallel_loop3A_558 = arith.constant 96 : index
          %parallel_loop3A_559 = tpu.vector_load %arg23[%parallel_loop3A_557, %parallel_loop3A_558] {strides = array<i32>} : memref<32x128xf32, #tpu.memory_space<vmem>>, vector<16xf32>,
          tpu.vector_store %arg23[%parallel_loop3A_557, %parallel_loop3A_558], %parallel_loop3A_552 {strides = array<i32>} : memref<32x128xf32, #tpu.memory_space<vmem>>, vector<16xf32>,
          %parallel_loop3A_560 = arith.index_cast %parallel_loop3A_369 : i32 to index
          %parallel_loop3A_561 = arith.constant 112 : index
          %parallel_loop3A_562 = tpu.vector_load %arg19[%parallel_loop3A_560, %parallel_loop3A_561] {strides = array<i32>} : memref<32x128xf32, #tpu.memory_space<vmem>>, vector<16xf32>,
          %parallel_loop3A_563 = arith.index_cast %parallel_loop3A_369 : i32 to index
          %parallel_loop3A_564 = arith.constant 112 : index
          %parallel_loop3A_565 = tpu.vector_load %arg21[%parallel_loop3A_563, %parallel_loop3A_564] {strides = array<i32>} : memref<32x128xf32, #tpu.memory_space<vmem>>, vector<16xf32>,
          %parallel_loop3A_566 = arith.addf %parallel_loop3A_562, %parallel_loop3A_565 : vector<16xf32>
          %parallel_loop3A_567 = arith.mulf %mul3A_55, %parallel_loop3A_566 : vector<16xf32>
          %parallel_loop3A_568 = math.absf %parallel_loop3A_566 : vector<16xf32>
          %parallel_loop3A_569 = arith.mulf %mul3A_111, %parallel_loop3A_568 : vector<16xf32>
          %parallel_loop3A_570 = arith.addf %parallel_loop3A_567, %parallel_loop3A_569 : vector<16xf32>
          %parallel_loop3A_571 = arith.constant true
          %parallel_loop3A_572 = vector.broadcast %parallel_loop3A_571 : i1 to vector<16xi1>
          %parallel_loop3A_573 = tpu.scan <sum>, %parallel_loop3A_570 masked %parallel_loop3A_572 : vector<16xf32>, vector<16xi1> -> vector<16xf32>
          %parallel_loop3A_574 = vector.extract_strided_slice %parallel_loop3A_573 {offsets = [15], sizes = [1], strides = [1]} : vector<16xf32> to vector<1xf32>
          %parallel_loop3A_575 = vector.extract %parallel_loop3A_574[0] : f32 from vector<1xf32>
          %parallel_loop3A_576 = vector.broadcast %parallel_loop3A_575 : f32 to vector<16xf32>
          %parallel_loop3A_577 = math.exp %parallel_loop3A_576 : vector<16xf32>
          %parallel_loop3A_578 = arith.mulf %parallel_loop3A_577, %parallel_loop3A_377 : vector<16xf32>
          %parallel_loop3A_579 = arith.mulf %parallel_loop3A_562, %parallel_loop3A_578 : vector<16xf32>
          %parallel_loop3A_580 = arith.index_cast %parallel_loop3A_369 : i32 to index
          %parallel_loop3A_581 = arith.constant 112 : index
          %parallel_loop3A_582 = tpu.vector_load %arg21[%parallel_loop3A_580, %parallel_loop3A_581] {strides = array<i32>} : memref<32x128xf32, #tpu.memory_space<vmem>>, vector<16xf32>,
          tpu.vector_store %arg21[%parallel_loop3A_580, %parallel_loop3A_581], %parallel_loop3A_579 {strides = array<i32>} : memref<32x128xf32, #tpu.memory_space<vmem>>, vector<16xf32>,
          %parallel_loop3A_583 = arith.index_cast %parallel_loop3A_369 : i32 to index
          %parallel_loop3A_584 = arith.constant 112 : index
          %parallel_loop3A_585 = tpu.vector_load %arg23[%parallel_loop3A_583, %parallel_loop3A_584] {strides = array<i32>} : memref<32x128xf32, #tpu.memory_space<vmem>>, vector<16xf32>,
          tpu.vector_store %arg23[%parallel_loop3A_583, %parallel_loop3A_584], %parallel_loop3A_578 {strides = array<i32>} : memref<32x128xf32, #tpu.memory_space<vmem>>, vector<16xf32>,
        } {sc.loop_unroll_factor = 8 : i64, sc.parallel_access}
        %dma_start3A_363 = arith.constant 0 : i32
        %dma_start3A_364 = arith.constant 0 : i32
        %dma_start3A_365 = tpu.memref_slice %arg25[%dma_start3A_363, %dma_start3A_364] : memref<5000x128xf32, #tpu.memory_space<vmem_shared>> -> memref<5000x128xf32, #tpu.memory_space<vmem_shared>>
        tpu.enqueue_indirect_dma source(%arg21 : memref<32x128xf32, #tpu.memory_space<vmem>>) target(%dma_start3A_365 : memref<5000x128xf32, #tpu.memory_space<vmem_shared>>) offsets(%arg17 : memref<32xi32, #tpu.memory_space<vmem>>) semaphore(%arg34 : memref<!tpu.dma_semaphore, #tpu.memory_space<semaphore_mem>>) {add = true}
        %dma_start3A_366 = arith.constant 0 : i32
        %dma_start3A_367 = arith.constant 0 : i32
        %dma_start3A_368 = tpu.memref_slice %arg26[%dma_start3A_366, %dma_start3A_367] : memref<5000x128xf32, #tpu.memory_space<vmem_shared>> -> memref<5000x128xf32, #tpu.memory_space<vmem_shared>>
        tpu.enqueue_indirect_dma source(%arg23 : memref<32x128xf32, #tpu.memory_space<vmem>>) target(%dma_start3A_368 : memref<5000x128xf32, #tpu.memory_space<vmem_shared>>) offsets(%arg17 : memref<32xi32, #tpu.memory_space<vmem>>) semaphore(%arg36 : memref<!tpu.dma_semaphore, #tpu.memory_space<semaphore_mem>>) {add = true}
      } else {
      }
      %while3A_331 = arith.constant 0 : i32
      scf.yield %while3A_331 : i32
    }
    %ge3A_250 = arith.constant 1 : i32
    %ge3A_251 = arith.cmpi sge, %select_n3A, %ge3A_250 : i32
    %sub3A_252 = arith.constant 1 : i32
    %sub3A_253 = arith.subi %select_n3A, %sub3A_252 : i32
    %jit3A_254 = arith.constant 2 : i32
    %eq3A = arith.constant 0 : i32
    %eq3A_255 = arith.cmpi eq, %jit3A_254, %eq3A : i32
    %jit3A_256 = arith.constant 1 : i32
    %select_n3A_257 = arith.select %eq3A_255, %jit3A_256, %jit3A_254 : i32
    %rem3A_258 = arith.remsi %sub3A_253, %select_n3A_257 : i32
    %ne3A_259 = arith.constant 0 : i32
    %ne3A_260 = arith.cmpi ne, %rem3A_258, %ne3A_259 : i32
    %lt3A_261 = arith.constant 0 : i32
    %lt3A_262 = arith.cmpi slt, %rem3A_258, %lt3A_261 : i32
    %lt3A_263 = arith.constant 0 : i32
    %lt3A_264 = arith.cmpi slt, %select_n3A_257, %lt3A_263 : i32
    %ne3A_265 = arith.xori %lt3A_262, %lt3A_264 : i1
    %and3A_266 = arith.andi %ne3A_265, %ne3A_260 : i1
    %add3A_267 = arith.addi %rem3A_258, %select_n3A_257 : i32
    %select_n3A_268 = arith.select %and3A_266, %add3A_267, %rem3A_258 : i32
    %eq3A_269 = arith.constant 0 : i32
    %eq3A_270 = arith.cmpi eq, %select_n3A_268, %eq3A_269 : i32
    %and3A_271 = arith.andi %ge3A_251, %eq3A_270 : i1
    %convert_element_type3A_272 = arith.extui %and3A_271 : i1 to i32
    %cond3A_273 = arith.constant 0 : i32
    %cond3A_274 = arith.cmpi ne, %convert_element_type3A_272, %cond3A_273 : i32
    scf.if %cond3A_274 {
      %dma_wait3A_315 = arith.constant 0 : i32
      %dma_wait3A_316 = arith.constant 0 : i32
      %dma_wait3A_317 = tpu.memref_slice %arg25[%dma_wait3A_315, %dma_wait3A_316] : memref<5000x128xf32, #tpu.memory_space<vmem_shared>> -> memref<5000x128xf32, #tpu.memory_space<vmem_shared>>
      tpu.wait_indirect_dma semaphore(%arg33 : memref<!tpu.dma_semaphore, #tpu.memory_space<semaphore_mem>>) src(%arg20 : memref<32x128xf32, #tpu.memory_space<vmem>>) dst(%dma_wait3A_317 : memref<5000x128xf32, #tpu.memory_space<vmem_shared>>)
      %dma_wait3A_318 = arith.constant 0 : i32
      %dma_wait3A_319 = arith.constant 0 : i32
      %dma_wait3A_320 = tpu.memref_slice %arg26[%dma_wait3A_318, %dma_wait3A_319] : memref<5000x128xf32, #tpu.memory_space<vmem_shared>> -> memref<5000x128xf32, #tpu.memory_space<vmem_shared>>
      tpu.wait_indirect_dma semaphore(%arg35 : memref<!tpu.dma_semaphore, #tpu.memory_space<semaphore_mem>>) src(%arg22 : memref<32x128xf32, #tpu.memory_space<vmem>>) dst(%dma_wait3A_320 : memref<5000x128xf32, #tpu.memory_space<vmem_shared>>)
    } else {
    }
    %ge3A_275 = arith.constant 1 : i32
    %ge3A_276 = arith.cmpi sge, %select_n3A, %ge3A_275 : i32
    %sub3A_277 = arith.constant 1 : i32
    %sub3A_278 = arith.subi %select_n3A, %sub3A_277 : i32
    %jit3A_279 = arith.constant 2 : i32
    %eq3A_280 = arith.constant 0 : i32
    %eq3A_281 = arith.cmpi eq, %jit3A_279, %eq3A_280 : i32
    %jit3A_282 = arith.constant 1 : i32
    %select_n3A_283 = arith.select %eq3A_281, %jit3A_282, %jit3A_279 : i32
    %rem3A_284 = arith.remsi %sub3A_278, %select_n3A_283 : i32
    %ne3A_285 = arith.constant 0 : i32
    %ne3A_286 = arith.cmpi ne, %rem3A_284, %ne3A_285 : i32
    %lt3A_287 = arith.constant 0 : i32
    %lt3A_288 = arith.cmpi slt, %rem3A_284, %lt3A_287 : i32
    %lt3A_289 = arith.constant 0 : i32
    %lt3A_290 = arith.cmpi slt, %select_n3A_283, %lt3A_289 : i32
    %ne3A_291 = arith.xori %lt3A_288, %lt3A_290 : i1
    %and3A_292 = arith.andi %ne3A_291, %ne3A_286 : i1
    %add3A_293 = arith.addi %rem3A_284, %select_n3A_283 : i32
    %select_n3A_294 = arith.select %and3A_292, %add3A_293, %rem3A_284 : i32
    %eq3A_295 = arith.constant 1 : i32
    %eq3A_296 = arith.cmpi eq, %select_n3A_294, %eq3A_295 : i32
    %and3A_297 = arith.andi %ge3A_276, %eq3A_296 : i1
    %convert_element_type3A_298 = arith.extui %and3A_297 : i1 to i32
    %cond3A_299 = arith.constant 0 : i32
    %cond3A_300 = arith.cmpi ne, %convert_element_type3A_298, %cond3A_299 : i32
    scf.if %cond3A_300 {
      %dma_wait3A_315 = arith.constant 0 : i32
      %dma_wait3A_316 = arith.constant 0 : i32
      %dma_wait3A_317 = tpu.memref_slice %arg25[%dma_wait3A_315, %dma_wait3A_316] : memref<5000x128xf32, #tpu.memory_space<vmem_shared>> -> memref<5000x128xf32, #tpu.memory_space<vmem_shared>>
      tpu.wait_indirect_dma semaphore(%arg34 : memref<!tpu.dma_semaphore, #tpu.memory_space<semaphore_mem>>) src(%arg21 : memref<32x128xf32, #tpu.memory_space<vmem>>) dst(%dma_wait3A_317 : memref<5000x128xf32, #tpu.memory_space<vmem_shared>>)
      %dma_wait3A_318 = arith.constant 0 : i32
      %dma_wait3A_319 = arith.constant 0 : i32
      %dma_wait3A_320 = tpu.memref_slice %arg26[%dma_wait3A_318, %dma_wait3A_319] : memref<5000x128xf32, #tpu.memory_space<vmem_shared>> -> memref<5000x128xf32, #tpu.memory_space<vmem_shared>>
      tpu.wait_indirect_dma semaphore(%arg36 : memref<!tpu.dma_semaphore, #tpu.memory_space<semaphore_mem>>) src(%arg23 : memref<32x128xf32, #tpu.memory_space<vmem>>) dst(%dma_wait3A_320 : memref<5000x128xf32, #tpu.memory_space<vmem_shared>>)
    } else {
    }
    %barrier3A_301 = arith.constant 0 : index
    tpu.barrier barrier_id(%barrier3A_301)
    %lt3A_302 = arith.constant 5 : i32
    %lt3A_303 = arith.cmpi slt, %arg1, %lt3A_302 : i32
    %convert_element_type3A_304 = arith.extui %lt3A_303 : i1 to i32
    %cond3A_305 = arith.constant 0 : i32
    %cond3A_306 = arith.cmpi ne, %convert_element_type3A_304, %cond3A_305 : i32
    scf.if %cond3A_306 {
      %mul3A_315 = arith.constant 1000 : i32
      %mul3A_316 = arith.muli %arg1, %mul3A_315 : i32
      %mul3A_317 = arith.constant 5000 : i32
      %mul3A_318 = arith.muli %arg0, %mul3A_317 : i32
      %mul3A_319 = arith.constant 1000 : i32
      %mul3A_320 = arith.muli %arg1, %mul3A_319 : i32
      %add3A_321 = arith.addi %mul3A_318, %mul3A_320 : i32
      "tpu.region"() ({
        %run_scoped3A = tpu.sem_alloc : memref<!tpu.dma_semaphore, #tpu.memory_space<semaphore_mem>>
        %dma_start3A_322 = arith.constant 0 : i32
        %dma_start3A_323 = tpu.memref_slice %arg8[%add3A_321, %dma_start3A_322] : memref<10000x128xf32, #tpu.memory_space<hbm>> -> memref<1000x128xf32, #tpu.memory_space<hbm>>
        %dma_start3A_324 = arith.constant 0 : i32
        %dma_start3A_325 = tpu.memref_slice %arg25[%mul3A_316, %dma_start3A_324] : memref<5000x128xf32, #tpu.memory_space<vmem_shared>> -> memref<1000x128xf32, #tpu.memory_space<vmem_shared>>
        tpu.enqueue_dma source(%dma_start3A_325 : memref<1000x128xf32, #tpu.memory_space<vmem_shared>>) target(%dma_start3A_323 : memref<1000x128xf32, #tpu.memory_space<hbm>>) target_semaphore(%run_scoped3A : memref<!tpu.dma_semaphore, #tpu.memory_space<semaphore_mem>>)
        %dma_wait3A_326 = arith.constant 0 : i32
        %dma_wait3A_327 = tpu.memref_slice %arg8[%add3A_321, %dma_wait3A_326] : memref<10000x128xf32, #tpu.memory_space<hbm>> -> memref<1000x128xf32, #tpu.memory_space<hbm>>
        %dma_wait3A_328 = arith.constant 0 : i32
        %dma_wait3A_329 = tpu.memref_slice %arg25[%mul3A_316, %dma_wait3A_328] : memref<5000x128xf32, #tpu.memory_space<vmem_shared>> -> memref<1000x128xf32, #tpu.memory_space<vmem_shared>>
        tpu.wait_dma2 semaphore(%run_scoped3A : memref<!tpu.dma_semaphore, #tpu.memory_space<semaphore_mem>>) src(%dma_wait3A_329 : memref<1000x128xf32, #tpu.memory_space<vmem_shared>>) dst(%dma_wait3A_327 : memref<1000x128xf32, #tpu.memory_space<hbm>>)
        tpu.yield
      }) : () -> ()
    } else {
    }
    %ge3A_307 = arith.constant 5 : i32
    %ge3A_308 = arith.cmpi sge, %arg1, %ge3A_307 : i32
    %lt3A_309 = arith.constant 10 : i32
    %lt3A_310 = arith.cmpi slt, %arg1, %lt3A_309 : i32
    %and3A_311 = arith.andi %ge3A_308, %lt3A_310 : i1
    %convert_element_type3A_312 = arith.extui %and3A_311 : i1 to i32
    %cond3A_313 = arith.constant 0 : i32
    %cond3A_314 = arith.cmpi ne, %convert_element_type3A_312, %cond3A_313 : i32
    scf.if %cond3A_314 {
      %sub3A_315 = arith.constant 5 : i32
      %sub3A_316 = arith.subi %arg1, %sub3A_315 : i32
      %mul3A_317 = arith.constant 1000 : i32
      %mul3A_318 = arith.muli %sub3A_316, %mul3A_317 : i32
      %mul3A_319 = arith.constant 5000 : i32
      %mul3A_320 = arith.muli %arg0, %mul3A_319 : i32
      %sub3A_321 = arith.constant 5 : i32
      %sub3A_322 = arith.subi %arg1, %sub3A_321 : i32
      %mul3A_323 = arith.constant 1000 : i32
      %mul3A_324 = arith.muli %sub3A_322, %mul3A_323 : i32
      %add3A_325 = arith.addi %mul3A_320, %mul3A_324 : i32
      "tpu.region"() ({
        %run_scoped3A = tpu.sem_alloc : memref<!tpu.dma_semaphore, #tpu.memory_space<semaphore_mem>>
        %dma_start3A_326 = arith.constant 0 : i32
        %dma_start3A_327 = tpu.memref_slice %arg9[%add3A_325, %dma_start3A_326] : memref<10000x128xf32, #tpu.memory_space<hbm>> -> memref<1000x128xf32, #tpu.memory_space<hbm>>
        %dma_start3A_328 = arith.constant 0 : i32
        %dma_start3A_329 = tpu.memref_slice %arg26[%mul3A_318, %dma_start3A_328] : memref<5000x128xf32, #tpu.memory_space<vmem_shared>> -> memref<1000x128xf32, #tpu.memory_space<vmem_shared>>
        tpu.enqueue_dma source(%dma_start3A_329 : memref<1000x128xf32, #tpu.memory_space<vmem_shared>>) target(%dma_start3A_327 : memref<1000x128xf32, #tpu.memory_space<hbm>>) target_semaphore(%run_scoped3A : memref<!tpu.dma_semaphore, #tpu.memory_space<semaphore_mem>>)
        %dma_wait3A_330 = arith.constant 0 : i32
        %dma_wait3A_331 = tpu.memref_slice %arg9[%add3A_325, %dma_wait3A_330] : memref<10000x128xf32, #tpu.memory_space<hbm>> -> memref<1000x128xf32, #tpu.memory_space<hbm>>
        %dma_wait3A_332 = arith.constant 0 : i32
        %dma_wait3A_333 = tpu.memref_slice %arg26[%mul3A_318, %dma_wait3A_332] : memref<5000x128xf32, #tpu.memory_space<vmem_shared>> -> memref<1000x128xf32, #tpu.memory_space<vmem_shared>>
        tpu.wait_dma2 semaphore(%run_scoped3A : memref<!tpu.dma_semaphore, #tpu.memory_space<semaphore_mem>>) src(%dma_wait3A_333 : memref<1000x128xf32, #tpu.memory_space<vmem_shared>>) dst(%dma_wait3A_331 : memref<1000x128xf32, #tpu.memory_space<hbm>>)
        tpu.yield
      }) : () -> ()
    } else {
    }
    return
  }
}

module attributes {stable_mosaic.version = 14 : i64} {
  func.func @_tc_pre_body(%arg0: i32, %arg1: memref<1000x128xf32, #tpu.memory_space<vmem>>, %arg2: memref<1000x128xf32, #tpu.memory_space<vmem>>, %arg3: memref<128x128xf32, #tpu.memory_space<vmem>>, %arg4: memref<128xf32, #tpu.memory_space<vmem>>, %arg5: memref<128x128xf32, #tpu.memory_space<vmem>>, %arg6: memref<128xf32, #tpu.memory_space<vmem>>, %arg7: memref<128xf32, #tpu.memory_space<vmem>>, %arg8: memref<128xf32, #tpu.memory_space<vmem>>, %arg9: memref<1000x128xf32, #tpu.memory_space<vmem>>, %arg10: memref<1000x128xf32, #tpu.memory_space<vmem>>) attributes {dimension_semantics = [#tpu.dimension_semantics<arbitrary>], iteration_bounds = array<i64: 10>, scalar_prefetch = 0 : i64, scratch_operands = 0 : i64, tpu.core_type = #tpu.core_type<tc>, window_params = [{transform_indices = @transform_0, window_bounds = array<i64: 1000, 128>}, {transform_indices = @transform_1, window_bounds = array<i64: 1000, 128>}, {pipeline_mode = #tpu.pipeline_mode<synchronous>, transform_indices = @transform_2, window_bounds = array<i64: 128, 128>}, {pipeline_mode = #tpu.pipeline_mode<synchronous>, transform_indices = @transform_3, window_bounds = array<i64: 128>}, {pipeline_mode = #tpu.pipeline_mode<synchronous>, transform_indices = @transform_4, window_bounds = array<i64: 128, 128>}, {pipeline_mode = #tpu.pipeline_mode<synchronous>, transform_indices = @transform_5, window_bounds = array<i64: 128>}, {pipeline_mode = #tpu.pipeline_mode<synchronous>, transform_indices = @transform_6, window_bounds = array<i64: 128>}, {pipeline_mode = #tpu.pipeline_mode<synchronous>, transform_indices = @transform_7, window_bounds = array<i64: 128>}, {transform_indices = @transform_8, window_bounds = array<i64: 1000, 128>}, {transform_indices = @transform_9, window_bounds = array<i64: 1000, 128>}]} {
    %get3A = arith.constant 0 : index
    %get3A_0 = arith.constant 0 : index
    %get3A_1 = vector.load %arg1[%get3A, %get3A_0] : memref<1000x128xf32, #tpu.memory_space<vmem>>, vector<1000x128xf32>
    %reduce_sum3A = arith.constant dense<0.000000e+00> : vector<1000xf32>
    %reduce_sum3A_2 = vector.multi_reduction <add>, %get3A_1, %reduce_sum3A [1] : vector<1000x128xf32> to vector<1000xf32>
    %broadcast_in_dim3A = vector.shape_cast %reduce_sum3A_2 : vector<1000xf32> to vector<1000x1xf32>
    %div3A = arith.constant 1.280000e+02 : f32
    %div3A_3 = vector.broadcast %div3A : f32 to vector<1000x1xf32>
    %div3A_4 = arith.divf %broadcast_in_dim3A, %div3A_3 : vector<1000x1xf32>
    %sub3A = vector.broadcast %div3A_4 : vector<1000x1xf32> to vector<1000x128xf32>
    %sub3A_5 = arith.subf %get3A_1, %sub3A : vector<1000x128xf32>
    %integer_pow3A = arith.mulf %sub3A_5, %sub3A_5 : vector<1000x128xf32>
    %reduce_sum3A_6 = arith.constant dense<0.000000e+00> : vector<1000xf32>
    %reduce_sum3A_7 = vector.multi_reduction <add>, %integer_pow3A, %reduce_sum3A_6 [1] : vector<1000x128xf32> to vector<1000xf32>
    %broadcast_in_dim3A_8 = vector.shape_cast %reduce_sum3A_7 : vector<1000xf32> to vector<1000x1xf32>
    %div3A_9 = arith.constant 1.280000e+02 : f32
    %div3A_10 = vector.broadcast %div3A_9 : f32 to vector<1000x1xf32>
    %div3A_11 = arith.divf %broadcast_in_dim3A_8, %div3A_10 : vector<1000x1xf32>
    %sub3A_12 = vector.broadcast %div3A_4 : vector<1000x1xf32> to vector<1000x128xf32>
    %sub3A_13 = arith.subf %get3A_1, %sub3A_12 : vector<1000x128xf32>
    %add3A = arith.constant 9.99999974E-6 : f32
    %add3A_14 = vector.broadcast %add3A : f32 to vector<1000x1xf32>
    %add3A_15 = arith.addf %div3A_11, %add3A_14 : vector<1000x1xf32>
    %sqrt3A = math.sqrt %add3A_15 : vector<1000x1xf32>
    %div3A_16 = vector.broadcast %sqrt3A : vector<1000x1xf32> to vector<1000x128xf32>
    %div3A_17 = arith.divf %sub3A_13, %div3A_16 : vector<1000x128xf32>
    %get3A_18 = arith.constant 0 : index
    %get3A_19 = vector.load %arg7[%get3A_18] : memref<128xf32, #tpu.memory_space<vmem>>, vector<128xf32>
    %broadcast_in_dim3A_20 = vector.shape_cast %get3A_19 : vector<128xf32> to vector<1x128xf32>
    %mul3A = vector.broadcast %broadcast_in_dim3A_20 : vector<1x128xf32> to vector<1000x128xf32>
    %mul3A_21 = arith.mulf %div3A_17, %mul3A : vector<1000x128xf32>
    %get3A_22 = arith.constant 0 : index
    %get3A_23 = vector.load %arg8[%get3A_22] : memref<128xf32, #tpu.memory_space<vmem>>, vector<128xf32>
    %broadcast_in_dim3A_24 = vector.shape_cast %get3A_23 : vector<128xf32> to vector<1x128xf32>
    %add3A_25 = vector.broadcast %broadcast_in_dim3A_24 : vector<1x128xf32> to vector<1000x128xf32>
    %add3A_26 = arith.addf %mul3A_21, %add3A_25 : vector<1000x128xf32>
    %max3A = arith.constant 0.000000e+00 : f32
    %max3A_27 = vector.broadcast %max3A : f32 to vector<1000x128xf32>
    %max3A_28 = arith.maximumf %add3A_26, %max3A_27 : vector<1000x128xf32>
    %get3A_29 = arith.constant 0 : index
    %get3A_30 = arith.constant 0 : index
    %get3A_31 = vector.load %arg5[%get3A_29, %get3A_30] : memref<128x128xf32, #tpu.memory_space<vmem>>, vector<128x128xf32>
    %transpose3A = tpu.transpose %get3A_31, [1, 0] : vector<128x128xf32> -> vector<128x128xf32>
    %dot_general3A = arith.constant dense<0.000000e+00> : vector<1000x128xf32>
    %dot_general3A_32 = tpu.matmul %max3A_28, %transpose3A, %dot_general3A {dimension_numbers = #tpu.dot_dimension_numbers<[1], [0], [0], [1], [0, 0, 1, 1], [], []>, transpose_lhs_hint = false} : vector<1000x128xf32>, vector<128x128xf32>, vector<1000x128xf32> -> vector<1000x128xf32>
    %get3A_33 = arith.constant 0 : index
    %get3A_34 = vector.load %arg6[%get3A_33] : memref<128xf32, #tpu.memory_space<vmem>>, vector<128xf32>
    %broadcast_in_dim3A_35 = vector.shape_cast %get3A_34 : vector<128xf32> to vector<1x128xf32>
    %add3A_36 = vector.broadcast %broadcast_in_dim3A_35 : vector<1x128xf32> to vector<1000x128xf32>
    %add3A_37 = arith.addf %dot_general3A_32, %add3A_36 : vector<1000x128xf32>
    %swap3A = arith.constant 0 : index
    %swap3A_38 = arith.constant 0 : index
    %swap3A_39 = vector.load %arg10[%swap3A, %swap3A_38] : memref<1000x128xf32, #tpu.memory_space<vmem>>, vector<1000x128xf32>
    tpu.vector_store %arg10[%swap3A, %swap3A_38], %add3A_37 {strides = array<i32>} : memref<1000x128xf32, #tpu.memory_space<vmem>>, vector<1000x128xf32>,
    %get3A_40 = arith.constant 0 : index
    %get3A_41 = arith.constant 0 : index
    %get3A_42 = vector.load %arg2[%get3A_40, %get3A_41] : memref<1000x128xf32, #tpu.memory_space<vmem>>, vector<1000x128xf32>
    %get3A_43 = arith.constant 0 : index
    %get3A_44 = arith.constant 0 : index
    %get3A_45 = vector.load %arg3[%get3A_43, %get3A_44] : memref<128x128xf32, #tpu.memory_space<vmem>>, vector<128x128xf32>
    %transpose3A_46 = tpu.transpose %get3A_45, [1, 0] : vector<128x128xf32> -> vector<128x128xf32>
    %dot_general3A_47 = arith.constant dense<0.000000e+00> : vector<1000x128xf32>
    %dot_general3A_48 = tpu.matmul %get3A_42, %transpose3A_46, %dot_general3A_47 {dimension_numbers = #tpu.dot_dimension_numbers<[1], [0], [0], [1], [0, 0, 1, 1], [], []>, transpose_lhs_hint = false} : vector<1000x128xf32>, vector<128x128xf32>, vector<1000x128xf32> -> vector<1000x128xf32>
    %get3A_49 = arith.constant 0 : index
    %get3A_50 = vector.load %arg4[%get3A_49] : memref<128xf32, #tpu.memory_space<vmem>>, vector<128xf32>
    %broadcast_in_dim3A_51 = vector.shape_cast %get3A_50 : vector<128xf32> to vector<1x128xf32>
    %add3A_52 = vector.broadcast %broadcast_in_dim3A_51 : vector<1x128xf32> to vector<1000x128xf32>
    %add3A_53 = arith.addf %dot_general3A_48, %add3A_52 : vector<1000x128xf32>
    %swap3A_54 = arith.constant 0 : index
    %swap3A_55 = arith.constant 0 : index
    %swap3A_56 = vector.load %arg9[%swap3A_54, %swap3A_55] : memref<1000x128xf32, #tpu.memory_space<vmem>>, vector<1000x128xf32>
    tpu.vector_store %arg9[%swap3A_54, %swap3A_55], %add3A_53 {strides = array<i32>} : memref<1000x128xf32, #tpu.memory_space<vmem>>, vector<1000x128xf32>,
    return
  }
  func.func @transform_0(%arg0: i32) -> (i32, i32) {
    %c0_i32 = arith.constant 0 : i32
    %c0_i32_0 = arith.constant 0 : i32
    return %arg0, %c0_i32 : i32, i32
  }
  func.func @transform_1(%arg0: i32) -> (i32, i32) {
    %c0_i32 = arith.constant 0 : i32
    %c0_i32_0 = arith.constant 0 : i32
    return %arg0, %c0_i32 : i32, i32
  }
  func.func @transform_2(%arg0: i32) -> (i32, i32) {
    %c0_i32 = arith.constant 0 : i32
    %c0_i32_0 = arith.constant 0 : i32
    %c0_i32_1 = arith.constant 0 : i32
    return %c0_i32, %c0_i32_0 : i32, i32
  }
  func.func @transform_3(%arg0: i32) -> i32 {
    %c0_i32 = arith.constant 0 : i32
    %c0_i32_0 = arith.constant 0 : i32
    return %c0_i32 : i32
  }
  func.func @transform_4(%arg0: i32) -> (i32, i32) {
    %c0_i32 = arith.constant 0 : i32
    %c0_i32_0 = arith.constant 0 : i32
    %c0_i32_1 = arith.constant 0 : i32
    return %c0_i32, %c0_i32_0 : i32, i32
  }
  func.func @transform_5(%arg0: i32) -> i32 {
    %c0_i32 = arith.constant 0 : i32
    %c0_i32_0 = arith.constant 0 : i32
    return %c0_i32 : i32
  }
  func.func @transform_6(%arg0: i32) -> i32 {
    %c0_i32 = arith.constant 0 : i32
    %c0_i32_0 = arith.constant 0 : i32
    return %c0_i32 : i32
  }
  func.func @transform_7(%arg0: i32) -> i32 {
    %c0_i32 = arith.constant 0 : i32
    %c0_i32_0 = arith.constant 0 : i32
    return %c0_i32 : i32
  }
  func.func @transform_8(%arg0: i32) -> (i32, i32) {
    %c0_i32 = arith.constant 0 : i32
    %c0_i32_0 = arith.constant 0 : i32
    return %arg0, %c0_i32 : i32, i32
  }
  func.func @transform_9(%arg0: i32) -> (i32, i32) {
    %c0_i32 = arith.constant 0 : i32
    %c0_i32_0 = arith.constant 0 : i32
    return %arg0, %c0_i32 : i32, i32
  }
}

module attributes {stable_mosaic.version = 14 : i64} {
  func.func @_tc_post_body(%arg0: i32, %arg1: memref<1000x128xf32, #tpu.memory_space<vmem>>, %arg2: memref<1000x128xf32, #tpu.memory_space<vmem>>, %arg3: memref<1000x128xf32, #tpu.memory_space<vmem>>, %arg4: memref<128xf32, #tpu.memory_space<vmem>>, %arg5: memref<128xf32, #tpu.memory_space<vmem>>, %arg6: memref<128xf32, #tpu.memory_space<vmem>>, %arg7: memref<128x128xf32, #tpu.memory_space<vmem>>, %arg8: memref<128xf32, #tpu.memory_space<vmem>>, %arg9: memref<1000x128xf32, #tpu.memory_space<vmem>>) attributes {dimension_semantics = [#tpu.dimension_semantics<arbitrary>], iteration_bounds = array<i64: 10>, scalar_prefetch = 0 : i64, scratch_operands = 0 : i64, tpu.core_type = #tpu.core_type<tc>, window_params = [{transform_indices = @transform_0, window_bounds = array<i64: 1000, 128>}, {transform_indices = @transform_1, window_bounds = array<i64: 1000, 128>}, {transform_indices = @transform_2, window_bounds = array<i64: 1000, 128>}, {pipeline_mode = #tpu.pipeline_mode<synchronous>, transform_indices = @transform_3, window_bounds = array<i64: 128>}, {pipeline_mode = #tpu.pipeline_mode<synchronous>, transform_indices = @transform_4, window_bounds = array<i64: 128>}, {pipeline_mode = #tpu.pipeline_mode<synchronous>, transform_indices = @transform_5, window_bounds = array<i64: 128>}, {pipeline_mode = #tpu.pipeline_mode<synchronous>, transform_indices = @transform_6, window_bounds = array<i64: 128, 128>}, {pipeline_mode = #tpu.pipeline_mode<synchronous>, transform_indices = @transform_7, window_bounds = array<i64: 128>}, {transform_indices = @transform_8, window_bounds = array<i64: 1000, 128>}]} {
    %get3A = arith.constant 0 : index
    %get3A_0 = arith.constant 0 : index
    %get3A_1 = vector.load %arg1[%get3A, %get3A_0] : memref<1000x128xf32, #tpu.memory_space<vmem>>, vector<1000x128xf32>
    %get3A_2 = arith.constant 0 : index
    %get3A_3 = arith.constant 0 : index
    %get3A_4 = vector.load %arg2[%get3A_2, %get3A_3] : memref<1000x128xf32, #tpu.memory_space<vmem>>, vector<1000x128xf32>
    %add3A = arith.constant 1.000000e-16 : f32
    %add3A_5 = vector.broadcast %add3A : f32 to vector<1000x128xf32>
    %add3A_6 = arith.addf %get3A_4, %add3A_5 : vector<1000x128xf32>
    %div3A = arith.divf %get3A_1, %add3A_6 : vector<1000x128xf32>
    %get3A_7 = arith.constant 0 : index
    %get3A_8 = vector.load %arg4[%get3A_7] : memref<128xf32, #tpu.memory_space<vmem>>, vector<128xf32>
    %broadcast_in_dim3A = vector.shape_cast %get3A_8 : vector<128xf32> to vector<1x128xf32>
    %add3A_9 = vector.broadcast %broadcast_in_dim3A : vector<1x128xf32> to vector<1000x128xf32>
    %add3A_10 = arith.addf %div3A, %add3A_9 : vector<1000x128xf32>
    %get3A_11 = arith.constant 0 : index
    %get3A_12 = arith.constant 0 : index
    %get3A_13 = vector.load %arg3[%get3A_11, %get3A_12] : memref<1000x128xf32, #tpu.memory_space<vmem>>, vector<1000x128xf32>
    %add3A_14 = arith.addf %get3A_13, %add3A_10 : vector<1000x128xf32>
    %reduce_sum3A = arith.constant dense<0.000000e+00> : vector<1000xf32>
    %reduce_sum3A_15 = vector.multi_reduction <add>, %add3A_14, %reduce_sum3A [1] : vector<1000x128xf32> to vector<1000xf32>
    %broadcast_in_dim3A_16 = vector.shape_cast %reduce_sum3A_15 : vector<1000xf32> to vector<1000x1xf32>
    %div3A_17 = arith.constant 1.280000e+02 : f32
    %div3A_18 = vector.broadcast %div3A_17 : f32 to vector<1000x1xf32>
    %div3A_19 = arith.divf %broadcast_in_dim3A_16, %div3A_18 : vector<1000x1xf32>
    %sub3A = vector.broadcast %div3A_19 : vector<1000x1xf32> to vector<1000x128xf32>
    %sub3A_20 = arith.subf %add3A_14, %sub3A : vector<1000x128xf32>
    %integer_pow3A = arith.mulf %sub3A_20, %sub3A_20 : vector<1000x128xf32>
    %reduce_sum3A_21 = arith.constant dense<0.000000e+00> : vector<1000xf32>
    %reduce_sum3A_22 = vector.multi_reduction <add>, %integer_pow3A, %reduce_sum3A_21 [1] : vector<1000x128xf32> to vector<1000xf32>
    %broadcast_in_dim3A_23 = vector.shape_cast %reduce_sum3A_22 : vector<1000xf32> to vector<1000x1xf32>
    %div3A_24 = arith.constant 1.280000e+02 : f32
    %div3A_25 = vector.broadcast %div3A_24 : f32 to vector<1000x1xf32>
    %div3A_26 = arith.divf %broadcast_in_dim3A_23, %div3A_25 : vector<1000x1xf32>
    %sub3A_27 = vector.broadcast %div3A_19 : vector<1000x1xf32> to vector<1000x128xf32>
    %sub3A_28 = arith.subf %add3A_14, %sub3A_27 : vector<1000x128xf32>
    %add3A_29 = arith.constant 9.99999974E-6 : f32
    %add3A_30 = vector.broadcast %add3A_29 : f32 to vector<1000x1xf32>
    %add3A_31 = arith.addf %div3A_26, %add3A_30 : vector<1000x1xf32>
    %sqrt3A = math.sqrt %add3A_31 : vector<1000x1xf32>
    %div3A_32 = vector.broadcast %sqrt3A : vector<1000x1xf32> to vector<1000x128xf32>
    %div3A_33 = arith.divf %sub3A_28, %div3A_32 : vector<1000x128xf32>
    %get3A_34 = arith.constant 0 : index
    %get3A_35 = vector.load %arg5[%get3A_34] : memref<128xf32, #tpu.memory_space<vmem>>, vector<128xf32>
    %broadcast_in_dim3A_36 = vector.shape_cast %get3A_35 : vector<128xf32> to vector<1x128xf32>
    %mul3A = vector.broadcast %broadcast_in_dim3A_36 : vector<1x128xf32> to vector<1000x128xf32>
    %mul3A_37 = arith.mulf %div3A_33, %mul3A : vector<1000x128xf32>
    %get3A_38 = arith.constant 0 : index
    %get3A_39 = vector.load %arg6[%get3A_38] : memref<128xf32, #tpu.memory_space<vmem>>, vector<128xf32>
    %broadcast_in_dim3A_40 = vector.shape_cast %get3A_39 : vector<128xf32> to vector<1x128xf32>
    %add3A_41 = vector.broadcast %broadcast_in_dim3A_40 : vector<1x128xf32> to vector<1000x128xf32>
    %add3A_42 = arith.addf %mul3A_37, %add3A_41 : vector<1000x128xf32>
    %max3A = arith.constant 0.000000e+00 : f32
    %max3A_43 = vector.broadcast %max3A : f32 to vector<1000x128xf32>
    %max3A_44 = arith.maximumf %add3A_42, %max3A_43 : vector<1000x128xf32>
    %get3A_45 = arith.constant 0 : index
    %get3A_46 = arith.constant 0 : index
    %get3A_47 = vector.load %arg7[%get3A_45, %get3A_46] : memref<128x128xf32, #tpu.memory_space<vmem>>, vector<128x128xf32>
    %transpose3A = tpu.transpose %get3A_47, [1, 0] : vector<128x128xf32> -> vector<128x128xf32>
    %dot_general3A = arith.constant dense<0.000000e+00> : vector<1000x128xf32>
    %dot_general3A_48 = tpu.matmul %max3A_44, %transpose3A, %dot_general3A {dimension_numbers = #tpu.dot_dimension_numbers<[1], [0], [0], [1], [0, 0, 1, 1], [], []>, transpose_lhs_hint = false} : vector<1000x128xf32>, vector<128x128xf32>, vector<1000x128xf32> -> vector<1000x128xf32>
    %add3A_49 = arith.addf %add3A_14, %dot_general3A_48 : vector<1000x128xf32>
    %get3A_50 = arith.constant 0 : index
    %get3A_51 = vector.load %arg8[%get3A_50] : memref<128xf32, #tpu.memory_space<vmem>>, vector<128xf32>
    %broadcast_in_dim3A_52 = vector.shape_cast %get3A_51 : vector<128xf32> to vector<1x128xf32>
    %add3A_53 = vector.broadcast %broadcast_in_dim3A_52 : vector<1x128xf32> to vector<1000x128xf32>
    %add3A_54 = arith.addf %add3A_49, %add3A_53 : vector<1000x128xf32>
    %swap3A = arith.constant 0 : index
    %swap3A_55 = arith.constant 0 : index
    %swap3A_56 = vector.load %arg9[%swap3A, %swap3A_55] : memref<1000x128xf32, #tpu.memory_space<vmem>>, vector<1000x128xf32>
    tpu.vector_store %arg9[%swap3A, %swap3A_55], %add3A_54 {strides = array<i32>} : memref<1000x128xf32, #tpu.memory_space<vmem>>, vector<1000x128xf32>,
    return
  }
  func.func @transform_0(%arg0: i32) -> (i32, i32) {
    %c0_i32 = arith.constant 0 : i32
    %c0_i32_0 = arith.constant 0 : i32
    return %arg0, %c0_i32 : i32, i32
  }
  func.func @transform_1(%arg0: i32) -> (i32, i32) {
    %c0_i32 = arith.constant 0 : i32
    %c0_i32_0 = arith.constant 0 : i32
    return %arg0, %c0_i32 : i32, i32
  }
  func.func @transform_2(%arg0: i32) -> (i32, i32) {
    %c0_i32 = arith.constant 0 : i32
    %c0_i32_0 = arith.constant 0 : i32
    return %arg0, %c0_i32 : i32, i32
  }
  func.func @transform_3(%arg0: i32) -> i32 {
    %c0_i32 = arith.constant 0 : i32
    %c0_i32_0 = arith.constant 0 : i32
    return %c0_i32 : i32
  }
  func.func @transform_4(%arg0: i32) -> i32 {
    %c0_i32 = arith.constant 0 : i32
    %c0_i32_0 = arith.constant 0 : i32
    return %c0_i32 : i32
  }
  func.func @transform_5(%arg0: i32) -> i32 {
    %c0_i32 = arith.constant 0 : i32
    %c0_i32_0 = arith.constant 0 : i32
    return %c0_i32 : i32
  }
  func.func @transform_6(%arg0: i32) -> (i32, i32) {
    %c0_i32 = arith.constant 0 : i32
    %c0_i32_0 = arith.constant 0 : i32
    %c0_i32_1 = arith.constant 0 : i32
    return %c0_i32, %c0_i32_0 : i32, i32
  }
  func.func @transform_7(%arg0: i32) -> i32 {
    %c0_i32 = arith.constant 0 : i32
    %c0_i32_0 = arith.constant 0 : i32
    return %c0_i32 : i32
  }
  func.func @transform_8(%arg0: i32) -> (i32, i32) {
    %c0_i32 = arith.constant 0 : i32
    %c0_i32_0 = arith.constant 0 : i32
    return %arg0, %c0_i32 : i32, i32
  }
}

</mosaic_0001>

<sc_bundles>
// kernel: kernel.5.cloned.1.call-start
scs
__scs_entry_jumppad:
0x0: {  	(pc) =	sbr.rel $0x88, $3  }
0x1: {  	(tag) =	ssettag $0x0;
	lr =	simm.s32 $0x1  }
0x2: {  	[smem:$0x3F92] =	sst lr;
	_ =	strace $0xD0000000  }
0x3: {  	_ = 	snop  }
0x4: {  	_ = 	snop  }
0x5: {  	_ = 	snop  }
0x6: {  	_ = 	snop  }
0x7: {  	_ = 	snop  }
__scs_overlays_trampoline_lowered:
0x8: {  	[smem:$0x3FA1] =	sst s0  }
0x9: {  	[smem:$0x3FA2] =	sst s1  }
0xa: {  	[smem:$0x3FA3] =	sst s2  }
0xb: {  	[smem:$0x3FA4] =	sst s3  }
0xc: {  	[smem:$0x3FA5] =	sst s4  }
0xd: {  	[smem:$0x3FA6] =	sst s5  }
0xe: {  	[smem:$0x3FA7] =	sst s6  }
0xf: {  	[smem:$0x3FA8] =	sst s7  }
0x10: {  	[smem:$0x3FA9] =	sst s8  }
0x11: {  	[smem:$0x3FAA] =	sst s9;
	s0 =	simm.s32 @!p0 $0x0  }
0x12: {  	s1 =	sld [smem:$0x3F90];
	s0 =	simm.s32 @p0 $0x1  }
0x13: {  	[smem:$0x3FAB] =	sst s0;
	s0 =	simm.s32 @!p1 $0x0  }
0x14: {  	s2 =	sld [smem:$0x3F8F];
	s0 =	simm.s32 @p1 $0x1  }
0x15: {  	[smem:$0x3FAC] =	sst s0;
	s0 =	simm.s32 @!p2 $0x0  }
0x16: {  	s3 =	sld [smem:$0x3FDB];
	s0 =	simm.s32 @p2 $0x1  }
0x17: {  	s4 =	simm.s32 $0x1BF5;
	[smem:$0x3FAE] =	sst s0  }
0x18: {  	s0 =	sld [smem:$0x3F91];
	_ =	swait.ge [sflag:s4], $0x0  }
0x19: {  	s7 =	sld [smem:$0x3F92]  }
0x1a: {  	s8 =	sadd.s32 $0xFFFFE003, lr  }
0x1b: {  	s9 =	sadd.s32 $0xFFFFFEF7, lr;
	s5 =	simm.s32 $0xFFFFFFFF;
	p2 =	slt.u32 s8, $0xFFFFF086  }
0x1c: {  	p1 =	slt.u32 s9, $0xF7A;
	s5 =	simm.s32 @!p2 $0x0  }
0x1d: {  	s5 =	simm.s32 @p1 $0x1;
	p0 =	seq.s32 s7, s2  }
0x1e: {  	s7 =	smul.u32 @!p0 $0xF7A, s2;
	p2 =	seq.s32 @!p0 s5, $0x0  }
0x1f: {  	s9 =	smul.u32 $0xF7A, s1;
	s8 =	simm.s32 @!p0 $0x1BF5;
	p2 =	por !p2, p0  }
0x20: {  	[sflag:s8] =	ssyncset.s32 @!p0 $0xFFFFF086;
	s6 =	sadd.s32 @!p0 s3, s7;
	s7 =	simm.s32 @!p0 $0x108  }
0x21: {  	s3 =	sadd.s32 s3, s9;
	s6 =	sadd.s32 @!p0 $0x88, s6;
	s7 =	simm.s32 @p2 $0x1082  }
0x22: {  	[simem:s7], [sflag:s8] =	dma.local @!p0 [hbm:s6], $0xF7A  }
0x23: {  	s9 =	sor.u32 $0xD0000000, s2;
	s6 =	simm.s32 $0x108;
	_ =	swait.ge @!p0 [sflag:s8], $0x0  }
0x24: {  	s3 =	sadd.s32 $0x88, s3;
	s6 =	simm.s32 @!p1 $0x1082;
	[sflag:s4] =	ssyncset.s32 $0xFFFFF086  }
0x25: {  	[simem:s6], [sflag:s4] =	dma.local [hbm:s3], $0xF7A  }
0x26: {  	[smem:$0x3F92] =	sst s1;
	(tag) =	ssettag s2;
	_ =	strace s9  }
0x27: {  	s1 =	sld [smem:$0x3FA2]  }
0x28: {  	s2 =	sld [smem:$0x3FA3]  }
0x29: {  	s4 =	sld [smem:$0x3FA5]  }
0x2a: {  	p0 =	seq.s32 s5, $0x0;
	s5 =	sld [smem:$0x3FA6]  }
0x2b: {  	s6 =	sld [smem:$0x3FA7]  }
0x2c: {  	s7 =	sld [smem:$0x3FA8]  }
0x2d: {  	s3 =	simm.s32 $0x108;
	s8 =	sld [smem:$0x3FA9]  }
0x2e: {  	s3 =	simm.s32 @!p0 $0x1082;
	s9 =	sld [smem:$0x3FAA]  }
0x2f: {  	lr =	sadd.s32 s0, s3;
	s0 =	sld [smem:$0x3FA1]  }
0x30: {  	s3 =	sld [smem:$0x3FA4]  }
0x31: {  	[smem:$0x3FAD] =	sst s10  }
0x32: {  	s10 =	sld [smem:$0x3FAB];
	_ =	sdelay $0x3  }
0x33: {  	p0 =	seq.s32 s10, $0x1;
	s10 =	sld [smem:$0x3FAD];
	_ =	sdelay $0x3  }
0x34: {  	[smem:$0x3FAD] =	sst s10  }
0x35: {  	s10 =	sld [smem:$0x3FAC];
	_ =	sdelay $0x3  }
0x36: {  	p1 =	seq.s32 s10, $0x1;
	s10 =	sld [smem:$0x3FAD];
	_ =	sdelay $0x3  }
0x37: {  	[smem:$0x3FAD] =	sst s10  }
0x38: {  	s10 =	sld [smem:$0x3FAE]  }
0x39: {  	_ = 	snop;
	(pc) =	sbr.ind lr, $3  }
0x3a: {  	_ = 	snop  }
0x3b: {  	_ = 	snop  }
0x3c: {  	p2 =	seq.s32 s10, $0x1;
	s10 =	sld [smem:$0x3FAD]  }
0x3d: {  	_ =	shalt  }
0x3e: {  	_ =	shalt  }
0x3f: {  	_ =	shalt  }
0x40: {  	_ =	shalt  }
0x41: {  	_ =	shalt  }
0x42: {  	_ =	shalt  }
0x43: {  	_ =	shalt  }
0x44: {  	_ =	shalt  }
0x45: {  	_ =	shalt  }
0x46: {  	_ =	shalt  }
0x47: {  	_ =	shalt  }
0x48: {  	_ =	shalt  }
0x49: {  	_ =	shalt  }
0x4a: {  	_ =	shalt  }
0x4b: {  	_ =	shalt  }
0x4c: {  	_ =	shalt  }
0x4d: {  	_ =	shalt  }
0x4e: {  	_ =	shalt  }
0x4f: {  	_ =	shalt  }
0x50: {  	_ =	shalt  }
0x51: {  	_ =	shalt  }
0x52: {  	_ =	shalt  }
0x53: {  	_ =	shalt  }
0x54: {  	_ =	shalt  }
0x55: {  	_ =	shalt  }
0x56: {  	_ =	shalt  }
0x57: {  	_ =	shalt  }
0x58: {  	_ =	shalt  }
0x59: {  	_ =	shalt  }
0x5a: {  	_ =	shalt  }
0x5b: {  	_ =	shalt  }
0x5c: {  	_ =	shalt  }
0x5d: {  	_ =	shalt  }
0x5e: {  	_ =	shalt  }
0x5f: {  	_ =	shalt  }
0x60: {  	_ =	shalt  }
0x61: {  	_ =	shalt  }
0x62: {  	_ =	shalt  }
0x63: {  	_ =	shalt  }
0x64: {  	_ =	shalt  }
0x65: {  	_ =	shalt  }
0x66: {  	_ =	shalt  }
0x67: {  	_ =	shalt  }
0x68: {  	_ =	shalt  }
0x69: {  	_ =	shalt  }
0x6a: {  	_ =	shalt  }
0x6b: {  	_ =	shalt  }
0x6c: {  	_ =	shalt  }
0x6d: {  	_ =	shalt  }
0x6e: {  	_ =	shalt  }
0x6f: {  	_ =	shalt  }
0x70: {  	_ =	shalt  }
0x71: {  	_ =	shalt  }
0x72: {  	_ =	shalt  }
0x73: {  	_ =	shalt  }
0x74: {  	_ =	shalt  }
0x75: {  	_ =	shalt  }
0x76: {  	_ =	shalt  }
0x77: {  	_ =	shalt  }
0x78: {  	_ =	shalt  }
0x79: {  	_ =	shalt  }
0x7a: {  	_ =	shalt  }
0x7b: {  	_ =	shalt  }
0x7c: {  	_ =	shalt  }
0x7d: {  	_ =	shalt  }
0x7e: {  	_ =	shalt  }
0x7f: {  	_ =	shalt  }
0x80: {  	_ =	shalt  }
0x81: {  	_ =	shalt  }
0x82: {  	_ =	shalt  }
0x83: {  	_ =	shalt  }
0x84: {  	_ =	shalt  }
0x85: {  	_ =	shalt  }
0x86: {  	_ =	shalt  }
0x87: {  	_ =	shalt  }
.Lfunc_end0:
.L_simem_size_0:
called_computation_lowered:
.L_overlay_start_0:
0x88: {  	s2 =	sld [smem:$0x3FD9]  }
0x89: {  	s3 =	sld [smem:$0x3FFE];
	_ =	sdelay $0x1  }
0x8a: {  	s1 =	srdreg.scid  }
0x8b: {  	s0 =	sand.u32 $0x1, s1  }
0x8c: {  	s17 =	sshll.u32 s0, $0xA;
	s2 =	sadd.s32 s3, s2  }
0x8d: {  	s2 =	sadd.s32 s2, s17  }
0x8e: {  	[smem:$0x3FB9] =	sst s2  }
0x8f: {  	_ = 	snop  }
0x90: {  	s2 =	sld [smem:$0x3FC0]  }
0x91: {  	s18 =	sld [smem:$0x3FD0];
	(tm) =	ssettm $0x1  }
0x92: {  	s4 =	sld [smem:$0x3FFB];
	_ =	sdelay $0x3  }
0x93: {  	_ =	strace s4  }
0x94: {  	s4 =	sld [smem:$0x3FFC];
	_ =	sdelay $0x3  }
0x95: {  	_ =	strace s4  }
0x96: {  	s4 =	sld [smem:$0x3FFD];
	_ =	sdelay $0x3  }
0x97: {  	_ =	strace s4  }
0x98: {  	_ =	strace $0x8FFFFFFF  }
0x99: {  	s19 =	sld [smem:$0x3FDB];
	_ =	sdelay $0x1  }
0x9a: {  	s5 =	simm.s32 $_scs_section_size  }
0x9b: {  	s6 =	simm.s32 $_size__tile_overlayer_lowered;
	s7 =	simm.s32 $_tile_overlayer_lowered  }
0x9c: {  	s22 =	simm.s32 $0x1BFF;
	s21 =	sshll.u32 s7, $0x1;
	s4 =	sadd.s32 s5, s19  }
0x9d: {  	s8 =	simm.s32 $0x0;
	s20 =	sshll.u32 s6, $0x1;
	s6 =	sadd.s32 s21, s4  }
0x9e: {  	[timem:s8], [sflag:s22] =	dma.local [hbm:s6], s20  }
0x9f: {  	_ =	swait.ge [sflag:s22], s20  }
0xa0: {  	s5 =	ssub.s32 $0x0, s20;
	[sflag:s22] =	ssyncset.done $0x0  }
0xa1: {  	[sflag:s22] =	ssyncadd.s32 s5;
	_ =	sdelay $0x1  }
0xa2: {  	s23 =	simm.s32 $0x1B8B  }
0xa3: {  	_ =	swait.ge [sflag:s23], $0x1  }
0xa4: {  	[sflag:s23] =	ssyncset.done $0x0  }
0xa5: {  	s25 =	simm.s32 $0x1B8E;
	s24 =	sld [smem:$0x3FFE];
	[sflag:s23] =	ssyncadd.s32 $0xFFFFFFFF  }
0xa6: {  	s26 =	simm.s32 $execute0_lowered;
	[smem:$0x3FD2] =	sst s25  }
0xa7: {  	s6 =	sshll.u32 s26, $0x1;
	_ =	strace $0x80000046;
	[dreg:$0x1] =	wrdreg $0xFFFFFFFF  }
0xa8: {  	s28 =	simm.s32 $_size_execute0_lowered;
	s4 =	sadd.s32 s4, s6;
	[dreg:$0x0] =	wrdreg $0x0  }
0xa9: {  	s6 =	sshll.u32 s28, $0x1;
	[dreg:$0x2] =	wrdreg s4  }
0xaa: {  	[dreg:$0x3] =	wrdreg s6  }
0xab: {  	[dreg:$0x4] =	wrdreg $0xC0  }
0xac: {  	_ =	task [dreg:s8], $0x5FFFF  }
0xad: {  	[dreg:$0x1] =	wrdreg $0xFFFFFFFF  }
0xae: {  	[dreg:$0x0] =	wrdreg $0x60  }
0xaf: {  	[dreg:$0x2] =	wrdreg s18  }
0xb0: {  	[dreg:$0x3] =	wrdreg s24  }
0xb1: {  	[dreg:$0x4] =	wrdreg s2  }
0xb2: {  	[dreg:$0x5] =	wrdreg $0x98800  }
0xb3: {  	[dreg:$0x6] =	wrdreg $0x134C00  }
0xb4: {  	[dreg:$0x7] =	wrdreg $0x9  }
0xb5: {  	_ =	task.clear_ibuf [dreg:s8], $0x8FFFF;
	_ =	strace $0x90000046  }
0xb6: {  	s29 =	simm.s32 $0x9;
	_ =	strace $0x80000048  }
0xb7: {  	_ =	swait.ge [sflag:s29], $0x1  }
0xb8: {  	[sflag:s29] =	ssyncadd.s32 $0xFFFFFFFF  }
0xb9: {  	_ =	strace $0x90000048  }
0xba: {  	_ =	sfence  }
0xbb: {  	s30 =	sld [smem:$0x0];
	_ =	sdelay $0x2  }
0xbc: {  	s31 =	sshll.u32 s1, $0xD;
	s1 =	sshrl.u32 s1, $0x2  }
0xbd: {  	s3 =	sand.u32 $0x4000, s31;
	s1 =	sadd.s32 s1, s30  }
0xbe: {  	s0 =	sor.u32 s3, s0;
	s1 =	sshll.u32 s1, $0x11  }
0xbf: {  	s0 =	sor.u32 s1, s0  }
0xc0: {  	s0 =	sadd.s32 $0x8F2B, s0  }
0xc1: {  	[sflag:s0] =	ssyncadd.remote.s32 $0x1  }
0xc2: {  	_ =	sfence.sel $0xFFFF  }
0xc3: {  	[dreg:$0x0] =	wrdreg $0xFFFFFFFF;
	(pc) =	sbr.abs _section_cstart, $3  }
0xc4: {  	[dreg:$0x1] =	wrdreg $0xFFFFFFFF  }
0xc5: {  	_ =	task.clear_ibuf [dreg:s8], $0x2FFFF;
	_ =	strace $0x9FFFFFFF  }
0xc6: {  	(tm) =	ssettm $0x7FFFFFFF  }
0xc7: {  	_ =	shalt  }
tec
execute0_lowered:
.L_overlay_start_1:
0x0: {  	(tag) =	ssettag $0x1  }
0x1: {  	s1 =	rddreg [dreg:$0x0]  }
0x2: {  	s0 =	rddreg [dreg:$0x1]  }
0x3: {  	s28 =	rddreg [dreg:$0x3]  }
0x4: {  	s13 =	rddreg [dreg:$0x4];
	s2 =	simm.s32 $0x0;
	s5 =	stileid.u32  }
0x5: {  	s3 =	srdreg.scid;
	s18 =	simm.s32 $0xB;
	p2 =	por $0x0, $0x0  }
0x6: {  	s29 =	simm.s32 $0x3;
	s30 =	simm.s32 $0x5;
	s31 =	simm.s32 $0x3380  }
0x7: {  	s17 =	simm.s32 $0x6;
	[smem:$0x7FF] =	sst s2;
	s20 =	smul.u32 $0x3E8, s5  }
0x8: {  	s4 =	smul.u32 $0x3E80, s5;
	s3 =	sand.u32 $0x1, s3;
	s7 =	sadd.s32 $0x16000, s0  }
0x9: {  	s8 =	sadd.s32 $0xC200, s0;
	p0 =	sgt.u32 s5, $0x4;
	s9 =	sadd.s32 $0x2400, s0  }
0xa: {  	s12 =	smul.u32 $0x7D000, s5;
	p1 =	sgt.u32 s5, $0x9;
	_ =	strace $0x80000047  }
0xb: {  	s10 =	smul.u32 $0x1388, s3;
	s3 =	ssub.s32 $0x2, s3;
	p2 =	por @!p1 p0, p0  }
0xc: {  	s6 =	sadd.s32 $0xFFFFEC78, s20;
	s22 =	sshrl.u32 s3, $0x1;
	s12 =	sshrl.u32 s12, $0x2  }
0xd: {  	s11 =	sshll.u32 s6, $0x4;
	s2 =	sadd.s32 s20, s10;
	s21 =	sadd.s32 s10, s6  }
0xe: {  	s6 =	sshll.u32 s6, $0x7;
	s3 =	ssub.s32 s3, s22;
	s14 =	sadd.s32 s12, s28  }
0xf: {  	s23 =	sadd.s32 $0x2710, s10;
	s24 =	sadd.s32 $0x3A98, s10;
	s12 =	smul.u32 $0x4E20, s5  }
0x10: {  	s22 =	simm.s32 $0x20;
	s4 =	smov.u32 @p0 s11;
	s2 =	sshll.u32 s2, $0x4  }
0x11: {  	s11 =	sshll.u32 s21, $0x4;
	s6 =	sand.u32 $0x3FFFFC00, s6;
	s25 =	smax.u32 s3, $0x1  }
0x12: {  	[dreg:$0x7] =	wrdreg s14;
	s4 =	sadd.s32 s4, s0;
	s2 =	sadd.s32 s2, s0  }
0x13: {  	s0 =	sadd.s32 s11, s0;
	s13 =	sadd.s32 s6, s13;
	[dreg:$0xa] =	wrdreg s25  }
0x14: {  	s2 =	sadd.s32 $0x50C00, s2;
	s0 =	sadd.s32 $0x77E00, s0;
	[dreg:$0x6] =	wrdreg s13  }
.Ltmp0:
0x15: {  	s26 =	sadd.s32 $0x3D200, s4;
	[dreg:$0x8] =	wrdreg s2;
	(pc) =	sbr.rel .LBB2_1-.Ltmp0, $4  }
0x16: {  	[dreg:$0x9] =	wrdreg s0;
	s0 =	smov.u32 s14;
	s2 =	sshll.u32 @!p1 s5, $0x6  }
0x17: {  	[dreg:$0xb] =	wrdreg s26;
	s0 =	smov.u32 @p0 s13;
	s2 =	sor.u32 @!p1 $0x1C0B, s2  }
0x18: {  	v2 =	vmov s10;
	s26 =	simm.s32 $0x3400;
	[dreg:$0xc] =	wrdreg s2;
	s0 =	sshrl.u32 @!p1 s0, $0x3  }
0x19: {  	v4 =	vlaneseq.u32;
	v0 =	vmov s23;
	v1 =	vmov s24;
	[tilespmem:$0x1FFF0] =	vst v2;
	s5 =	simm.s32 $0x0;
	s2 =	simm.s32 $0x4;
	[dreg:$0xd] =	wrdreg s0  }
.LBB2_18:
0x1a: {  	s0 =	sand.u32 $0x1, s13  }
0x1b: {  	p3 =	slt.s32 s13, $0x1;
	p4 =	seq.s32 s0, $0x1  }
0x1c: {  	p4 =	por !p4, p3  }
0x1d: {  	s3 =	simm.s32 @!p4 $0x7  }
0x1e: {  	_ =	swait.ge @!p4 [sflag:s3], $0x1000  }
0x1f: {  	[sflag:s3] =	ssyncset.done @!p4 $0x0  }
0x20: {  	[sflag:s3] =	ssyncadd.s32 @!p4 $0xFFFFF000;
	s3 =	simm.s32 @!p4 $0x9  }
0x21: {  	p5 =	sne.s32 @!p3 s0, $0x0;
	_ =	swait.ge @!p4 [sflag:s3], $0x1000  }
0x22: {  	p3 =	por p5, p3;
	[sflag:s3] =	ssyncset.done @!p4 $0x0  }
0x23: {  	s0 =	simm.s32 @!p3 $0x8;
	[sflag:s3] =	ssyncadd.s32 @!p4 $0xFFFFF000  }
0x24: {  	_ =	swait.ge @!p3 [sflag:s0], $0x1000  }
0x25: {  	[sflag:s0] =	ssyncset.done @!p3 $0x0  }
0x26: {  	[sflag:s0] =	ssyncadd.s32 @!p3 $0xFFFFF000;
	s0 =	simm.s32 @!p3 $0xA  }
0x27: {  	_ =	swait.ge @!p3 [sflag:s0], $0x1000  }
0x28: {  	[sflag:s0] =	ssyncset.done @!p3 $0x0  }
0x29: {  	[sflag:s0] =	ssyncadd.s32 @!p3 $0xFFFFF000  }
0x2a: {  	s5 =	stileid.u32;
	[bflag:$0x0] =	sbarrier.arrive $0xFFFF  }
0x2b: {  	s0 =	sshll.u32 @!p0 s5, $0x6;
	s3 =	rddreg [dreg:$0x7]  }
0x2c: {  	s0 =	sor.u32 @!p0 $0x1C0B, s0;
	s4 =	rddreg [dreg:$0x8];
	s3 =	sshrl.u32 @!p0 s3, $0x3  }
0x2d: {  	[hbm:s4], [sflag:s0] =	dma.local @!p0 [spmem:s3], $0x3E80  }
0x2e: {  	s0 =	simm.s32 @!p0 $0xB  }
0x2f: {  	_ =	swait.ge @!p0 [sflag:s0], $0x3E80  }
0x30: {  	s3 =	sshll.u32 @p2 s5, $0x6;
	[sflag:s0] =	ssyncset.done @!p0 $0x0  }
0x31: {  	[sflag:s0] =	ssyncadd.s32 @!p0 $0xFFFFC180;
	s0 =	sor.u32 @p2 $0x1C0B, s3;
	s3 =	rddreg [dreg:$0x6]  }
0x32: {  	s5 =	rddreg [dreg:$0x9];
	s3 =	sshrl.u32 @p2 s3, $0x3  }
0x33: {  	[hbm:s5], [sflag:s0] =	dma.local @p2 [spmem:s3], $0x3E80  }
0x34: {  	s0 =	simm.s32 @p2 $0xB  }
0x35: {  	_ =	swait.ge @p2 [sflag:s0], $0x3E80  }
0x36: {  	s24 =	rddreg [dreg:$0xe]  }
0x37: {  	s25 =	rddreg [dreg:$0xa];
	s5 =	sadd.s32 $0x1, s24  }
0x38: {  	p3 =	sne.s32 s5, s25  }
.Ltmp1:
0x39: {  	_ = 	snop;
	(pc) =	sbr.rel @!p3 .LBB2_19-.Ltmp1, $3  }
0x3a: {  	_ =	sdelay $0x1  }
0x3b: {  	[sflag:s0] =	ssyncset.done @p2 $0x0  }
0x3c: {  	s4 =	stileid.u32;
	[sflag:s0] =	ssyncadd.s32 @p2 $0xFFFFC180  }
.LBB2_1:
0x3d: {  	s0 =	rddreg [dreg:$0x2];
	s3 =	simm.s32 $0x0;
	s4 =	simm.s32 $0x9480  }
0x3e: {  	[tilespmem:s4], [sflag:$0xB] =	stream.linear.gather [hbm4b:s0+s3], $0x400, $0x38;
	[tilespmem:$0x1D100] =	vst v63  }
0x3f: {  	_ =	swait.ge [sflag:s18], $0x400  }
0x40: {  	[sflag:s18] =	ssyncset.done $0x0  }
0x41: {  	[sflag:s18] =	ssyncadd.s32 $0xFFFFFC00  }
0x42: {  	v2 =	vld [tilespmem:$0x9480]  }
0x43: {  	v3 =	vld [tilespmem:$0x9500]  }
0x44: {  	v5 =	vld [tilespmem:$0x9580]  }
0x45: {  	v6 =	vld [tilespmem:$0x9600]  }
0x46: {  	v7 =	vld [tilespmem:$0x9680]  }
0x47: {  	v8 =	vld [tilespmem:$0x9700]  }
0x48: {  	v9 =	vld [tilespmem:$0x9780]  }
0x49: {  	v10 =	vld [tilespmem:$0x9800];
	_ =	sdelay $0x1  }
0x4a: {  	s0 =	rddreg [dreg:$0xb];
	v37 =	vmul.f32 $6.000000240e-01, v2;
	v40 =	vmul.f32 $6.000000240e-01, v3  }
0x4b: {  	s3 =	rddreg [dreg:$0xc];
	v39 =	vmul.f32 $6.000000240e-01, v5;
	v42 =	vmul.f32 $6.000000240e-01, v6  }
0x4c: {  	s4 =	rddreg [dreg:$0xd];
	v36 =	vmul.f32 $6.000000240e-01, v7;
	v34 =	vmul.f32 $6.000000240e-01, v8  }
0x4d: {  	[spmem:s4], [sflag:s3] =	dma.local @!p1 [hbm:s0], $0x3E80;
	v35 =	vmul.f32 $6.000000240e-01, v9;
	v27 =	vmul.f32 $6.000000240e-01, v10  }
0x4e: {  	s0 =	simm.s32 @!p1 $0xB;
	v43 =	vmul.f32 $4.000000060e-01, v2;
	v44 =	vmul.f32 $4.000000060e-01, v3  }
0x4f: {  	_ =	swait.ge @!p1 [sflag:s0], $0x3E80;
	v45 =	vmul.f32 $4.000000060e-01, v5;
	v46 =	vmul.f32 $4.000000060e-01, v6  }
0x50: {  	[sflag:s0] =	ssyncset.done @!p1 $0x0;
	v38 =	vmul.f32 $4.000000060e-01, v7;
	v41 =	vmul.f32 $4.000000060e-01, v8  }
0x51: {  	s3 =	simm.s32 $0x0;
	[sflag:s0] =	ssyncadd.s32 @!p1 $0xFFFFC180;
	s0 =	simm.s32 $0x40;
	v47 =	vmul.f32 $4.000000060e-01, v9;
	v48 =	vmul.f32 $4.000000060e-01, v10;
	v2 =	vimm.s32 $0x0  }
.LBB2_2:
0x52: {  	p3 =	sne.s32 s0, $0xA540;
	[tilespmem:s3+$0x800] =	vst v2;
	s3 =	smov.u32 s0;
	s0 =	sadd.s32 $0x40, s0  }
.Ltmp2:
0x53: {  	(pc) =	sbr.rel @p3 .LBB2_2-.Ltmp2, $2  }
0x54: {  	_ =	sdelay $0x2  }
0x55: {  	s3 =	sshra.s32 s3, $0x2  }
0x56: {  	s0 =	simm.s32 $0x0  }
0x57: {  	[tilespmem:s3+$0x800] =	vst v2;
	s3 =	smov.u32 s12;
	s25 =	simm.s32 $0x0;
	s4 =	simm.s32 $0x0  }
.LBB2_4:
0x58: {  	s6 =	smul.u32 $0x7D0, s4;
	_ =	sdelay $0x1  }
0x59: {  	s6 =	sadd.s32 s12, s6  }
0x5a: {  	s6 =	sshrl.u32 s6, $0x3  }
0x5b: {  	s6 =	sadd.s32 s9, s6  }
0x5c: {  	[tilespmem:s0], [sflag:$0xB] =	stream.linear.gather [hbm4b:s6+s0], $0x7D0, $0x38;
	[tilespmem:$0x1D100] =	vst v63  }
0x5d: {  	_ =	swait.ge [sflag:s18], $0x7D0  }
0x5e: {  	[sflag:s18] =	ssyncset.done $0x0  }
0x5f: {  	s24 =	simm.s32 $0x0;
	[sflag:s18] =	ssyncadd.s32 $0xFFFFF830  }
0x60: {  	v2 =	vld [tilespmem:s24+$0x0];
	_ =	sdelay $0x4  }
0x61: {  	vm0 =	vge.s32 v2, v0;
	vm1 =	vlt.s32 v2, v1  }
0x62: {  	vm0 =	vmand vm0, vm1  }
0x63: {  	v2 =	vmpcnt.ones.xlane vm0;
	_ =	sdelay $0x1  }
0x64: {  	(v2sf) =	vpush v2, $0x0;
	_ =	sdelay $0x4  }
0x65: {  	v3 =	vor.u32 s3, v4  }
0x66: {  	s11 =	simm.s32 $0x10;
	s10 =	simm.s32 $0x80;
	s6 =	smov.u32 s3;
	[tilespmem:s25+$0x800] =	vst.msk vm0, v3  }
.LBB2_5:
0x67: {  	p3 =	sne.s32 s10, $0x1F00;
	v2 =	vld [tilespmem:s11+$0x0];
	_ =	sdelay $0x4  }
0x68: {  	vm0 =	vge.s32 v2, v0;
	vm1 =	vlt.s32 v2, v1  }
0x69: {  	vm0 =	vmand vm0, vm1  }
0x6a: {  	v2 =	vmpcnt.ones.xlane vm0  }
0x6b: {  	s6 =	sadd.s32 $0x10, s6;
	s11 =	spop (v2sf)  }
0x6c: {  	v3 =	vor.u32 s6, v4;
	(v2sf) =	vpush v2, $0x0;
	s25 =	sadd.s32 s25, s11  }
0x6d: {  	[tilespmem:s25+$0x800] =	vst.msk vm0, v3  }
.Ltmp3:
0x6e: {  	(pc) =	sbr.rel @p3 .LBB2_5-.Ltmp3, $2  }
0x6f: {  	_ =	sdelay $0x2  }
0x70: {  	s11 =	sshra.s32 s10, $0x2;
	s10 =	sadd.s32 $0x40, s10  }
0x71: {  	v2 =	vld [tilespmem:s11+$0x0];
	_ =	sdelay $0x4  }
0x72: {  	vm0 =	vge.s32 v2, v0;
	vm1 =	vlt.s32 v2, v1  }
0x73: {  	vm0 =	vmand vm0, vm1  }
0x74: {  	v2 =	vmpcnt.ones.xlane vm0;
	_ =	sdelay $0x1  }
0x75: {  	(v2sf) =	vpush v2, $0x0;
	_ =	sdelay $0x9  }
0x76: {  	s4 =	sadd.s32 $0x1, s4  }
0x77: {  	p3 =	sne.s32 s4, $0xA  }
.Ltmp4:
0x78: {  	_ = 	snop;
	(pc) =	sbr.rel @p3 .LBB2_4-.Ltmp4, $4  }
0x79: {  	_ = 	snop  }
0x7a: {  	s6 =	sadd.s32 $0x10, s6;
	s10 =	spop (v2sf)  }
0x7b: {  	v2 =	vor.u32 s6, v4;
	s24 =	sadd.s32 s25, s10;
	s25 =	spop (v2sf)  }
0x7c: {  	s3 =	sadd.s32 $0x7D0, s3;
	[tilespmem:s24+$0x800] =	vst.msk vm0, v2;
	s25 =	sadd.s32 s24, s25  }
0x7d: {  	[dreg:$0xe] =	wrdreg s5  }
0x7e: {  	s0 =	simm.s32 $0x800;
	s13 =	simm.s32 $0x3180;
	[bflag:$0x0] =	sbarrier.arrive $0xFFFF  }
0x7f: {  	[tilespmem:s13], [sflag:$0x1] =	stream.indirect.gather [hbm4b:s8+s22], $0x1, s0, s22, $0xb8;
	[tilespmem:$0x1D100] =	vst v63  }
0x80: {  	s6 =	simm.s32 $0x3280;
	s14 =	simm.s32 $0x1  }
0x81: {  	[tilespmem:s6], [sflag:$0x1] =	stream.indirect.gather [hbm4b:s9+s22], $0x1, s0, s22, $0xb8;
	[tilespmem:$0x1D100] =	vst v63  }
0x82: {  	_ =	swait.ge [sflag:s14], $0x20  }
0x83: {  	[sflag:s14] =	ssyncset.done $0x0  }
0x84: {  	[sflag:s14] =	ssyncadd.s32 $0xFFFFFFE0  }
0x85: {  	_ =	swait.ge [sflag:s14], $0x20  }
0x86: {  	[sflag:s14] =	ssyncset.done $0x0  }
0x87: {  	[sflag:s14] =	ssyncadd.s32 $0xFFFFFFE0  }
0x88: {  	v2 =	vld [tilespmem:$0x3280]  }
0x89: {  	v6 =	vld [tilespmem:$0x1FFF0]  }
0x8a: {  	v3 =	vld [tilespmem:$0x3290];
	_ =	sdelay $0x2  }
0x8b: {  	v2 =	vadd.s32 $0xFFFFD8F0, v2  }
0x8c: {  	v5 =	vsub.s32 v2, v6  }
0x8d: {  	s15 =	sadd.s32 $0x1F, s25;
	v3 =	vadd.s32 $0xFFFFD8F0, v3;
	vm0 =	vgt.s32 v5, $0x0  }
0x8e: {  	s3 =	sand.u32 $0x1F, s15;
	v6 =	vsub.s32 v3, v6;
	v5 =	vnsel vm0, $0x0, v5  }
0x8f: {  	s4 =	sshra.s32 s15, $0x1F;
	p3 =	slt.s32 s15, $0x1;
	p4 =	sne.s32 s3, $0x0;
	[tilespmem:$0x3280] =	vst v2;
	vm15 =	vgt.s32 v6, $0x0;
	v2 =	vmin.u32 v5, $0x1387  }
0x90: {  	s16 =	sshrl.u32 s4, $0x1B;
	p3 =	por !p3, !p4;
	[tilespmem:$0x3380] =	vst v2;
	v2 =	vnsel vm15, $0x0, v6  }
0x91: {  	s3 =	simm.s32 $0x1;
	s0 =	sadd.s32 s16, s15;
	p3 =	por !p3, !p3;
	[tilespmem:$0x3290] =	vst v3;
	v2 =	vmin.u32 v2, $0x1387  }
0x92: {  	s19 =	simm.s32 $0x3480;
	s0 =	sshra.s32 s0, $0x5;
	s3 =	simm.s32 @!p3 $0x0;
	[tilespmem:$0x3390] =	vst v2  }
0x93: {  	[tilespmem:s19], [sflag:$0x3] =	stream.indirect.gather [hbm4b:s1+s22], $0x80, s13, s22, $0xb8;
	[tilespmem:$0x1D100] =	vst v63  }
0x94: {  	s13 =	ssub.s32 s0, s3  }
0x95: {  	s20 =	simm.s32 $0x5480;
	p3 =	slt.s32 s13, $0x2  }
0x96: {  	[tilespmem:s20], [sflag:$0x5] =	stream.indirect.gather [hbm4b:s7+s22], $0x80, s6, s22, $0xb8;
	[tilespmem:$0x1D100] =	vst v63  }
0x97: {  	s21 =	sadd.s32 $0x1, s13;
	s0 =	simm.s32 @!p3 $0x20  }
0x98: {  	s3 =	simm.s32 @!p3 $0x820;
	s4 =	simm.s32 @!p3 $0x3200;
	s23 =	sand.u32 $0x1, s21  }
0x99: {  	[tilespmem:s4], [sflag:$0x2] =	stream.indirect.gather @!p3 [hbm4b:s8+s0], $0x1, s3, s0, $0xb8;
	[tilespmem:$0x1D100] =	vst v63  }
0x9a: {  	p5 =	slt.s32 s13, $0x0;
	p6 =	seq.s32 s23, $0x1;
	s4 =	simm.s32 @!p3 $0x3300  }
0x9b: {  	[tilespmem:s4], [sflag:$0x2] =	stream.indirect.gather @!p3 [hbm4b:s9+s0], $0x1, s3, s0, $0xb8;
	[tilespmem:$0x1D100] =	vst v63  }
0x9c: {  	s24 =	sshrl.u32 s21, $0x1F;
	p3 =	por !p5, !p6  }
0x9d: {  	s0 =	sadd.s32 s24, s21;
	s3 =	simm.s32 $0x1;
	p3 =	por !p3, !p3  }
0x9e: {  	s0 =	sshra.s32 s0, $0x1;
	s3 =	simm.s32 @!p3 $0x0  }
0x9f: {  	s14 =	ssub.s32 s0, s3  }
0xa0: {  	p3 =	slt.s32 s14, $0x1  }
.Ltmp5:
0xa1: {  	_ = 	snop;
	(pc) =	sbr.rel @p3 .LBB2_18-.Ltmp5, $1  }
0xa2: {  	_ =	sdelay $0x3  }
0xa3: {  	[tilespmem:$0x1FEF0] =	vst v37  }
0xa4: {  	[tilespmem:$0x1FF00] =	vst v40  }
0xa5: {  	[tilespmem:$0x1FF10] =	vst v39  }
0xa6: {  	[tilespmem:$0x1FF20] =	vst v42  }
0xa7: {  	[tilespmem:$0x1FF30] =	vst v36  }
0xa8: {  	[tilespmem:$0x1FF40] =	vst v34  }
0xa9: {  	[tilespmem:$0x1FF50] =	vst v35  }
0xaa: {  	[tilespmem:$0x1FF60] =	vst v27  }
0xab: {  	[tilespmem:$0x1FF70] =	vst v43  }
0xac: {  	[tilespmem:$0x1FF80] =	vst v44  }
0xad: {  	[tilespmem:$0x1FF90] =	vst v45  }
.Ltmp6:
0xae: {  	[tilespmem:$0x1FFA0] =	vst v46;
	(pc) =	sbr.rel .LBB2_9-.Ltmp6, $4  }
0xaf: {  	[tilespmem:$0x1FFB0] =	vst v38  }
0xb0: {  	[tilespmem:$0x1FFC0] =	vst v41  }
0xb1: {  	[tilespmem:$0x1FFD0] =	vst v47  }
0xb2: {  	s15 =	sadd.s32 $0xFFFFFFFF, s13;
	s16 =	sadd.s32 $0xFFFFFFFE, s13;
	s19 =	simm.s32 $0x0;
	[tilespmem:$0x1FFE0] =	vst v48  }
.LBB2_17:
0xb3: {  	s19 =	sadd.s32 $0x1, s19  }
0xb4: {  	p3 =	sne.s32 s19, s14  }
.Ltmp7:
0xb5: {  	_ = 	snop;
	(pc) =	sbr.rel @!p3 .LBB2_18-.Ltmp7, $1  }
0xb6: {  	_ =	sdelay $0x3  }
.LBB2_9:
0xb7: {  	s20 =	sshll.u32 s19, $0x1  }
0xb8: {  	p3 =	sge.s32 s20, s13  }
.Ltmp8:
0xb9: {  	_ = 	snop;
	(pc) =	sbr.rel @p3 .LBB2_13-.Ltmp8, $1  }
0xba: {  	_ =	sdelay $0x3  }
0xbb: {  	p3 =	sge.s32 s20, s15  }
0xbc: {  	s0 =	simm.s32 @!p3 $0x2  }
0xbd: {  	_ =	swait.ge @!p3 [sflag:s0], $0x20  }
0xbe: {  	[sflag:s0] =	ssyncset.done @!p3 $0x0  }
0xbf: {  	[sflag:s0] =	ssyncadd.s32 @!p3 $0xFFFFFFE0  }
0xc0: {  	_ =	swait.ge @!p3 [sflag:s0], $0x20  }
0xc1: {  	p4 =	seq.s32 s19, $0x0;
	[sflag:s0] =	ssyncset.done @!p3 $0x0  }
0xc2: {  	[sflag:s0] =	ssyncadd.s32 @!p3 $0xFFFFFFE0;
	s0 =	simm.s32 @!p4 $0x8  }
0xc3: {  	_ =	swait.ge @!p4 [sflag:s0], $0x1000  }
0xc4: {  	[sflag:s0] =	ssyncset.done @!p4 $0x0  }
0xc5: {  	[sflag:s0] =	ssyncadd.s32 @!p4 $0xFFFFF000;
	s0 =	simm.s32 @!p4 $0xA  }
0xc6: {  	_ =	swait.ge @!p4 [sflag:s0], $0x1000  }
0xc7: {  	[sflag:s0] =	ssyncset.done @!p4 $0x0  }
0xc8: {  	[sflag:s0] =	ssyncadd.s32 @!p4 $0xFFFFF000  }
0xc9: {  	v2 =	vld @!p3 [tilespmem:$0x3300]  }
0xca: {  	v6 =	vld [tilespmem:$0x1FFF0]  }
0xcb: {  	v3 =	vld @!p3 [tilespmem:$0x3310];
	_ =	sdelay $0x2  }
0xcc: {  	v2 =	vadd.s32 @!p3 $0xFFFFD8F0, v2  }
0xcd: {  	v5 =	vsub.s32 @!p3 v2, v6  }
0xce: {  	v3 =	vadd.s32 @!p3 $0xFFFFD8F0, v3;
	vm0 =	vgt.s32 @!p3 v5, $0x0  }
0xcf: {  	v6 =	vsub.s32 @!p3 v3, v6;
	v5 =	vnsel @!p3 vm0, $0x0, v5  }
0xd0: {  	[tilespmem:$0x3300] =	vst @!p3 v2;
	vm0 =	vgt.s32 @!p3 v6, $0x0;
	v2 =	vmin.u32 @!p3 v5, $0x1387  }
0xd1: {  	[tilespmem:$0x3400] =	vst @!p3 v2;
	v2 =	vnsel @!p3 vm0, $0x0, v6  }
0xd2: {  	[tilespmem:$0x3310] =	vst @!p3 v3;
	v2 =	vmin.u32 @!p3 v2, $0x1387  }
0xd3: {  	s3 =	simm.s32 @!p3 $0x3200;
	s4 =	simm.s32 @!p3 $0x4480;
	s0 =	simm.s32 @!p3 $0x20;
	[tilespmem:$0x3410] =	vst @!p3 v2  }
0xd4: {  	[tilespmem:s4], [sflag:$0x4] =	stream.indirect.gather @!p3 [hbm4b:s1+s0], $0x80, s3, s0, $0xb8;
	[tilespmem:$0x1D100] =	vst v63  }
0xd5: {  	s3 =	simm.s32 @!p3 $0x3300;
	s4 =	simm.s32 @!p3 $0x6480  }
0xd6: {  	[tilespmem:s4], [sflag:$0x6] =	stream.indirect.gather @!p3 [hbm4b:s7+s0], $0x80, s3, s0, $0xb8;
	[tilespmem:$0x1D100] =	vst v63  }
0xd7: {  	_ =	swait.ge [sflag:s29], $0x1000  }
0xd8: {  	s0 =	sadd.s32 $0x2, s20;
	[sflag:s29] =	ssyncset.done $0x0  }
0xd9: {  	p3 =	sge.s32 s0, s13;
	[sflag:s29] =	ssyncadd.s32 $0xFFFFF000  }
0xda: {  	s5 =	smov.u32 s28;
	s0 =	sshll.u32 @!p3 s0, $0x7;
	_ =	swait.ge [sflag:s30], $0x1000  }
0xdb: {  	s3 =	simm.s32 @!p3 $0x20;
	s0 =	sshra.s32 @!p3 s0, $0x2;
	[sflag:s30] =	ssyncset.done $0x0  }
0xdc: {  	s4 =	simm.s32 @!p3 $0x3180;
	s0 =	sadd.s32 @!p3 $0x800, s0;
	[sflag:s30] =	ssyncadd.s32 $0xFFFFF000  }
0xdd: {  	[tilespmem:s4], [sflag:$0x1] =	stream.indirect.gather @!p3 [hbm4b:s8+s3], $0x1, s0, s3, $0xb8;
	[tilespmem:$0x1D100] =	vst v63  }
0xde: {  	s10 =	sshll.u32 s19, $0x6;
	s11 =	simm.s32 $0x0;
	s4 =	simm.s32 @!p3 $0x3280  }
0xdf: {  	[tilespmem:s4], [sflag:$0x1] =	stream.indirect.gather @!p3 [hbm4b:s9+s3], $0x1, s0, s3, $0xb8;
	[tilespmem:$0x1D100] =	vst v63  }
.LBB2_11:
0xe0: {  	s0 =	sshll.u32 s11, $0x7  }
0xe1: {  	v2 =	vld [tilespmem:s0+$0x3480]  }
0xe2: {  	v3 =	vld [tilespmem:s0+$0x5480];
	_ =	sdelay $0x4  }
0xe3: {  	v3 =	vadd.f32 v3, v2;
	_ =	sdelay $0x1  }
0xe4: {  	v5 =	vand.u32 $0x7FFFFFFF, v3  }
0xe5: {  	v3 =	vmul.f32 v3, v37;
	v5 =	vmul.f32 v5, v43;
	_ =	sdelay $0x1  }
0xe6: {  	v3 =	vadd.f32 v5, v3;
	_ =	sdelay $0x1  }
0xe7: {  	(xrf2) =	vadd.scan.msk.f32 $0xffff, v3;
	_ =	sdelay $0x2  }
0xe8: {  	v7 =	vld [tilespmem:s0+$0x3490]  }
0xe9: {  	v3 =	vld [tilespmem:s0+$0x5490];
	_ =	sdelay $0x4  }
0xea: {  	v3 =	vadd.f32 v3, v7  }
0xeb: {  	v5, _, _ =	vpop (xrf2)  }
0xec: {  	v6 =	vand.u32 $0x7FFFFFFF, v3;
	v5 =	vmul.f32 $1.442695020e+00, v5  }
0xed: {  	v3 =	vmul.f32 v3, v40;
	v6 =	vmul.f32 v6, v44  }
0xee: {  	v5 =	vbroadcast v5, $0xF  }
0xef: {  	v3 =	vadd.f32 v6, v3  }
0xf0: {  	(erf) = vpow2.f32 v5  }
0xf1: {  	(xrf2) =	vadd.scan.msk.f32 $0xffff, v3;
	_ =	sdelay $0x5  }
0xf2: {  	s3 =	sor.u32 s10, s11  }
0xf3: {  	s6 =	simm.f32 $1.000000000e+00;
	p3 =	slt.s32 s3, s25  }
0xf4: {  	s6 =	simm.s32 @!p3 $0x0;
	v3 =	vpop (erf)  }
0xf5: {  	v3 =	vmul.f32 s6, v3  }
0xf6: {  	v5, _, _ =	vpop (xrf2)  }
0xf7: {  	v5 =	vmul.f32 $1.442695020e+00, v5;
	v2 =	vmul.f32 v3, v2;
	_ =	sdelay $0x1  }
0xf8: {  	[tilespmem:s0+$0x5480] =	vst v2;
	v2 =	vbroadcast v5, $0xF  }
0xf9: {  	v8 =	vld [tilespmem:s0+$0x34A0]  }
0xfa: {  	(erf) = vpow2.f32 v2;
	v2 =	vld [tilespmem:s0+$0x54A0];
	_ =	sdelay $0x4  }
0xfb: {  	v2 =	vadd.f32 v2, v8;
	_ =	sdelay $0x1  }
0xfc: {  	[tilespmem:s0+$0x7480] =	vst v3;
	v3 =	vand.u32 $0x7FFFFFFF, v2  }
0xfd: {  	v2 =	vmul.f32 v2, v39;
	v3 =	vmul.f32 v3, v45  }
0xfe: {  	v5 =	vld [tilespmem:s0+$0x34B0]  }
0xff: {  	v2 =	vadd.f32 v3, v2;
	v3 =	vld [tilespmem:s0+$0x54B0]  }
0x100: {  	v6 =	vld [tilespmem:s0+$0x34C0]  }
0x101: {  	(xrf2) =	vadd.scan.msk.f32 $0xffff, v2;
	v2 =	vld [tilespmem:s0+$0x54C0]  }
0x102: {  	v12 =	vld [tilespmem:s0+$0x34D0]  }
0x103: {  	v10 =	vld [tilespmem:s0+$0x54D0]  }
0x104: {  	v9 =	vld [tilespmem:s0+$0x34E0];
	v3 =	vadd.f32 v3, v5  }
0x105: {  	v13 =	vld [tilespmem:s0+$0x54E0]  }
0x106: {  	s24 =	sor.u32 $0x1, s11;
	v14 =	vld [tilespmem:s0+$0x34F0];
	v11 =	vand.u32 $0x7FFFFFFF, v3;
	v2 =	vadd.f32 v2, v6  }
0x107: {  	v15 =	vld [tilespmem:s0+$0x54F0];
	s21 =	sshll.u32 s24, $0x7;
	v3 =	vmul.f32 v3, v42;
	v11 =	vmul.f32 v11, v46  }
0x108: {  	v18 =	vld [tilespmem:s21+$0x5480];
	v10 =	vadd.f32 v10, v12;
	v16 =	vand.u32 $0x7FFFFFFF, v2  }
0x109: {  	v2 =	vmul.f32 v2, v36;
	v3 =	vadd.f32 v11, v3;
	v11 =	vld [tilespmem:s21+$0x3480];
	v16 =	vmul.f32 v16, v38  }
0x10a: {  	v13 =	vadd.f32 v13, v9;
	v17 =	vand.u32 $0x7FFFFFFF, v10  }
0x10b: {  	v10 =	vmul.f32 v10, v34;
	v17 =	vmul.f32 v17, v41;
	v2 =	vadd.f32 v16, v2  }
0x10c: {  	v15 =	vadd.f32 v15, v14;
	(xrf2) =	vadd.scan.msk.f32 $0xffff, v3;
	v3 =	vand.u32 $0x7FFFFFFF, v13  }
0x10d: {  	v61 =	vld [tilespmem:s21+$0x5490];
	v10 =	vadd.f32 v17, v10;
	v57 =	vmul.f32 v3, v47;
	(xrf2) =	vadd.scan.msk.f32 $0xffff, v2;
	v2 =	vmul.f32 v13, v35  }
0x10e: {  	v59 =	vand.u32 $0x7FFFFFFF, v15;
	v3 =	vld [tilespmem:s21+$0x3490];
	v60 =	vadd.f32 v18, v11  }
0x10f: {  	v62 =	vmul.f32 v15, v27;
	(xrf2) =	vadd.scan.msk.f32 $0xffff, v10;
	v10 =	vmul.f32 v59, v48;
	v2 =	vadd.f32 v57, v2  }
0x110: {  	v63 =	vand.u32 $0x7FFFFFFF, v60  }
0x111: {  	v21, _, _ =	vpop (xrf2);
	v16 =	vmul.f32 v60, v37;
	(xrf2) =	vadd.scan.msk.f32 $0xffff, v2;
	v2 =	vadd.f32 v10, v62;
	v17 =	vmul.f32 v63, v43  }
0x112: {  	v21 =	vmul.f32 $1.442695020e+00, v21  }
0x113: {  	v31 =	vld [tilespmem:s21+$0x54A0];
	v19 =	vadd.f32 v61, v3;
	(xrf2) =	vadd.scan.msk.f32 $0xffff, v2;
	v2 =	vadd.f32 v17, v16  }
0x114: {  	v15 =	vld [tilespmem:s21+$0x34A0]  }
0x115: {  	v58 =	vbroadcast v21, $0xF;
	(xrf2) =	vadd.scan.msk.f32 $0xffff, v2;
	v2 =	vand.u32 $0x7FFFFFFF, v19  }
0x116: {  	v21 =	vpop (erf);
	v10 =	vmul.f32 v19, v40;
	v23 =	vmul.f32 v2, v44  }
0x117: {  	v24 =	vld [tilespmem:s21+$0x54C0];
	v21 =	vmul.f32 s6, v21;
	v22, _, _ =	vpop (xrf2)  }
0x118: {  	v13 =	vmul.f32 $1.442695020e+00, v22;
	v16 =	vadd.f32 v23, v10;
	v10 =	vld [tilespmem:s21+$0x34B0]  }
0x119: {  	v18 =	vadd.f32 v31, v15;
	(erf) = vpow2.f32 v58;
	v2 =	vmul.f32 v21, v7;
	v30, _, _ =	vpop (xrf2);
	v23 =	vld [tilespmem:s21+$0x54B0]  }
0x11a: {  	v29 =	vld [tilespmem:s21+$0x54E0];
	v7 =	vmul.f32 $1.442695020e+00, v30;
	v32, _, _ =	vpop (xrf2);
	v13 =	vbroadcast v13, $0xF  }
0x11b: {  	v49 =	vand.u32 $0x7FFFFFFF, v18;
	v18 =	vmul.f32 v18, v39;
	v17 =	vmul.f32 $1.442695020e+00, v32;
	(xrf2) =	vadd.scan.msk.f32 $0xffff, v16;
	v16 =	vld [tilespmem:s21+$0x34C0]  }
0x11c: {  	v7 =	vbroadcast v7, $0xF;
	(erf) = vpow2.f32 v13;
	v13 =	vld [tilespmem:s21+$0x34E0]  }
0x11d: {  	v28 =	vmul.f32 v49, v45;
	v33 =	vbroadcast v17, $0xF;
	v37, _, _ =	vpop (xrf2)  }
0x11e: {  	(erf) = vpow2.f32 v7;
	v17 =	vmul.f32 $1.442695020e+00, v37;
	v44, _, _ =	vpop (xrf2);
	v23 =	vadd.f32 v23, v10  }
0x11f: {  	v26 =	vld [tilespmem:s21+$0x54D0];
	(erf) = vpow2.f32 v33;
	v25 =	vmul.f32 $1.442695020e+00, v44  }
0x120: {  	v7 =	vld [tilespmem:s21+$0x34D0];
	v17 =	vbroadcast v17, $0xF;
	v27, _, _ =	vpop (xrf2);
	v51 =	vadd.f32 v24, v16;
	v52 =	vmul.f32 v23, v42  }
0x121: {  	v29 =	vadd.f32 v29, v13;
	v25 =	vbroadcast v25, $0xF;
	v27 =	vmul.f32 $1.442695020e+00, v27  }
0x122: {  	v50 =	vadd.f32 v28, v18;
	(erf) = vpow2.f32 v17;
	v18 =	vmul.f32 v51, v36  }
0x123: {  	v53 =	vand.u32 $0x7FFFFFFF, v51;
	v54 =	vmul.f32 v29, v35;
	v24 =	vbroadcast v27, $0xF  }
0x124: {  	v31 =	vld [tilespmem:s21+$0x54F0];
	(erf) = vpow2.f32 v25;
	v25 =	vand.u32 $0x7FFFFFFF, v23;
	v28 =	vmul.f32 v53, v38  }
0x125: {  	(xrf2) =	vadd.scan.msk.f32 $0xffff, v50;
	v26 =	vadd.f32 v26, v7;
	v23 =	vld [tilespmem:s21+$0x34F0];
	v25 =	vmul.f32 v25, v46;
	v27, _, _ =	vpop (xrf2);
	(erf) = vpow2.f32 v24  }
0x126: {  	v22 =	vpop (erf);
	v18 =	vadd.f32 v28, v18;
	v28 =	vand.u32 $0x7FFFFFFF, v29;
	v27 =	vmul.f32 $1.442695020e+00, v27  }
0x127: {  	v30 =	vpop (erf);
	v17 =	vadd.f32 v25, v52;
	v25 =	vand.u32 $0x7FFFFFFF, v26;
	v26 =	vmul.f32 v26, v34  }
0x128: {  	v19 =	vld [tilespmem:$0x1FF60];
	v28 =	vmul.f32 v28, v47;
	v29 =	vpop (erf);
	v25 =	vmul.f32 v25, v41  }
0x129: {  	s23 =	sor.u32 $0x2, s11;
	v34 =	vmul.f32 s6, v30;
	v30 =	vmul.f32 s6, v29  }
0x12a: {  	s4 =	sshll.u32 s23, $0x7;
	(xrf2) =	vadd.scan.msk.f32 $0xffff, v17;
	v27 =	vbroadcast v27, $0xF;
	v55 =	vadd.f32 v25, v26;
	v25 =	vadd.f32 v31, v23  }
0x12b: {  	v32 =	vld [tilespmem:s4+$0x5480];
	v17 =	vadd.f32 v28, v54;
	(xrf2) =	vadd.scan.msk.f32 $0xffff, v18  }
0x12c: {  	v24 =	vld [tilespmem:s4+$0x3480];
	v37 =	vmul.f32 v30, v6;
	(erf) = vpow2.f32 v27;
	v6 =	vand.u32 $0x7FFFFFFF, v25  }
0x12d: {  	(xrf2) =	vadd.scan.msk.f32 $0xffff, v55;
	v25 =	vmul.f32 v25, v19;
	v6 =	vmul.f32 v6, v48  }
0x12e: {  	(xrf2) =	vadd.scan.msk.f32 $0xffff, v17  }
0x12f: {  	v57, _, _ =	vpop (xrf2);
	v25 =	vadd.f32 v6, v25;
	v6 =	vld [tilespmem:$0x1FEF0]  }
0x130: {  	v63 =	vld [tilespmem:s4+$0x54B0];
	v44 =	vmul.f32 v34, v5;
	v5 =	vpop (erf)  }
0x131: {  	v22 =	vmul.f32 s6, v22;
	v33 =	vld [tilespmem:s4+$0x54A0];
	v18 =	vmul.f32 $1.442695020e+00, v57;
	v56 =	vadd.f32 v32, v24;
	v26 =	vpop (erf)  }
0x132: {  	v29 =	vld [tilespmem:s4+$0x5490];
	v32 =	vmul.f32 s6, v5;
	v31 =	vmul.f32 s6, v26;
	v28 =	vpop (erf)  }
0x133: {  	v5 =	vld [tilespmem:s4+$0x3490];
	v18 =	vbroadcast v18, $0xF;
	v27 =	vand.u32 $0x7FFFFFFF, v56;
	v26 =	vmul.f32 s6, v28;
	v28 =	vpop (erf)  }
0x134: {  	v51 =	vld [tilespmem:$0x1FF80];
	v27 =	vmul.f32 v27, v43;
	v58, _, _ =	vpop (xrf2);
	v17 =	vmul.f32 v56, v6  }
0x135: {  	v48 =	vmul.f32 v32, v12;
	s6 =	sor.u32 s10, s24;
	v12 =	vmul.f32 v26, v14;
	v14 =	vld [tilespmem:s4+$0x34B0];
	v59, _, _ =	vpop (xrf2)  }
0x136: {  	s28 =	simm.f32 $1.000000000e+00;
	v53 =	vld [tilespmem:s4+$0x54C0];
	v41 =	vmul.f32 v31, v9;
	p3 =	slt.s32 s6, s25;
	v60 =	vpop (erf);
	v17 =	vadd.f32 v27, v17  }
0x137: {  	(erf) = vpow2.f32 v18;
	s28 =	simm.s32 @!p3 $0x0;
	(xrf2) =	vadd.scan.msk.f32 $0xffff, v25;
	v6 =	vld [tilespmem:s4+$0x34A0];
	v9 =	vmul.f32 $1.442695020e+00, v58;
	v62, _, _ =	vpop (xrf2)  }
0x138: {  	v61 =	vmul.f32 $1.442695020e+00, v59;
	v27 =	vmul.f32 s28, v28;
	v28 =	vadd.f32 v29, v5;
	v29, _, _ =	vpop (xrf2);
	(xrf2) =	vadd.scan.msk.f32 $0xffff, v17;
	v17 =	vld [tilespmem:s4+$0x34C0]  }
0x139: {  	v9 =	vbroadcast v9, $0xF;
	v54 =	vld [tilespmem:$0x1FF10]  }
0x13a: {  	v35 =	vadd.f32 v63, v14;
	v18 =	vbroadcast v61, $0xF;
	v49 =	vmul.f32 $1.442695020e+00, v62;
	v57 =	vld [tilespmem:s4+$0x54D0]  }
0x13b: {  	v50 =	vmul.f32 $1.442695020e+00, v29;
	v29 =	vand.u32 $0x7FFFFFFF, v28;
	v28 =	vmul.f32 v28, v40;
	v61 =	vld [tilespmem:s4+$0x54E0]  }
0x13c: {  	v33 =	vadd.f32 v33, v6;
	(erf) = vpow2.f32 v9;
	v56 =	vbroadcast v49, $0xF;
	v49 =	vld [tilespmem:$0x1FF20]  }
0x13d: {  	v52 =	vmul.f32 v29, v51;
	(erf) = vpow2.f32 v18;
	v40 =	vadd.f32 v53, v17;
	v53 =	vld [tilespmem:$0x1FF30]  }
0x13e: {  	v38 =	vbroadcast v50, $0xF;
	v29 =	vand.u32 $0x7FFFFFFF, v33;
	v33 =	vmul.f32 v33, v54;
	v54 =	vld [tilespmem:$0x1FFB0]  }
0x13f: {  	(erf) = vpow2.f32 v56;
	v55 =	vmul.f32 v29, v45;
	v29 =	vld [tilespmem:s4+$0x34D0]  }
0x140: {  	v18 =	vld [tilespmem:s4+$0x34E0];
	v28 =	vadd.f32 v52, v28;
	(erf) = vpow2.f32 v38;
	v45 =	vand.u32 $0x7FFFFFFF, v35  }
0x141: {  	v58, _, _ =	vpop (xrf2);
	v38 =	vmul.f32 v45, v46;
	v35 =	vmul.f32 v35, v49;
	v33 =	vadd.f32 v55, v33  }
0x142: {  	v25 =	vmul.f32 s28, v60;
	v60 =	vmul.f32 $1.442695020e+00, v58;
	(xrf2) =	vadd.scan.msk.f32 $0xffff, v28;
	v50 =	vand.u32 $0x7FFFFFFF, v40  }
0x143: {  	v56 =	vld [tilespmem:$0x1FF40];
	v35 =	vadd.f32 v38, v35;
	(xrf2) =	vadd.scan.msk.f32 $0xffff, v33;
	v40 =	vmul.f32 v40, v53;
	v38 =	vmul.f32 v50, v54  }
0x144: {  	v36 =	vadd.f32 v57, v29;
	v57 =	vld [tilespmem:$0x1FFC0]  }
0x145: {  	v59 =	vpop (erf);
	v9 =	vbroadcast v60, $0xF;
	v39 =	vadd.f32 v61, v18;
	v38 =	vadd.f32 v38, v40;
	v40 =	vld [tilespmem:$0x1FF50]  }
0x146: {  	v28 =	vmul.f32 s28, v59;
	v62, _, _ =	vpop (xrf2)  }
0x147: {  	v51 =	vld [tilespmem:s4+$0x54F0];
	(erf) = vpow2.f32 v9;
	v58 =	vand.u32 $0x7FFFFFFF, v39;
	v63 =	vmul.f32 $1.442695020e+00, v62  }
0x148: {  	v9 =	vld [tilespmem:s4+$0x34F0];
	v45 =	vmul.f32 v58, v47;
	v55 =	vand.u32 $0x7FFFFFFF, v36;
	v36 =	vmul.f32 v36, v56  }
0x149: {  	v59 =	vpop (erf);
	v33 =	vbroadcast v63, $0xF;
	v43 =	vmul.f32 v55, v57  }
0x14a: {  	v49 =	vmul.f32 s28, v59;
	v59 =	vld [tilespmem:$0x1FF60];
	v39 =	vmul.f32 v39, v40  }
0x14b: {  	v60 =	vmul.f32 v25, v3;
	v3 =	vpop (erf);
	(xrf2) =	vadd.scan.msk.f32 $0xffff, v35;
	v62 =	vld [tilespmem:$0x1FFE0];
	(erf) = vpow2.f32 v33;
	v47 =	vadd.f32 v43, v36  }
0x14c: {  	v54, _, _ =	vpop (xrf2);
	(xrf2) =	vadd.scan.msk.f32 $0xffff, v38;
	v56 =	vadd.f32 v45, v39  }
0x14d: {  	v55 =	vmul.f32 v28, v15;
	v57 =	vadd.f32 v51, v9;
	v38 =	vmul.f32 s28, v3;
	(xrf2) =	vadd.scan.msk.f32 $0xffff, v47;
	v3, _, _ =	vpop (xrf2)  }
0x14e: {  	v15 =	vmul.f32 $1.442695020e+00, v54;
	v3 =	vmul.f32 $1.442695020e+00, v3;
	(xrf2) =	vadd.scan.msk.f32 $0xffff, v56  }
0x14f: {  	v20 =	vpop (erf);
	v58 =	vand.u32 $0x7FFFFFFF, v57;
	v61 =	vmul.f32 v57, v59;
	v57 =	vmul.f32 v49, v10  }
0x150: {  	s24 =	sor.u32 $0x3, s11;
	v46 =	vpop (erf);
	v33 =	vmul.f32 v58, v62;
	v3 =	vbroadcast v3, $0xF  }
0x151: {  	s6 =	sshll.u32 s24, $0x7;
	v63 =	vbroadcast v15, $0xF;
	v40 =	vmul.f32 s28, v46  }
0x152: {  	s23 =	sor.u32 s10, s23;
	v53 =	vmul.f32 v38, v16;
	v58 =	vld [tilespmem:s6+$0x5490];
	v45 =	vmul.f32 s28, v20  }
0x153: {  	p3 =	slt.s32 s23, s25;
	s23 =	simm.f32 $1.000000000e+00;
	v15 =	vld [tilespmem:s6+$0x3490];
	(erf) = vpow2.f32 v63;
	v47 =	vpop (erf);
	v54 =	vmul.f32 v40, v13  }
0x154: {  	s23 =	simm.s32 @!p3 $0x0;
	v39 =	vmul.f32 s28, v47;
	(erf) = vpow2.f32 v3;
	v3 =	vpop (erf)  }
0x155: {  	v16 =	vld [tilespmem:s6+$0x3480];
	v36 =	vadd.f32 v33, v61;
	v56 =	vmul.f32 v45, v7;
	v33 =	vmul.f32 s23, v3;
	v3, _, _ =	vpop (xrf2)  }
0x156: {  	v62 =	vld [tilespmem:s6+$0x54A0];
	v52 =	vmul.f32 v39, v23;
	v3 =	vmul.f32 $1.442695020e+00, v3;
	v50, _, _ =	vpop (xrf2)  }
0x157: {  	v7 =	vld [tilespmem:s6+$0x5480];
	v47 =	vmul.f32 v33, v24;
	v10 =	vmul.f32 $1.442695020e+00, v50;
	v51, _, _ =	vpop (xrf2)  }
0x158: {  	(xrf2) =	vadd.scan.msk.f32 $0xffff, v36;
	v36 =	vadd.f32 v58, v15;
	v58 =	vld [tilespmem:$0x1FEF0];
	v3 =	vbroadcast v3, $0xF;
	v13 =	vmul.f32 $1.442695020e+00, v51;
	v59, _, _ =	vpop (xrf2)  }
0x159: {  	v24 =	vld [tilespmem:s6+$0x34A0];
	v61 =	vbroadcast v10, $0xF;
	v23 =	vmul.f32 $1.442695020e+00, v59  }
0x15a: {  	(erf) = vpow2.f32 v3;
	v3 =	vbroadcast v13, $0xF;
	v59 =	vld [tilespmem:$0x1FF70]  }
0x15b: {  	(erf) = vpow2.f32 v61  }
0x15c: {  	v63 =	vpop (erf);
	(erf) = vpow2.f32 v3;
	v3 =	vadd.f32 v7, v16  }
0x15d: {  	v51 =	vpop (erf);
	v61 =	vld [tilespmem:$0x1FF00]  }
0x15e: {  	v35 =	vmul.f32 s23, v51;
	v43 =	vadd.f32 v62, v24;
	v62 =	vld [tilespmem:$0x1FF80];
	v51 =	vand.u32 $0x7FFFFFFF, v3  }
0x15f: {  	v3 =	vmul.f32 v3, v58;
	v51 =	vmul.f32 v51, v59  }
0x160: {  	v50 =	vld [tilespmem:s6+$0x54B0]  }
0x161: {  	v10 =	vld [tilespmem:s6+$0x34B0];
	v51 =	vadd.f32 v51, v3  }
0x162: {  	v58 =	vand.u32 $0x7FFFFFFF, v36  }
0x163: {  	v61 =	vmul.f32 v36, v61;
	v58 =	vmul.f32 v58, v62;
	(xrf2) =	vadd.scan.msk.f32 $0xffff, v51;
	v51 =	vld [tilespmem:$0x1FF20]  }
0x164: {  	v46 =	vld [tilespmem:s6+$0x54C0]  }
0x165: {  	v42 =	vmul.f32 s23, v63;
	v63 =	vld [tilespmem:$0x1FF10];
	v58 =	vadd.f32 v58, v61  }
0x166: {  	v19 =	vbroadcast v23, $0xF;
	v23 =	vld [tilespmem:s6+$0x34C0];
	v50 =	vadd.f32 v50, v10  }
0x167: {  	(xrf2) =	vadd.scan.msk.f32 $0xffff, v58;
	v58 =	vld [tilespmem:$0x1FF30]  }
0x168: {  	v61 =	vand.u32 $0x7FFFFFFF, v50;
	v50 =	vmul.f32 v50, v51;
	v51 =	vld [tilespmem:$0x1FFA0];
	_ =	sdelay $0x1  }
0x169: {  	v62 =	vand.u32 $0x7FFFFFFF, v43;
	v43 =	vmul.f32 v43, v63;
	v63 =	vld [tilespmem:$0x1FF90]  }
0x16a: {  	v46 =	vadd.f32 v46, v23;
	_ =	sdelay $0x1  }
0x16b: {  	v51 =	vmul.f32 v61, v51;
	v61 =	vand.u32 $0x7FFFFFFF, v46;
	v46 =	vmul.f32 v46, v58;
	v58 =	vld [tilespmem:$0x1FFB0]  }
0x16c: {  	v13 =	vld [tilespmem:s6+$0x34D0]  }
0x16d: {  	v59 =	vld [tilespmem:s6+$0x54D0];
	v62 =	vmul.f32 v62, v63  }
0x16e: {  	v7, _, _ =	vpop (xrf2);
	v3 =	vld [tilespmem:s6+$0x34F0]  }
0x16f: {  	v7 =	vmul.f32 $1.442695020e+00, v7;
	v43 =	vadd.f32 v62, v43;
	v62 =	vld [tilespmem:s6+$0x54F0]  }
0x170: {  	v20 =	vmul.f32 v61, v58;
	v58 =	vld [tilespmem:$0x1FF40]  }
0x171: {  	v7 =	vbroadcast v7, $0xF;
	v61 =	vld [tilespmem:$0x1FFC0]  }
0x172: {  	(erf) = vpow2.f32 v19;
	v36 =	vld [tilespmem:s6+$0x34E0]  }
0x173: {  	(erf) = vpow2.f32 v7;
	v59 =	vadd.f32 v59, v13;
	v63 =	vld [tilespmem:s6+$0x54E0];
	v7 =	vadd.f32 v51, v50  }
0x174: {  	(xrf2) =	vadd.scan.msk.f32 $0xffff, v43  }
0x175: {  	(xrf2) =	vadd.scan.msk.f32 $0xffff, v7;
	v7 =	vld [tilespmem:$0x1FF50];
	v43 =	vadd.f32 v20, v46;
	v46 =	vmul.f32 v59, v58;
	v59 =	vand.u32 $0x7FFFFFFF, v59  }
0x176: {  	v51 =	vmul.f32 v59, v61;
	v59 =	vadd.f32 v62, v3;
	v62 =	vld [tilespmem:$0x1FFD0];
	_ =	sdelay $0x1  }
0x177: {  	v50 =	vadd.f32 v63, v36;
	_ =	sdelay $0x1  }
0x178: {  	v58 =	vand.u32 $0x7FFFFFFF, v50  }
0x179: {  	v7 =	vmul.f32 v50, v7;
	v63 =	vmul.f32 v58, v62;
	_ =	sdelay $0x1  }
0x17a: {  	v50 =	vadd.f32 v63, v7;
	v7 =	vld [tilespmem:$0x1FF60];
	_ =	sdelay $0x4  }
0x17b: {  	v20 =	vmul.f32 v59, v7;
	v7 =	vld [tilespmem:$0x1FFE0];
	_ =	sdelay $0x2  }
0x17c: {  	(xrf2) =	vadd.scan.msk.f32 $0xffff, v43;
	v61 =	vpop (erf);
	v43 =	vadd.f32 v51, v46  }
0x17d: {  	v8 =	vmul.f32 v22, v8;
	v19 =	vpop (erf);
	v46 =	vand.u32 $0x7FFFFFFF, v59;
	v58 =	vmul.f32 s23, v61  }
0x17e: {  	(xrf2) =	vadd.scan.msk.f32 $0xffff, v43;
	v59 =	vmul.f32 s23, v19;
	v19, _, _ =	vpop (xrf2);
	v46 =	vmul.f32 v46, v7  }
0x17f: {  	v63 =	vmul.f32 v58, v14;
	v7 =	vmul.f32 v42, v5;
	v5 =	vpop (erf)  }
0x180: {  	(xrf2) =	vadd.scan.msk.f32 $0xffff, v50;
	v62 =	vpop (erf);
	v50 =	vmul.f32 s23, v5;
	v5 =	vmul.f32 $1.442695020e+00, v19;
	v46 =	vadd.f32 v46, v20  }
0x181: {  	v43 =	vmul.f32 s23, v62;
	v62 =	vmul.f32 v59, v17  }
0x182: {  	v20, _, _ =	vpop (xrf2);
	v61 =	vmul.f32 v50, v29;
	v5 =	vbroadcast v5, $0xF  }
0x183: {  	v14 =	vmul.f32 $1.442695020e+00, v20;
	(xrf2) =	vadd.scan.msk.f32 $0xffff, v46;
	v51 =	vmul.f32 v43, v18;
	v18, _, _ =	vpop (xrf2)  }
0x184: {  	[tilespmem:s0+$0x54C0] =	vst v37;
	v37 =	vld [tilespmem:$0x1FEF0];
	s28 =	sor.u32 $0x4, s11;
	v17 =	vmul.f32 $1.442695020e+00, v18;
	(erf) = vpow2.f32 v5;
	v46 =	vpop (erf)  }
0x185: {  	[tilespmem:s0+$0x54D0] =	vst v48;
	v48 =	vld [tilespmem:$0x1FF00];
	v5 =	vbroadcast v14, $0xF;
	v18, _, _ =	vpop (xrf2);
	v46 =	vmul.f32 s23, v46;
	s23 =	sshll.u32 s28, $0x7  }
0x186: {  	v18 =	vmul.f32 $1.442695020e+00, v18;
	v29, _, _ =	vpop (xrf2);
	v17 =	vbroadcast v17, $0xF;
	v14 =	vld [tilespmem:s23+$0x3480]  }
0x187: {  	[tilespmem:s0+$0x5490] =	vst v2;
	(erf) = vpow2.f32 v5;
	v5 =	vmul.f32 $1.442695020e+00, v29;
	v2 =	vld [tilespmem:s23+$0x3490]  }
0x188: {  	[tilespmem:s0+$0x7490] =	vst v21;
	v21, _, _ =	vpop (xrf2);
	v29 =	vld [tilespmem:s23+$0x5490];
	(erf) = vpow2.f32 v17;
	v17 =	vbroadcast v18, $0xF  }
0x189: {  	[tilespmem:s0+$0x54A0] =	vst v8;
	v19 =	vld [tilespmem:s23+$0x5480];
	v8 =	vbroadcast v5, $0xF;
	v18 =	vmul.f32 $1.442695020e+00, v21  }
0x18a: {  	v20 =	vld [tilespmem:s23+$0x54A0];
	(erf) = vpow2.f32 v17  }
0x18b: {  	[tilespmem:s0+$0x74A0] =	vst v22;
	v22 =	vld [tilespmem:s23+$0x34B0];
	(erf) = vpow2.f32 v8;
	v8 =	vbroadcast v18, $0xF  }
0x18c: {  	[tilespmem:s0+$0x74B0] =	vst v34;
	v34 =	vld [tilespmem:s23+$0x54B0];
	v21, _, _ =	vpop (xrf2)  }
0x18d: {  	[tilespmem:s0+$0x54B0] =	vst v44;
	v5 =	vld [tilespmem:s23+$0x34A0];
	v17 =	vmul.f32 $1.442695020e+00, v21;
	v44, _, _ =	vpop (xrf2);
	(erf) = vpow2.f32 v8;
	v8 =	vadd.f32 v29, v2  }
0x18e: {  	v18 =	vmul.f32 $1.442695020e+00, v44;
	v44 =	vld [tilespmem:$0x1FF70]  }
0x18f: {  	[tilespmem:s0+$0x74C0] =	vst v30;
	v17 =	vbroadcast v17, $0xF;
	v30 =	vand.u32 $0x7FFFFFFF, v8;
	v8 =	vmul.f32 v8, v48;
	v48 =	vld [tilespmem:$0x1FF80]  }
0x190: {  	v21 =	vmul.f32 v46, v9;
	v9 =	vbroadcast v18, $0xF  }
0x191: {  	v19 =	vadd.f32 v19, v14;
	(erf) = vpow2.f32 v17  }
0x192: {  	[tilespmem:s0+$0x74D0] =	vst v32;
	v32 =	vpop (erf);
	(erf) = vpow2.f32 v9;
	v9 =	vadd.f32 v34, v22;
	v34 =	vld [tilespmem:$0x1FF90]  }
0x193: {  	v17 =	vand.u32 $0x7FFFFFFF, v19;
	v19 =	vmul.f32 v19, v37  }
0x194: {  	v20 =	vadd.f32 v20, v5;
	v17 =	vmul.f32 v17, v44;
	v30 =	vmul.f32 v30, v48  }
0x195: {  	[tilespmem:s0+$0x74E0] =	vst v31;
	v31 =	vld [tilespmem:$0x1FF10]  }
0x196: {  	v29 =	vld [tilespmem:s23+$0x34C0];
	v17 =	vadd.f32 v17, v19;
	v19 =	vadd.f32 v30, v8;
	v30 =	vand.u32 $0x7FFFFFFF, v20  }
0x197: {  	s24 =	sor.u32 s10, s24;
	v30 =	vmul.f32 v30, v34;
	v34 =	vld [tilespmem:$0x1FFA0]  }
0x198: {  	s3 =	simm.f32 $1.000000000e+00;
	p3 =	slt.s32 s24, s25;
	(xrf2) =	vadd.scan.msk.f32 $0xffff, v17;
	v17 =	vld [tilespmem:$0x1FF20]  }
0x199: {  	s3 =	simm.s32 @!p3 $0x0;
	v37 =	vld [tilespmem:s23+$0x34D0];
	v48 =	vand.u32 $0x7FFFFFFF, v9  }
0x19a: {  	v32 =	vmul.f32 s3, v32;
	v18 =	vld [tilespmem:s23+$0x54C0];
	v20 =	vmul.f32 v20, v31  }
0x19b: {  	v44 =	vld [tilespmem:s23+$0x54D0]  }
0x19c: {  	[tilespmem:s0+$0x54F0] =	vst v12;
	v12 =	vmul.f32 v32, v16;
	v16 =	vadd.f32 v30, v20;
	v30 =	vld [tilespmem:$0x1FFB0];
	v34 =	vmul.f32 v48, v34;
	v48 =	vpop (erf)  }
0x19d: {  	v17 =	vmul.f32 v9, v17;
	v9 =	vmul.f32 s3, v48;
	v48 =	vld [tilespmem:$0x1FF30];
	_ =	sdelay $0x1  }
0x19e: {  	v18 =	vadd.f32 v18, v29  }
0x19f: {  	v11 =	vmul.f32 v27, v11  }
0x1a0: {  	[tilespmem:s0+$0x54E0] =	vst v41;
	v41 =	vld [tilespmem:s23+$0x34E0];
	v20 =	vadd.f32 v44, v37;
	v44 =	vand.u32 $0x7FFFFFFF, v18  }
0x1a1: {  	[tilespmem:s21+$0x5480] =	vst v11;
	v11 =	vmul.f32 v18, v48;
	v18 =	vmul.f32 v44, v30;
	v44 =	vld [tilespmem:$0x1FF40]  }
0x1a2: {  	v48 =	vld [tilespmem:$0x1FFC0]  }
0x1a3: {  	[tilespmem:s0+$0x74F0] =	vst v26;
	v26 =	vld [tilespmem:s23+$0x54F0]  }
0x1a4: {  	v8 =	vld [tilespmem:s23+$0x34F0]  }
0x1a5: {  	v31 =	vld [tilespmem:s23+$0x54E0]  }
0x1a6: {  	v17 =	vadd.f32 v34, v17;
	v34 =	vand.u32 $0x7FFFFFFF, v20  }
0x1a7: {  	[tilespmem:s21+$0x7480] =	vst v27;
	(xrf2) =	vadd.scan.msk.f32 $0xffff, v19;
	v27 =	vpop (erf);
	v20 =	vmul.f32 v20, v44;
	v19 =	vmul.f32 v34, v48  }
0x1a8: {  	v18 =	vadd.f32 v18, v11;
	v11 =	vmul.f32 s3, v27;
	v27 =	vld [tilespmem:$0x1FFD0]  }
0x1a9: {  	v44 =	vadd.f32 v19, v20;
	v20 =	vadd.f32 v26, v8;
	v26 =	vld [tilespmem:$0x1FF50]  }
0x1aa: {  	v30 =	vadd.f32 v31, v41  }
0x1ab: {  	v34 =	vpop (erf)  }
0x1ac: {  	v48 =	vand.u32 $0x7FFFFFFF, v30;
	v31 =	vpop (erf)  }
0x1ad: {  	v19 =	vmul.f32 v48, v27;
	v48 =	vmul.f32 s3, v31;
	v31 =	vld [tilespmem:$0x1FFE0]  }
0x1ae: {  	(xrf2) =	vadd.scan.msk.f32 $0xffff, v16;
	v26 =	vmul.f32 v30, v26;
	v30 =	vld [tilespmem:$0x1FF60]  }
0x1af: {  	[tilespmem:s21+$0x5490] =	vst v60;
	(xrf2) =	vadd.scan.msk.f32 $0xffff, v17;
	v60 =	vmul.f32 s3, v34;
	v34 =	vand.u32 $0x7FFFFFFF, v20  }
0x1b0: {  	(xrf2) =	vadd.scan.msk.f32 $0xffff, v18  }
0x1b1: {  	(xrf2) =	vadd.scan.msk.f32 $0xffff, v44;
	v44 =	vpop (erf)  }
0x1b2: {  	[tilespmem:s21+$0x7490] =	vst v25;
	v16 =	vmul.f32 v9, v15;
	v18 =	vadd.f32 v19, v26;
	v26 =	vmul.f32 v34, v31;
	v34, _, _ =	vpop (xrf2)  }
0x1b3: {  	[tilespmem:s21+$0x74A0] =	vst v28;
	v15 =	vmul.f32 v48, v23;
	v31, _, _ =	vpop (xrf2);
	v20 =	vmul.f32 v20, v30  }
0x1b4: {  	[tilespmem:s21+$0x74B0] =	vst v49;
	v23 =	vpop (erf);
	v30 =	vmul.f32 $1.442695020e+00, v34;
	v34 =	vmul.f32 $1.442695020e+00, v31  }
0x1b5: {  	[tilespmem:s21+$0x54A0] =	vst v55;
	v55 =	vmul.f32 s3, v44;
	v44 =	vmul.f32 s3, v23  }
0x1b6: {  	s24 =	sor.u32 $0x5, s11;
	[tilespmem:s21+$0x74C0] =	vst v38;
	v6 =	vmul.f32 v35, v6;
	(xrf2) =	vadd.scan.msk.f32 $0xffff, v18  }
0x1b7: {  	s0 =	sshll.u32 s24, $0x7;
	[tilespmem:s21+$0x54B0] =	vst v57;
	v25 =	vmul.f32 v60, v10;
	v49 =	vpop (erf);
	v10 =	vmul.f32 v44, v36  }
0x1b8: {  	v28 =	vld [tilespmem:s0+$0x54A0];
	[tilespmem:s21+$0x54C0] =	vst v53;
	v19 =	vbroadcast v30, $0xF;
	v57 =	vbroadcast v34, $0xF;
	v34, _, _ =	vpop (xrf2)  }
0x1b9: {  	[tilespmem:s4+$0x5480] =	vst v47;
	v47 =	vld [tilespmem:$0x1FEF0];
	v36 =	vmul.f32 s3, v49;
	v38 =	vmul.f32 $1.442695020e+00, v34;
	v49, _, _ =	vpop (xrf2)  }
0x1ba: {  	[tilespmem:s21+$0x54D0] =	vst v56;
	v18 =	vadd.f32 v26, v20;
	v30 =	vld [tilespmem:s0+$0x3480];
	(erf) = vpow2.f32 v19;
	v53 =	vmul.f32 $1.442695020e+00, v49;
	v56, _, _ =	vpop (xrf2)  }
0x1bb: {  	v26 =	vld [tilespmem:s0+$0x5490];
	v19 =	vbroadcast v38, $0xF;
	v20 =	vmul.f32 $1.442695020e+00, v56  }
0x1bc: {  	(xrf2) =	vadd.scan.msk.f32 $0xffff, v18;
	(erf) = vpow2.f32 v57;
	v57 =	vld [tilespmem:s0+$0x5480];
	v18 =	vbroadcast v53, $0xF  }
0x1bd: {  	v34 =	vld [tilespmem:s0+$0x3490];
	(erf) = vpow2.f32 v19;
	v49 =	vbroadcast v20, $0xF  }
0x1be: {  	[tilespmem:s4+$0x54A0] =	vst v6;
	v6 =	vld [tilespmem:$0x1FF00];
	(erf) = vpow2.f32 v18  }
0x1bf: {  	v17 =	vmul.f32 v11, v24;
	v24, _, _ =	vpop (xrf2);
	(erf) = vpow2.f32 v49;
	v49 =	vld [tilespmem:$0x1FF70]  }
0x1c0: {  	[tilespmem:s4+$0x74C0] =	vst v59;
	v59 =	vld [tilespmem:$0x1FF50];
	v24 =	vmul.f32 $1.442695020e+00, v24;
	v53, _, _ =	vpop (xrf2)  }
0x1c1: {  	[tilespmem:s21+$0x54E0] =	vst v54;
	v27 =	vld [tilespmem:s0+$0x34C0];
	v56 =	vadd.f32 v57, v30;
	v54 =	vmul.f32 $1.442695020e+00, v53  }
0x1c2: {  	[tilespmem:s21+$0x54F0] =	vst v52;
	v23 =	vld [tilespmem:s0+$0x34D0];
	v52 =	vbroadcast v24, $0xF;
	v26 =	vadd.f32 v26, v34  }
0x1c3: {  	[tilespmem:s21+$0x74E0] =	vst v40;
	v38 =	vld [tilespmem:s0+$0x34A0];
	v40 =	vand.u32 $0x7FFFFFFF, v56;
	v20 =	vmul.f32 v56, v47;
	v19 =	vbroadcast v54, $0xF  }
0x1c4: {  	[tilespmem:s4+$0x7480] =	vst v33;
	v54 =	vmul.f32 v26, v6;
	v6 =	vld [tilespmem:$0x1FF80];
	v33 =	vmul.f32 v40, v49  }
0x1c5: {  	v24 =	vld [tilespmem:s0+$0x34B0]  }
0x1c6: {  	[tilespmem:s21+$0x74F0] =	vst v39;
	v39 =	vmul.f32 v36, v3;
	v57 =	vld [tilespmem:s0+$0x54B0];
	(erf) = vpow2.f32 v52;
	v3, _, _ =	vpop (xrf2);
	v52 =	vadd.f32 v33, v20  }
0x1c7: {  	v3 =	vmul.f32 $1.442695020e+00, v3;
	v49 =	vld [tilespmem:$0x1FF10]  }
0x1c8: {  	[tilespmem:s4+$0x5490] =	vst v7;
	v7 =	vand.u32 $0x7FFFFFFF, v26;
	(xrf2) =	vadd.scan.msk.f32 $0xffff, v52;
	v52 =	vld [tilespmem:$0x1FF90]  }
0x1c9: {  	[tilespmem:s21+$0x74D0] =	vst v45;
	s21 =	sor.u32 s10, s28;
	v26 =	vld [tilespmem:s0+$0x34E0];
	v3 =	vbroadcast v3, $0xF;
	v56 =	vmul.f32 v7, v6  }
0x1ca: {  	p3 =	slt.s32 s21, s25;
	s28 =	simm.f32 $1.000000000e+00;
	v28 =	vadd.f32 v28, v38;
	v45 =	vpop (erf);
	(erf) = vpow2.f32 v19;
	v19 =	vld [tilespmem:s0+$0x54E0]  }
0x1cb: {  	s28 =	simm.s32 @!p3 $0x0;
	v53 =	vpop (erf);
	v40 =	vld [tilespmem:s0+$0x54C0];
	(erf) = vpow2.f32 v3;
	v3 =	vadd.f32 v56, v54  }
0x1cc: {  	v18 =	vmul.f32 s28, v45;
	v47 =	vand.u32 $0x7FFFFFFF, v28;
	v56 =	vld [tilespmem:$0x1FFA0]  }
0x1cd: {  	v28 =	vmul.f32 v28, v49;
	(xrf2) =	vadd.scan.msk.f32 $0xffff, v3;
	v3 =	vld [tilespmem:$0x1FF20];
	v33 =	vmul.f32 v47, v52  }
0x1ce: {  	v57 =	vadd.f32 v57, v24;
	v20 =	vld [tilespmem:s0+$0x54D0];
	v54 =	vpop (erf)  }
0x1cf: {  	v6 =	vmul.f32 v18, v14;
	v14 =	vmul.f32 s28, v54;
	v54 =	vld [tilespmem:$0x1FF40];
	v28 =	vadd.f32 v33, v28  }
0x1d0: {  	v52 =	vld [tilespmem:$0x1FFB0]  }
0x1d1: {  	v7 =	vmul.f32 s28, v53;
	v53 =	vand.u32 $0x7FFFFFFF, v57;
	(xrf2) =	vadd.scan.msk.f32 $0xffff, v28;
	v28 =	vld [tilespmem:$0x1FF30]  }
0x1d2: {  	v3 =	vmul.f32 v57, v3;
	v57 =	vmul.f32 v53, v56;
	v56 =	vld [tilespmem:$0x1FFC0]  }
0x1d3: {  	[tilespmem:s4+$0x54D0] =	vst v61;
	v61 =	vld [tilespmem:$0x1FFD0];
	v40 =	vadd.f32 v40, v27;
	v20 =	vadd.f32 v20, v23  }
0x1d4: {  	v19 =	vadd.f32 v19, v26  }
0x1d5: {  	[tilespmem:s4+$0x74A0] =	vst v35;
	v49 =	vand.u32 $0x7FFFFFFF, v40;
	v53 =	vand.u32 $0x7FFFFFFF, v20;
	v20 =	vmul.f32 v20, v54  }
0x1d6: {  	[tilespmem:s4+$0x54B0] =	vst v63;
	v63 =	vld [tilespmem:s0+$0x54F0];
	v35 =	vmul.f32 v49, v52;
	v28 =	vmul.f32 v40, v28  }
0x1d7: {  	v31 =	vld [tilespmem:s0+$0x34F0];
	v3 =	vadd.f32 v57, v3;
	v57 =	vand.u32 $0x7FFFFFFF, v19;
	v40 =	vmul.f32 v53, v56  }
0x1d8: {  	[tilespmem:s4+$0x7490] =	vst v42;
	v19 =	vmul.f32 v19, v59;
	v42 =	vmul.f32 v57, v61;
	v28 =	vadd.f32 v35, v28  }
0x1d9: {  	v49 =	vmul.f32 v7, v2;
	(xrf2) =	vadd.scan.msk.f32 $0xffff, v3;
	v2 =	vadd.f32 v40, v20  }
0x1da: {  	v47 =	vmul.f32 v14, v5;
	v5 =	vadd.f32 v42, v19;
	(xrf2) =	vadd.scan.msk.f32 $0xffff, v28  }
0x1db: {  	(xrf2) =	vadd.scan.msk.f32 $0xffff, v2  }
0x1dc: {  	[tilespmem:s4+$0x54C0] =	vst v62;
	v62 =	vadd.f32 v63, v31;
	v63, _, _ =	vpop (xrf2);
	(xrf2) =	vadd.scan.msk.f32 $0xffff, v5;
	v5 =	vld [tilespmem:$0x1FF60];
	_ =	sdelay $0x1  }
0x1dd: {  	[tilespmem:s4+$0x74D0] =	vst v50;
	v50 =	vld [tilespmem:$0x1FFE0]  }
0x1de: {  	[tilespmem:s4+$0x74B0] =	vst v58  }
0x1df: {  	[tilespmem:s4+$0x74E0] =	vst v43;
	v58 =	vpop (erf)  }
0x1e0: {  	[tilespmem:s4+$0x54E0] =	vst v51;
	v3 =	vpop (erf);
	v5 =	vmul.f32 v62, v5  }
0x1e1: {  	s21 =	sor.u32 $0x6, s11;
	v43 =	vld [tilespmem:$0x1FF70];
	[tilespmem:s4+$0x74F0] =	vst v46;
	v52, _, _ =	vpop (xrf2);
	v33 =	vmul.f32 s28, v3;
	v2 =	vand.u32 $0x7FFFFFFF, v62  }
0x1e2: {  	v46 =	vld [tilespmem:$0x1FFA0];
	[tilespmem:s4+$0x54F0] =	vst v21;
	s4 =	sshll.u32 s21, $0x7;
	v3 =	vmul.f32 $1.442695020e+00, v63;
	v42 =	vpop (erf);
	v2 =	vmul.f32 v2, v50  }
0x1e3: {  	v21 =	vld [tilespmem:s4+$0x34A0];
	v13 =	vmul.f32 v55, v13;
	v53, _, _ =	vpop (xrf2)  }
0x1e4: {  	[tilespmem:s6+$0x74B0] =	vst v60;
	v60 =	vld [tilespmem:$0x1FF80];
	v35 =	vmul.f32 s28, v42;
	v3 =	vbroadcast v3, $0xF;
	v2 =	vadd.f32 v2, v5;
	v5 =	vpop (erf)  }
0x1e5: {  	[tilespmem:s6+$0x54B0] =	vst v25;
	v25 =	vld [tilespmem:s4+$0x34C0];
	v42 =	vmul.f32 v33, v29;
	v54, _, _ =	vpop (xrf2);
	v29 =	vmul.f32 s28, v5  }
0x1e6: {  	[tilespmem:s6+$0x74D0] =	vst v55;
	v55 =	vld [tilespmem:$0x1FF90];
	v5 =	vpop (erf);
	(erf) = vpow2.f32 v3;
	v3 =	vmul.f32 $1.442695020e+00, v52  }
0x1e7: {  	v59 =	vld [tilespmem:s4+$0x5490];
	v40 =	vmul.f32 s28, v58;
	v57, _, _ =	vpop (xrf2);
	(xrf2) =	vadd.scan.msk.f32 $0xffff, v2;
	v2 =	vmul.f32 $1.442695020e+00, v53  }
0x1e8: {  	[tilespmem:s6+$0x5480] =	vst v12;
	v56 =	vld [tilespmem:s4+$0x5480];
	v58, _, _ =	vpop (xrf2);
	v12 =	vmul.f32 s28, v5;
	v5 =	vbroadcast v3, $0xF  }
0x1e9: {  	[tilespmem:s6+$0x7490] =	vst v9;
	v45 =	vmul.f32 v40, v22;
	v9 =	vmul.f32 $1.442695020e+00, v58;
	v3 =	vld [tilespmem:s4+$0x3480]  }
0x1ea: {  	[tilespmem:s6+$0x5490] =	vst v16;
	v2 =	vbroadcast v2, $0xF;
	(erf) = vpow2.f32 v5;
	v5 =	vld [tilespmem:s4+$0x3490]  }
0x1eb: {  	[tilespmem:s23+$0x5480] =	vst v6;
	v6 =	vld [tilespmem:$0x1FF30];
	v16 =	vmul.f32 v12, v8;
	v8 =	vmul.f32 $1.442695020e+00, v54  }
0x1ec: {  	v20 =	vld [tilespmem:s4+$0x54A0];
	v61, _, _ =	vpop (xrf2);
	(erf) = vpow2.f32 v2;
	v2 =	vmul.f32 $1.442695020e+00, v57  }
0x1ed: {  	[tilespmem:s6+$0x74A0] =	vst v11;
	v11 =	vmul.f32 $1.442695020e+00, v61;
	v8 =	vbroadcast v8, $0xF;
	v57 =	vld [tilespmem:$0x1FEF0]  }
0x1ee: {  	[tilespmem:s6+$0x7480] =	vst v32;
	s28 =	sor.u32 s10, s24;
	v32 =	vmul.f32 v29, v41;
	v2 =	vbroadcast v2, $0xF;
	v41 =	vadd.f32 v56, v3;
	v56 =	vld [tilespmem:s4+$0x54C0]  }
0x1ef: {  	s24 =	simm.f32 $1.000000000e+00;
	p3 =	slt.s32 s28, s25;
	v62 =	vbroadcast v9, $0xF;
	(erf) = vpow2.f32 v8;
	v53 =	vadd.f32 v59, v5;
	v59 =	vld [tilespmem:$0x1FF00]  }
0x1f0: {  	v19 =	vld [tilespmem:s4+$0x54B0];
	s24 =	simm.s32 @!p3 $0x0;
	v63 =	vpop (erf);
	(erf) = vpow2.f32 v2;
	v2 =	vbroadcast v11, $0xF  }
0x1f1: {  	v22 =	vld [tilespmem:s4+$0x34B0];
	v54 =	vand.u32 $0x7FFFFFFF, v41;
	v11 =	vmul.f32 s24, v63;
	(erf) = vpow2.f32 v62  }
0x1f2: {  	[tilespmem:s6+$0x54C0] =	vst v15;
	v28 =	vld [tilespmem:s4+$0x34D0];
	v15 =	vmul.f32 v41, v57;
	v8 =	vmul.f32 v54, v43  }
0x1f3: {  	[tilespmem:s6+$0x54D0] =	vst v13;
	v54 =	vld [tilespmem:$0x1FF10];
	(erf) = vpow2.f32 v2;
	v58 =	vand.u32 $0x7FFFFFFF, v53;
	v13 =	vadd.f32 v56, v25  }
0x1f4: {  	[tilespmem:s6+$0x54E0] =	vst v10;
	v52, _, _ =	vpop (xrf2);
	v63 =	vadd.f32 v20, v21;
	v57 =	vld [tilespmem:$0x1FF20];
	v10 =	vmul.f32 v58, v60;
	v9 =	vmul.f32 v53, v59  }
0x1f5: {  	v2 =	vmul.f32 $1.442695020e+00, v52;
	v8 =	vadd.f32 v8, v15;
	v60 =	vmul.f32 v13, v6;
	v6 =	vld [tilespmem:$0x1FFB0]  }
0x1f6: {  	v50 =	vld [tilespmem:s4+$0x54D0];
	v51 =	vadd.f32 v19, v22;
	v9 =	vadd.f32 v10, v9  }
0x1f7: {  	v41 =	vld [tilespmem:$0x1FFC0];
	v52 =	vand.u32 $0x7FFFFFFF, v63;
	v62 =	vbroadcast v2, $0xF;
	(xrf2) =	vadd.scan.msk.f32 $0xffff, v8  }
0x1f8: {  	v56 =	vand.u32 $0x7FFFFFFF, v51;
	v2 =	vld [tilespmem:s4+$0x34E0];
	v8 =	vmul.f32 v52, v55;
	(xrf2) =	vadd.scan.msk.f32 $0xffff, v9;
	v9 =	vmul.f32 v63, v54  }
0x1f9: {  	[tilespmem:s6+$0x54A0] =	vst v17;
	v61 =	vpop (erf);
	v15 =	vmul.f32 v56, v46;
	v53 =	vld [tilespmem:s4+$0x54E0];
	v58 =	vand.u32 $0x7FFFFFFF, v13;
	v10 =	vmul.f32 v51, v57  }
0x1fa: {  	[tilespmem:s6+$0x54F0] =	vst v39;
	v39 =	vmul.f32 s24, v61;
	v59 =	vpop (erf);
	v55 =	vld [tilespmem:$0x1FF40];
	v61 =	vmul.f32 v58, v6;
	v8 =	vadd.f32 v8, v9  }
0x1fb: {  	[tilespmem:s23+$0x7480] =	vst v18;
	(erf) = vpow2.f32 v62;
	v18 =	vmul.f32 s24, v59;
	v59 =	vld [tilespmem:$0x1FFD0];
	v10 =	vadd.f32 v15, v10  }
0x1fc: {  	[tilespmem:s6+$0x74C0] =	vst v48;
	v62 =	vadd.f32 v50, v28;
	v63 =	vld [tilespmem:s4+$0x54F0];
	v50 =	vadd.f32 v61, v60;
	(xrf2) =	vadd.scan.msk.f32 $0xffff, v8  }
0x1fd: {  	[tilespmem:s6+$0x74E0] =	vst v44;
	v6 =	vld [tilespmem:s4+$0x34F0];
	(xrf2) =	vadd.scan.msk.f32 $0xffff, v10  }
0x1fe: {  	[tilespmem:s6+$0x74F0] =	vst v36;
	v37 =	vmul.f32 v35, v37;
	v20 =	vmul.f32 v11, v30;
	v58 =	vld [tilespmem:$0x1FF50];
	(xrf2) =	vadd.scan.msk.f32 $0xffff, v50  }
0x1ff: {  	v48 =	vld [tilespmem:$0x1FFE0];
	[tilespmem:s23+$0x7490] =	vst v7;
	v52 =	vpop (erf);
	v30 =	vmul.f32 v18, v38;
	v51 =	vadd.f32 v53, v2;
	v53 =	vand.u32 $0x7FFFFFFF, v62  }
0x200: {  	[tilespmem:s23+$0x74A0] =	vst v14;
	v54 =	vpop (erf);
	v8 =	vmul.f32 v62, v55;
	v10 =	vmul.f32 v53, v41;
	v50 =	vld [tilespmem:$0x1FF60]  }
0x201: {  	[tilespmem:s23+$0x5490] =	vst v49;
	v38 =	vmul.f32 s24, v52;
	v19 =	vmul.f32 s24, v54;
	v56 =	vand.u32 $0x7FFFFFFF, v51;
	v62, _, _ =	vpop (xrf2)  }
0x202: {  	v44 =	vld [tilespmem:$0x1FF80];
	[tilespmem:s23+$0x74B0] =	vst v40;
	v57 =	vpop (erf);
	v61 =	vadd.f32 v63, v6;
	v7 =	vadd.f32 v10, v8;
	v63 =	vmul.f32 $1.442695020e+00, v62  }
0x203: {  	v40 =	vld [tilespmem:$0x1FF00];
	[tilespmem:s23+$0x54C0] =	vst v42;
	v60 =	vpop (erf);
	v15 =	vmul.f32 v56, v59;
	v9 =	vmul.f32 v51, v58  }
0x204: {  	v42 =	vld [tilespmem:$0x1FF20];
	v17 =	vmul.f32 s24, v57;
	v49 =	vpop (erf);
	(xrf2) =	vadd.scan.msk.f32 $0xffff, v7;
	v7 =	vand.u32 $0x7FFFFFFF, v61;
	v8 =	vbroadcast v63, $0xF  }
0x205: {  	[tilespmem:s23+$0x54B0] =	vst v45;
	v45 =	vld [tilespmem:$0x1FF90];
	s28 =	sor.u32 $0x7, s11;
	v9 =	vadd.f32 v15, v9;
	v36, _, _ =	vpop (xrf2);
	v7 =	vmul.f32 v7, v48;
	v10 =	vmul.f32 v61, v50  }
0x206: {  	[tilespmem:s23+$0x54D0] =	vst v37;
	v37 =	vld [tilespmem:$0x1FEF0];
	s6 =	sshll.u32 s28, $0x7;
	v14 =	vmul.f32 s24, v49;
	v51 =	vmul.f32 $1.442695020e+00, v36;
	v52, _, _ =	vpop (xrf2)  }
0x207: {  	v53 =	vld [tilespmem:s6+$0x5480];
	(xrf2) =	vadd.scan.msk.f32 $0xffff, v9;
	(erf) = vpow2.f32 v8;
	v10 =	vadd.f32 v7, v10;
	v54 =	vmul.f32 $1.442695020e+00, v52;
	v55, _, _ =	vpop (xrf2)  }
0x208: {  	v58 =	vld [tilespmem:s6+$0x5490];
	v9 =	vbroadcast v51, $0xF;
	v56 =	vmul.f32 $1.442695020e+00, v55;
	v57, _, _ =	vpop (xrf2)  }
0x209: {  	[tilespmem:s23+$0x74C0] =	vst v33;
	v7 =	vld [tilespmem:s6+$0x3480];
	(xrf2) =	vadd.scan.msk.f32 $0xffff, v10;
	v33 =	vbroadcast v54, $0xF;
	v10 =	vmul.f32 $1.442695020e+00, v57  }
0x20a: {  	[tilespmem:s23+$0x54A0] =	vst v47;
	v8 =	vld [tilespmem:s6+$0x3490];
	(erf) = vpow2.f32 v9;
	v59 =	vbroadcast v56, $0xF  }
0x20b: {  	[tilespmem:s23+$0x74D0] =	vst v35;
	v49 =	vld [tilespmem:s6+$0x54B0];
	(erf) = vpow2.f32 v33;
	v10 =	vbroadcast v10, $0xF  }
0x20c: {  	[tilespmem:s23+$0x74E0] =	vst v29;
	v61 =	vld [tilespmem:s6+$0x54A0];
	(erf) = vpow2.f32 v59  }
0x20d: {  	[tilespmem:s23+$0x74F0] =	vst v12;
	(erf) = vpow2.f32 v10;
	v10 =	vld [tilespmem:s6+$0x34B0]  }
0x20e: {  	[tilespmem:s0+$0x7480] =	vst v11;
	v9 =	vld [tilespmem:s6+$0x34A0];
	v29 =	vadd.f32 v53, v7  }
0x20f: {  	v11 =	vld [tilespmem:s6+$0x34C0];
	[tilespmem:s0+$0x5480] =	vst v20;
	v13 =	vmul.f32 v39, v34;
	v24 =	vmul.f32 v38, v24;
	v63 =	vadd.f32 v58, v8  }
0x210: {  	[tilespmem:s0+$0x7490] =	vst v39;
	v39 =	vld [tilespmem:$0x1FF10];
	v27 =	vmul.f32 v19, v27;
	v15 =	vmul.f32 s24, v60;
	v60, _, _ =	vpop (xrf2);
	v36 =	vand.u32 $0x7FFFFFFF, v29  }
0x211: {  	[tilespmem:s0+$0x74B0] =	vst v38;
	v38 =	vld [tilespmem:$0x1FFB0];
	v50 =	vand.u32 $0x7FFFFFFF, v63;
	v62, _, _ =	vpop (xrf2);
	v29 =	vmul.f32 v29, v37;
	v20 =	vmul.f32 v36, v43  }
0x212: {  	[tilespmem:s23+$0x54E0] =	vst v32;
	v58 =	vld [tilespmem:s6+$0x54D0];
	v51 =	vmul.f32 v63, v40;
	v12 =	vmul.f32 $1.442695020e+00, v62;
	v57 =	vadd.f32 v49, v10  }
0x213: {  	[tilespmem:s23+$0x54F0] =	vst v16;
	v52 =	vmul.f32 v50, v44;
	v32 =	vadd.f32 v61, v9;
	v20 =	vadd.f32 v20, v29;
	v29 =	vld [tilespmem:s6+$0x54C0]  }
0x214: {  	v16 =	vmul.f32 $1.442695020e+00, v60;
	v53 =	vbroadcast v12, $0xF;
	v12 =	vld [tilespmem:s6+$0x34D0];
	v63 =	vand.u32 $0x7FFFFFFF, v57  }
0x215: {  	[tilespmem:s0+$0x74A0] =	vst v18;
	v36 =	vld [tilespmem:$0x1FF30];
	v60 =	vand.u32 $0x7FFFFFFF, v32;
	v50 =	vmul.f32 v57, v42;
	v34 =	vmul.f32 v63, v46  }
0x216: {  	[tilespmem:s0+$0x5490] =	vst v13;
	v13 =	vadd.f32 v52, v51;
	v52 =	vld [tilespmem:s6+$0x54F0];
	v61 =	vmul.f32 v32, v39;
	v62 =	vmul.f32 v60, v45  }
0x217: {  	[tilespmem:s0+$0x54C0] =	vst v27;
	v16 =	vbroadcast v16, $0xF;
	(xrf2) =	vadd.scan.msk.f32 $0xffff, v20;
	v27 =	vadd.f32 v34, v50;
	v34 =	vld [tilespmem:$0x1FF40]  }
0x218: {  	v23 =	vmul.f32 v17, v23;
	v18 =	vadd.f32 v62, v61;
	(xrf2) =	vadd.scan.msk.f32 $0xffff, v13;
	v13 =	vld [tilespmem:s6+$0x34E0];
	v29 =	vadd.f32 v29, v11  }
0x219: {  	[tilespmem:s0+$0x54A0] =	vst v30;
	v31 =	vmul.f32 v14, v31;
	v55 =	vpop (erf);
	(erf) = vpow2.f32 v16;
	v49 =	vld [tilespmem:s6+$0x54E0];
	v20 =	vadd.f32 v58, v12  }
0x21a: {  	s23 =	sor.u32 s10, s21;
	v26 =	vmul.f32 v15, v26;
	v16 =	vld [tilespmem:s6+$0x34F0];
	(erf) = vpow2.f32 v53;
	(xrf2) =	vadd.scan.msk.f32 $0xffff, v18;
	v51 =	vand.u32 $0x7FFFFFFF, v29  }
0x21b: {  	s3 =	simm.f32 $1.000000000e+00;
	v47 =	vld [tilespmem:$0x1FFD0];
	p3 =	slt.s32 s23, s25;
	v54, _, _ =	vpop (xrf2);
	v53 =	vmul.f32 v29, v36;
	v29 =	vmul.f32 v51, v38;
	(xrf2) =	vadd.scan.msk.f32 $0xffff, v27;
	v27 =	vand.u32 $0x7FFFFFFF, v20  }
0x21c: {  	v35 =	vld [tilespmem:$0x1FF50];
	s3 =	simm.s32 @!p3 $0x0;
	[tilespmem:s0+$0x54B0] =	vst v24;
	v24 =	vpop (erf);
	v27 =	vmul.f32 v27, v41;
	v20 =	vmul.f32 v20, v34  }
0x21d: {  	[tilespmem:s0+$0x74C0] =	vst v19;
	v30 =	vmul.f32 s3, v55;
	v24 =	vmul.f32 s3, v24;
	v19 =	vadd.f32 v29, v53  }
0x21e: {  	[tilespmem:s0+$0x74D0] =	vst v17;
	v56 =	vmul.f32 $1.442695020e+00, v54;
	v55 =	vadd.f32 v49, v13;
	v20 =	vadd.f32 v27, v20;
	v27 =	vld [tilespmem:$0x1FF60]  }
0x21f: {  	v3 =	vmul.f32 v30, v3;
	v5 =	vmul.f32 v24, v5;
	v54 =	vpop (erf);
	v33 =	vadd.f32 v52, v16;
	(xrf2) =	vadd.scan.msk.f32 $0xffff, v19  }
0x220: {  	[tilespmem:s0+$0x54D0] =	vst v23;
	v59 =	vbroadcast v56, $0xF;
	v32 =	vmul.f32 s3, v54;
	v29 =	vand.u32 $0x7FFFFFFF, v55  }
0x221: {  	[tilespmem:s0+$0x54E0] =	vst v26;
	v26 =	vand.u32 $0x7FFFFFFF, v33;
	v18 =	vmul.f32 v55, v35;
	v29 =	vmul.f32 v29, v47  }
0x222: {  	[tilespmem:s0+$0x74E0] =	vst v15;
	(erf) = vpow2.f32 v59;
	v26 =	vmul.f32 v26, v48;
	v57, _, _ =	vpop (xrf2)  }
0x223: {  	[tilespmem:s0+$0x54F0] =	vst v31;
	v56 =	vpop (erf);
	v17 =	vmul.f32 $1.442695020e+00, v57;
	v18 =	vadd.f32 v29, v18;
	v61 =	vmul.f32 v33, v27  }
0x224: {  	[tilespmem:s4+$0x5490] =	vst v5;
	v58 =	vmul.f32 s3, v56;
	v60 =	vpop (erf);
	v5 =	vmul.f32 v32, v21;
	(xrf2) =	vadd.scan.msk.f32 $0xffff, v20  }
0x225: {  	v15 =	vmul.f32 s3, v60;
	v59, _, _ =	vpop (xrf2);
	v17 =	vbroadcast v17, $0xF;
	(xrf2) =	vadd.scan.msk.f32 $0xffff, v18;
	v31 =	vadd.f32 v26, v61  }
0x226: {  	[tilespmem:s0+$0x74F0] =	vst v14;
	v62 =	vpop (erf);
	v52 =	vmul.f32 v58, v22;
	v23 =	vmul.f32 $1.442695020e+00, v59  }
0x227: {  	[tilespmem:s4+$0x7480] =	vst v30;
	v63 =	vmul.f32 s3, v62;
	v50, _, _ =	vpop (xrf2);
	(erf) = vpow2.f32 v17;
	(xrf2) =	vadd.scan.msk.f32 $0xffff, v31  }
0x228: {  	[tilespmem:s4+$0x54A0] =	vst v5;
	v5 =	vmul.f32 v15, v25;
	v23 =	vbroadcast v23, $0xF;
	v51, _, _ =	vpop (xrf2)  }
0x229: {  	[tilespmem:s4+$0x5480] =	vst v3;
	v54 =	vmul.f32 v63, v28;
	v20 =	vmul.f32 $1.442695020e+00, v50;
	v53, _, _ =	vpop (xrf2)  }
0x22a: {  	[tilespmem:s4+$0x7490] =	vst v24;
	(erf) = vpow2.f32 v23;
	v55 =	vmul.f32 $1.442695020e+00, v53  }
0x22b: {  	[tilespmem:s4+$0x74A0] =	vst v32;
	v20 =	vbroadcast v20, $0xF;
	v33 =	vpop (erf);
	v18 =	vmul.f32 $1.442695020e+00, v51  }
0x22c: {  	[tilespmem:s4+$0x54C0] =	vst v5;
	v3 =	vmul.f32 s3, v33;
	v5 =	vbroadcast v55, $0xF  }
0x22d: {  	[tilespmem:s4+$0x74B0] =	vst v58;
	v49 =	vpop (erf);
	(erf) = vpow2.f32 v20;
	v18 =	vbroadcast v18, $0xF  }
0x22e: {  	[tilespmem:s4+$0x74C0] =	vst v15;
	v17 =	vmul.f32 s3, v49;
	v2 =	vmul.f32 v3, v2;
	v56, _, _ =	vpop (xrf2)  }
0x22f: {  	s24 =	sor.u32 s10, s28;
	[tilespmem:s4+$0x54B0] =	vst v52;
	(erf) = vpow2.f32 v18;
	v57, _, _ =	vpop (xrf2);
	v58 =	vmul.f32 $1.442695020e+00, v56  }
0x230: {  	p3 =	slt.s32 s24, s25;
	s0 =	simm.f32 $1.000000000e+00;
	[tilespmem:s4+$0x74D0] =	vst v63;
	v6 =	vmul.f32 v17, v6;
	(erf) = vpow2.f32 v5;
	v5 =	vpop (erf)  }
0x231: {  	s0 =	simm.s32 @!p3 $0x0;
	[tilespmem:s4+$0x54D0] =	vst v54;
	v59 =	vmul.f32 $1.442695020e+00, v57;
	v60 =	vbroadcast v58, $0xF;
	v62, _, _ =	vpop (xrf2)  }
0x232: {  	[tilespmem:s4+$0x74E0] =	vst v3;
	v5 =	vmul.f32 s0, v5;
	v15 =	vmul.f32 $1.442695020e+00, v62  }
0x233: {  	[tilespmem:s4+$0x54E0] =	vst v2;
	v2 =	vpop (erf);
	v61 =	vbroadcast v59, $0xF;
	(erf) = vpow2.f32 v60  }
0x234: {  	[tilespmem:s4+$0x54F0] =	vst v6;
	v2 =	vmul.f32 s0, v2;
	v6 =	vbroadcast v15, $0xF  }
0x235: {  	[tilespmem:s4+$0x74F0] =	vst v17;
	v3 =	vmul.f32 v5, v7;
	(erf) = vpow2.f32 v61  }
0x236: {  	v63 =	vpop (erf);
	[tilespmem:s6+$0x7480] =	vst v5;
	v7 =	vmul.f32 v2, v8  }
0x237: {  	[tilespmem:s6+$0x5480] =	vst v3;
	v3 =	vmul.f32 s0, v63;
	(erf) = vpow2.f32 v6  }
0x238: {  	[tilespmem:s6+$0x7490] =	vst v2;
	v6 =	vpop (erf)  }
0x239: {  	[tilespmem:s6+$0x5490] =	vst v7;
	v5 =	vmul.f32 v3, v9;
	v6 =	vmul.f32 s0, v6  }
0x23a: {  	[tilespmem:s6+$0x74A0] =	vst v3;
	v7 =	vpop (erf)  }
0x23b: {  	[tilespmem:s6+$0x54A0] =	vst v5;
	v5 =	vmul.f32 s0, v7;
	v2 =	vmul.f32 v6, v10  }
0x23c: {  	v7 =	vpop (erf);
	[tilespmem:s6+$0x74B0] =	vst v6  }
0x23d: {  	v3 =	vmul.f32 s0, v7;
	[tilespmem:s6+$0x54B0] =	vst v2;
	v2 =	vmul.f32 v5, v11  }
0x23e: {  	v7 =	vpop (erf);
	[tilespmem:s6+$0x74C0] =	vst v5  }
0x23f: {  	v6 =	vmul.f32 s0, v7;
	[tilespmem:s6+$0x54C0] =	vst v2;
	v2 =	vmul.f32 v3, v12  }
0x240: {  	p3 =	slt.u32 s11, $0x18;
	[tilespmem:s6+$0x74D0] =	vst v3;
	v5 =	vpop (erf)  }
.Ltmp9:
0x241: {  	v5 =	vmul.f32 s0, v5;
	[tilespmem:s6+$0x54D0] =	vst v2;
	v2 =	vmul.f32 v6, v13;
	(pc) =	sbr.rel @p3 .LBB2_11-.Ltmp9, $4  }
0x242: {  	[tilespmem:s6+$0x74E0] =	vst v6  }
0x243: {  	[tilespmem:s6+$0x54E0] =	vst v2;
	v2 =	vmul.f32 v5, v16  }
0x244: {  	s28 =	sadd.s32 $0x8, s11;
	[tilespmem:s6+$0x74F0] =	vst v5  }
0x245: {  	s11 =	smov.u32 s28;
	[tilespmem:s6+$0x54F0] =	vst v2  }
0x246: {  	s0 =	simm.s32 $0x5480  }
0x247: {  	[spmem:s5] =	stream.indirect.scatter.add.f32 [tilespmem:s0], [sflag:$0x7], $0x80, s31, s22, $0xb8;
	[tilespmem:$0x1D100] =	vst v63  }
0x248: {  	s28 =	smov.u32 s5;
	s24 =	rddreg [dreg:$0x4];
	s3 =	simm.s32 $0x7480  }
0x249: {  	[spmem:s24] =	stream.indirect.scatter.add.f32 [tilespmem:s3], [sflag:$0x9], $0x80, s31, s22, $0xb8;
	[tilespmem:$0x1D100] =	vst v63  }
.LBB2_13:
0x24a: {  	s0 =	sor.u32 $0x1, s20  }
0x24b: {  	p3 =	sge.s32 s0, s13  }
.Ltmp10:
0x24c: {  	_ = 	snop;
	(pc) =	sbr.rel @p3 .LBB2_17-.Ltmp10, $1  }
0x24d: {  	_ =	sdelay $0x3  }
0x24e: {  	p3 =	sge.s32 s20, s16  }
0x24f: {  	s3 =	simm.s32 @p3 $0x7  }
0x250: {  	_ =	swait.ge @p3 [sflag:s3], $0x1000  }
0x251: {  	[sflag:s3] =	ssyncset.done @p3 $0x0  }
0x252: {  	[sflag:s3] =	ssyncadd.s32 @p3 $0xFFFFF000;
	s3 =	simm.s32 @p3 $0x9  }
0x253: {  	_ =	swait.ge @p3 [sflag:s3], $0x1000  }
0x254: {  	[sflag:s3] =	ssyncset.done @p3 $0x0  }
0x255: {  	[sflag:s3] =	ssyncadd.s32 @p3 $0xFFFFF000;
	s3 =	simm.s32 @!p3 $0x1  }
0x256: {  	_ =	swait.ge @!p3 [sflag:s3], $0x20  }
0x257: {  	[sflag:s3] =	ssyncset.done @!p3 $0x0  }
0x258: {  	[sflag:s3] =	ssyncadd.s32 @!p3 $0xFFFFFFE0  }
0x259: {  	_ =	swait.ge @!p3 [sflag:s3], $0x20  }
0x25a: {  	[sflag:s3] =	ssyncset.done @!p3 $0x0  }
0x25b: {  	[sflag:s3] =	ssyncadd.s32 @!p3 $0xFFFFFFE0;
	s3 =	simm.s32 @!p3 $0x7  }
0x25c: {  	_ =	swait.ge @!p3 [sflag:s3], $0x1000  }
0x25d: {  	[sflag:s3] =	ssyncset.done @!p3 $0x0  }
0x25e: {  	[sflag:s3] =	ssyncadd.s32 @!p3 $0xFFFFF000;
	s3 =	simm.s32 @!p3 $0x9  }
0x25f: {  	_ =	swait.ge @!p3 [sflag:s3], $0x1000  }
0x260: {  	[sflag:s3] =	ssyncset.done @!p3 $0x0  }
0x261: {  	[sflag:s3] =	ssyncadd.s32 @!p3 $0xFFFFF000  }
0x262: {  	v2 =	vld @!p3 [tilespmem:$0x3280]  }
0x263: {  	v6 =	vld [tilespmem:$0x1FFF0]  }
0x264: {  	v3 =	vld @!p3 [tilespmem:$0x3290];
	_ =	sdelay $0x2  }
0x265: {  	v2 =	vadd.s32 @!p3 $0xFFFFD8F0, v2  }
0x266: {  	v5 =	vsub.s32 @!p3 v2, v6  }
0x267: {  	v3 =	vadd.s32 @!p3 $0xFFFFD8F0, v3;
	vm0 =	vgt.s32 @!p3 v5, $0x0  }
0x268: {  	v6 =	vsub.s32 @!p3 v3, v6;
	v5 =	vnsel @!p3 vm0, $0x0, v5  }
0x269: {  	[tilespmem:$0x3280] =	vst @!p3 v2;
	vm0 =	vgt.s32 @!p3 v6, $0x0;
	v2 =	vmin.u32 @!p3 v5, $0x1387  }
0x26a: {  	[tilespmem:$0x3380] =	vst @!p3 v2;
	v2 =	vnsel @!p3 vm0, $0x0, v6  }
0x26b: {  	[tilespmem:$0x3290] =	vst @!p3 v3;
	v2 =	vmin.u32 @!p3 v2, $0x1387  }
0x26c: {  	s4 =	simm.s32 @!p3 $0x3180;
	s6 =	simm.s32 @!p3 $0x3480;
	s3 =	simm.s32 @!p3 $0x20;
	[tilespmem:$0x3390] =	vst @!p3 v2  }
0x26d: {  	[tilespmem:s6], [sflag:$0x3] =	stream.indirect.gather @!p3 [hbm4b:s1+s3], $0x80, s4, s3, $0xb8;
	[tilespmem:$0x1D100] =	vst v63  }
0x26e: {  	s4 =	simm.s32 @!p3 $0x3280;
	s6 =	simm.s32 @!p3 $0x5480  }
0x26f: {  	[tilespmem:s6], [sflag:$0x5] =	stream.indirect.gather @!p3 [hbm4b:s7+s3], $0x80, s4, s3, $0xb8;
	[tilespmem:$0x1D100] =	vst v63  }
0x270: {  	_ =	swait.ge [sflag:s2], $0x1000  }
0x271: {  	s3 =	sadd.s32 $0x3, s20;
	[sflag:s2] =	ssyncset.done $0x0  }
0x272: {  	p3 =	sge.s32 s3, s13;
	[sflag:s2] =	ssyncadd.s32 $0xFFFFF000  }
0x273: {  	s3 =	sshll.u32 @!p3 s3, $0x7;
	_ =	swait.ge [sflag:s17], $0x1000  }
0x274: {  	s4 =	simm.s32 @!p3 $0x20;
	s3 =	sshra.s32 @!p3 s3, $0x2;
	[sflag:s17] =	ssyncset.done $0x0  }
0x275: {  	s6 =	simm.s32 @!p3 $0x3200;
	s3 =	sadd.s32 @!p3 $0x800, s3;
	[sflag:s17] =	ssyncadd.s32 $0xFFFFF000  }
0x276: {  	[tilespmem:s6], [sflag:$0x2] =	stream.indirect.gather @!p3 [hbm4b:s8+s4], $0x1, s3, s4, $0xb8;
	[tilespmem:$0x1D100] =	vst v63  }
0x277: {  	s10 =	sshll.u32 s0, $0x5;
	s11 =	simm.s32 $0x0;
	s6 =	simm.s32 @!p3 $0x3300  }
0x278: {  	[tilespmem:s6], [sflag:$0x2] =	stream.indirect.gather @!p3 [hbm4b:s9+s4], $0x1, s3, s4, $0xb8;
	[tilespmem:$0x1D100] =	vst v63  }
.LBB2_15:
0x279: {  	s0 =	sshll.u32 s11, $0x7  }
0x27a: {  	v2 =	vld [tilespmem:s0+$0x4480]  }
0x27b: {  	v3 =	vld [tilespmem:s0+$0x6480];
	_ =	sdelay $0x4  }
0x27c: {  	v3 =	vadd.f32 v3, v2;
	_ =	sdelay $0x1  }
0x27d: {  	v5 =	vand.u32 $0x7FFFFFFF, v3  }
0x27e: {  	v3 =	vmul.f32 v3, v37;
	v5 =	vmul.f32 v5, v43;
	_ =	sdelay $0x1  }
0x27f: {  	v3 =	vadd.f32 v5, v3;
	_ =	sdelay $0x1  }
0x280: {  	(xrf2) =	vadd.scan.msk.f32 $0xffff, v3;
	_ =	sdelay $0x2  }
0x281: {  	v7 =	vld [tilespmem:s0+$0x4490]  }
0x282: {  	v3 =	vld [tilespmem:s0+$0x6490];
	_ =	sdelay $0x4  }
0x283: {  	v3 =	vadd.f32 v3, v7  }
0x284: {  	v5, _, _ =	vpop (xrf2)  }
0x285: {  	v6 =	vand.u32 $0x7FFFFFFF, v3;
	v5 =	vmul.f32 $1.442695020e+00, v5  }
0x286: {  	v3 =	vmul.f32 v3, v40;
	v6 =	vmul.f32 v6, v44  }
0x287: {  	v5 =	vbroadcast v5, $0xF  }
0x288: {  	v3 =	vadd.f32 v6, v3  }
0x289: {  	(erf) = vpow2.f32 v5  }
0x28a: {  	(xrf2) =	vadd.scan.msk.f32 $0xffff, v3;
	_ =	sdelay $0x5  }
0x28b: {  	s3 =	sor.u32 s10, s11  }
0x28c: {  	s6 =	simm.f32 $1.000000000e+00;
	p3 =	slt.s32 s3, s25  }
0x28d: {  	s6 =	simm.s32 @!p3 $0x0;
	v3 =	vpop (erf)  }
0x28e: {  	v3 =	vmul.f32 s6, v3  }
0x28f: {  	v5, _, _ =	vpop (xrf2)  }
0x290: {  	v5 =	vmul.f32 $1.442695020e+00, v5;
	v2 =	vmul.f32 v3, v2;
	_ =	sdelay $0x1  }
0x291: {  	[tilespmem:s0+$0x6480] =	vst v2;
	v2 =	vbroadcast v5, $0xF  }
0x292: {  	v11 =	vld [tilespmem:s0+$0x44A0]  }
0x293: {  	(erf) = vpow2.f32 v2;
	v2 =	vld [tilespmem:s0+$0x64A0];
	_ =	sdelay $0x4  }
0x294: {  	v2 =	vadd.f32 v2, v11;
	_ =	sdelay $0x1  }
0x295: {  	[tilespmem:s0+$0x8480] =	vst v3;
	v3 =	vand.u32 $0x7FFFFFFF, v2  }
0x296: {  	v5 =	vmul.f32 v2, v39;
	v3 =	vmul.f32 v3, v45  }
0x297: {  	v2 =	vld [tilespmem:s0+$0x44B0]  }
0x298: {  	v3 =	vadd.f32 v3, v5;
	v5 =	vld [tilespmem:s0+$0x64B0]  }
0x299: {  	v15 =	vld [tilespmem:s0+$0x44D0]  }
0x29a: {  	v6 =	vld [tilespmem:s0+$0x44C0]  }
0x29b: {  	(xrf2) =	vadd.scan.msk.f32 $0xffff, v3;
	v3 =	vld [tilespmem:s0+$0x64C0]  }
0x29c: {  	v8 =	vld [tilespmem:s0+$0x64D0]  }
0x29d: {  	v12 =	vld [tilespmem:s0+$0x64E0];
	v9 =	vadd.f32 v5, v2  }
0x29e: {  	v16 =	vld [tilespmem:s0+$0x44F0]  }
0x29f: {  	s23 =	sor.u32 $0x1, s11;
	v5 =	vld [tilespmem:s0+$0x44E0];
	v10 =	vand.u32 $0x7FFFFFFF, v9  }
0x2a0: {  	v13 =	vld [tilespmem:s0+$0x64F0];
	s20 =	sshll.u32 s23, $0x7;
	v9 =	vmul.f32 v9, v42;
	v3 =	vadd.f32 v3, v6;
	v10 =	vmul.f32 v10, v46  }
0x2a1: {  	v18 =	vld [tilespmem:s20+$0x6480];
	v8 =	vadd.f32 v8, v15  }
0x2a2: {  	v14 =	vand.u32 $0x7FFFFFFF, v3;
	v10 =	vadd.f32 v10, v9;
	v9 =	vld [tilespmem:s20+$0x4480]  }
0x2a3: {  	v17 =	vand.u32 $0x7FFFFFFF, v8;
	v3 =	vmul.f32 v3, v36;
	v14 =	vmul.f32 v14, v38  }
0x2a4: {  	v8 =	vmul.f32 v8, v34;
	v17 =	vmul.f32 v17, v41;
	v12 =	vadd.f32 v12, v5  }
0x2a5: {  	v3 =	vadd.f32 v14, v3  }
0x2a6: {  	v32 =	vld [tilespmem:s20+$0x6490];
	v13 =	vadd.f32 v13, v16;
	v8 =	vadd.f32 v17, v8;
	(xrf2) =	vadd.scan.msk.f32 $0xffff, v10;
	v22 =	vand.u32 $0x7FFFFFFF, v12  }
0x2a7: {  	v19, _, _ =	vpop (xrf2);
	v12 =	vmul.f32 v12, v35;
	v10 =	vmul.f32 v22, v47;
	(xrf2) =	vadd.scan.msk.f32 $0xffff, v3;
	v3 =	vld [tilespmem:s20+$0x4490];
	v31 =	vadd.f32 v18, v9  }
0x2a8: {  	v30 =	vand.u32 $0x7FFFFFFF, v13;
	v33 =	vmul.f32 v13, v27;
	v19 =	vmul.f32 $1.442695020e+00, v19  }
0x2a9: {  	(xrf2) =	vadd.scan.msk.f32 $0xffff, v8;
	v10 =	vadd.f32 v10, v12;
	v8 =	vmul.f32 v30, v48;
	v49 =	vand.u32 $0x7FFFFFFF, v31  }
0x2aa: {  	v50 =	vmul.f32 v31, v37;
	v51 =	vmul.f32 v49, v43  }
0x2ab: {  	v23 =	vbroadcast v19, $0xF;
	(xrf2) =	vadd.scan.msk.f32 $0xffff, v10;
	v8 =	vadd.f32 v8, v33  }
0x2ac: {  	v53 =	vadd.f32 v32, v3;
	v52 =	vadd.f32 v51, v50  }
0x2ad: {  	v59 =	vld [tilespmem:s20+$0x64A0];
	(erf) = vpow2.f32 v23;
	(xrf2) =	vadd.scan.msk.f32 $0xffff, v8  }
0x2ae: {  	v13 =	vld [tilespmem:s20+$0x44A0];
	v55 =	vand.u32 $0x7FFFFFFF, v53;
	(xrf2) =	vadd.scan.msk.f32 $0xffff, v52  }
0x2af: {  	v10 =	vmul.f32 v53, v40;
	v57 =	vmul.f32 v55, v44  }
0x2b0: {  	v54 =	vpop (erf)  }
0x2b1: {  	v21 =	vmul.f32 s6, v54;
	v56, _, _ =	vpop (xrf2);
	v14 =	vadd.f32 v57, v10  }
0x2b2: {  	v62 =	vld [tilespmem:s20+$0x64B0];
	v12 =	vmul.f32 $1.442695020e+00, v56;
	v58, _, _ =	vpop (xrf2)  }
0x2b3: {  	v24 =	vld [tilespmem:s20+$0x64D0];
	v63 =	vmul.f32 v21, v7;
	v18 =	vadd.f32 v59, v13;
	v7 =	vmul.f32 $1.442695020e+00, v58;
	v60, _, _ =	vpop (xrf2);
	(xrf2) =	vadd.scan.msk.f32 $0xffff, v14  }
0x2b4: {  	v10 =	vld [tilespmem:s20+$0x44B0];
	v12 =	vbroadcast v12, $0xF  }
0x2b5: {  	v33 =	vand.u32 $0x7FFFFFFF, v18;
	v18 =	vmul.f32 v18, v39;
	v14 =	vld [tilespmem:s20+$0x44C0];
	v7 =	vbroadcast v7, $0xF;
	v23, _, _ =	vpop (xrf2)  }
0x2b6: {  	v61 =	vpop (erf);
	(erf) = vpow2.f32 v12;
	v20 =	vmul.f32 $1.442695020e+00, v23;
	v23 =	vld [tilespmem:s20+$0x64C0]  }
0x2b7: {  	v22 =	vmul.f32 s6, v61;
	(erf) = vpow2.f32 v7;
	v30, _, _ =	vpop (xrf2);
	v7 =	vld [tilespmem:s20+$0x44D0]  }
0x2b8: {  	v27 =	vld [tilespmem:s20+$0x64E0];
	v26 =	vmul.f32 v33, v45;
	v17 =	vmul.f32 $1.442695020e+00, v60;
	v25, _, _ =	vpop (xrf2)  }
0x2b9: {  	v12 =	vmul.f32 v22, v11;
	v11 =	vld [tilespmem:s20+$0x44E0];
	v25 =	vmul.f32 $1.442695020e+00, v25  }
0x2ba: {  	v37 =	vadd.f32 v26, v18;
	v17 =	vbroadcast v17, $0xF  }
0x2bb: {  	v19 =	vadd.f32 v62, v10;
	v44 =	vadd.f32 v23, v14  }
0x2bc: {  	(erf) = vpow2.f32 v17;
	v31 =	vbroadcast v20, $0xF;
	v28 =	vadd.f32 v24, v7  }
0x2bd: {  	v49 =	vbroadcast v25, $0xF;
	v53 =	vand.u32 $0x7FFFFFFF, v44;
	v18 =	vmul.f32 v44, v36;
	v25, _, _ =	vpop (xrf2)  }
0x2be: {  	v23 =	vld [tilespmem:s20+$0x44F0];
	v26 =	vmul.f32 v53, v38;
	v54 =	vmul.f32 $1.442695020e+00, v25;
	v25 =	vadd.f32 v27, v11  }
0x2bf: {  	(xrf2) =	vadd.scan.msk.f32 $0xffff, v37;
	v32 =	vmul.f32 $1.442695020e+00, v30;
	v50 =	vand.u32 $0x7FFFFFFF, v19;
	v55 =	vand.u32 $0x7FFFFFFF, v28;
	v27 =	vld [tilespmem:s20+$0x64F0]  }
0x2c0: {  	v18 =	vadd.f32 v26, v18;
	v26 =	vmul.f32 v28, v34;
	v28 =	vand.u32 $0x7FFFFFFF, v25  }
0x2c1: {  	v51 =	vmul.f32 v19, v42;
	v52 =	vmul.f32 v50, v46  }
0x2c2: {  	s21 =	sor.u32 $0x2, s11;
	v61 =	vld [tilespmem:$0x1FF60];
	v20 =	vbroadcast v32, $0xF;
	(erf) = vpow2.f32 v31;
	v30 =	vpop (erf)  }
0x2c3: {  	s4 =	sshll.u32 s21, $0x7;
	v17 =	vadd.f32 v52, v51;
	v56 =	vmul.f32 v25, v35;
	v25 =	vmul.f32 v28, v47;
	v28 =	vpop (erf)  }
0x2c4: {  	v29 =	vld [tilespmem:s4+$0x6480];
	v34 =	vmul.f32 s6, v30;
	v58 =	vadd.f32 v27, v23;
	v30 =	vmul.f32 s6, v28  }
0x2c5: {  	(erf) = vpow2.f32 v20;
	v24 =	vld [tilespmem:s4+$0x4480];
	v19 =	vmul.f32 v55, v41  }
0x2c6: {  	(erf) = vpow2.f32 v49;
	(xrf2) =	vadd.scan.msk.f32 $0xffff, v17;
	v37 =	vmul.f32 v30, v6;
	v6 =	vand.u32 $0x7FFFFFFF, v58  }
0x2c7: {  	(xrf2) =	vadd.scan.msk.f32 $0xffff, v18;
	v57 =	vadd.f32 v19, v26;
	v19 =	vmul.f32 v58, v61;
	v6 =	vmul.f32 v6, v48;
	_ =	sdelay $0x1  }
0x2c8: {  	v60, _, _ =	vpop (xrf2);
	v20 =	vbroadcast v54, $0xF;
	v19 =	vadd.f32 v6, v19;
	v6 =	vld [tilespmem:$0x1FEF0]  }
0x2c9: {  	v59 =	vadd.f32 v29, v24;
	v18 =	vmul.f32 $1.442695020e+00, v60;
	v17 =	vadd.f32 v25, v56  }
0x2ca: {  	v33 =	vld [tilespmem:s4+$0x64A0];
	(xrf2) =	vadd.scan.msk.f32 $0xffff, v57;
	(erf) = vpow2.f32 v20  }
0x2cb: {  	v44 =	vmul.f32 v34, v2;
	v18 =	vbroadcast v18, $0xF;
	v25 =	vand.u32 $0x7FFFFFFF, v59;
	v2 =	vpop (erf);
	v28 =	vld [tilespmem:s4+$0x6490];
	(xrf2) =	vadd.scan.msk.f32 $0xffff, v17  }
0x2cc: {  	v25 =	vmul.f32 v25, v43;
	v32 =	vmul.f32 s6, v2;
	v62 =	vpop (erf);
	v2 =	vld [tilespmem:s4+$0x4490]  }
0x2cd: {  	v26 =	vpop (erf);
	v31 =	vmul.f32 s6, v62;
	v17 =	vmul.f32 v59, v6;
	v6 =	vld [tilespmem:s4+$0x44A0]  }
0x2ce: {  	(erf) = vpow2.f32 v18;
	v26 =	vmul.f32 s6, v26;
	s6 =	sor.u32 s10, s23;
	v8 =	vpop (erf)  }
0x2cf: {  	v54 =	vld [tilespmem:$0x1FF80];
	v48 =	vmul.f32 v32, v15;
	s23 =	simm.f32 $1.000000000e+00;
	p3 =	slt.s32 s6, s25;
	v41 =	vmul.f32 v31, v5;
	v5, _, _ =	vpop (xrf2);
	(xrf2) =	vadd.scan.msk.f32 $0xffff, v19  }
0x2d0: {  	v36 =	vmul.f32 v26, v16;
	s23 =	simm.s32 @!p3 $0x0;
	v43 =	vmul.f32 $1.442695020e+00, v5;
	v35, _, _ =	vpop (xrf2)  }
0x2d1: {  	v56 =	vld [tilespmem:s4+$0x64C0];
	v27 =	vmul.f32 s23, v8;
	v51 =	vadd.f32 v28, v2;
	v49 =	vmul.f32 $1.442695020e+00, v35  }
0x2d2: {  	v15 =	vld [tilespmem:s4+$0x44B0];
	v52 =	vbroadcast v43, $0xF;
	v17 =	vadd.f32 v25, v17;
	v19 =	vadd.f32 v33, v6  }
0x2d3: {  	v28 =	vld [tilespmem:s4+$0x64B0];
	v38 =	vpop (erf);
	v5 =	vmul.f32 v27, v9;
	v29 =	vand.u32 $0x7FFFFFFF, v51;
	v16 =	vmul.f32 v51, v40  }
0x2d4: {  	v50, _, _ =	vpop (xrf2);
	v18 =	vbroadcast v49, $0xF;
	v55 =	vmul.f32 v29, v54;
	(xrf2) =	vadd.scan.msk.f32 $0xffff, v17;
	v17 =	vld [tilespmem:s4+$0x44C0];
	v29 =	vand.u32 $0x7FFFFFFF, v19  }
0x2d5: {  	(erf) = vpow2.f32 v52;
	v53, _, _ =	vpop (xrf2);
	v57 =	vmul.f32 v29, v45;
	v29 =	vld [tilespmem:s4+$0x44D0]  }
0x2d6: {  	v9 =	vmul.f32 $1.442695020e+00, v50;
	v19 =	vmul.f32 v19, v39;
	v20 =	vld [tilespmem:s4+$0x64D0]  }
0x2d7: {  	v16 =	vadd.f32 v55, v16;
	v33 =	vmul.f32 $1.442695020e+00, v53;
	(erf) = vpow2.f32 v18;
	v18 =	vld [tilespmem:s4+$0x44E0]  }
0x2d8: {  	v9 =	vbroadcast v9, $0xF;
	v61 =	vadd.f32 v28, v15;
	v62 =	vld [tilespmem:s4+$0x64E0];
	v19 =	vadd.f32 v57, v19  }
0x2d9: {  	v25 =	vmul.f32 s23, v38;
	v33 =	vbroadcast v33, $0xF;
	v58, _, _ =	vpop (xrf2);
	(xrf2) =	vadd.scan.msk.f32 $0xffff, v16;
	v51 =	vld [tilespmem:$0x1FF30]  }
0x2da: {  	v59 =	vpop (erf);
	v16 =	vmul.f32 v61, v42;
	v55 =	vld [tilespmem:$0x1FFC0];
	v60 =	vmul.f32 $1.442695020e+00, v58;
	(xrf2) =	vadd.scan.msk.f32 $0xffff, v19  }
0x2db: {  	v45 =	vand.u32 $0x7FFFFFFF, v61;
	v52 =	vld [tilespmem:$0x1FFB0];
	(erf) = vpow2.f32 v9;
	v28 =	vmul.f32 s23, v59  }
0x2dc: {  	v54 =	vld [tilespmem:$0x1FF40];
	v38 =	vadd.f32 v56, v17;
	v9 =	vbroadcast v60, $0xF;
	v20 =	vadd.f32 v20, v29  }
0x2dd: {  	v58 =	vld [tilespmem:$0x1FF50];
	(erf) = vpow2.f32 v33;
	v33 =	vmul.f32 v45, v46  }
0x2de: {  	v49 =	vand.u32 $0x7FFFFFFF, v38;
	(erf) = vpow2.f32 v9;
	v40, _, _ =	vpop (xrf2);
	v53 =	vand.u32 $0x7FFFFFFF, v20  }
0x2df: {  	v35 =	vadd.f32 v62, v18;
	v43 =	vmul.f32 $1.442695020e+00, v40;
	v40 =	vmul.f32 v53, v55  }
0x2e0: {  	v16 =	vadd.f32 v33, v16;
	v38 =	vmul.f32 v38, v51;
	v33 =	vmul.f32 v49, v52  }
0x2e1: {  	v50 =	vld [tilespmem:s4+$0x64F0];
	v60 =	vmul.f32 v25, v3;
	v57 =	vpop (erf);
	v20 =	vmul.f32 v20, v54;
	v56 =	vand.u32 $0x7FFFFFFF, v35  }
0x2e2: {  	v9 =	vld [tilespmem:s4+$0x44F0];
	v33 =	vadd.f32 v33, v38;
	v35 =	vmul.f32 v35, v58;
	v19 =	vbroadcast v43, $0xF;
	v3 =	vpop (erf)  }
0x2e3: {  	v55 =	vmul.f32 v28, v13;
	v8 =	vadd.f32 v40, v20;
	v38 =	vmul.f32 s23, v3;
	v40, _, _ =	vpop (xrf2)  }
0x2e4: {  	v61 =	vld [tilespmem:$0x1FFE0];
	(xrf2) =	vadd.scan.msk.f32 $0xffff, v16;
	(erf) = vpow2.f32 v19;
	v13 =	vmul.f32 $1.442695020e+00, v40;
	v3, _, _ =	vpop (xrf2)  }
0x2e5: {  	v59 =	vmul.f32 v56, v47;
	v47 =	vld [tilespmem:$0x1FF60];
	(xrf2) =	vadd.scan.msk.f32 $0xffff, v33;
	v3 =	vmul.f32 $1.442695020e+00, v3  }
0x2e6: {  	(xrf2) =	vadd.scan.msk.f32 $0xffff, v8;
	v62 =	vbroadcast v13, $0xF  }
0x2e7: {  	v42 =	vadd.f32 v59, v35;
	v45 =	vadd.f32 v50, v9;
	v20 =	vpop (erf);
	v3 =	vbroadcast v3, $0xF  }
0x2e8: {  	v35 =	vpop (erf);
	(erf) = vpow2.f32 v62  }
0x2e9: {  	v49 =	vmul.f32 s23, v57;
	v46 =	vand.u32 $0x7FFFFFFF, v45;
	(xrf2) =	vadd.scan.msk.f32 $0xffff, v42;
	v39 =	vpop (erf);
	(erf) = vpow2.f32 v3  }
0x2ea: {  	v50 =	vmul.f32 v45, v47;
	v16 =	vmul.f32 v46, v61  }
0x2eb: {  	s24 =	sor.u32 $0x3, s11;
	s21 =	sor.u32 s10, s21  }
0x2ec: {  	s6 =	sshll.u32 s24, $0x7;
	p3 =	slt.s32 s21, s25;
	s21 =	simm.f32 $1.000000000e+00;
	v57 =	vmul.f32 v49, v10;
	v33 =	vadd.f32 v16, v50  }
0x2ed: {  	s21 =	simm.s32 @!p3 $0x0;
	v45 =	vmul.f32 s23, v20;
	v40 =	vmul.f32 s23, v35;
	v46 =	vld [tilespmem:s6+$0x6490];
	v3 =	vpop (erf)  }
0x2ee: {  	v39 =	vmul.f32 s23, v39;
	v16 =	vld [tilespmem:s6+$0x4480];
	(xrf2) =	vadd.scan.msk.f32 $0xffff, v33;
	v33 =	vmul.f32 s21, v3;
	v3, _, _ =	vpop (xrf2)  }
0x2ef: {  	v56 =	vmul.f32 v45, v7;
	v54 =	vmul.f32 v40, v11;
	v7 =	vld [tilespmem:s6+$0x6480];
	v42, _, _ =	vpop (xrf2)  }
0x2f0: {  	v11 =	vld [tilespmem:s6+$0x4490];
	v52 =	vmul.f32 v39, v23;
	v3 =	vmul.f32 $1.442695020e+00, v3;
	v43, _, _ =	vpop (xrf2)  }
0x2f1: {  	v23 =	vld [tilespmem:s6+$0x44A0];
	v47 =	vmul.f32 v33, v24;
	v10 =	vmul.f32 $1.442695020e+00, v42;
	v58 =	vpop (erf)  }
0x2f2: {  	v24 =	vld [tilespmem:s6+$0x64A0];
	v3 =	vbroadcast v3, $0xF;
	v13 =	vmul.f32 $1.442695020e+00, v43;
	v59 =	vpop (erf)  }
0x2f3: {  	v50, _, _ =	vpop (xrf2);
	v51 =	vbroadcast v10, $0xF;
	v35 =	vmul.f32 s21, v59;
	v59 =	vld [tilespmem:$0x1FF00]  }
0x2f4: {  	v19 =	vmul.f32 $1.442695020e+00, v50;
	(erf) = vpow2.f32 v3  }
0x2f5: {  	v3 =	vbroadcast v13, $0xF;
	v42 =	vmul.f32 s21, v58;
	v58 =	vld [tilespmem:$0x1FF70]  }
0x2f6: {  	v61 =	vadd.f32 v46, v11;
	(erf) = vpow2.f32 v51;
	v19 =	vbroadcast v19, $0xF  }
0x2f7: {  	v51 =	vld [tilespmem:$0x1FEF0];
	(erf) = vpow2.f32 v3;
	v3 =	vadd.f32 v7, v16;
	v50 =	vadd.f32 v24, v23  }
0x2f8: {  	v24 =	vand.u32 $0x7FFFFFFF, v61;
	(erf) = vpow2.f32 v19;
	v19 =	vmul.f32 v61, v59;
	v61 =	vld [tilespmem:$0x1FF80]  }
0x2f9: {  	v20 =	vld [tilespmem:s6+$0x64B0];
	v62 =	vand.u32 $0x7FFFFFFF, v3  }
0x2fa: {  	v46 =	vmul.f32 v62, v58;
	v62 =	vld [tilespmem:$0x1FF10]  }
0x2fb: {  	v43 =	vld [tilespmem:s6+$0x64C0]  }
0x2fc: {  	v10 =	vld [tilespmem:s6+$0x44B0];
	v3 =	vmul.f32 v3, v51  }
0x2fd: {  	v13 =	vld [tilespmem:s6+$0x44C0];
	v58 =	vmul.f32 v24, v61  }
0x2fe: {  	v46 =	vadd.f32 v46, v3;
	v61 =	vld [tilespmem:$0x1FF90]  }
0x2ff: {  	v59 =	vand.u32 $0x7FFFFFFF, v50;
	v50 =	vmul.f32 v50, v62;
	v62 =	vld [tilespmem:$0x1FF20];
	v19 =	vadd.f32 v58, v19  }
0x300: {  	(xrf2) =	vadd.scan.msk.f32 $0xffff, v46;
	v46 =	vld [tilespmem:$0x1FFA0]  }
0x301: {  	(xrf2) =	vadd.scan.msk.f32 $0xffff, v19;
	v19 =	vld [tilespmem:$0x1FF30]  }
0x302: {  	v53 =	vmul.f32 v38, v14;
	v14 =	vld [tilespmem:s6+$0x44D0];
	v20 =	vadd.f32 v20, v10  }
0x303: {  	v51 =	vld [tilespmem:s6+$0x64D0];
	v59 =	vmul.f32 v59, v61  }
0x304: {  	v7, _, _ =	vpop (xrf2);
	v43 =	vadd.f32 v43, v13;
	v3 =	vld [tilespmem:s6+$0x44F0];
	v58 =	vand.u32 $0x7FFFFFFF, v20  }
0x305: {  	v7 =	vmul.f32 $1.442695020e+00, v7;
	v46 =	vmul.f32 v58, v46;
	v58 =	vld [tilespmem:$0x1FFC0];
	v50 =	vadd.f32 v59, v50  }
0x306: {  	v20 =	vmul.f32 v20, v62;
	v62 =	vand.u32 $0x7FFFFFFF, v43;
	v19 =	vmul.f32 v43, v19;
	v43 =	vld [tilespmem:$0x1FFB0]  }
0x307: {  	(xrf2) =	vadd.scan.msk.f32 $0xffff, v50;
	v50 =	vld [tilespmem:$0x1FF40]  }
0x308: {  	v7 =	vbroadcast v7, $0xF;
	v59 =	vld [tilespmem:s6+$0x64F0]  }
0x309: {  	v24 =	vld [tilespmem:s6+$0x44E0]  }
0x30a: {  	(erf) = vpow2.f32 v7;
	v51 =	vadd.f32 v51, v14;
	v61 =	vld [tilespmem:s6+$0x64E0];
	v7 =	vadd.f32 v46, v20;
	_ =	sdelay $0x1  }
0x30b: {  	(xrf2) =	vadd.scan.msk.f32 $0xffff, v7;
	v7 =	vld [tilespmem:$0x1FF50];
	v62 =	vmul.f32 v62, v43;
	v43 =	vmul.f32 v51, v50;
	v51 =	vand.u32 $0x7FFFFFFF, v51  }
0x30c: {  	v46 =	vmul.f32 v51, v58;
	v51 =	vadd.f32 v59, v3;
	v59 =	vld [tilespmem:$0x1FFD0];
	_ =	sdelay $0x1  }
0x30d: {  	v20 =	vadd.f32 v61, v24;
	_ =	sdelay $0x1  }
0x30e: {  	v61 =	vand.u32 $0x7FFFFFFF, v20  }
0x30f: {  	v7 =	vmul.f32 v20, v7;
	v61 =	vmul.f32 v61, v59;
	_ =	sdelay $0x1  }
0x310: {  	v20 =	vadd.f32 v61, v7;
	v7 =	vld [tilespmem:$0x1FF60];
	_ =	sdelay $0x4  }
0x311: {  	v61 =	vmul.f32 v51, v7;
	v7 =	vld [tilespmem:$0x1FFE0]  }
0x312: {  	v19 =	vadd.f32 v62, v19  }
0x313: {  	v62 =	vpop (erf)  }
0x314: {  	(xrf2) =	vadd.scan.msk.f32 $0xffff, v19;
	v58 =	vmul.f32 s21, v62;
	v62 =	vand.u32 $0x7FFFFFFF, v51  }
0x315: {  	v19 =	vadd.f32 v46, v43;
	v59 =	vpop (erf)  }
0x316: {  	v46, _, _ =	vpop (xrf2);
	v59 =	vmul.f32 s21, v59;
	v43 =	vmul.f32 v62, v7  }
0x317: {  	(xrf2) =	vadd.scan.msk.f32 $0xffff, v19;
	v7 =	vmul.f32 v42, v2;
	v62 =	vpop (erf);
	v2 =	vmul.f32 v58, v15  }
0x318: {  	(xrf2) =	vadd.scan.msk.f32 $0xffff, v20;
	v15 =	vmul.f32 $1.442695020e+00, v46;
	v8 =	vpop (erf);
	v50 =	vmul.f32 s21, v62;
	v19 =	vadd.f32 v43, v61  }
0x319: {  	v62 =	vmul.f32 v59, v17;
	v43 =	vmul.f32 s21, v8;
	v8, _, _ =	vpop (xrf2)  }
0x31a: {  	v46 =	vpop (erf);
	v15 =	vbroadcast v15, $0xF;
	v17 =	vmul.f32 $1.442695020e+00, v8;
	(xrf2) =	vadd.scan.msk.f32 $0xffff, v19  }
0x31b: {  	[tilespmem:s0+$0x84C0] =	vst v30;
	v30 =	vld [tilespmem:$0x1FEF0];
	s23 =	sor.u32 $0x4, s11;
	v8, _, _ =	vpop (xrf2);
	v46 =	vmul.f32 s21, v46;
	v51 =	vmul.f32 v43, v18  }
0x31c: {  	[tilespmem:s0+$0x64D0] =	vst v48;
	v48 =	vld [tilespmem:$0x1FF00];
	s21 =	sshll.u32 s23, $0x7;
	v18 =	vmul.f32 $1.442695020e+00, v8;
	(erf) = vpow2.f32 v15;
	v8, _, _ =	vpop (xrf2)  }
0x31d: {  	v15 =	vld [tilespmem:s21+$0x4480];
	v17 =	vbroadcast v17, $0xF;
	v19 =	vmul.f32 $1.442695020e+00, v8  }
0x31e: {  	[tilespmem:s0+$0x6490] =	vst v63;
	v63 =	vld [tilespmem:s21+$0x4490];
	v20, _, _ =	vpop (xrf2);
	v18 =	vbroadcast v18, $0xF  }
0x31f: {  	(erf) = vpow2.f32 v17;
	v17 =	vmul.f32 $1.442695020e+00, v20;
	v20 =	vld [tilespmem:s21+$0x6490]  }
0x320: {  	[tilespmem:s0+$0x8490] =	vst v21;
	v8 =	vld [tilespmem:s21+$0x6480];
	(erf) = vpow2.f32 v18;
	v18 =	vbroadcast v19, $0xF  }
0x321: {  	[tilespmem:s0+$0x64A0] =	vst v12;
	v61 =	vmul.f32 v50, v29;
	v29 =	vld [tilespmem:s21+$0x44A0];
	v19, _, _ =	vpop (xrf2);
	v12 =	vbroadcast v17, $0xF  }
0x322: {  	[tilespmem:s0+$0x64B0] =	vst v44;
	v17 =	vmul.f32 $1.442695020e+00, v19;
	v21, _, _ =	vpop (xrf2);
	(erf) = vpow2.f32 v18;
	v19 =	vld [tilespmem:s21+$0x64A0]  }
0x323: {  	[tilespmem:s0+$0x64C0] =	vst v37;
	v37 =	vld [tilespmem:$0x1FF70];
	v18 =	vmul.f32 $1.442695020e+00, v21;
	(erf) = vpow2.f32 v12  }
0x324: {  	[tilespmem:s0+$0x84E0] =	vst v31;
	v31 =	vld [tilespmem:$0x1FF10];
	v21 =	vmul.f32 v46, v9;
	v12 =	vbroadcast v17, $0xF;
	v9 =	vadd.f32 v20, v63;
	v44, _, _ =	vpop (xrf2)  }
0x325: {  	[tilespmem:s0+$0x64F0] =	vst v36;
	v36 =	vld [tilespmem:$0x1FF90];
	v8 =	vadd.f32 v8, v15;
	v18 =	vbroadcast v18, $0xF;
	v17 =	vmul.f32 $1.442695020e+00, v44  }
0x326: {  	s24 =	sor.u32 s10, s24;
	[tilespmem:s0+$0x84A0] =	vst v22;
	v22 =	vld [tilespmem:s21+$0x44B0];
	(erf) = vpow2.f32 v12;
	v20 =	vand.u32 $0x7FFFFFFF, v9;
	v9 =	vmul.f32 v9, v48  }
0x327: {  	s3 =	simm.f32 $1.000000000e+00;
	p3 =	slt.s32 s24, s25;
	v44 =	vld [tilespmem:s21+$0x64B0];
	v19 =	vadd.f32 v19, v29;
	v12 =	vbroadcast v17, $0xF;
	v17 =	vand.u32 $0x7FFFFFFF, v8  }
0x328: {  	s3 =	simm.s32 @!p3 $0x0;
	v48 =	vld [tilespmem:$0x1FF80];
	v8 =	vmul.f32 v8, v30;
	v30 =	vpop (erf);
	v17 =	vmul.f32 v17, v37  }
0x329: {  	[tilespmem:s0+$0x84D0] =	vst v32;
	v32 =	vmul.f32 s3, v30;
	v30 =	vand.u32 $0x7FFFFFFF, v19;
	v19 =	vmul.f32 v19, v31;
	v31 =	vld [tilespmem:$0x1FF20]  }
0x32a: {  	v8 =	vadd.f32 v17, v8;
	v17 =	vmul.f32 v30, v36;
	v36 =	vld [tilespmem:$0x1FFA0]  }
0x32b: {  	[tilespmem:s20+$0x6480] =	vst v5;
	v5 =	vld [tilespmem:$0x1FF30];
	(erf) = vpow2.f32 v18  }
0x32c: {  	[tilespmem:s0+$0x84B0] =	vst v34;
	v34 =	vld [tilespmem:s21+$0x44C0];
	(erf) = vpow2.f32 v12;
	v12 =	vadd.f32 v44, v22  }
0x32d: {  	v18 =	vld [tilespmem:s21+$0x64C0];
	v20 =	vmul.f32 v20, v48  }
0x32e: {  	v37 =	vld [tilespmem:s21+$0x44D0];
	v44 =	vand.u32 $0x7FFFFFFF, v12  }
0x32f: {  	v48 =	vld [tilespmem:s21+$0x64D0];
	v9 =	vadd.f32 v20, v9;
	v31 =	vmul.f32 v12, v31;
	v20 =	vmul.f32 v44, v36  }
0x330: {  	v36 =	vld [tilespmem:$0x1FF40]  }
0x331: {  	(xrf2) =	vadd.scan.msk.f32 $0xffff, v8;
	v44 =	vpop (erf);
	v20 =	vadd.f32 v20, v31;
	v31 =	vld [tilespmem:$0x1FFB0]  }
0x332: {  	[tilespmem:s0+$0x64E0] =	vst v41;
	(xrf2) =	vadd.scan.msk.f32 $0xffff, v9;
	v9 =	vmul.f32 s3, v44;
	v44 =	vld [tilespmem:$0x1FFC0]  }
0x333: {  	[tilespmem:s0+$0x84F0] =	vst v26;
	v41 =	vld [tilespmem:s21+$0x44E0];
	v18 =	vadd.f32 v18, v34;
	v12 =	vmul.f32 v32, v16;
	v16 =	vadd.f32 v17, v19  }
0x334: {  	[tilespmem:s20+$0x8480] =	vst v27;
	v30 =	vld [tilespmem:s21+$0x64E0];
	v48 =	vadd.f32 v48, v37  }
0x335: {  	v8 =	vld [tilespmem:s21+$0x44F0];
	v26 =	vand.u32 $0x7FFFFFFF, v18;
	v5 =	vmul.f32 v18, v5;
	(xrf2) =	vadd.scan.msk.f32 $0xffff, v16;
	v27 =	vpop (erf);
	v16 =	vmul.f32 v9, v11  }
0x336: {  	v19 =	vld [tilespmem:s21+$0x64F0];
	v11 =	vmul.f32 s3, v27;
	v18 =	vmul.f32 v26, v31;
	v26 =	vand.u32 $0x7FFFFFFF, v48  }
0x337: {  	v27 =	vld [tilespmem:$0x1FFD0];
	v17 =	vmul.f32 v48, v36;
	v26 =	vmul.f32 v26, v44  }
0x338: {  	v36 =	vld [tilespmem:$0x1FF60]  }
0x339: {  	v5 =	vadd.f32 v18, v5;
	v17 =	vadd.f32 v26, v17;
	v26 =	vld [tilespmem:$0x1FF50]  }
0x33a: {  	v30 =	vadd.f32 v30, v41;
	v44 =	vld [tilespmem:$0x1FFE0];
	_ =	sdelay $0x1  }
0x33b: {  	v19 =	vadd.f32 v19, v8;
	(xrf2) =	vadd.scan.msk.f32 $0xffff, v20;
	v48 =	vpop (erf);
	v31 =	vand.u32 $0x7FFFFFFF, v30  }
0x33c: {  	[tilespmem:s20+$0x6490] =	vst v60;
	v20 =	vmul.f32 v31, v27;
	v60 =	vmul.f32 s3, v48;
	(xrf2) =	vadd.scan.msk.f32 $0xffff, v5;
	v5 =	vpop (erf)  }
0x33d: {  	v48 =	vmul.f32 s3, v5;
	v5 =	vand.u32 $0x7FFFFFFF, v19;
	v26 =	vmul.f32 v30, v26  }
0x33e: {  	v19 =	vmul.f32 v19, v36;
	v5 =	vmul.f32 v5, v44  }
0x33f: {  	v20 =	vadd.f32 v20, v26  }
0x340: {  	v30, _, _ =	vpop (xrf2);
	v5 =	vadd.f32 v5, v19  }
0x341: {  	(xrf2) =	vadd.scan.msk.f32 $0xffff, v17;
	v26 =	vpop (erf)  }
0x342: {  	[tilespmem:s20+$0x8490] =	vst v25;
	v6 =	vmul.f32 v35, v6;
	v36 =	vmul.f32 $1.442695020e+00, v30;
	v31 =	vpop (erf)  }
0x343: {  	s5 =	sor.u32 $0x5, s11;
	[tilespmem:s20+$0x84A0] =	vst v28;
	v18 =	vmul.f32 v11, v23;
	v17 =	vmul.f32 v60, v10;
	(xrf2) =	vadd.scan.msk.f32 $0xffff, v20;
	v20, _, _ =	vpop (xrf2)  }
0x344: {  	s0 =	sshll.u32 s5, $0x7;
	[tilespmem:s20+$0x64A0] =	vst v55;
	v25 =	vmul.f32 v48, v13;
	v19 =	vbroadcast v36, $0xF;
	(xrf2) =	vadd.scan.msk.f32 $0xffff, v5;
	v5 =	vpop (erf)  }
0x345: {  	[tilespmem:s20+$0x64C0] =	vst v53;
	v53 =	vld [tilespmem:s0+$0x6480];
	v55 =	vmul.f32 s3, v26;
	v36 =	vmul.f32 s3, v5;
	v5, _, _ =	vpop (xrf2)  }
0x346: {  	[tilespmem:s20+$0x84B0] =	vst v49;
	(erf) = vpow2.f32 v19;
	v26 =	vld [tilespmem:s0+$0x6490];
	v44 =	vmul.f32 s3, v31;
	v31, _, _ =	vpop (xrf2)  }
0x347: {  	[tilespmem:s20+$0x84C0] =	vst v38;
	v23 =	vmul.f32 $1.442695020e+00, v20;
	v38 =	vmul.f32 $1.442695020e+00, v31;
	v31 =	vld [tilespmem:s0+$0x4490]  }
0x348: {  	[tilespmem:s20+$0x64B0] =	vst v57;
	v13 =	vmul.f32 v55, v14;
	v30 =	vmul.f32 $1.442695020e+00, v5;
	v5 =	vld [tilespmem:s0+$0x4480]  }
0x349: {  	[tilespmem:s4+$0x6480] =	vst v47;
	v47 =	vld [tilespmem:$0x1FF00];
	v10 =	vmul.f32 v44, v24;
	v14 =	vbroadcast v23, $0xF;
	v49, _, _ =	vpop (xrf2)  }
0x34a: {  	[tilespmem:s20+$0x84E0] =	vst v40;
	v19 =	vbroadcast v30, $0xF;
	v20 =	vmul.f32 $1.442695020e+00, v49  }
0x34b: {  	v28 =	vld [tilespmem:s0+$0x64A0];
	[tilespmem:s20+$0x64D0] =	vst v56;
	v24, _, _ =	vpop (xrf2);
	(erf) = vpow2.f32 v14;
	v14 =	vbroadcast v38, $0xF  }
0x34c: {  	[tilespmem:s20+$0x64E0] =	vst v54;
	v54 =	vld [tilespmem:$0x1FF70];
	v24 =	vmul.f32 $1.442695020e+00, v24;
	(erf) = vpow2.f32 v19;
	v26 =	vadd.f32 v26, v31  }
0x34d: {  	[tilespmem:s20+$0x84F0] =	vst v39;
	v56 =	vbroadcast v20, $0xF;
	(erf) = vpow2.f32 v14;
	v49 =	vadd.f32 v53, v5;
	v53 =	vld [tilespmem:$0x1FEF0]  }
0x34e: {  	[tilespmem:s4+$0x6490] =	vst v7;
	v57 =	vbroadcast v24, $0xF;
	v7 =	vand.u32 $0x7FFFFFFF, v26;
	v30 =	vmul.f32 v26, v47;
	v26 =	vld [tilespmem:$0x1FF80]  }
0x34f: {  	[tilespmem:s4+$0x64B0] =	vst v2;
	v2 =	vld [tilespmem:$0x1FF10];
	v39 =	vmul.f32 v36, v3;
	v40, _, _ =	vpop (xrf2);
	(erf) = vpow2.f32 v56  }
0x350: {  	[tilespmem:s20+$0x84D0] =	vst v45;
	v27 =	vld [tilespmem:s0+$0x44C0];
	v45 =	vmul.f32 $1.442695020e+00, v40;
	(erf) = vpow2.f32 v57;
	v23 =	vand.u32 $0x7FFFFFFF, v49;
	v3, _, _ =	vpop (xrf2)  }
0x351: {  	[tilespmem:s20+$0x64F0] =	vst v52;
	s20 =	sor.u32 s10, s23;
	v38 =	vld [tilespmem:s0+$0x44A0];
	v56 =	vmul.f32 v23, v54;
	v3 =	vmul.f32 $1.442695020e+00, v3  }
0x352: {  	p3 =	slt.s32 s20, s25;
	s23 =	simm.f32 $1.000000000e+00;
	v24 =	vld [tilespmem:s0+$0x44B0];
	v19 =	vbroadcast v45, $0xF;
	v20 =	vmul.f32 v49, v53  }
0x353: {  	s23 =	simm.s32 @!p3 $0x0;
	v14 =	vld [tilespmem:s0+$0x64B0];
	v52 =	vpop (erf);
	v3 =	vbroadcast v3, $0xF;
	v49 =	vmul.f32 v7, v26  }
0x354: {  	[tilespmem:s4+$0x8480] =	vst v33;
	v33 =	vmul.f32 s23, v52;
	v52 =	vld [tilespmem:s0+$0x64E0];
	(erf) = vpow2.f32 v19;
	v57 =	vadd.f32 v56, v20  }
0x355: {  	[tilespmem:s4+$0x64A0] =	vst v6;
	v23 =	vld [tilespmem:s0+$0x44D0];
	v6 =	vpop (erf);
	(erf) = vpow2.f32 v3;
	v3 =	vadd.f32 v49, v30  }
0x356: {  	v54 =	vld [tilespmem:$0x1FF90];
	(xrf2) =	vadd.scan.msk.f32 $0xffff, v57  }
0x357: {  	(xrf2) =	vadd.scan.msk.f32 $0xffff, v3;
	v3 =	vld [tilespmem:$0x1FF20]  }
0x358: {  	v28 =	vadd.f32 v28, v38;
	v47 =	vld [tilespmem:$0x1FF40]  }
0x359: {  	v45 =	vld [tilespmem:s0+$0x64C0]  }
0x35a: {  	v53 =	vand.u32 $0x7FFFFFFF, v28;
	v20 =	vld [tilespmem:s0+$0x64D0];
	v7 =	vmul.f32 s23, v6;
	v6 =	vadd.f32 v14, v24  }
0x35b: {  	v2 =	vmul.f32 v28, v2;
	v26 =	vld [tilespmem:s0+$0x44E0];
	v19 =	vmul.f32 v53, v54  }
0x35c: {  	v56 =	vand.u32 $0x7FFFFFFF, v6;
	v3 =	vmul.f32 v6, v3;
	v6 =	vld [tilespmem:$0x1FFA0]  }
0x35d: {  	v28 =	vpop (erf);
	v53 =	vld [tilespmem:$0x1FF50];
	v2 =	vadd.f32 v19, v2  }
0x35e: {  	v14 =	vmul.f32 s23, v28;
	v28 =	vld [tilespmem:$0x1FFB0]  }
0x35f: {  	(xrf2) =	vadd.scan.msk.f32 $0xffff, v2;
	v2 =	vld [tilespmem:$0x1FF30]  }
0x360: {  	v49 =	vld [tilespmem:$0x1FFC0]  }
0x361: {  	v54 =	vld [tilespmem:$0x1FFD0];
	v57 =	vadd.f32 v45, v27;
	v6 =	vmul.f32 v56, v6  }
0x362: {  	[tilespmem:s4+$0x8490] =	vst v42;
	v42 =	vmul.f32 v33, v15;
	v40 =	vadd.f32 v20, v23  }
0x363: {  	[tilespmem:s4+$0x84A0] =	vst v35;
	v15 =	vadd.f32 v52, v26;
	v3 =	vadd.f32 v6, v3;
	v6 =	vand.u32 $0x7FFFFFFF, v57  }
0x364: {  	[tilespmem:s4+$0x84B0] =	vst v58;
	v45 =	vld [tilespmem:s0+$0x64F0];
	v2 =	vmul.f32 v57, v2;
	v6 =	vmul.f32 v6, v28;
	v28 =	vand.u32 $0x7FFFFFFF, v40  }
0x365: {  	[tilespmem:s4+$0x84C0] =	vst v59;
	v30 =	vld [tilespmem:s0+$0x44F0];
	v19 =	vmul.f32 v40, v47;
	v52 =	vand.u32 $0x7FFFFFFF, v15;
	v28 =	vmul.f32 v28, v49  }
0x366: {  	v15 =	vmul.f32 v15, v53;
	v35 =	vmul.f32 v52, v54;
	(xrf2) =	vadd.scan.msk.f32 $0xffff, v3;
	v2 =	vadd.f32 v6, v2  }
0x367: {  	[tilespmem:s4+$0x64C0] =	vst v62;
	v3 =	vadd.f32 v28, v19  }
0x368: {  	v58 =	vld [tilespmem:$0x1FFE0];
	[tilespmem:s4+$0x84D0] =	vst v50;
	(xrf2) =	vadd.scan.msk.f32 $0xffff, v2;
	v2 =	vadd.f32 v35, v15  }
0x369: {  	[tilespmem:s4+$0x84E0] =	vst v43;
	v6 =	vpop (erf);
	(xrf2) =	vadd.scan.msk.f32 $0xffff, v3  }
0x36a: {  	[tilespmem:s4+$0x64D0] =	vst v61;
	v20 =	vadd.f32 v45, v30;
	v40 =	vmul.f32 s23, v6;
	v6, _, _ =	vpop (xrf2);
	(xrf2) =	vadd.scan.msk.f32 $0xffff, v2;
	v2 =	vld [tilespmem:$0x1FF60]  }
0x36b: {  	v50 =	vld [tilespmem:$0x1FF00];
	[tilespmem:s4+$0x84F0] =	vst v46  }
0x36c: {  	[tilespmem:s4+$0x64E0] =	vst v51;
	v51 =	vld [tilespmem:$0x1FF80];
	v56 =	vpop (erf);
	v3 =	vand.u32 $0x7FFFFFFF, v20  }
0x36d: {  	s20 =	sor.u32 $0x6, s11;
	v46 =	vld [tilespmem:$0x1FFA0];
	[tilespmem:s4+$0x64F0] =	vst v21;
	v57 =	vpop (erf);
	v3 =	vmul.f32 v3, v58  }
0x36e: {  	s4 =	sshll.u32 s20, $0x7;
	[tilespmem:s6+$0x84C0] =	vst v48;
	v48 =	vld [tilespmem:$0x1FFE0];
	v49 =	vmul.f32 v7, v63;
	v6 =	vmul.f32 $1.442695020e+00, v6;
	v59, _, _ =	vpop (xrf2)  }
0x36f: {  	[tilespmem:s6+$0x64C0] =	vst v25;
	v25 =	vld [tilespmem:s4+$0x44C0];
	v15 =	vmul.f32 s23, v56;
	v61, _, _ =	vpop (xrf2);
	v2 =	vmul.f32 v20, v2  }
0x370: {  	[tilespmem:s6+$0x84E0] =	vst v44;
	v44 =	vld [tilespmem:$0x1FF80];
	v45 =	vmul.f32 v40, v22;
	v6 =	vbroadcast v6, $0xF;
	v62, _, _ =	vpop (xrf2)  }
0x371: {  	[tilespmem:s6+$0x64F0] =	vst v39;
	v39 =	vld [tilespmem:$0x1FFB0];
	v35 =	vmul.f32 s23, v57;
	v43 =	vmul.f32 v15, v34;
	v2 =	vadd.f32 v3, v2;
	v3 =	vpop (erf)  }
0x372: {  	[tilespmem:s21+$0x6480] =	vst v42;
	v42 =	vld [tilespmem:$0x1FF20];
	v34 =	vmul.f32 s23, v3;
	v3 =	vpop (erf);
	(erf) = vpow2.f32 v6  }
0x373: {  	[tilespmem:s6+$0x6480] =	vst v12;
	v63 =	vld [tilespmem:s4+$0x6480];
	v6 =	vmul.f32 $1.442695020e+00, v59;
	v21, _, _ =	vpop (xrf2);
	v12 =	vmul.f32 s23, v3  }
0x374: {  	[tilespmem:s6+$0x8480] =	vst v32;
	v57 =	vld [tilespmem:s4+$0x64B0];
	(xrf2) =	vadd.scan.msk.f32 $0xffff, v2;
	v2 =	vmul.f32 $1.442695020e+00, v61;
	v22, _, _ =	vpop (xrf2);
	v32 =	vmul.f32 v34, v41  }
0x375: {  	[tilespmem:s6+$0x8490] =	vst v9;
	v3 =	vld [tilespmem:s4+$0x4480];
	v6 =	vbroadcast v6, $0xF;
	v9 =	vmul.f32 $1.442695020e+00, v22  }
0x376: {  	[tilespmem:s6+$0x6490] =	vst v16;
	v41 =	vld [tilespmem:s4+$0x6490];
	v16 =	vmul.f32 v12, v8;
	v2 =	vbroadcast v2, $0xF  }
0x377: {  	v22 =	vld [tilespmem:s4+$0x44B0];
	v8 =	vmul.f32 $1.442695020e+00, v62;
	(erf) = vpow2.f32 v6  }
0x378: {  	v6 =	vld [tilespmem:s4+$0x4490];
	(erf) = vpow2.f32 v2;
	v2 =	vmul.f32 $1.442695020e+00, v21  }
0x379: {  	v52, _, _ =	vpop (xrf2);
	v62 =	vld [tilespmem:$0x1FEF0];
	v8 =	vbroadcast v8, $0xF  }
0x37a: {  	[tilespmem:s6+$0x84A0] =	vst v11;
	v11 =	vmul.f32 $1.442695020e+00, v52;
	v19 =	vadd.f32 v63, v3;
	v63 =	vld [tilespmem:$0x1FF70];
	v2 =	vbroadcast v2, $0xF  }
0x37b: {  	v53 =	vld [tilespmem:s4+$0x64A0];
	v54 =	vbroadcast v9, $0xF;
	(erf) = vpow2.f32 v8  }
0x37c: {  	[tilespmem:s6+$0x84B0] =	vst v60;
	v21 =	vld [tilespmem:s4+$0x44A0];
	(erf) = vpow2.f32 v2;
	v2 =	vbroadcast v11, $0xF  }
0x37d: {  	[tilespmem:s6+$0x64A0] =	vst v18;
	v61 =	vld [tilespmem:s4+$0x64C0];
	v60 =	vand.u32 $0x7FFFFFFF, v19;
	v56 =	vpop (erf);
	v59 =	vadd.f32 v41, v6;
	(erf) = vpow2.f32 v54  }
0x37e: {  	[tilespmem:s6+$0x64B0] =	vst v17;
	v18 =	vmul.f32 v19, v62;
	v54 =	vadd.f32 v57, v22;
	v57 =	vld [tilespmem:$0x1FF10];
	v58, _, _ =	vpop (xrf2);
	(erf) = vpow2.f32 v2  }
0x37f: {  	[tilespmem:s6+$0x84D0] =	vst v55;
	v8 =	vmul.f32 v60, v63;
	v41 =	vand.u32 $0x7FFFFFFF, v59;
	v2 =	vmul.f32 $1.442695020e+00, v58;
	v58 =	vld [tilespmem:$0x1FF90]  }
0x380: {  	s5 =	sor.u32 s10, s5;
	[tilespmem:s6+$0x64E0] =	vst v10;
	v9 =	vmul.f32 v59, v50;
	v60 =	vld [tilespmem:$0x1FF20];
	v10 =	vmul.f32 v41, v51  }
0x381: {  	s24 =	simm.f32 $1.000000000e+00;
	p3 =	slt.s32 s5, s25;
	[tilespmem:s6+$0x64D0] =	vst v13;
	v17 =	vadd.f32 v53, v21;
	v63 =	vld [tilespmem:$0x1FF30];
	v8 =	vadd.f32 v8, v18  }
0x382: {  	s24 =	simm.s32 @!p3 $0x0;
	v47 =	vmul.f32 v14, v29;
	v28 =	vld [tilespmem:s4+$0x44D0];
	[tilespmem:s21+$0x84B0] =	vst v40;
	v13 =	vadd.f32 v61, v25;
	v9 =	vadd.f32 v10, v9  }
0x383: {  	v40 =	vld [tilespmem:$0x1FF00];
	v11 =	vmul.f32 s24, v56;
	v55 =	vand.u32 $0x7FFFFFFF, v17;
	v29 =	vbroadcast v2, $0xF;
	(xrf2) =	vadd.scan.msk.f32 $0xffff, v8  }
0x384: {  	v53 =	vld [tilespmem:s4+$0x64D0];
	v59 =	vand.u32 $0x7FFFFFFF, v54;
	(xrf2) =	vadd.scan.msk.f32 $0xffff, v9;
	v9 =	vmul.f32 v17, v57;
	v8 =	vmul.f32 v55, v58  }
0x385: {  	v61 =	vand.u32 $0x7FFFFFFF, v13;
	v56 =	vld [tilespmem:s4+$0x64E0];
	v10 =	vmul.f32 v54, v60;
	v17 =	vmul.f32 v59, v46  }
0x386: {  	v50 =	vld [tilespmem:s4+$0x64F0];
	v8 =	vadd.f32 v8, v9;
	v9 =	vmul.f32 v13, v63;
	v13 =	vmul.f32 v61, v39  }
0x387: {  	[tilespmem:s6+$0x84F0] =	vst v36;
	v52 =	vpop (erf);
	v2 =	vld [tilespmem:s4+$0x44E0];
	v10 =	vadd.f32 v17, v10  }
0x388: {  	v36 =	vmul.f32 v11, v5;
	v62 =	vpop (erf);
	(erf) = vpow2.f32 v29;
	v55 =	vld [tilespmem:$0x1FFC0];
	(xrf2) =	vadd.scan.msk.f32 $0xffff, v8;
	v5 =	vadd.f32 v13, v9  }
0x389: {  	[tilespmem:s21+$0x8480] =	vst v33;
	v19 =	vmul.f32 s24, v52;
	v52 =	vpop (erf);
	v58 =	vld [tilespmem:$0x1FF50];
	(xrf2) =	vadd.scan.msk.f32 $0xffff, v10  }
0x38a: {  	[tilespmem:s21+$0x8490] =	vst v7;
	v18 =	vmul.f32 s24, v62;
	v41 =	vadd.f32 v53, v28;
	v54 =	vpop (erf);
	(xrf2) =	vadd.scan.msk.f32 $0xffff, v5;
	v5 =	vld [tilespmem:$0x1FF40]  }
0x38b: {  	[tilespmem:s21+$0x84A0] =	vst v14;
	v37 =	vmul.f32 v35, v37;
	v20 =	vmul.f32 v19, v31;
	v59 =	vld [tilespmem:$0x1FFD0];
	v57 =	vpop (erf)  }
0x38c: {  	[tilespmem:s21+$0x64A0] =	vst v47;
	v29 =	vld [tilespmem:s4+$0x44F0];
	v31 =	vmul.f32 v18, v38;
	v53 =	vand.u32 $0x7FFFFFFF, v41;
	v33 =	vmul.f32 s24, v54;
	v7 =	vpop (erf)  }
0x38d: {  	[tilespmem:s21+$0x64B0] =	vst v45;
	v45 =	vld [tilespmem:$0x1FF90];
	v51 =	vadd.f32 v56, v2;
	v17 =	vmul.f32 s24, v57;
	v13 =	vmul.f32 s24, v7;
	v61, _, _ =	vpop (xrf2)  }
0x38e: {  	[tilespmem:s21+$0x6490] =	vst v49;
	v38 =	vld [tilespmem:$0x1FF60];
	v10 =	vmul.f32 v53, v55;
	v7 =	vmul.f32 $1.442695020e+00, v61  }
0x38f: {  	s6 =	sor.u32 $0x7, s11;
	[tilespmem:s21+$0x64C0] =	vst v43;
	v43 =	vld [tilespmem:$0x1FF70];
	v56 =	vand.u32 $0x7FFFFFFF, v51;
	v8 =	vmul.f32 v51, v58;
	v5 =	vmul.f32 v41, v5  }
0x390: {  	s5 =	sshll.u32 s6, $0x7;
	[tilespmem:s21+$0x64D0] =	vst v37;
	v37 =	vld [tilespmem:$0x1FEF0];
	v39 =	vmul.f32 v56, v59;
	v7 =	vbroadcast v7, $0xF  }
0x391: {  	[tilespmem:s0+$0x8480] =	vst v11;
	v11 =	vld [tilespmem:s5+$0x44D0];
	v60 =	vadd.f32 v50, v29;
	v27 =	vmul.f32 v33, v27;
	v63 =	vpop (erf);
	v5 =	vadd.f32 v10, v5  }
0x392: {  	[tilespmem:s21+$0x84C0] =	vst v15;
	v55 =	vld [tilespmem:s5+$0x6490];
	v23 =	vmul.f32 v17, v23;
	v8 =	vadd.f32 v39, v8;
	v62, _, _ =	vpop (xrf2);
	(erf) = vpow2.f32 v7  }
0x393: {  	v9 =	vmul.f32 v60, v38;
	v49 =	vmul.f32 $1.442695020e+00, v62;
	v7 =	vld [tilespmem:s5+$0x4490];
	(xrf2) =	vadd.scan.msk.f32 $0xffff, v5;
	v5 =	vand.u32 $0x7FFFFFFF, v60  }
0x394: {  	[tilespmem:s21+$0x84D0] =	vst v35;
	v51 =	vld [tilespmem:s5+$0x6480];
	v41 =	vmul.f32 s24, v52;
	v50, _, _ =	vpop (xrf2);
	(xrf2) =	vadd.scan.msk.f32 $0xffff, v8;
	v5 =	vmul.f32 v5, v48  }
0x395: {  	[tilespmem:s21+$0x84E0] =	vst v34;
	v58 =	vld [tilespmem:s5+$0x64A0];
	v10 =	vmul.f32 $1.442695020e+00, v50;
	v52, _, _ =	vpop (xrf2);
	v8 =	vbroadcast v49, $0xF  }
0x396: {  	[tilespmem:s21+$0x64F0] =	vst v16;
	v16 =	vmul.f32 v13, v26;
	v53 =	vmul.f32 $1.442695020e+00, v52;
	v9 =	vadd.f32 v5, v9;
	v5 =	vld [tilespmem:s5+$0x4480]  }
0x397: {  	[tilespmem:s21+$0x84F0] =	vst v12;
	v10 =	vbroadcast v10, $0xF;
	(erf) = vpow2.f32 v8;
	v8 =	vld [tilespmem:s5+$0x44A0]  }
0x398: {  	v38 =	vld [tilespmem:$0x1FFB0];
	v14 =	vmul.f32 s24, v63;
	v54, _, _ =	vpop (xrf2);
	v56 =	vbroadcast v53, $0xF;
	v15 =	vadd.f32 v55, v7;
	(xrf2) =	vadd.scan.msk.f32 $0xffff, v9  }
0x399: {  	[tilespmem:s21+$0x64E0] =	vst v32;
	s21 =	sor.u32 s10, s20;
	v39 =	vld [tilespmem:$0x1FF10];
	(erf) = vpow2.f32 v10;
	v9 =	vmul.f32 $1.442695020e+00, v54  }
0x39a: {  	s3 =	simm.f32 $1.000000000e+00;
	p3 =	slt.s32 s21, s25;
	[tilespmem:s0+$0x6480] =	vst v36;
	v62 =	vld [tilespmem:s5+$0x64B0];
	v24 =	vmul.f32 v41, v24;
	(erf) = vpow2.f32 v56;
	v36 =	vand.u32 $0x7FFFFFFF, v15  }
0x39b: {  	s3 =	simm.s32 @!p3 $0x0;
	v52 =	vld [tilespmem:s5+$0x64C0];
	v15 =	vmul.f32 v15, v40;
	v9 =	vbroadcast v9, $0xF;
	v53 =	vpop (erf);
	v26 =	vadd.f32 v51, v5  }
0x39c: {  	[tilespmem:s0+$0x64A0] =	vst v31;
	v10 =	vld [tilespmem:s5+$0x44C0];
	v49 =	vmul.f32 v36, v44;
	v54 =	vadd.f32 v58, v8;
	v31 =	vmul.f32 s3, v53  }
0x39d: {  	[tilespmem:s0+$0x8490] =	vst v19;
	(erf) = vpow2.f32 v9;
	v9 =	vld [tilespmem:s5+$0x44B0];
	v57, _, _ =	vpop (xrf2);
	v61 =	vand.u32 $0x7FFFFFFF, v26;
	v63 =	vmul.f32 v26, v37  }
0x39e: {  	[tilespmem:s0+$0x64C0] =	vst v27;
	v27 =	vld [tilespmem:s5+$0x64F0];
	v59, _, _ =	vpop (xrf2);
	v60 =	vmul.f32 $1.442695020e+00, v57;
	v26 =	vmul.f32 v61, v43  }
0x39f: {  	[tilespmem:s0+$0x84B0] =	vst v41;
	v41 =	vld [tilespmem:$0x1FFC0];
	v15 =	vadd.f32 v49, v15;
	v58 =	vmul.f32 v54, v39;
	v12 =	vmul.f32 $1.442695020e+00, v59  }
0x3a0: {  	[tilespmem:s0+$0x84A0] =	vst v18;
	v49 =	vld [tilespmem:$0x1FF30];
	v57 =	vand.u32 $0x7FFFFFFF, v54;
	v50 =	vbroadcast v60, $0xF;
	v26 =	vadd.f32 v26, v63  }
0x3a1: {  	[tilespmem:s0+$0x64B0] =	vst v24;
	v36 =	vadd.f32 v52, v10;
	v61 =	vld [tilespmem:s5+$0x64E0];
	v59 =	vmul.f32 v57, v45;
	v24 =	vpop (erf);
	v12 =	vbroadcast v12, $0xF  }
0x3a2: {  	v24 =	vmul.f32 s3, v24;
	v55 =	vadd.f32 v62, v9;
	v51, _, _ =	vpop (xrf2);
	(erf) = vpow2.f32 v50;
	(xrf2) =	vadd.scan.msk.f32 $0xffff, v26;
	v26 =	vld [tilespmem:s5+$0x64D0]  }
0x3a3: {  	[tilespmem:s0+$0x6490] =	vst v20;
	v34 =	vmul.f32 $1.442695020e+00, v51;
	(erf) = vpow2.f32 v12;
	v12 =	vld [tilespmem:s5+$0x44E0]  }
0x3a4: {  	v63 =	vand.u32 $0x7FFFFFFF, v36;
	(xrf2) =	vadd.scan.msk.f32 $0xffff, v15;
	v60 =	vand.u32 $0x7FFFFFFF, v55;
	v19 =	vmul.f32 v55, v42;
	v15 =	vld [tilespmem:s5+$0x44F0]  }
0x3a5: {  	[tilespmem:s0+$0x84C0] =	vst v33;
	v18 =	vadd.f32 v59, v58;
	v62 =	vmul.f32 v60, v46;
	v56 =	vbroadcast v34, $0xF;
	v34 =	vld [tilespmem:$0x1FF40]  }
0x3a6: {  	v35 =	vld [tilespmem:$0x1FF50];
	[tilespmem:s0+$0x84D0] =	vst v17;
	v32 =	vmul.f32 v36, v49;
	v20 =	vmul.f32 v63, v38  }
0x3a7: {  	v47 =	vld [tilespmem:$0x1FFD0];
	v30 =	vmul.f32 v14, v30;
	(xrf2) =	vadd.scan.msk.f32 $0xffff, v18;
	v19 =	vadd.f32 v62, v19;
	v26 =	vadd.f32 v26, v11  }
0x3a8: {  	[tilespmem:s0+$0x84E0] =	vst v13;
	v3 =	vmul.f32 v31, v3;
	v6 =	vmul.f32 v24, v6;
	v52 =	vadd.f32 v20, v32;
	v50 =	vpop (erf)  }
0x3a9: {  	v33 =	vmul.f32 s3, v50;
	v51 =	vadd.f32 v61, v12;
	(xrf2) =	vadd.scan.msk.f32 $0xffff, v19;
	v61 =	vld [tilespmem:$0x1FF60];
	v53 =	vand.u32 $0x7FFFFFFF, v26  }
0x3aa: {  	v27 =	vadd.f32 v27, v15;
	(xrf2) =	vadd.scan.msk.f32 $0xffff, v52;
	v26 =	vmul.f32 v26, v34;
	v20 =	vmul.f32 v53, v41  }
0x3ab: {  	[tilespmem:s0+$0x64D0] =	vst v23;
	v54 =	vpop (erf);
	(erf) = vpow2.f32 v56;
	v55 =	vand.u32 $0x7FFFFFFF, v51;
	v18 =	vmul.f32 v51, v35  }
0x3ac: {  	[tilespmem:s0+$0x64E0] =	vst v16;
	v60 =	vpop (erf);
	v59 =	vand.u32 $0x7FFFFFFF, v27;
	v32 =	vmul.f32 v55, v47;
	v20 =	vadd.f32 v20, v26  }
0x3ad: {  	[tilespmem:s0+$0x64F0] =	vst v30;
	v13 =	vmul.f32 s3, v60;
	v23 =	vmul.f32 v59, v48;
	v56, _, _ =	vpop (xrf2)  }
0x3ae: {  	v17 =	vmul.f32 $1.442695020e+00, v56;
	v18 =	vadd.f32 v32, v18;
	(xrf2) =	vadd.scan.msk.f32 $0xffff, v20;
	v20 =	vmul.f32 v27, v61  }
0x3af: {  	[tilespmem:s4+$0x6490] =	vst v6;
	v6 =	vmul.f32 v33, v21;
	v19 =	vmul.f32 s3, v54;
	v57, _, _ =	vpop (xrf2)  }
0x3b0: {  	v62 =	vpop (erf);
	v58 =	vmul.f32 $1.442695020e+00, v57;
	(xrf2) =	vadd.scan.msk.f32 $0xffff, v18;
	v17 =	vbroadcast v17, $0xF;
	v30 =	vadd.f32 v23, v20  }
0x3b1: {  	[tilespmem:s4+$0x64A0] =	vst v6;
	v6 =	vmul.f32 v13, v25;
	v63 =	vmul.f32 s3, v62;
	v50, _, _ =	vpop (xrf2)  }
0x3b2: {  	[tilespmem:s0+$0x84F0] =	vst v14;
	v32 =	vpop (erf);
	v16 =	vbroadcast v58, $0xF;
	(erf) = vpow2.f32 v17;
	(xrf2) =	vadd.scan.msk.f32 $0xffff, v30  }
0x3b3: {  	[tilespmem:s4+$0x8480] =	vst v31;
	v52 =	vmul.f32 v19, v22;
	v54 =	vmul.f32 v63, v28;
	v51, _, _ =	vpop (xrf2)  }
0x3b4: {  	[tilespmem:s4+$0x6480] =	vst v3;
	(erf) = vpow2.f32 v16;
	v16 =	vmul.f32 $1.442695020e+00, v50;
	v53, _, _ =	vpop (xrf2)  }
0x3b5: {  	[tilespmem:s4+$0x8490] =	vst v24;
	v3 =	vmul.f32 s3, v32;
	v55 =	vmul.f32 $1.442695020e+00, v53  }
0x3b6: {  	[tilespmem:s4+$0x84A0] =	vst v33;
	v49 =	vpop (erf);
	v18 =	vmul.f32 $1.442695020e+00, v51;
	v16 =	vbroadcast v16, $0xF  }
0x3b7: {  	[tilespmem:s4+$0x64C0] =	vst v6;
	v17 =	vmul.f32 s3, v49;
	v6 =	vbroadcast v55, $0xF  }
0x3b8: {  	[tilespmem:s4+$0x84C0] =	vst v13;
	v18 =	vbroadcast v18, $0xF;
	(erf) = vpow2.f32 v16  }
0x3b9: {  	s23 =	sor.u32 s10, s6;
	[tilespmem:s4+$0x84B0] =	vst v19;
	v2 =	vmul.f32 v3, v2;
	v59 =	vmul.f32 v17, v29;
	v56, _, _ =	vpop (xrf2)  }
0x3ba: {  	p3 =	slt.s32 s23, s25;
	s0 =	simm.f32 $1.000000000e+00;
	[tilespmem:s4+$0x64B0] =	vst v52;
	(erf) = vpow2.f32 v18;
	v57, _, _ =	vpop (xrf2);
	v58 =	vmul.f32 $1.442695020e+00, v56  }
0x3bb: {  	s0 =	simm.s32 @!p3 $0x0;
	[tilespmem:s4+$0x84D0] =	vst v63;
	(erf) = vpow2.f32 v6;
	v18 =	vmul.f32 $1.442695020e+00, v57;
	v6 =	vpop (erf)  }
0x3bc: {  	[tilespmem:s4+$0x64D0] =	vst v54;
	v16 =	vbroadcast v58, $0xF;
	v6 =	vmul.f32 s0, v6;
	v61, _, _ =	vpop (xrf2)  }
0x3bd: {  	[tilespmem:s4+$0x64E0] =	vst v2;
	v2 =	vpop (erf);
	v60 =	vbroadcast v18, $0xF;
	v62 =	vmul.f32 $1.442695020e+00, v61  }
0x3be: {  	[tilespmem:s4+$0x84E0] =	vst v3;
	v2 =	vmul.f32 s0, v2;
	(erf) = vpow2.f32 v16  }
0x3bf: {  	[tilespmem:s4+$0x84F0] =	vst v17;
	v3 =	vmul.f32 v6, v5;
	v5 =	vbroadcast v62, $0xF  }
0x3c0: {  	[tilespmem:s4+$0x64F0] =	vst v59;
	(erf) = vpow2.f32 v60  }
0x3c1: {  	[tilespmem:s5+$0x8480] =	vst v6;
	v7 =	vmul.f32 v2, v7;
	v63 =	vpop (erf)  }
0x3c2: {  	[tilespmem:s5+$0x6480] =	vst v3;
	v3 =	vmul.f32 s0, v63;
	(erf) = vpow2.f32 v5  }
0x3c3: {  	[tilespmem:s5+$0x8490] =	vst v2;
	v5 =	vpop (erf)  }
0x3c4: {  	[tilespmem:s5+$0x6490] =	vst v7;
	v6 =	vmul.f32 v3, v8;
	v5 =	vmul.f32 s0, v5  }
0x3c5: {  	[tilespmem:s5+$0x84A0] =	vst v3;
	v7 =	vpop (erf)  }
0x3c6: {  	[tilespmem:s5+$0x64A0] =	vst v6;
	v6 =	vmul.f32 s0, v7;
	v2 =	vmul.f32 v5, v9  }
0x3c7: {  	v7 =	vpop (erf);
	[tilespmem:s5+$0x84B0] =	vst v5  }
0x3c8: {  	v3 =	vmul.f32 s0, v7;
	[tilespmem:s5+$0x64B0] =	vst v2;
	v2 =	vmul.f32 v6, v10  }
0x3c9: {  	v7 =	vpop (erf);
	[tilespmem:s5+$0x84C0] =	vst v6  }
0x3ca: {  	v5 =	vmul.f32 s0, v7;
	[tilespmem:s5+$0x64C0] =	vst v2;
	v2 =	vmul.f32 v3, v11  }
0x3cb: {  	p3 =	slt.u32 s11, $0x18;
	[tilespmem:s5+$0x84D0] =	vst v3;
	v6 =	vpop (erf)  }
.Ltmp11:
0x3cc: {  	v6 =	vmul.f32 s0, v6;
	[tilespmem:s5+$0x64D0] =	vst v2;
	v2 =	vmul.f32 v5, v12;
	(pc) =	sbr.rel @p3 .LBB2_15-.Ltmp11, $4  }
0x3cd: {  	[tilespmem:s5+$0x84E0] =	vst v5  }
0x3ce: {  	[tilespmem:s5+$0x64E0] =	vst v2;
	v2 =	vmul.f32 v6, v15  }
0x3cf: {  	s24 =	sadd.s32 $0x8, s11;
	v36 =	vld [tilespmem:$0x1FF30];
	[tilespmem:s5+$0x84F0] =	vst v6  }
0x3d0: {  	s11 =	smov.u32 s24;
	v27 =	vld [tilespmem:$0x1FF60];
	[tilespmem:s5+$0x64F0] =	vst v2  }
.Ltmp12:
0x3d1: {  	(pc) =	sbr.rel .LBB2_17-.Ltmp12, $4  }
0x3d2: {  	s0 =	simm.s32 $0x6480  }
0x3d3: {  	[spmem:s28] =	stream.indirect.scatter.add.f32 [tilespmem:s0], [sflag:$0x8], $0x80, s26, s22, $0xb8;
	[tilespmem:$0x1D100] =	vst v63  }
0x3d4: {  	s24 =	rddreg [dreg:$0x4];
	s3 =	simm.s32 $0x8480  }
0x3d5: {  	[spmem:s24] =	stream.indirect.scatter.add.f32 [tilespmem:s3], [sflag:$0xA], $0x80, s26, s22, $0xb8;
	[tilespmem:$0x1D100] =	vst v63  }
.LBB2_19:
0x3d6: {  	_ =	sfence.sel $0x180000  }
0x3d7: {  	[bflag:$0x0] =	sbarrier.arrive $0xFFFF  }
0x3d8: {  	_ =	strace $0x90000047  }
0x3d9: {  	[bflag:$0x2] =	sbarrier.arrive $0xFFFF  }
0x3da: {  	p0 =	sne.s32 s4, $0x0;
	s0 =	rddreg [dreg:$0x5]  }
0x3db: {  	s0 =	sadd.s32 @!p0 $0x100000, s0  }
0x3dc: {  	[sflag:s0] =	ssyncadd.tile.s32 @!p0 $0x1;
	_ =	shalt  }
.Lfunc_end2:
_tile_overlayer_lowered:
.L_overlay_start_2:
0x3dd: {  	(tag) =	ssettag $0x2  }
0x3de: {  	s0 =	rddreg [dreg:$0x0];
	s2 =	stileid.u32  }
0x3df: {  	s1 =	rddreg [dreg:$0x1];
	p0 =	sne.s32 s2, $0x0  }
0x3e0: {  	s3 =	rddreg [dreg:$0x2];
	[bflag:$0x3] =	sbarrier.arrive $0xFFFF;
	s2 =	simm.s32 @!p0 $0x1C0B  }
0x3e1: {  	[timem:s3], [sflag:s2] =	dma.local @!p0 [hbm:s0], s1  }
0x3e2: {  	s0 =	simm.s32 @!p0 $0xB  }
0x3e3: {  	_ =	swait.ge @!p0 [sflag:s0], s1  }
0x3e4: {  	s1 =	ssub.s32 @!p0 $0x0, s1;
	[sflag:s0] =	ssyncset.done @!p0 $0x0  }
0x3e5: {  	[sflag:s0] =	ssyncadd.s32 @!p0 s1  }
0x3e6: {  	[bflag:$0x3] =	sbarrier.arrive $0xFFFF  }
0x3e7: {  	_ =	shalt  }

</sc_bundles>
